<compile_context>
chip_gen: v7x
topology: tpu7x:2x2x1
jax: 0.10.2.dev20260603
libtpu: 0.0.44.dev20260713+nightly
codegen_flags: <defaults>
</compile_context>

<pallas_src>
import functools

import jax
import jax.numpy as jnp
from jax import lax
from jax.experimental import pallas as pl
from jax.experimental.pallas import tpu as pltpu
from jax.experimental.pallas import tpu_sc as plsc

_ALPHA = 0.6
M_S = 4
K = 16
NUM_WORKERS = 32


def _dense_body(s_ref, q4_ref, df_ref, s0_ref):
    s = s_ref[...]
    p = jax.nn.sigmoid(s)
    ce0 = jnp.maximum(s, 0.0) + jnp.log1p(jnp.exp(-jnp.abs(s)))
    loss0 = (1.0 - _ALPHA) * ce0 * p * p
    one_m_p = 1.0 - p
    loss1 = _ALPHA * (ce0 - s) * one_m_p * one_m_p
    q4_ref[...] = jnp.sqrt(jnp.sqrt(jnp.maximum(one_m_p, 0.0)))
    df_ref[...] = loss1 - loss0
    @pl.when(pl.program_id(0) == 0)
    def _():
        s0_ref[0, 0] = 0.0

    s0_ref[0, 0] += jnp.sum(loss0)


def _dense_stage(s2d, grid):
    rows = s2d.shape[0] // grid
    q4, df, s0p = pl.pallas_call(
        _dense_body,
        grid=(grid,),
        in_specs=[
            pl.BlockSpec((rows, 128), lambda i: (i, 0)),
        ],
        out_specs=[
            pl.BlockSpec((rows, 128), lambda i: (i, 0)),
            pl.BlockSpec((rows, 128), lambda i: (i, 0)),
            pl.BlockSpec((1, 1), lambda i: (0, 0), memory_space=pltpu.SMEM),
        ],
        out_shape=[
            jax.ShapeDtypeStruct(s2d.shape, jnp.float32),
            jax.ShapeDtypeStruct(s2d.shape, jnp.float32),
            jax.ShapeDtypeStruct((1, 1), jnp.float32),
        ],
    )(s2d)
    return q4, df, s0p


def _make_greedy_kernel(n_blocks, w_s, tb_rows):
    nrows5 = n_blocks * K // 128
    octets = nrows5 // 8
    big_o = -(-octets // NUM_WORKERS)
    n_big = octets - (big_o - 1) * NUM_WORKERS
    rows = big_o * 8
    trows = 64
    mesh = plsc.VectorSubcoreMesh(core_axis_name="c", subcore_axis_name="s")

    goff = [(i - (M_S - 1) / 2.0) / float(M_S) for i in range(M_S)]

    @functools.partial(
        pl.kernel,
        mesh=mesh,
        out_type=jax.ShapeDtypeStruct((NUM_WORKERS, 2 * K), jnp.float32),
        scratch_types=[
            pltpu.VMEM((rows, 128), jnp.float32),
            pltpu.VMEM((rows, 128), jnp.float32),
            pltpu.VMEM((rows, 128), jnp.float32),
            pltpu.VMEM((rows, 128), jnp.float32),
            pltpu.VMEM((64 * M_S * w_s + K,), jnp.float32),
            pltpu.VMEM((2 * K,), jnp.float32),
        ],
    )
    def greedy(q4_hbm, df_hbm, oy_hbm, ox_hbm, tb_hbm, out_hbm,
               q4_v, df_v, oy_v, ox_v, tb_v, acc_v):
        wid = lax.axis_index("s") * 2 + lax.axis_index("c")
        o0 = big_o * wid - jnp.maximum(wid - n_big, 0)
        nblk = 64 * (big_o - jnp.minimum(jnp.maximum(wid - n_big + 1, 0), 1))
        srow = 8 * o0
        srow_cl = jnp.minimum(srow, nrows5 - rows)
        rowoff = srow - srow_cl
        g0 = 64 * o0
        lo = M_S * (g0 // w_s)
        start8 = jnp.minimum(8 * (lo // 8), tb_rows - trows)
        pltpu.sync_copy(q4_hbm.at[pl.ds(srow_cl, rows)], q4_v)
        pltpu.sync_copy(df_hbm.at[pl.ds(srow_cl, rows)], df_v)
        pltpu.sync_copy(oy_hbm.at[pl.ds(srow_cl, rows)], oy_v)
        pltpu.sync_copy(ox_hbm.at[pl.ds(srow_cl, rows)], ox_v)
        w_full = M_S * w_s
        pltpu.sync_copy(tb_hbm.at[pl.ds(start8 * w_full, trows * w_full)],
                        tb_v.at[pl.ds(0, trows * w_full)])

        iota = lax.iota(jnp.int32, K)
        iota_f = iota.astype(jnp.float32)
        huge = jnp.float32(1e30)
        xor_idx = [jnp.bitwise_xor(iota, jnp.int32(s)) for s in (1, 2, 4, 8)]

        def _perm(x, idx):
            return lax.gather(
                x, idx[:, None],
                dimension_numbers=lax.GatherDimensionNumbers(
                    offset_dims=(), collapsed_slice_dims=(0,),
                    start_index_map=(0,)),
                slice_sizes=(1,),
                mode=lax.GatherScatterMode.PROMISE_IN_BOUNDS)

        def _allmin(x):
            for idx in xor_idx:
                x = jnp.minimum(x, _perm(x, idx))
            return x

        def one_block(b):
            r = rowoff + b // 8
            c = (b % 8) * K
            qv = q4_v[r, pl.ds(c, K)]
            dfv = df_v[r, pl.ds(c, K)]
            oyv = oy_v[r, pl.ds(c, K)]
            oxv = ox_v[r, pl.ds(c, K)]
            g = g0 + b
            ws = g % w_s
            rb = M_S * (g // w_s) - start8
            base8 = rb * w_full + 8 * (ws // 2)
            o4 = (ws % 2).astype(jnp.float32)
            o4c = 1.0 - o4
            trow = [tb_v[pl.ds(base8 + w_full * jy, K)] for jy in range(M_S)]
            tj = [trow[j // M_S][j % M_S] * o4c
                  + trow[j // M_S][4 + (j % M_S)] * o4
                  for j in range(K)]
            dys = [jnp.abs(oyv - g_) for g_ in goff]
            dxs = [jnp.abs(oxv - g_) for g_ in goff]
            dyqs = [dy * qv for dy in dys]
            dxqs = [dx * qv for dx in dxs]
            used = jnp.zeros((K,), jnp.float32)
            bc = jnp.zeros((K,), jnp.float32)
            ts = jnp.float32(0.0)
            for j in range(K):
                jy, jx = j // M_S, j % M_S
                keyv = dyqs[jy] + dxqs[jx] + used * huge
                minv = _allmin(keyv)
                sel = (1.0 - jnp.sign(keyv - minv)) * tj[j]
                used = used + sel
                bc = bc + sel * (dfv + 10.0 * (dys[jy] + dxs[jx]))
                ts = ts + tj[j]
            return bc, ts

        def block_body(i, carry):
            accv, nps = carry
            bc, ts = one_block(i)
            return accv + bc, nps + ts

        accv, nps = lax.fori_loop(
            0, nblk, block_body,
            (jnp.zeros((K,), jnp.float32), jnp.float32(0.0)))
        acc_v[pl.ds(0, K)] = accv
        acc_v[pl.ds(K, K)] = (1.0 - jnp.abs(jnp.sign(iota_f))) * nps
        pltpu.sync_copy(acc_v, out_hbm.at[wid])

    return greedy


def kernel(pred_scores, pred_offsets, H, W, M, target):
    B, HW, _ = pred_scores.shape
    n_blocks = B * HW
    h_s = target.shape[1] // M_S
    w_s = target.shape[2] // M_S

    tb = (target > 0).astype(jnp.float32).reshape(-1)
    s = pred_scores.reshape(n_blocks, K)
    oy = pred_offsets[..., 0].reshape(n_blocks, K)
    ox = pred_offsets[..., 1].reshape(n_blocks, K)

    ncols = (n_blocks * K) // 128
    grid = 5
    q4, df, s0p = _dense_stage(s.reshape(ncols, 128), grid)

    partials = _make_greedy_kernel(n_blocks, w_s, B * target.shape[1])(
        q4, df, oy.reshape(ncols, 128), ox.reshape(ncols, 128), tb)

    npos = jnp.maximum(partials[:, K:].sum(), 1.0)
    return (s0p.sum() + partials[:, :K].sum()) / npos

# --- scband reference (transcript-rebuilt; emitter-appended) ---
"""Pipeline reference for scband-point-loss-1709396983865 (READ-ONLY COPY).

The authoritative reference and input builder live on the scoring server;
editing this copy changes nothing except your own understanding.
"""

import jax, jax.numpy as jnp
import numpy as np

LOSS_WEIGHT = 1.0
ALPHA = 0.6
GAMMA = 2.0


def get_centered_meshgrid(M):
    r = jnp.arange(M, dtype=jnp.float32) - (M - 1) / 2.0
    gy, gx = jnp.meshgrid(r, r, indexing='ij')
    return jnp.stack([gy, gx], axis=-1)  # [M, M, 2]


def batched_greedy_assignment(cost):
    # cost: [B, N, K, M2] -> assignment: [B, N, M2] with values in [0, K)
    B, N, K, M2 = cost.shape
    cost = jax.lax.stop_gradient(cost)
    assigns = []
    for m in range(M2):
        idx = jnp.argmin(cost[..., m], axis=-1)  # [B, N]
        assigns.append(idx)
        used = jax.nn.one_hot(idx, K, dtype=jnp.bool_)  # [B, N, K]
        cost = jnp.where(used[..., None], jnp.inf, cost)
    return jnp.stack(assigns, axis=-1).astype(jnp.int32)


def sigmoid_focal_loss(logits, targets, alpha, gamma):
    p = jax.nn.sigmoid(logits)
    ce = jnp.maximum(logits, 0) - logits * targets + jnp.log1p(jnp.exp(-jnp.abs(logits)))
    p_t = p * targets + (1 - p) * (1 - targets)
    loss = ce * (1 - p_t) ** gamma
    a_t = alpha * targets + (1 - alpha) * (1 - targets)
    return (a_t * loss).sum()


def setup_inputs(seed: int = 0) -> dict:
    key = jax.random.key(seed)
    k1, k2, k3 = jax.random.split(key, 3)
    pred_scores = jax.random.normal(k1, (4, 10000, 16), dtype=jnp.float32)
    pred_offsets = jax.random.normal(k2, (4, 10000, 16, 2), dtype=jnp.float32) * 0.25
    target = jax.random.normal(k3, (4, 400, 400), dtype=jnp.float32)
    return {"pred_scores": pred_scores, "pred_offsets": pred_offsets, "H": 100, "W": 100, "M": 4, "target": target}


def reference(pred_scores, pred_offsets, H, W, M, target):
    B = target.shape[0]
    M_s = int(np.sqrt(pred_scores.shape[2]))
    H_s = target.shape[1] // M_s
    W_s = target.shape[2] // M_s
    tgt = (target > 0).astype(jnp.int32).reshape(B, H_s, M_s, W_s, M_s)
    mask_offsets = get_centered_meshgrid(M_s).reshape(-1, 2) / float(M_s)  # [M*M, 2]
    block_target = jnp.transpose(tgt, (0, 1, 3, 2, 4)).reshape(B, H_s * W_s, -1)  # [B, HW, M2]
    order = jnp.argsort(-block_target, axis=-1, stable=True)
    block_target = jnp.take_along_axis(block_target, order, axis=-1)
    mo = mask_offsets[order]  # [B, HW, M2, 2]
    # assignment cost is computed on detached predictions (indices carry no grad)
    sg_s = jax.lax.stop_gradient(pred_scores)
    sg_o = jax.lax.stop_gradient(pred_offsets)
    loc_cost = jnp.abs(sg_o[..., None, :] - mo[..., None, :, :]).sum(-1)  # [B, HW, K, M2]
    cls_cost = jnp.abs(jax.nn.sigmoid(sg_s)[..., None] - block_target[..., None, :].astype(jnp.float32))
    cost = (loc_cost ** 0.8) * (cls_cost ** 0.2)
    cost = cost * block_target[..., None, :].astype(jnp.float32)
    assignment = batched_greedy_assignment(cost)  # [B, HW, M2]
    Bn, HW, K = pred_scores.shape
    bi = jnp.arange(Bn)[:, None, None]
    ni = jnp.arange(HW)[None, :, None]
    target_scores = jnp.zeros_like(pred_scores).at[bi, ni, assignment].set(block_target.astype(jnp.float32))
    target_offsets = jnp.zeros_like(pred_offsets).at[bi, ni, assignment].set(mo)
    num_pos = jnp.maximum(jnp.count_nonzero(target_scores), 1).astype(jnp.float32)
    # _ema_update with old == initial_value == num_pos collapses to num_pos
    normalizer = num_pos
    obj_loss = sigmoid_focal_loss(pred_scores, target_scores, ALPHA, GAMMA)
    loc_loss = (jnp.abs(pred_offsets - target_offsets).sum(-1) * target_scores).sum()
    dep = 0.0 * (jnp.asarray(H) + jnp.asarray(W) + jnp.asarray(M)).astype(jnp.float32)
    return LOSS_WEIGHT * (obj_loss / normalizer + 10 * loc_loss / normalizer) + dep

if __name__ == "__main__":
    import jax
    _d = setup_inputs()
    print(jax.jit(kernel)(*tuple(_d.values())))

</pallas_src>

<mosaic_0001>
#map = affine_map<(d0, d1) -> (0, 0)>
#map1 = affine_map<(d0, d1) -> (0)>
module attributes {stable_mosaic.version = 14 : i64} {
  func.func @greedy(%arg0: i32, %arg1: i32, %arg2: memref<5000x128xf32, #tpu.memory_space<hbm>>, %arg3: memref<5000x128xf32, #tpu.memory_space<hbm>>, %arg4: memref<5000x128xf32, #tpu.memory_space<hbm>>, %arg5: memref<5000x128xf32, #tpu.memory_space<hbm>>, %arg6: memref<640000xf32, #tpu.memory_space<hbm>>, %arg7: memref<32x32xf32, #tpu.memory_space<hbm>>, %arg8: memref<160x128xf32, #tpu.memory_space<vmem>>, %arg9: memref<160x128xf32, #tpu.memory_space<vmem>>, %arg10: memref<160x128xf32, #tpu.memory_space<vmem>>, %arg11: memref<160x128xf32, #tpu.memory_space<vmem>>, %arg12: memref<25616xf32, #tpu.memory_space<vmem>>, %arg13: memref<32xf32, #tpu.memory_space<vmem>>) attributes {dimension_semantics = [#tpu.dimension_semantics<core_parallel>, #tpu.dimension_semantics<subcore_parallel>], iteration_bounds = array<i64: 2, 16>, scalar_prefetch = 0 : i64, scratch_operands = 6 : i64, tpu.core_type = #tpu.core_type<sc_vector_subcore>, window_params = [{transform_indices = #map}, {transform_indices = #map}, {transform_indices = #map}, {transform_indices = #map}, {transform_indices = #map1}, {transform_indices = #map}]} {
    %mul3A = arith.constant 2 : i32
    %mul3A_0 = arith.muli %arg1, %mul3A : i32
    %add3A = arith.addi %mul3A_0, %arg0 : i32
    %mul3A_1 = arith.constant 20 : i32
    %mul3A_2 = arith.muli %mul3A_1, %add3A : i32
    %sub3A = arith.constant 17 : i32
    %sub3A_3 = arith.subi %add3A, %sub3A : i32
    %max3A = arith.constant 0 : i32
    %max3A_4 = arith.maxsi %sub3A_3, %max3A : i32
    %sub3A_5 = arith.subi %mul3A_2, %max3A_4 : i32
    %sub3A_6 = arith.constant 17 : i32
    %sub3A_7 = arith.subi %add3A, %sub3A_6 : i32
    %add3A_8 = arith.constant 1 : i32
    %add3A_9 = arith.addi %sub3A_7, %add3A_8 : i32
    %max3A_10 = arith.constant 0 : i32
    %max3A_11 = arith.maxsi %add3A_9, %max3A_10 : i32
    %min3A = arith.constant 1 : i32
    %min3A_12 = arith.minsi %max3A_11, %min3A : i32
    %sub3A_13 = arith.constant 20 : i32
    %sub3A_14 = arith.subi %sub3A_13, %min3A_12 : i32
    %mul3A_15 = arith.constant 64 : i32
    %mul3A_16 = arith.muli %mul3A_15, %sub3A_14 : i32
    %mul3A_17 = arith.constant 8 : i32
    %mul3A_18 = arith.muli %mul3A_17, %sub3A_5 : i32
    %min3A_19 = arith.constant 4840 : i32
    %min3A_20 = arith.minsi %mul3A_18, %min3A_19 : i32
    %sub3A_21 = arith.subi %mul3A_18, %min3A_20 : i32
    %mul3A_22 = arith.constant 64 : i32
    %mul3A_23 = arith.muli %mul3A_22, %sub3A_5 : i32
    %jit3A = arith.constant 100 : i32
    %div3A = arith.divsi %mul3A_23, %jit3A : i32
    %sign3A = arith.constant 0 : i32
    %sign3A_24 = arith.cmpi sgt, %mul3A_23, %sign3A : i32
    %sign3A_25 = arith.extui %sign3A_24 : i1 to i32
    %sign3A_26 = arith.constant 0 : i32
    %sign3A_27 = arith.cmpi slt, %mul3A_23, %sign3A_26 : i32
    %sign3A_28 = arith.extui %sign3A_27 : i1 to i32
    %sign3A_29 = arith.subi %sign3A_25, %sign3A_28 : i32
    %sign3A_30 = arith.constant 0 : i32
    %sign3A_31 = arith.cmpi sgt, %jit3A, %sign3A_30 : i32
    %sign3A_32 = arith.extui %sign3A_31 : i1 to i32
    %sign3A_33 = arith.constant 0 : i32
    %sign3A_34 = arith.cmpi slt, %jit3A, %sign3A_33 : i32
    %sign3A_35 = arith.extui %sign3A_34 : i1 to i32
    %sign3A_36 = arith.subi %sign3A_32, %sign3A_35 : i32
    %ne3A = arith.cmpi ne, %sign3A_29, %sign3A_36 : i32
    %rem3A = arith.remsi %mul3A_23, %jit3A : i32
    %ne3A_37 = arith.constant 0 : i32
    %ne3A_38 = arith.cmpi ne, %rem3A, %ne3A_37 : i32
    %and3A = arith.andi %ne3A, %ne3A_38 : i1
    %sub3A_39 = arith.constant 1 : i32
    %sub3A_40 = arith.subi %div3A, %sub3A_39 : i32
    %select_n3A = arith.select %and3A, %sub3A_40, %div3A : i32
    %mul3A_41 = arith.constant 4 : i32
    %mul3A_42 = arith.muli %mul3A_41, %select_n3A : i32
    %jit3A_43 = arith.constant 8 : i32
    %div3A_44 = arith.divsi %mul3A_42, %jit3A_43 : i32
    %sign3A_45 = arith.constant 0 : i32
    %sign3A_46 = arith.cmpi sgt, %mul3A_42, %sign3A_45 : i32
    %sign3A_47 = arith.extui %sign3A_46 : i1 to i32
    %sign3A_48 = arith.constant 0 : i32
    %sign3A_49 = arith.cmpi slt, %mul3A_42, %sign3A_48 : i32
    %sign3A_50 = arith.extui %sign3A_49 : i1 to i32
    %sign3A_51 = arith.subi %sign3A_47, %sign3A_50 : i32
    %sign3A_52 = arith.constant 0 : i32
    %sign3A_53 = arith.cmpi sgt, %jit3A_43, %sign3A_52 : i32
    %sign3A_54 = arith.extui %sign3A_53 : i1 to i32
    %sign3A_55 = arith.constant 0 : i32
    %sign3A_56 = arith.cmpi slt, %jit3A_43, %sign3A_55 : i32
    %sign3A_57 = arith.extui %sign3A_56 : i1 to i32
    %sign3A_58 = arith.subi %sign3A_54, %sign3A_57 : i32
    %ne3A_59 = arith.cmpi ne, %sign3A_51, %sign3A_58 : i32
    %rem3A_60 = arith.remsi %mul3A_42, %jit3A_43 : i32
    %ne3A_61 = arith.constant 0 : i32
    %ne3A_62 = arith.cmpi ne, %rem3A_60, %ne3A_61 : i32
    %and3A_63 = arith.andi %ne3A_59, %ne3A_62 : i1
    %sub3A_64 = arith.constant 1 : i32
    %sub3A_65 = arith.subi %div3A_44, %sub3A_64 : i32
    %select_n3A_66 = arith.select %and3A_63, %sub3A_65, %div3A_44 : i32
    %mul3A_67 = arith.constant 8 : i32
    %mul3A_68 = arith.muli %mul3A_67, %select_n3A_66 : i32
    %min3A_69 = arith.constant 1536 : i32
    %min3A_70 = arith.minsi %mul3A_68, %min3A_69 : i32
    "tpu.region"() ({
      %run_scoped3A = tpu.sem_alloc : memref<!tpu.dma_semaphore, #tpu.memory_space<semaphore_mem>>
      %dma_start3A = arith.constant 0 : i32
      %dma_start3A_122 = tpu.memref_slice %arg2[%min3A_20, %dma_start3A] : memref<5000x128xf32, #tpu.memory_space<hbm>> -> memref<160x128xf32, #tpu.memory_space<hbm>>
      %dma_start3A_123 = arith.constant 0 : i32
      %dma_start3A_124 = tpu.memref_slice %arg2[%min3A_20, %dma_start3A_123] : memref<5000x128xf32, #tpu.memory_space<hbm>> -> memref<160x128xf32, #tpu.memory_space<hbm>>
      tpu.enqueue_dma source(%dma_start3A_124 : memref<160x128xf32, #tpu.memory_space<hbm>>) target(%arg8 : memref<160x128xf32, #tpu.memory_space<vmem>>) target_semaphore(%run_scoped3A : memref<!tpu.dma_semaphore, #tpu.memory_space<semaphore_mem>>)
      %dma_wait3A = arith.constant 0 : i32
      %dma_wait3A_125 = tpu.memref_slice %arg2[%min3A_20, %dma_wait3A] : memref<5000x128xf32, #tpu.memory_space<hbm>> -> memref<160x128xf32, #tpu.memory_space<hbm>>
      %dma_wait3A_126 = arith.constant 0 : i32
      %dma_wait3A_127 = tpu.memref_slice %arg2[%min3A_20, %dma_wait3A_126] : memref<5000x128xf32, #tpu.memory_space<hbm>> -> memref<160x128xf32, #tpu.memory_space<hbm>>
      tpu.wait_dma2 semaphore(%run_scoped3A : memref<!tpu.dma_semaphore, #tpu.memory_space<semaphore_mem>>) src(%dma_wait3A_127 : memref<160x128xf32, #tpu.memory_space<hbm>>) dst(%arg8 : memref<160x128xf32, #tpu.memory_space<vmem>>)
      tpu.yield
    }) : () -> ()
    "tpu.region"() ({
      %run_scoped3A = tpu.sem_alloc : memref<!tpu.dma_semaphore, #tpu.memory_space<semaphore_mem>>
      %dma_start3A = arith.constant 0 : i32
      %dma_start3A_122 = tpu.memref_slice %arg3[%min3A_20, %dma_start3A] : memref<5000x128xf32, #tpu.memory_space<hbm>> -> memref<160x128xf32, #tpu.memory_space<hbm>>
      %dma_start3A_123 = arith.constant 0 : i32
      %dma_start3A_124 = tpu.memref_slice %arg3[%min3A_20, %dma_start3A_123] : memref<5000x128xf32, #tpu.memory_space<hbm>> -> memref<160x128xf32, #tpu.memory_space<hbm>>
      tpu.enqueue_dma source(%dma_start3A_124 : memref<160x128xf32, #tpu.memory_space<hbm>>) target(%arg9 : memref<160x128xf32, #tpu.memory_space<vmem>>) target_semaphore(%run_scoped3A : memref<!tpu.dma_semaphore, #tpu.memory_space<semaphore_mem>>)
      %dma_wait3A = arith.constant 0 : i32
      %dma_wait3A_125 = tpu.memref_slice %arg3[%min3A_20, %dma_wait3A] : memref<5000x128xf32, #tpu.memory_space<hbm>> -> memref<160x128xf32, #tpu.memory_space<hbm>>
      %dma_wait3A_126 = arith.constant 0 : i32
      %dma_wait3A_127 = tpu.memref_slice %arg3[%min3A_20, %dma_wait3A_126] : memref<5000x128xf32, #tpu.memory_space<hbm>> -> memref<160x128xf32, #tpu.memory_space<hbm>>
      tpu.wait_dma2 semaphore(%run_scoped3A : memref<!tpu.dma_semaphore, #tpu.memory_space<semaphore_mem>>) src(%dma_wait3A_127 : memref<160x128xf32, #tpu.memory_space<hbm>>) dst(%arg9 : memref<160x128xf32, #tpu.memory_space<vmem>>)
      tpu.yield
    }) : () -> ()
    "tpu.region"() ({
      %run_scoped3A = tpu.sem_alloc : memref<!tpu.dma_semaphore, #tpu.memory_space<semaphore_mem>>
      %dma_start3A = arith.constant 0 : i32
      %dma_start3A_122 = tpu.memref_slice %arg4[%min3A_20, %dma_start3A] : memref<5000x128xf32, #tpu.memory_space<hbm>> -> memref<160x128xf32, #tpu.memory_space<hbm>>
      %dma_start3A_123 = arith.constant 0 : i32
      %dma_start3A_124 = tpu.memref_slice %arg4[%min3A_20, %dma_start3A_123] : memref<5000x128xf32, #tpu.memory_space<hbm>> -> memref<160x128xf32, #tpu.memory_space<hbm>>
      tpu.enqueue_dma source(%dma_start3A_124 : memref<160x128xf32, #tpu.memory_space<hbm>>) target(%arg10 : memref<160x128xf32, #tpu.memory_space<vmem>>) target_semaphore(%run_scoped3A : memref<!tpu.dma_semaphore, #tpu.memory_space<semaphore_mem>>)
      %dma_wait3A = arith.constant 0 : i32
      %dma_wait3A_125 = tpu.memref_slice %arg4[%min3A_20, %dma_wait3A] : memref<5000x128xf32, #tpu.memory_space<hbm>> -> memref<160x128xf32, #tpu.memory_space<hbm>>
      %dma_wait3A_126 = arith.constant 0 : i32
      %dma_wait3A_127 = tpu.memref_slice %arg4[%min3A_20, %dma_wait3A_126] : memref<5000x128xf32, #tpu.memory_space<hbm>> -> memref<160x128xf32, #tpu.memory_space<hbm>>
      tpu.wait_dma2 semaphore(%run_scoped3A : memref<!tpu.dma_semaphore, #tpu.memory_space<semaphore_mem>>) src(%dma_wait3A_127 : memref<160x128xf32, #tpu.memory_space<hbm>>) dst(%arg10 : memref<160x128xf32, #tpu.memory_space<vmem>>)
      tpu.yield
    }) : () -> ()
    "tpu.region"() ({
      %run_scoped3A = tpu.sem_alloc : memref<!tpu.dma_semaphore, #tpu.memory_space<semaphore_mem>>
      %dma_start3A = arith.constant 0 : i32
      %dma_start3A_122 = tpu.memref_slice %arg5[%min3A_20, %dma_start3A] : memref<5000x128xf32, #tpu.memory_space<hbm>> -> memref<160x128xf32, #tpu.memory_space<hbm>>
      %dma_start3A_123 = arith.constant 0 : i32
      %dma_start3A_124 = tpu.memref_slice %arg5[%min3A_20, %dma_start3A_123] : memref<5000x128xf32, #tpu.memory_space<hbm>> -> memref<160x128xf32, #tpu.memory_space<hbm>>
      tpu.enqueue_dma source(%dma_start3A_124 : memref<160x128xf32, #tpu.memory_space<hbm>>) target(%arg11 : memref<160x128xf32, #tpu.memory_space<vmem>>) target_semaphore(%run_scoped3A : memref<!tpu.dma_semaphore, #tpu.memory_space<semaphore_mem>>)
      %dma_wait3A = arith.constant 0 : i32
      %dma_wait3A_125 = tpu.memref_slice %arg5[%min3A_20, %dma_wait3A] : memref<5000x128xf32, #tpu.memory_space<hbm>> -> memref<160x128xf32, #tpu.memory_space<hbm>>
      %dma_wait3A_126 = arith.constant 0 : i32
      %dma_wait3A_127 = tpu.memref_slice %arg5[%min3A_20, %dma_wait3A_126] : memref<5000x128xf32, #tpu.memory_space<hbm>> -> memref<160x128xf32, #tpu.memory_space<hbm>>
      tpu.wait_dma2 semaphore(%run_scoped3A : memref<!tpu.dma_semaphore, #tpu.memory_space<semaphore_mem>>) src(%dma_wait3A_127 : memref<160x128xf32, #tpu.memory_space<hbm>>) dst(%arg11 : memref<160x128xf32, #tpu.memory_space<vmem>>)
      tpu.yield
    }) : () -> ()
    %mul3A_71 = arith.constant 400 : i32
    %mul3A_72 = arith.muli %min3A_70, %mul3A_71 : i32
    "tpu.region"() ({
      %run_scoped3A = tpu.sem_alloc : memref<!tpu.dma_semaphore, #tpu.memory_space<semaphore_mem>>
      %dma_start3A = arith.constant 0 : i32
      %dma_start3A_122 = tpu.memref_slice %arg12[%dma_start3A] : memref<25616xf32, #tpu.memory_space<vmem>> -> memref<25600xf32, #tpu.memory_space<vmem>>
      %dma_start3A_123 = tpu.memref_slice %arg6[%mul3A_72] : memref<640000xf32, #tpu.memory_space<hbm>> -> memref<25600xf32, #tpu.memory_space<hbm>>
      %dma_start3A_124 = arith.constant 0 : i32
      %dma_start3A_125 = tpu.memref_slice %arg12[%dma_start3A_124] : memref<25616xf32, #tpu.memory_space<vmem>> -> memref<25600xf32, #tpu.memory_space<vmem>>
      %dma_start3A_126 = tpu.memref_slice %arg6[%mul3A_72] : memref<640000xf32, #tpu.memory_space<hbm>> -> memref<25600xf32, #tpu.memory_space<hbm>>
      tpu.enqueue_dma source(%dma_start3A_126 : memref<25600xf32, #tpu.memory_space<hbm>>) target(%dma_start3A_125 : memref<25600xf32, #tpu.memory_space<vmem>>) target_semaphore(%run_scoped3A : memref<!tpu.dma_semaphore, #tpu.memory_space<semaphore_mem>>)
      %dma_wait3A = arith.constant 0 : i32
      %dma_wait3A_127 = tpu.memref_slice %arg12[%dma_wait3A] : memref<25616xf32, #tpu.memory_space<vmem>> -> memref<25600xf32, #tpu.memory_space<vmem>>
      %dma_wait3A_128 = tpu.memref_slice %arg6[%mul3A_72] : memref<640000xf32, #tpu.memory_space<hbm>> -> memref<25600xf32, #tpu.memory_space<hbm>>
      %dma_wait3A_129 = arith.constant 0 : i32
      %dma_wait3A_130 = tpu.memref_slice %arg12[%dma_wait3A_129] : memref<25616xf32, #tpu.memory_space<vmem>> -> memref<25600xf32, #tpu.memory_space<vmem>>
      %dma_wait3A_131 = tpu.memref_slice %arg6[%mul3A_72] : memref<640000xf32, #tpu.memory_space<hbm>> -> memref<25600xf32, #tpu.memory_space<hbm>>
      tpu.wait_dma2 semaphore(%run_scoped3A : memref<!tpu.dma_semaphore, #tpu.memory_space<semaphore_mem>>) src(%dma_wait3A_131 : memref<25600xf32, #tpu.memory_space<hbm>>) dst(%dma_wait3A_130 : memref<25600xf32, #tpu.memory_space<vmem>>)
      tpu.yield
    }) : () -> ()
    %iota3A = tpu.iota {dimensions = array<i32: 0>} : vector<16xi32>
    %convert_element_type3A = arith.sitofp %iota3A : vector<16xi32> to vector<16xf32>
    %xor3A = arith.constant 1 : i32
    %xor3A_73 = vector.broadcast %xor3A : i32 to vector<16xi32>
    %xor3A_74 = arith.xori %iota3A, %xor3A_73 : vector<16xi32>
    %xor3A_75 = arith.constant 2 : i32
    %xor3A_76 = vector.broadcast %xor3A_75 : i32 to vector<16xi32>
    %xor3A_77 = arith.xori %iota3A, %xor3A_76 : vector<16xi32>
    %xor3A_78 = arith.constant 4 : i32
    %xor3A_79 = vector.broadcast %xor3A_78 : i32 to vector<16xi32>
    %xor3A_80 = arith.xori %iota3A, %xor3A_79 : vector<16xi32>
    %xor3A_81 = arith.constant 8 : i32
    %xor3A_82 = vector.broadcast %xor3A_81 : i32 to vector<16xi32>
    %xor3A_83 = arith.xori %iota3A, %xor3A_82 : vector<16xi32>
    %broadcast_in_dim3A = arith.constant 0.000000e+00 : f32
    %broadcast_in_dim3A_84 = vector.broadcast %broadcast_in_dim3A : f32 to vector<16xf32>
    %while3A = arith.constant 1.000000e+30 : f32
    %while3A_85 = arith.constant 0 : i32
    %while3A_86 = arith.constant 0.000000e+00 : f32
    %while3A_87 = arith.subi %mul3A_16, %while3A_85 : i32
    %while3A_88 = arith.addi %while3A_85, %while3A_87 : i32
    %while3A_89 = arith.constant 1 : i32
    %while3A_90 = arith.divsi %while3A_87, %while3A_89 : i32
    %while3A_91 = arith.muli %while3A_90, %while3A_89 : i32
    %while3A_92 = arith.addi %while3A_85, %while3A_91 : i32
    %while3A_93 = arith.constant 1 : i32
    %while3A_94:2 = scf.for %while3A_122 = %while3A_85 to %while3A_92 step %while3A_93 iter_args(%while3A_123 = %broadcast_in_dim3A_84, %while3A_124 = %while3A_86) -> (vector<16xf32>, f32)  : i32 {
      %jit3A_125 = arith.constant 8 : i32
      %div3A_126 = arith.divsi %while3A_122, %jit3A_125 : i32
      %sign3A_127 = arith.constant 0 : i32
      %sign3A_128 = arith.cmpi sgt, %while3A_122, %sign3A_127 : i32
      %sign3A_129 = arith.extui %sign3A_128 : i1 to i32
      %sign3A_130 = arith.constant 0 : i32
      %sign3A_131 = arith.cmpi slt, %while3A_122, %sign3A_130 : i32
      %sign3A_132 = arith.extui %sign3A_131 : i1 to i32
      %sign3A_133 = arith.subi %sign3A_129, %sign3A_132 : i32
      %sign3A_134 = arith.constant 0 : i32
      %sign3A_135 = arith.cmpi sgt, %jit3A_125, %sign3A_134 : i32
      %sign3A_136 = arith.extui %sign3A_135 : i1 to i32
      %sign3A_137 = arith.constant 0 : i32
      %sign3A_138 = arith.cmpi slt, %jit3A_125, %sign3A_137 : i32
      %sign3A_139 = arith.extui %sign3A_138 : i1 to i32
      %sign3A_140 = arith.subi %sign3A_136, %sign3A_139 : i32
      %ne3A_141 = arith.cmpi ne, %sign3A_133, %sign3A_140 : i32
      %rem3A_142 = arith.remsi %while3A_122, %jit3A_125 : i32
      %ne3A_143 = arith.constant 0 : i32
      %ne3A_144 = arith.cmpi ne, %rem3A_142, %ne3A_143 : i32
      %and3A_145 = arith.andi %ne3A_141, %ne3A_144 : i1
      %sub3A_146 = arith.constant 1 : i32
      %sub3A_147 = arith.subi %div3A_126, %sub3A_146 : i32
      %select_n3A_148 = arith.select %and3A_145, %sub3A_147, %div3A_126 : i32
      %add3A_149 = arith.addi %sub3A_21, %select_n3A_148 : i32
      %jit3A_150 = arith.constant 8 : i32
      %eq3A = arith.constant 0 : i32
      %eq3A_151 = arith.cmpi eq, %jit3A_150, %eq3A : i32
      %jit3A_152 = arith.constant 1 : i32
      %select_n3A_153 = arith.select %eq3A_151, %jit3A_152, %jit3A_150 : i32
      %rem3A_154 = arith.remsi %while3A_122, %select_n3A_153 : i32
      %ne3A_155 = arith.constant 0 : i32
      %ne3A_156 = arith.cmpi ne, %rem3A_154, %ne3A_155 : i32
      %lt3A = arith.constant 0 : i32
      %lt3A_157 = arith.cmpi slt, %rem3A_154, %lt3A : i32
      %lt3A_158 = arith.constant 0 : i32
      %lt3A_159 = arith.cmpi slt, %select_n3A_153, %lt3A_158 : i32
      %ne3A_160 = arith.xori %lt3A_157, %lt3A_159 : i1
      %and3A_161 = arith.andi %ne3A_160, %ne3A_156 : i1
      %add3A_162 = arith.addi %rem3A_154, %select_n3A_153 : i32
      %select_n3A_163 = arith.select %and3A_161, %add3A_162, %rem3A_154 : i32
      %mul3A_164 = arith.constant 16 : i32
      %mul3A_165 = arith.muli %select_n3A_163, %mul3A_164 : i32
      %get3A = arith.index_cast %add3A_149 : i32 to index
      %get3A_166 = arith.index_cast %mul3A_165 : i32 to index
      %get3A_167 = tpu.vector_load %arg8[%get3A, %get3A_166] {strides = array<i32>} : memref<160x128xf32, #tpu.memory_space<vmem>>, vector<1x16xf32>,
      %get3A_168 = vector.shape_cast %get3A_167 : vector<1x16xf32> to vector<16xf32>
      %get3A_169 = arith.index_cast %add3A_149 : i32 to index
      %get3A_170 = arith.index_cast %mul3A_165 : i32 to index
      %get3A_171 = tpu.vector_load %arg9[%get3A_169, %get3A_170] {strides = array<i32>} : memref<160x128xf32, #tpu.memory_space<vmem>>, vector<1x16xf32>,
      %get3A_172 = vector.shape_cast %get3A_171 : vector<1x16xf32> to vector<16xf32>
      %get3A_173 = arith.index_cast %add3A_149 : i32 to index
      %get3A_174 = arith.index_cast %mul3A_165 : i32 to index
      %get3A_175 = tpu.vector_load %arg10[%get3A_173, %get3A_174] {strides = array<i32>} : memref<160x128xf32, #tpu.memory_space<vmem>>, vector<1x16xf32>,
      %get3A_176 = vector.shape_cast %get3A_175 : vector<1x16xf32> to vector<16xf32>
      %get3A_177 = arith.index_cast %add3A_149 : i32 to index
      %get3A_178 = arith.index_cast %mul3A_165 : i32 to index
      %get3A_179 = tpu.vector_load %arg11[%get3A_177, %get3A_178] {strides = array<i32>} : memref<160x128xf32, #tpu.memory_space<vmem>>, vector<1x16xf32>,
      %get3A_180 = vector.shape_cast %get3A_179 : vector<1x16xf32> to vector<16xf32>
      %add3A_181 = arith.addi %mul3A_23, %while3A_122 : i32
      %jit3A_182 = arith.constant 100 : i32
      %eq3A_183 = arith.constant 0 : i32
      %eq3A_184 = arith.cmpi eq, %jit3A_182, %eq3A_183 : i32
      %jit3A_185 = arith.constant 1 : i32
      %select_n3A_186 = arith.select %eq3A_184, %jit3A_185, %jit3A_182 : i32
      %rem3A_187 = arith.remsi %add3A_181, %select_n3A_186 : i32
      %ne3A_188 = arith.constant 0 : i32
      %ne3A_189 = arith.cmpi ne, %rem3A_187, %ne3A_188 : i32
      %lt3A_190 = arith.constant 0 : i32
      %lt3A_191 = arith.cmpi slt, %rem3A_187, %lt3A_190 : i32
      %lt3A_192 = arith.constant 0 : i32
      %lt3A_193 = arith.cmpi slt, %select_n3A_186, %lt3A_192 : i32
      %ne3A_194 = arith.xori %lt3A_191, %lt3A_193 : i1
      %and3A_195 = arith.andi %ne3A_194, %ne3A_189 : i1
      %add3A_196 = arith.addi %rem3A_187, %select_n3A_186 : i32
      %select_n3A_197 = arith.select %and3A_195, %add3A_196, %rem3A_187 : i32
      %jit3A_198 = arith.constant 100 : i32
      %div3A_199 = arith.divsi %add3A_181, %jit3A_198 : i32
      %sign3A_200 = arith.constant 0 : i32
      %sign3A_201 = arith.cmpi sgt, %add3A_181, %sign3A_200 : i32
      %sign3A_202 = arith.extui %sign3A_201 : i1 to i32
      %sign3A_203 = arith.constant 0 : i32
      %sign3A_204 = arith.cmpi slt, %add3A_181, %sign3A_203 : i32
      %sign3A_205 = arith.extui %sign3A_204 : i1 to i32
      %sign3A_206 = arith.subi %sign3A_202, %sign3A_205 : i32
      %sign3A_207 = arith.constant 0 : i32
      %sign3A_208 = arith.cmpi sgt, %jit3A_198, %sign3A_207 : i32
      %sign3A_209 = arith.extui %sign3A_208 : i1 to i32
      %sign3A_210 = arith.constant 0 : i32
      %sign3A_211 = arith.cmpi slt, %jit3A_198, %sign3A_210 : i32
      %sign3A_212 = arith.extui %sign3A_211 : i1 to i32
      %sign3A_213 = arith.subi %sign3A_209, %sign3A_212 : i32
      %ne3A_214 = arith.cmpi ne, %sign3A_206, %sign3A_213 : i32
      %rem3A_215 = arith.remsi %add3A_181, %jit3A_198 : i32
      %ne3A_216 = arith.constant 0 : i32
      %ne3A_217 = arith.cmpi ne, %rem3A_215, %ne3A_216 : i32
      %and3A_218 = arith.andi %ne3A_214, %ne3A_217 : i1
      %sub3A_219 = arith.constant 1 : i32
      %sub3A_220 = arith.subi %div3A_199, %sub3A_219 : i32
      %select_n3A_221 = arith.select %and3A_218, %sub3A_220, %div3A_199 : i32
      %mul3A_222 = arith.constant 4 : i32
      %mul3A_223 = arith.muli %mul3A_222, %select_n3A_221 : i32
      %sub3A_224 = arith.subi %mul3A_223, %min3A_70 : i32
      %mul3A_225 = arith.constant 400 : i32
      %mul3A_226 = arith.muli %sub3A_224, %mul3A_225 : i32
      %jit3A_227 = arith.constant 2 : i32
      %div3A_228 = arith.divsi %select_n3A_197, %jit3A_227 : i32
      %sign3A_229 = arith.constant 0 : i32
      %sign3A_230 = arith.cmpi sgt, %select_n3A_197, %sign3A_229 : i32
      %sign3A_231 = arith.extui %sign3A_230 : i1 to i32
      %sign3A_232 = arith.constant 0 : i32
      %sign3A_233 = arith.cmpi slt, %select_n3A_197, %sign3A_232 : i32
      %sign3A_234 = arith.extui %sign3A_233 : i1 to i32
      %sign3A_235 = arith.subi %sign3A_231, %sign3A_234 : i32
      %sign3A_236 = arith.constant 0 : i32
      %sign3A_237 = arith.cmpi sgt, %jit3A_227, %sign3A_236 : i32
      %sign3A_238 = arith.extui %sign3A_237 : i1 to i32
      %sign3A_239 = arith.constant 0 : i32
      %sign3A_240 = arith.cmpi slt, %jit3A_227, %sign3A_239 : i32
      %sign3A_241 = arith.extui %sign3A_240 : i1 to i32
      %sign3A_242 = arith.subi %sign3A_238, %sign3A_241 : i32
      %ne3A_243 = arith.cmpi ne, %sign3A_235, %sign3A_242 : i32
      %rem3A_244 = arith.remsi %select_n3A_197, %jit3A_227 : i32
      %ne3A_245 = arith.constant 0 : i32
      %ne3A_246 = arith.cmpi ne, %rem3A_244, %ne3A_245 : i32
      %and3A_247 = arith.andi %ne3A_243, %ne3A_246 : i1
      %sub3A_248 = arith.constant 1 : i32
      %sub3A_249 = arith.subi %div3A_228, %sub3A_248 : i32
      %select_n3A_250 = arith.select %and3A_247, %sub3A_249, %div3A_228 : i32
      %mul3A_251 = arith.constant 8 : i32
      %mul3A_252 = arith.muli %mul3A_251, %select_n3A_250 : i32
      %add3A_253 = arith.addi %mul3A_226, %mul3A_252 : i32
      %jit3A_254 = arith.constant 2 : i32
      %eq3A_255 = arith.constant 0 : i32
      %eq3A_256 = arith.cmpi eq, %jit3A_254, %eq3A_255 : i32
      %jit3A_257 = arith.constant 1 : i32
      %select_n3A_258 = arith.select %eq3A_256, %jit3A_257, %jit3A_254 : i32
      %rem3A_259 = arith.remsi %select_n3A_197, %select_n3A_258 : i32
      %ne3A_260 = arith.constant 0 : i32
      %ne3A_261 = arith.cmpi ne, %rem3A_259, %ne3A_260 : i32
      %lt3A_262 = arith.constant 0 : i32
      %lt3A_263 = arith.cmpi slt, %rem3A_259, %lt3A_262 : i32
      %lt3A_264 = arith.constant 0 : i32
      %lt3A_265 = arith.cmpi slt, %select_n3A_258, %lt3A_264 : i32
      %ne3A_266 = arith.xori %lt3A_263, %lt3A_265 : i1
      %and3A_267 = arith.andi %ne3A_266, %ne3A_261 : i1
      %add3A_268 = arith.addi %rem3A_259, %select_n3A_258 : i32
      %select_n3A_269 = arith.select %and3A_267, %add3A_268, %rem3A_259 : i32
      %convert_element_type3A_270 = arith.sitofp %select_n3A_269 : i32 to f32
      %sub3A_271 = arith.constant 1.000000e+00 : f32
      %sub3A_272 = arith.subf %sub3A_271, %convert_element_type3A_270 : f32
      %add3A_273 = arith.constant 0 : i32
      %add3A_274 = arith.addi %add3A_253, %add3A_273 : i32
      %get3A_275 = arith.index_cast %add3A_274 : i32 to index
      %get3A_276 = tpu.vector_load %arg12[%get3A_275] {strides = array<i32>} : memref<25616xf32, #tpu.memory_space<vmem>>, vector<16xf32>,
      %get3A_277 = vector.shape_cast %get3A_276 : vector<16xf32> to vector<16xf32>
      %add3A_278 = arith.constant 400 : i32
      %add3A_279 = arith.addi %add3A_253, %add3A_278 : i32
      %get3A_280 = arith.index_cast %add3A_279 : i32 to index
      %get3A_281 = tpu.vector_load %arg12[%get3A_280] {strides = array<i32>} : memref<25616xf32, #tpu.memory_space<vmem>>, vector<16xf32>,
      %get3A_282 = vector.shape_cast %get3A_281 : vector<16xf32> to vector<16xf32>
      %add3A_283 = arith.constant 800 : i32
      %add3A_284 = arith.addi %add3A_253, %add3A_283 : i32
      %get3A_285 = arith.index_cast %add3A_284 : i32 to index
      %get3A_286 = tpu.vector_load %arg12[%get3A_285] {strides = array<i32>} : memref<25616xf32, #tpu.memory_space<vmem>>, vector<16xf32>,
      %get3A_287 = vector.shape_cast %get3A_286 : vector<16xf32> to vector<16xf32>
      %add3A_288 = arith.constant 1200 : i32
      %add3A_289 = arith.addi %add3A_253, %add3A_288 : i32
      %get3A_290 = arith.index_cast %add3A_289 : i32 to index
      %get3A_291 = tpu.vector_load %arg12[%get3A_290] {strides = array<i32>} : memref<25616xf32, #tpu.memory_space<vmem>>, vector<16xf32>,
      %get3A_292 = vector.shape_cast %get3A_291 : vector<16xf32> to vector<16xf32>
      %slice3A = vector.extract_strided_slice %get3A_277 {offsets = [0], sizes = [1], strides = [1]} : vector<16xf32> to vector<1xf32>
      %squeeze3A = vector.extract %slice3A[0] : f32 from vector<1xf32>
      %mul3A_293 = arith.mulf %squeeze3A, %sub3A_272 : f32
      %slice3A_294 = vector.extract_strided_slice %get3A_277 {offsets = [4], sizes = [1], strides = [1]} : vector<16xf32> to vector<1xf32>
      %squeeze3A_295 = vector.extract %slice3A_294[0] : f32 from vector<1xf32>
      %mul3A_296 = arith.mulf %squeeze3A_295, %convert_element_type3A_270 : f32
      %add3A_297 = arith.addf %mul3A_293, %mul3A_296 : f32
      %slice3A_298 = vector.extract_strided_slice %get3A_277 {offsets = [1], sizes = [1], strides = [1]} : vector<16xf32> to vector<1xf32>
      %squeeze3A_299 = vector.extract %slice3A_298[0] : f32 from vector<1xf32>
      %mul3A_300 = arith.mulf %squeeze3A_299, %sub3A_272 : f32
      %slice3A_301 = vector.extract_strided_slice %get3A_277 {offsets = [5], sizes = [1], strides = [1]} : vector<16xf32> to vector<1xf32>
      %squeeze3A_302 = vector.extract %slice3A_301[0] : f32 from vector<1xf32>
      %mul3A_303 = arith.mulf %squeeze3A_302, %convert_element_type3A_270 : f32
      %add3A_304 = arith.addf %mul3A_300, %mul3A_303 : f32
      %slice3A_305 = vector.extract_strided_slice %get3A_277 {offsets = [2], sizes = [1], strides = [1]} : vector<16xf32> to vector<1xf32>
      %squeeze3A_306 = vector.extract %slice3A_305[0] : f32 from vector<1xf32>
      %mul3A_307 = arith.mulf %squeeze3A_306, %sub3A_272 : f32
      %slice3A_308 = vector.extract_strided_slice %get3A_277 {offsets = [6], sizes = [1], strides = [1]} : vector<16xf32> to vector<1xf32>
      %squeeze3A_309 = vector.extract %slice3A_308[0] : f32 from vector<1xf32>
      %mul3A_310 = arith.mulf %squeeze3A_309, %convert_element_type3A_270 : f32
      %add3A_311 = arith.addf %mul3A_307, %mul3A_310 : f32
      %slice3A_312 = vector.extract_strided_slice %get3A_277 {offsets = [3], sizes = [1], strides = [1]} : vector<16xf32> to vector<1xf32>
      %squeeze3A_313 = vector.extract %slice3A_312[0] : f32 from vector<1xf32>
      %mul3A_314 = arith.mulf %squeeze3A_313, %sub3A_272 : f32
      %slice3A_315 = vector.extract_strided_slice %get3A_277 {offsets = [7], sizes = [1], strides = [1]} : vector<16xf32> to vector<1xf32>
      %squeeze3A_316 = vector.extract %slice3A_315[0] : f32 from vector<1xf32>
      %mul3A_317 = arith.mulf %squeeze3A_316, %convert_element_type3A_270 : f32
      %add3A_318 = arith.addf %mul3A_314, %mul3A_317 : f32
      %slice3A_319 = vector.extract_strided_slice %get3A_282 {offsets = [0], sizes = [1], strides = [1]} : vector<16xf32> to vector<1xf32>
      %squeeze3A_320 = vector.extract %slice3A_319[0] : f32 from vector<1xf32>
      %mul3A_321 = arith.mulf %squeeze3A_320, %sub3A_272 : f32
      %slice3A_322 = vector.extract_strided_slice %get3A_282 {offsets = [4], sizes = [1], strides = [1]} : vector<16xf32> to vector<1xf32>
      %squeeze3A_323 = vector.extract %slice3A_322[0] : f32 from vector<1xf32>
      %mul3A_324 = arith.mulf %squeeze3A_323, %convert_element_type3A_270 : f32
      %add3A_325 = arith.addf %mul3A_321, %mul3A_324 : f32
      %slice3A_326 = vector.extract_strided_slice %get3A_282 {offsets = [1], sizes = [1], strides = [1]} : vector<16xf32> to vector<1xf32>
      %squeeze3A_327 = vector.extract %slice3A_326[0] : f32 from vector<1xf32>
      %mul3A_328 = arith.mulf %squeeze3A_327, %sub3A_272 : f32
      %slice3A_329 = vector.extract_strided_slice %get3A_282 {offsets = [5], sizes = [1], strides = [1]} : vector<16xf32> to vector<1xf32>
      %squeeze3A_330 = vector.extract %slice3A_329[0] : f32 from vector<1xf32>
      %mul3A_331 = arith.mulf %squeeze3A_330, %convert_element_type3A_270 : f32
      %add3A_332 = arith.addf %mul3A_328, %mul3A_331 : f32
      %slice3A_333 = vector.extract_strided_slice %get3A_282 {offsets = [2], sizes = [1], strides = [1]} : vector<16xf32> to vector<1xf32>
      %squeeze3A_334 = vector.extract %slice3A_333[0] : f32 from vector<1xf32>
      %mul3A_335 = arith.mulf %squeeze3A_334, %sub3A_272 : f32
      %slice3A_336 = vector.extract_strided_slice %get3A_282 {offsets = [6], sizes = [1], strides = [1]} : vector<16xf32> to vector<1xf32>
      %squeeze3A_337 = vector.extract %slice3A_336[0] : f32 from vector<1xf32>
      %mul3A_338 = arith.mulf %squeeze3A_337, %convert_element_type3A_270 : f32
      %add3A_339 = arith.addf %mul3A_335, %mul3A_338 : f32
      %slice3A_340 = vector.extract_strided_slice %get3A_282 {offsets = [3], sizes = [1], strides = [1]} : vector<16xf32> to vector<1xf32>
      %squeeze3A_341 = vector.extract %slice3A_340[0] : f32 from vector<1xf32>
      %mul3A_342 = arith.mulf %squeeze3A_341, %sub3A_272 : f32
      %slice3A_343 = vector.extract_strided_slice %get3A_282 {offsets = [7], sizes = [1], strides = [1]} : vector<16xf32> to vector<1xf32>
      %squeeze3A_344 = vector.extract %slice3A_343[0] : f32 from vector<1xf32>
      %mul3A_345 = arith.mulf %squeeze3A_344, %convert_element_type3A_270 : f32
      %add3A_346 = arith.addf %mul3A_342, %mul3A_345 : f32
      %slice3A_347 = vector.extract_strided_slice %get3A_287 {offsets = [0], sizes = [1], strides = [1]} : vector<16xf32> to vector<1xf32>
      %squeeze3A_348 = vector.extract %slice3A_347[0] : f32 from vector<1xf32>
      %mul3A_349 = arith.mulf %squeeze3A_348, %sub3A_272 : f32
      %slice3A_350 = vector.extract_strided_slice %get3A_287 {offsets = [4], sizes = [1], strides = [1]} : vector<16xf32> to vector<1xf32>
      %squeeze3A_351 = vector.extract %slice3A_350[0] : f32 from vector<1xf32>
      %mul3A_352 = arith.mulf %squeeze3A_351, %convert_element_type3A_270 : f32
      %add3A_353 = arith.addf %mul3A_349, %mul3A_352 : f32
      %slice3A_354 = vector.extract_strided_slice %get3A_287 {offsets = [1], sizes = [1], strides = [1]} : vector<16xf32> to vector<1xf32>
      %squeeze3A_355 = vector.extract %slice3A_354[0] : f32 from vector<1xf32>
      %mul3A_356 = arith.mulf %squeeze3A_355, %sub3A_272 : f32
      %slice3A_357 = vector.extract_strided_slice %get3A_287 {offsets = [5], sizes = [1], strides = [1]} : vector<16xf32> to vector<1xf32>
      %squeeze3A_358 = vector.extract %slice3A_357[0] : f32 from vector<1xf32>
      %mul3A_359 = arith.mulf %squeeze3A_358, %convert_element_type3A_270 : f32
      %add3A_360 = arith.addf %mul3A_356, %mul3A_359 : f32
      %slice3A_361 = vector.extract_strided_slice %get3A_287 {offsets = [2], sizes = [1], strides = [1]} : vector<16xf32> to vector<1xf32>
      %squeeze3A_362 = vector.extract %slice3A_361[0] : f32 from vector<1xf32>
      %mul3A_363 = arith.mulf %squeeze3A_362, %sub3A_272 : f32
      %slice3A_364 = vector.extract_strided_slice %get3A_287 {offsets = [6], sizes = [1], strides = [1]} : vector<16xf32> to vector<1xf32>
      %squeeze3A_365 = vector.extract %slice3A_364[0] : f32 from vector<1xf32>
      %mul3A_366 = arith.mulf %squeeze3A_365, %convert_element_type3A_270 : f32
      %add3A_367 = arith.addf %mul3A_363, %mul3A_366 : f32
      %slice3A_368 = vector.extract_strided_slice %get3A_287 {offsets = [3], sizes = [1], strides = [1]} : vector<16xf32> to vector<1xf32>
      %squeeze3A_369 = vector.extract %slice3A_368[0] : f32 from vector<1xf32>
      %mul3A_370 = arith.mulf %squeeze3A_369, %sub3A_272 : f32
      %slice3A_371 = vector.extract_strided_slice %get3A_287 {offsets = [7], sizes = [1], strides = [1]} : vector<16xf32> to vector<1xf32>
      %squeeze3A_372 = vector.extract %slice3A_371[0] : f32 from vector<1xf32>
      %mul3A_373 = arith.mulf %squeeze3A_372, %convert_element_type3A_270 : f32
      %add3A_374 = arith.addf %mul3A_370, %mul3A_373 : f32
      %slice3A_375 = vector.extract_strided_slice %get3A_292 {offsets = [0], sizes = [1], strides = [1]} : vector<16xf32> to vector<1xf32>
      %squeeze3A_376 = vector.extract %slice3A_375[0] : f32 from vector<1xf32>
      %mul3A_377 = arith.mulf %squeeze3A_376, %sub3A_272 : f32
      %slice3A_378 = vector.extract_strided_slice %get3A_292 {offsets = [4], sizes = [1], strides = [1]} : vector<16xf32> to vector<1xf32>
      %squeeze3A_379 = vector.extract %slice3A_378[0] : f32 from vector<1xf32>
      %mul3A_380 = arith.mulf %squeeze3A_379, %convert_element_type3A_270 : f32
      %add3A_381 = arith.addf %mul3A_377, %mul3A_380 : f32
      %slice3A_382 = vector.extract_strided_slice %get3A_292 {offsets = [1], sizes = [1], strides = [1]} : vector<16xf32> to vector<1xf32>
      %squeeze3A_383 = vector.extract %slice3A_382[0] : f32 from vector<1xf32>
      %mul3A_384 = arith.mulf %squeeze3A_383, %sub3A_272 : f32
      %slice3A_385 = vector.extract_strided_slice %get3A_292 {offsets = [5], sizes = [1], strides = [1]} : vector<16xf32> to vector<1xf32>
      %squeeze3A_386 = vector.extract %slice3A_385[0] : f32 from vector<1xf32>
      %mul3A_387 = arith.mulf %squeeze3A_386, %convert_element_type3A_270 : f32
      %add3A_388 = arith.addf %mul3A_384, %mul3A_387 : f32
      %slice3A_389 = vector.extract_strided_slice %get3A_292 {offsets = [2], sizes = [1], strides = [1]} : vector<16xf32> to vector<1xf32>
      %squeeze3A_390 = vector.extract %slice3A_389[0] : f32 from vector<1xf32>
      %mul3A_391 = arith.mulf %squeeze3A_390, %sub3A_272 : f32
      %slice3A_392 = vector.extract_strided_slice %get3A_292 {offsets = [6], sizes = [1], strides = [1]} : vector<16xf32> to vector<1xf32>
      %squeeze3A_393 = vector.extract %slice3A_392[0] : f32 from vector<1xf32>
      %mul3A_394 = arith.mulf %squeeze3A_393, %convert_element_type3A_270 : f32
      %add3A_395 = arith.addf %mul3A_391, %mul3A_394 : f32
      %slice3A_396 = vector.extract_strided_slice %get3A_292 {offsets = [3], sizes = [1], strides = [1]} : vector<16xf32> to vector<1xf32>
      %squeeze3A_397 = vector.extract %slice3A_396[0] : f32 from vector<1xf32>
      %mul3A_398 = arith.mulf %squeeze3A_397, %sub3A_272 : f32
      %slice3A_399 = vector.extract_strided_slice %get3A_292 {offsets = [7], sizes = [1], strides = [1]} : vector<16xf32> to vector<1xf32>
      %squeeze3A_400 = vector.extract %slice3A_399[0] : f32 from vector<1xf32>
      %mul3A_401 = arith.mulf %squeeze3A_400, %convert_element_type3A_270 : f32
      %add3A_402 = arith.addf %mul3A_398, %mul3A_401 : f32
      %sub3A_403 = arith.constant -3.750000e-01 : f32
      %sub3A_404 = vector.broadcast %sub3A_403 : f32 to vector<16xf32>
      %sub3A_405 = arith.subf %get3A_176, %sub3A_404 : vector<16xf32>
      %abs3A_406 = math.absf %sub3A_405 : vector<16xf32>
      %sub3A_407 = arith.constant -1.250000e-01 : f32
      %sub3A_408 = vector.broadcast %sub3A_407 : f32 to vector<16xf32>
      %sub3A_409 = arith.subf %get3A_176, %sub3A_408 : vector<16xf32>
      %abs3A_410 = math.absf %sub3A_409 : vector<16xf32>
      %sub3A_411 = arith.constant 1.250000e-01 : f32
      %sub3A_412 = vector.broadcast %sub3A_411 : f32 to vector<16xf32>
      %sub3A_413 = arith.subf %get3A_176, %sub3A_412 : vector<16xf32>
      %abs3A_414 = math.absf %sub3A_413 : vector<16xf32>
      %sub3A_415 = arith.constant 3.750000e-01 : f32
      %sub3A_416 = vector.broadcast %sub3A_415 : f32 to vector<16xf32>
      %sub3A_417 = arith.subf %get3A_176, %sub3A_416 : vector<16xf32>
      %abs3A_418 = math.absf %sub3A_417 : vector<16xf32>
      %sub3A_419 = arith.constant -3.750000e-01 : f32
      %sub3A_420 = vector.broadcast %sub3A_419 : f32 to vector<16xf32>
      %sub3A_421 = arith.subf %get3A_180, %sub3A_420 : vector<16xf32>
      %abs3A_422 = math.absf %sub3A_421 : vector<16xf32>
      %sub3A_423 = arith.constant -1.250000e-01 : f32
      %sub3A_424 = vector.broadcast %sub3A_423 : f32 to vector<16xf32>
      %sub3A_425 = arith.subf %get3A_180, %sub3A_424 : vector<16xf32>
      %abs3A_426 = math.absf %sub3A_425 : vector<16xf32>
      %sub3A_427 = arith.constant 1.250000e-01 : f32
      %sub3A_428 = vector.broadcast %sub3A_427 : f32 to vector<16xf32>
      %sub3A_429 = arith.subf %get3A_180, %sub3A_428 : vector<16xf32>
      %abs3A_430 = math.absf %sub3A_429 : vector<16xf32>
      %sub3A_431 = arith.constant 3.750000e-01 : f32
      %sub3A_432 = vector.broadcast %sub3A_431 : f32 to vector<16xf32>
      %sub3A_433 = arith.subf %get3A_180, %sub3A_432 : vector<16xf32>
      %abs3A_434 = math.absf %sub3A_433 : vector<16xf32>
      %mul3A_435 = arith.mulf %abs3A_406, %get3A_168 : vector<16xf32>
      %mul3A_436 = arith.mulf %abs3A_410, %get3A_168 : vector<16xf32>
      %mul3A_437 = arith.mulf %abs3A_414, %get3A_168 : vector<16xf32>
      %mul3A_438 = arith.mulf %abs3A_418, %get3A_168 : vector<16xf32>
      %mul3A_439 = arith.mulf %abs3A_422, %get3A_168 : vector<16xf32>
      %mul3A_440 = arith.mulf %abs3A_426, %get3A_168 : vector<16xf32>
      %mul3A_441 = arith.mulf %abs3A_430, %get3A_168 : vector<16xf32>
      %mul3A_442 = arith.mulf %abs3A_434, %get3A_168 : vector<16xf32>
      %broadcast_in_dim3A_443 = arith.constant 0.000000e+00 : f32
      %broadcast_in_dim3A_444 = vector.broadcast %broadcast_in_dim3A_443 : f32 to vector<16xf32>
      %broadcast_in_dim3A_445 = arith.constant 0.000000e+00 : f32
      %broadcast_in_dim3A_446 = vector.broadcast %broadcast_in_dim3A_445 : f32 to vector<16xf32>
      %add3A_447 = arith.addf %mul3A_435, %mul3A_439 : vector<16xf32>
      %mul3A_448 = vector.broadcast %while3A : f32 to vector<16xf32>
      %mul3A_449 = arith.mulf %broadcast_in_dim3A_444, %mul3A_448 : vector<16xf32>
      %add3A_450 = arith.addf %add3A_447, %mul3A_449 : vector<16xf32>
      %broadcast_in_dim3A_451 = vector.shape_cast %xor3A_74 : vector<16xi32> to vector<16x1xi32>
      %gather3A = vector.shape_cast %broadcast_in_dim3A_451 : vector<16x1xi32> to vector<16xi32>
      %gather3A_452 = tpu.dynamic_gather %add3A_450[%gather3A] in [0] : vector<16xf32>, vector<16xi32> -> vector<16xf32>
      %min3A_453 = arith.minimumf %add3A_450, %gather3A_452 : vector<16xf32>
      %broadcast_in_dim3A_454 = vector.shape_cast %xor3A_77 : vector<16xi32> to vector<16x1xi32>
      %gather3A_455 = vector.shape_cast %broadcast_in_dim3A_454 : vector<16x1xi32> to vector<16xi32>
      %gather3A_456 = tpu.dynamic_gather %min3A_453[%gather3A_455] in [0] : vector<16xf32>, vector<16xi32> -> vector<16xf32>
      %min3A_457 = arith.minimumf %min3A_453, %gather3A_456 : vector<16xf32>
      %broadcast_in_dim3A_458 = vector.shape_cast %xor3A_80 : vector<16xi32> to vector<16x1xi32>
      %gather3A_459 = vector.shape_cast %broadcast_in_dim3A_458 : vector<16x1xi32> to vector<16xi32>
      %gather3A_460 = tpu.dynamic_gather %min3A_457[%gather3A_459] in [0] : vector<16xf32>, vector<16xi32> -> vector<16xf32>
      %min3A_461 = arith.minimumf %min3A_457, %gather3A_460 : vector<16xf32>
      %broadcast_in_dim3A_462 = vector.shape_cast %xor3A_83 : vector<16xi32> to vector<16x1xi32>
      %gather3A_463 = vector.shape_cast %broadcast_in_dim3A_462 : vector<16x1xi32> to vector<16xi32>
      %gather3A_464 = tpu.dynamic_gather %min3A_461[%gather3A_463] in [0] : vector<16xf32>, vector<16xi32> -> vector<16xf32>
      %min3A_465 = arith.minimumf %min3A_461, %gather3A_464 : vector<16xf32>
      %sub3A_466 = arith.subf %add3A_450, %min3A_465 : vector<16xf32>
      %sign3A_467 = tpu.bitcast %sub3A_466 : vector<16xf32> -> vector<16xi32>
      %sign3A_468 = arith.constant -2147483648 : i32
      %sign3A_469 = vector.broadcast %sign3A_468 : i32 to vector<16xi32>
      %sign3A_470 = arith.andi %sign3A_467, %sign3A_469 : vector<16xi32>
      %sign3A_471 = arith.constant 1065353216 : i32
      %sign3A_472 = vector.broadcast %sign3A_471 : i32 to vector<16xi32>
      %sign3A_473 = arith.ori %sign3A_472, %sign3A_470 : vector<16xi32>
      %sign3A_474 = tpu.bitcast %sign3A_473 : vector<16xi32> -> vector<16xf32>
      %sign3A_475 = math.absf %sub3A_466 : vector<16xf32>
      %sign3A_476 = arith.constant 0.000000e+00 : f32
      %sign3A_477 = vector.broadcast %sign3A_476 : f32 to vector<16xf32>
      %sign3A_478 = arith.cmpf ogt, %sign3A_475, %sign3A_477 : vector<16xf32>
      %sign3A_479 = arith.select %sign3A_478, %sign3A_474, %sub3A_466 : vector<16xi1>, vector<16xf32>
      %sub3A_480 = arith.constant 1.000000e+00 : f32
      %sub3A_481 = vector.broadcast %sub3A_480 : f32 to vector<16xf32>
      %sub3A_482 = arith.subf %sub3A_481, %sign3A_479 : vector<16xf32>
      %mul3A_483 = vector.broadcast %add3A_297 : f32 to vector<16xf32>
      %mul3A_484 = arith.mulf %sub3A_482, %mul3A_483 : vector<16xf32>
      %add3A_485 = arith.addf %broadcast_in_dim3A_444, %mul3A_484 : vector<16xf32>
      %add3A_486 = arith.addf %abs3A_406, %abs3A_422 : vector<16xf32>
      %mul3A_487 = arith.constant 1.000000e+01 : f32
      %mul3A_488 = vector.broadcast %mul3A_487 : f32 to vector<16xf32>
      %mul3A_489 = arith.mulf %mul3A_488, %add3A_486 : vector<16xf32>
      %add3A_490 = arith.addf %get3A_172, %mul3A_489 : vector<16xf32>
      %mul3A_491 = arith.mulf %mul3A_484, %add3A_490 : vector<16xf32>
      %add3A_492 = arith.addf %broadcast_in_dim3A_446, %mul3A_491 : vector<16xf32>
      %add3A_493 = arith.constant 0.000000e+00 : f32
      %add3A_494 = arith.addf %add3A_493, %add3A_297 : f32
      %add3A_495 = arith.addf %mul3A_435, %mul3A_440 : vector<16xf32>
      %mul3A_496 = vector.broadcast %while3A : f32 to vector<16xf32>
      %mul3A_497 = arith.mulf %add3A_485, %mul3A_496 : vector<16xf32>
      %add3A_498 = arith.addf %add3A_495, %mul3A_497 : vector<16xf32>
      %broadcast_in_dim3A_499 = vector.shape_cast %xor3A_74 : vector<16xi32> to vector<16x1xi32>
      %gather3A_500 = vector.shape_cast %broadcast_in_dim3A_499 : vector<16x1xi32> to vector<16xi32>
      %gather3A_501 = tpu.dynamic_gather %add3A_498[%gather3A_500] in [0] : vector<16xf32>, vector<16xi32> -> vector<16xf32>
      %min3A_502 = arith.minimumf %add3A_498, %gather3A_501 : vector<16xf32>
      %broadcast_in_dim3A_503 = vector.shape_cast %xor3A_77 : vector<16xi32> to vector<16x1xi32>
      %gather3A_504 = vector.shape_cast %broadcast_in_dim3A_503 : vector<16x1xi32> to vector<16xi32>
      %gather3A_505 = tpu.dynamic_gather %min3A_502[%gather3A_504] in [0] : vector<16xf32>, vector<16xi32> -> vector<16xf32>
      %min3A_506 = arith.minimumf %min3A_502, %gather3A_505 : vector<16xf32>
      %broadcast_in_dim3A_507 = vector.shape_cast %xor3A_80 : vector<16xi32> to vector<16x1xi32>
      %gather3A_508 = vector.shape_cast %broadcast_in_dim3A_507 : vector<16x1xi32> to vector<16xi32>
      %gather3A_509 = tpu.dynamic_gather %min3A_506[%gather3A_508] in [0] : vector<16xf32>, vector<16xi32> -> vector<16xf32>
      %min3A_510 = arith.minimumf %min3A_506, %gather3A_509 : vector<16xf32>
      %broadcast_in_dim3A_511 = vector.shape_cast %xor3A_83 : vector<16xi32> to vector<16x1xi32>
      %gather3A_512 = vector.shape_cast %broadcast_in_dim3A_511 : vector<16x1xi32> to vector<16xi32>
      %gather3A_513 = tpu.dynamic_gather %min3A_510[%gather3A_512] in [0] : vector<16xf32>, vector<16xi32> -> vector<16xf32>
      %min3A_514 = arith.minimumf %min3A_510, %gather3A_513 : vector<16xf32>
      %sub3A_515 = arith.subf %add3A_498, %min3A_514 : vector<16xf32>
      %sign3A_516 = tpu.bitcast %sub3A_515 : vector<16xf32> -> vector<16xi32>
      %sign3A_517 = arith.constant -2147483648 : i32
      %sign3A_518 = vector.broadcast %sign3A_517 : i32 to vector<16xi32>
      %sign3A_519 = arith.andi %sign3A_516, %sign3A_518 : vector<16xi32>
      %sign3A_520 = arith.constant 1065353216 : i32
      %sign3A_521 = vector.broadcast %sign3A_520 : i32 to vector<16xi32>
      %sign3A_522 = arith.ori %sign3A_521, %sign3A_519 : vector<16xi32>
      %sign3A_523 = tpu.bitcast %sign3A_522 : vector<16xi32> -> vector<16xf32>
      %sign3A_524 = math.absf %sub3A_515 : vector<16xf32>
      %sign3A_525 = arith.constant 0.000000e+00 : f32
      %sign3A_526 = vector.broadcast %sign3A_525 : f32 to vector<16xf32>
      %sign3A_527 = arith.cmpf ogt, %sign3A_524, %sign3A_526 : vector<16xf32>
      %sign3A_528 = arith.select %sign3A_527, %sign3A_523, %sub3A_515 : vector<16xi1>, vector<16xf32>
      %sub3A_529 = arith.constant 1.000000e+00 : f32
      %sub3A_530 = vector.broadcast %sub3A_529 : f32 to vector<16xf32>
      %sub3A_531 = arith.subf %sub3A_530, %sign3A_528 : vector<16xf32>
      %mul3A_532 = vector.broadcast %add3A_304 : f32 to vector<16xf32>
      %mul3A_533 = arith.mulf %sub3A_531, %mul3A_532 : vector<16xf32>
      %add3A_534 = arith.addf %add3A_485, %mul3A_533 : vector<16xf32>
      %add3A_535 = arith.addf %abs3A_406, %abs3A_426 : vector<16xf32>
      %mul3A_536 = arith.constant 1.000000e+01 : f32
      %mul3A_537 = vector.broadcast %mul3A_536 : f32 to vector<16xf32>
      %mul3A_538 = arith.mulf %mul3A_537, %add3A_535 : vector<16xf32>
      %add3A_539 = arith.addf %get3A_172, %mul3A_538 : vector<16xf32>
      %mul3A_540 = arith.mulf %mul3A_533, %add3A_539 : vector<16xf32>
      %add3A_541 = arith.addf %add3A_492, %mul3A_540 : vector<16xf32>
      %add3A_542 = arith.addf %add3A_494, %add3A_304 : f32
      %add3A_543 = arith.addf %mul3A_435, %mul3A_441 : vector<16xf32>
      %mul3A_544 = vector.broadcast %while3A : f32 to vector<16xf32>
      %mul3A_545 = arith.mulf %add3A_534, %mul3A_544 : vector<16xf32>
      %add3A_546 = arith.addf %add3A_543, %mul3A_545 : vector<16xf32>
      %broadcast_in_dim3A_547 = vector.shape_cast %xor3A_74 : vector<16xi32> to vector<16x1xi32>
      %gather3A_548 = vector.shape_cast %broadcast_in_dim3A_547 : vector<16x1xi32> to vector<16xi32>
      %gather3A_549 = tpu.dynamic_gather %add3A_546[%gather3A_548] in [0] : vector<16xf32>, vector<16xi32> -> vector<16xf32>
      %min3A_550 = arith.minimumf %add3A_546, %gather3A_549 : vector<16xf32>
      %broadcast_in_dim3A_551 = vector.shape_cast %xor3A_77 : vector<16xi32> to vector<16x1xi32>
      %gather3A_552 = vector.shape_cast %broadcast_in_dim3A_551 : vector<16x1xi32> to vector<16xi32>
      %gather3A_553 = tpu.dynamic_gather %min3A_550[%gather3A_552] in [0] : vector<16xf32>, vector<16xi32> -> vector<16xf32>
      %min3A_554 = arith.minimumf %min3A_550, %gather3A_553 : vector<16xf32>
      %broadcast_in_dim3A_555 = vector.shape_cast %xor3A_80 : vector<16xi32> to vector<16x1xi32>
      %gather3A_556 = vector.shape_cast %broadcast_in_dim3A_555 : vector<16x1xi32> to vector<16xi32>
      %gather3A_557 = tpu.dynamic_gather %min3A_554[%gather3A_556] in [0] : vector<16xf32>, vector<16xi32> -> vector<16xf32>
      %min3A_558 = arith.minimumf %min3A_554, %gather3A_557 : vector<16xf32>
      %broadcast_in_dim3A_559 = vector.shape_cast %xor3A_83 : vector<16xi32> to vector<16x1xi32>
      %gather3A_560 = vector.shape_cast %broadcast_in_dim3A_559 : vector<16x1xi32> to vector<16xi32>
      %gather3A_561 = tpu.dynamic_gather %min3A_558[%gather3A_560] in [0] : vector<16xf32>, vector<16xi32> -> vector<16xf32>
      %min3A_562 = arith.minimumf %min3A_558, %gather3A_561 : vector<16xf32>
      %sub3A_563 = arith.subf %add3A_546, %min3A_562 : vector<16xf32>
      %sign3A_564 = tpu.bitcast %sub3A_563 : vector<16xf32> -> vector<16xi32>
      %sign3A_565 = arith.constant -2147483648 : i32
      %sign3A_566 = vector.broadcast %sign3A_565 : i32 to vector<16xi32>
      %sign3A_567 = arith.andi %sign3A_564, %sign3A_566 : vector<16xi32>
      %sign3A_568 = arith.constant 1065353216 : i32
      %sign3A_569 = vector.broadcast %sign3A_568 : i32 to vector<16xi32>
      %sign3A_570 = arith.ori %sign3A_569, %sign3A_567 : vector<16xi32>
      %sign3A_571 = tpu.bitcast %sign3A_570 : vector<16xi32> -> vector<16xf32>
      %sign3A_572 = math.absf %sub3A_563 : vector<16xf32>
      %sign3A_573 = arith.constant 0.000000e+00 : f32
      %sign3A_574 = vector.broadcast %sign3A_573 : f32 to vector<16xf32>
      %sign3A_575 = arith.cmpf ogt, %sign3A_572, %sign3A_574 : vector<16xf32>
      %sign3A_576 = arith.select %sign3A_575, %sign3A_571, %sub3A_563 : vector<16xi1>, vector<16xf32>
      %sub3A_577 = arith.constant 1.000000e+00 : f32
      %sub3A_578 = vector.broadcast %sub3A_577 : f32 to vector<16xf32>
      %sub3A_579 = arith.subf %sub3A_578, %sign3A_576 : vector<16xf32>
      %mul3A_580 = vector.broadcast %add3A_311 : f32 to vector<16xf32>
      %mul3A_581 = arith.mulf %sub3A_579, %mul3A_580 : vector<16xf32>
      %add3A_582 = arith.addf %add3A_534, %mul3A_581 : vector<16xf32>
      %add3A_583 = arith.addf %abs3A_406, %abs3A_430 : vector<16xf32>
      %mul3A_584 = arith.constant 1.000000e+01 : f32
      %mul3A_585 = vector.broadcast %mul3A_584 : f32 to vector<16xf32>
      %mul3A_586 = arith.mulf %mul3A_585, %add3A_583 : vector<16xf32>
      %add3A_587 = arith.addf %get3A_172, %mul3A_586 : vector<16xf32>
      %mul3A_588 = arith.mulf %mul3A_581, %add3A_587 : vector<16xf32>
      %add3A_589 = arith.addf %add3A_541, %mul3A_588 : vector<16xf32>
      %add3A_590 = arith.addf %add3A_542, %add3A_311 : f32
      %add3A_591 = arith.addf %mul3A_435, %mul3A_442 : vector<16xf32>
      %mul3A_592 = vector.broadcast %while3A : f32 to vector<16xf32>
      %mul3A_593 = arith.mulf %add3A_582, %mul3A_592 : vector<16xf32>
      %add3A_594 = arith.addf %add3A_591, %mul3A_593 : vector<16xf32>
      %broadcast_in_dim3A_595 = vector.shape_cast %xor3A_74 : vector<16xi32> to vector<16x1xi32>
      %gather3A_596 = vector.shape_cast %broadcast_in_dim3A_595 : vector<16x1xi32> to vector<16xi32>
      %gather3A_597 = tpu.dynamic_gather %add3A_594[%gather3A_596] in [0] : vector<16xf32>, vector<16xi32> -> vector<16xf32>
      %min3A_598 = arith.minimumf %add3A_594, %gather3A_597 : vector<16xf32>
      %broadcast_in_dim3A_599 = vector.shape_cast %xor3A_77 : vector<16xi32> to vector<16x1xi32>
      %gather3A_600 = vector.shape_cast %broadcast_in_dim3A_599 : vector<16x1xi32> to vector<16xi32>
      %gather3A_601 = tpu.dynamic_gather %min3A_598[%gather3A_600] in [0] : vector<16xf32>, vector<16xi32> -> vector<16xf32>
      %min3A_602 = arith.minimumf %min3A_598, %gather3A_601 : vector<16xf32>
      %broadcast_in_dim3A_603 = vector.shape_cast %xor3A_80 : vector<16xi32> to vector<16x1xi32>
      %gather3A_604 = vector.shape_cast %broadcast_in_dim3A_603 : vector<16x1xi32> to vector<16xi32>
      %gather3A_605 = tpu.dynamic_gather %min3A_602[%gather3A_604] in [0] : vector<16xf32>, vector<16xi32> -> vector<16xf32>
      %min3A_606 = arith.minimumf %min3A_602, %gather3A_605 : vector<16xf32>
      %broadcast_in_dim3A_607 = vector.shape_cast %xor3A_83 : vector<16xi32> to vector<16x1xi32>
      %gather3A_608 = vector.shape_cast %broadcast_in_dim3A_607 : vector<16x1xi32> to vector<16xi32>
      %gather3A_609 = tpu.dynamic_gather %min3A_606[%gather3A_608] in [0] : vector<16xf32>, vector<16xi32> -> vector<16xf32>
      %min3A_610 = arith.minimumf %min3A_606, %gather3A_609 : vector<16xf32>
      %sub3A_611 = arith.subf %add3A_594, %min3A_610 : vector<16xf32>
      %sign3A_612 = tpu.bitcast %sub3A_611 : vector<16xf32> -> vector<16xi32>
      %sign3A_613 = arith.constant -2147483648 : i32
      %sign3A_614 = vector.broadcast %sign3A_613 : i32 to vector<16xi32>
      %sign3A_615 = arith.andi %sign3A_612, %sign3A_614 : vector<16xi32>
      %sign3A_616 = arith.constant 1065353216 : i32
      %sign3A_617 = vector.broadcast %sign3A_616 : i32 to vector<16xi32>
      %sign3A_618 = arith.ori %sign3A_617, %sign3A_615 : vector<16xi32>
      %sign3A_619 = tpu.bitcast %sign3A_618 : vector<16xi32> -> vector<16xf32>
      %sign3A_620 = math.absf %sub3A_611 : vector<16xf32>
      %sign3A_621 = arith.constant 0.000000e+00 : f32
      %sign3A_622 = vector.broadcast %sign3A_621 : f32 to vector<16xf32>
      %sign3A_623 = arith.cmpf ogt, %sign3A_620, %sign3A_622 : vector<16xf32>
      %sign3A_624 = arith.select %sign3A_623, %sign3A_619, %sub3A_611 : vector<16xi1>, vector<16xf32>
      %sub3A_625 = arith.constant 1.000000e+00 : f32
      %sub3A_626 = vector.broadcast %sub3A_625 : f32 to vector<16xf32>
      %sub3A_627 = arith.subf %sub3A_626, %sign3A_624 : vector<16xf32>
      %mul3A_628 = vector.broadcast %add3A_318 : f32 to vector<16xf32>
      %mul3A_629 = arith.mulf %sub3A_627, %mul3A_628 : vector<16xf32>
      %add3A_630 = arith.addf %add3A_582, %mul3A_629 : vector<16xf32>
      %add3A_631 = arith.addf %abs3A_406, %abs3A_434 : vector<16xf32>
      %mul3A_632 = arith.constant 1.000000e+01 : f32
      %mul3A_633 = vector.broadcast %mul3A_632 : f32 to vector<16xf32>
      %mul3A_634 = arith.mulf %mul3A_633, %add3A_631 : vector<16xf32>
      %add3A_635 = arith.addf %get3A_172, %mul3A_634 : vector<16xf32>
      %mul3A_636 = arith.mulf %mul3A_629, %add3A_635 : vector<16xf32>
      %add3A_637 = arith.addf %add3A_589, %mul3A_636 : vector<16xf32>
      %add3A_638 = arith.addf %add3A_590, %add3A_318 : f32
      %add3A_639 = arith.addf %mul3A_436, %mul3A_439 : vector<16xf32>
      %mul3A_640 = vector.broadcast %while3A : f32 to vector<16xf32>
      %mul3A_641 = arith.mulf %add3A_630, %mul3A_640 : vector<16xf32>
      %add3A_642 = arith.addf %add3A_639, %mul3A_641 : vector<16xf32>
      %broadcast_in_dim3A_643 = vector.shape_cast %xor3A_74 : vector<16xi32> to vector<16x1xi32>
      %gather3A_644 = vector.shape_cast %broadcast_in_dim3A_643 : vector<16x1xi32> to vector<16xi32>
      %gather3A_645 = tpu.dynamic_gather %add3A_642[%gather3A_644] in [0] : vector<16xf32>, vector<16xi32> -> vector<16xf32>
      %min3A_646 = arith.minimumf %add3A_642, %gather3A_645 : vector<16xf32>
      %broadcast_in_dim3A_647 = vector.shape_cast %xor3A_77 : vector<16xi32> to vector<16x1xi32>
      %gather3A_648 = vector.shape_cast %broadcast_in_dim3A_647 : vector<16x1xi32> to vector<16xi32>
      %gather3A_649 = tpu.dynamic_gather %min3A_646[%gather3A_648] in [0] : vector<16xf32>, vector<16xi32> -> vector<16xf32>
      %min3A_650 = arith.minimumf %min3A_646, %gather3A_649 : vector<16xf32>
      %broadcast_in_dim3A_651 = vector.shape_cast %xor3A_80 : vector<16xi32> to vector<16x1xi32>
      %gather3A_652 = vector.shape_cast %broadcast_in_dim3A_651 : vector<16x1xi32> to vector<16xi32>
      %gather3A_653 = tpu.dynamic_gather %min3A_650[%gather3A_652] in [0] : vector<16xf32>, vector<16xi32> -> vector<16xf32>
      %min3A_654 = arith.minimumf %min3A_650, %gather3A_653 : vector<16xf32>
      %broadcast_in_dim3A_655 = vector.shape_cast %xor3A_83 : vector<16xi32> to vector<16x1xi32>
      %gather3A_656 = vector.shape_cast %broadcast_in_dim3A_655 : vector<16x1xi32> to vector<16xi32>
      %gather3A_657 = tpu.dynamic_gather %min3A_654[%gather3A_656] in [0] : vector<16xf32>, vector<16xi32> -> vector<16xf32>
      %min3A_658 = arith.minimumf %min3A_654, %gather3A_657 : vector<16xf32>
      %sub3A_659 = arith.subf %add3A_642, %min3A_658 : vector<16xf32>
      %sign3A_660 = tpu.bitcast %sub3A_659 : vector<16xf32> -> vector<16xi32>
      %sign3A_661 = arith.constant -2147483648 : i32
      %sign3A_662 = vector.broadcast %sign3A_661 : i32 to vector<16xi32>
      %sign3A_663 = arith.andi %sign3A_660, %sign3A_662 : vector<16xi32>
      %sign3A_664 = arith.constant 1065353216 : i32
      %sign3A_665 = vector.broadcast %sign3A_664 : i32 to vector<16xi32>
      %sign3A_666 = arith.ori %sign3A_665, %sign3A_663 : vector<16xi32>
      %sign3A_667 = tpu.bitcast %sign3A_666 : vector<16xi32> -> vector<16xf32>
      %sign3A_668 = math.absf %sub3A_659 : vector<16xf32>
      %sign3A_669 = arith.constant 0.000000e+00 : f32
      %sign3A_670 = vector.broadcast %sign3A_669 : f32 to vector<16xf32>
      %sign3A_671 = arith.cmpf ogt, %sign3A_668, %sign3A_670 : vector<16xf32>
      %sign3A_672 = arith.select %sign3A_671, %sign3A_667, %sub3A_659 : vector<16xi1>, vector<16xf32>
      %sub3A_673 = arith.constant 1.000000e+00 : f32
      %sub3A_674 = vector.broadcast %sub3A_673 : f32 to vector<16xf32>
      %sub3A_675 = arith.subf %sub3A_674, %sign3A_672 : vector<16xf32>
      %mul3A_676 = vector.broadcast %add3A_325 : f32 to vector<16xf32>
      %mul3A_677 = arith.mulf %sub3A_675, %mul3A_676 : vector<16xf32>
      %add3A_678 = arith.addf %add3A_630, %mul3A_677 : vector<16xf32>
      %add3A_679 = arith.addf %abs3A_410, %abs3A_422 : vector<16xf32>
      %mul3A_680 = arith.constant 1.000000e+01 : f32
      %mul3A_681 = vector.broadcast %mul3A_680 : f32 to vector<16xf32>
      %mul3A_682 = arith.mulf %mul3A_681, %add3A_679 : vector<16xf32>
      %add3A_683 = arith.addf %get3A_172, %mul3A_682 : vector<16xf32>
      %mul3A_684 = arith.mulf %mul3A_677, %add3A_683 : vector<16xf32>
      %add3A_685 = arith.addf %add3A_637, %mul3A_684 : vector<16xf32>
      %add3A_686 = arith.addf %add3A_638, %add3A_325 : f32
      %add3A_687 = arith.addf %mul3A_436, %mul3A_440 : vector<16xf32>
      %mul3A_688 = vector.broadcast %while3A : f32 to vector<16xf32>
      %mul3A_689 = arith.mulf %add3A_678, %mul3A_688 : vector<16xf32>
      %add3A_690 = arith.addf %add3A_687, %mul3A_689 : vector<16xf32>
      %broadcast_in_dim3A_691 = vector.shape_cast %xor3A_74 : vector<16xi32> to vector<16x1xi32>
      %gather3A_692 = vector.shape_cast %broadcast_in_dim3A_691 : vector<16x1xi32> to vector<16xi32>
      %gather3A_693 = tpu.dynamic_gather %add3A_690[%gather3A_692] in [0] : vector<16xf32>, vector<16xi32> -> vector<16xf32>
      %min3A_694 = arith.minimumf %add3A_690, %gather3A_693 : vector<16xf32>
      %broadcast_in_dim3A_695 = vector.shape_cast %xor3A_77 : vector<16xi32> to vector<16x1xi32>
      %gather3A_696 = vector.shape_cast %broadcast_in_dim3A_695 : vector<16x1xi32> to vector<16xi32>
      %gather3A_697 = tpu.dynamic_gather %min3A_694[%gather3A_696] in [0] : vector<16xf32>, vector<16xi32> -> vector<16xf32>
      %min3A_698 = arith.minimumf %min3A_694, %gather3A_697 : vector<16xf32>
      %broadcast_in_dim3A_699 = vector.shape_cast %xor3A_80 : vector<16xi32> to vector<16x1xi32>
      %gather3A_700 = vector.shape_cast %broadcast_in_dim3A_699 : vector<16x1xi32> to vector<16xi32>
      %gather3A_701 = tpu.dynamic_gather %min3A_698[%gather3A_700] in [0] : vector<16xf32>, vector<16xi32> -> vector<16xf32>
      %min3A_702 = arith.minimumf %min3A_698, %gather3A_701 : vector<16xf32>
      %broadcast_in_dim3A_703 = vector.shape_cast %xor3A_83 : vector<16xi32> to vector<16x1xi32>
      %gather3A_704 = vector.shape_cast %broadcast_in_dim3A_703 : vector<16x1xi32> to vector<16xi32>
      %gather3A_705 = tpu.dynamic_gather %min3A_702[%gather3A_704] in [0] : vector<16xf32>, vector<16xi32> -> vector<16xf32>
      %min3A_706 = arith.minimumf %min3A_702, %gather3A_705 : vector<16xf32>
      %sub3A_707 = arith.subf %add3A_690, %min3A_706 : vector<16xf32>
      %sign3A_708 = tpu.bitcast %sub3A_707 : vector<16xf32> -> vector<16xi32>
      %sign3A_709 = arith.constant -2147483648 : i32
      %sign3A_710 = vector.broadcast %sign3A_709 : i32 to vector<16xi32>
      %sign3A_711 = arith.andi %sign3A_708, %sign3A_710 : vector<16xi32>
      %sign3A_712 = arith.constant 1065353216 : i32
      %sign3A_713 = vector.broadcast %sign3A_712 : i32 to vector<16xi32>
      %sign3A_714 = arith.ori %sign3A_713, %sign3A_711 : vector<16xi32>
      %sign3A_715 = tpu.bitcast %sign3A_714 : vector<16xi32> -> vector<16xf32>
      %sign3A_716 = math.absf %sub3A_707 : vector<16xf32>
      %sign3A_717 = arith.constant 0.000000e+00 : f32
      %sign3A_718 = vector.broadcast %sign3A_717 : f32 to vector<16xf32>
      %sign3A_719 = arith.cmpf ogt, %sign3A_716, %sign3A_718 : vector<16xf32>
      %sign3A_720 = arith.select %sign3A_719, %sign3A_715, %sub3A_707 : vector<16xi1>, vector<16xf32>
      %sub3A_721 = arith.constant 1.000000e+00 : f32
      %sub3A_722 = vector.broadcast %sub3A_721 : f32 to vector<16xf32>
      %sub3A_723 = arith.subf %sub3A_722, %sign3A_720 : vector<16xf32>
      %mul3A_724 = vector.broadcast %add3A_332 : f32 to vector<16xf32>
      %mul3A_725 = arith.mulf %sub3A_723, %mul3A_724 : vector<16xf32>
      %add3A_726 = arith.addf %add3A_678, %mul3A_725 : vector<16xf32>
      %add3A_727 = arith.addf %abs3A_410, %abs3A_426 : vector<16xf32>
      %mul3A_728 = arith.constant 1.000000e+01 : f32
      %mul3A_729 = vector.broadcast %mul3A_728 : f32 to vector<16xf32>
      %mul3A_730 = arith.mulf %mul3A_729, %add3A_727 : vector<16xf32>
      %add3A_731 = arith.addf %get3A_172, %mul3A_730 : vector<16xf32>
      %mul3A_732 = arith.mulf %mul3A_725, %add3A_731 : vector<16xf32>
      %add3A_733 = arith.addf %add3A_685, %mul3A_732 : vector<16xf32>
      %add3A_734 = arith.addf %add3A_686, %add3A_332 : f32
      %add3A_735 = arith.addf %mul3A_436, %mul3A_441 : vector<16xf32>
      %mul3A_736 = vector.broadcast %while3A : f32 to vector<16xf32>
      %mul3A_737 = arith.mulf %add3A_726, %mul3A_736 : vector<16xf32>
      %add3A_738 = arith.addf %add3A_735, %mul3A_737 : vector<16xf32>
      %broadcast_in_dim3A_739 = vector.shape_cast %xor3A_74 : vector<16xi32> to vector<16x1xi32>
      %gather3A_740 = vector.shape_cast %broadcast_in_dim3A_739 : vector<16x1xi32> to vector<16xi32>
      %gather3A_741 = tpu.dynamic_gather %add3A_738[%gather3A_740] in [0] : vector<16xf32>, vector<16xi32> -> vector<16xf32>
      %min3A_742 = arith.minimumf %add3A_738, %gather3A_741 : vector<16xf32>
      %broadcast_in_dim3A_743 = vector.shape_cast %xor3A_77 : vector<16xi32> to vector<16x1xi32>
      %gather3A_744 = vector.shape_cast %broadcast_in_dim3A_743 : vector<16x1xi32> to vector<16xi32>
      %gather3A_745 = tpu.dynamic_gather %min3A_742[%gather3A_744] in [0] : vector<16xf32>, vector<16xi32> -> vector<16xf32>
      %min3A_746 = arith.minimumf %min3A_742, %gather3A_745 : vector<16xf32>
      %broadcast_in_dim3A_747 = vector.shape_cast %xor3A_80 : vector<16xi32> to vector<16x1xi32>
      %gather3A_748 = vector.shape_cast %broadcast_in_dim3A_747 : vector<16x1xi32> to vector<16xi32>
      %gather3A_749 = tpu.dynamic_gather %min3A_746[%gather3A_748] in [0] : vector<16xf32>, vector<16xi32> -> vector<16xf32>
      %min3A_750 = arith.minimumf %min3A_746, %gather3A_749 : vector<16xf32>
      %broadcast_in_dim3A_751 = vector.shape_cast %xor3A_83 : vector<16xi32> to vector<16x1xi32>
      %gather3A_752 = vector.shape_cast %broadcast_in_dim3A_751 : vector<16x1xi32> to vector<16xi32>
      %gather3A_753 = tpu.dynamic_gather %min3A_750[%gather3A_752] in [0] : vector<16xf32>, vector<16xi32> -> vector<16xf32>
      %min3A_754 = arith.minimumf %min3A_750, %gather3A_753 : vector<16xf32>
      %sub3A_755 = arith.subf %add3A_738, %min3A_754 : vector<16xf32>
      %sign3A_756 = tpu.bitcast %sub3A_755 : vector<16xf32> -> vector<16xi32>
      %sign3A_757 = arith.constant -2147483648 : i32
      %sign3A_758 = vector.broadcast %sign3A_757 : i32 to vector<16xi32>
      %sign3A_759 = arith.andi %sign3A_756, %sign3A_758 : vector<16xi32>
      %sign3A_760 = arith.constant 1065353216 : i32
      %sign3A_761 = vector.broadcast %sign3A_760 : i32 to vector<16xi32>
      %sign3A_762 = arith.ori %sign3A_761, %sign3A_759 : vector<16xi32>
      %sign3A_763 = tpu.bitcast %sign3A_762 : vector<16xi32> -> vector<16xf32>
      %sign3A_764 = math.absf %sub3A_755 : vector<16xf32>
      %sign3A_765 = arith.constant 0.000000e+00 : f32
      %sign3A_766 = vector.broadcast %sign3A_765 : f32 to vector<16xf32>
      %sign3A_767 = arith.cmpf ogt, %sign3A_764, %sign3A_766 : vector<16xf32>
      %sign3A_768 = arith.select %sign3A_767, %sign3A_763, %sub3A_755 : vector<16xi1>, vector<16xf32>
      %sub3A_769 = arith.constant 1.000000e+00 : f32
      %sub3A_770 = vector.broadcast %sub3A_769 : f32 to vector<16xf32>
      %sub3A_771 = arith.subf %sub3A_770, %sign3A_768 : vector<16xf32>
      %mul3A_772 = vector.broadcast %add3A_339 : f32 to vector<16xf32>
      %mul3A_773 = arith.mulf %sub3A_771, %mul3A_772 : vector<16xf32>
      %add3A_774 = arith.addf %add3A_726, %mul3A_773 : vector<16xf32>
      %add3A_775 = arith.addf %abs3A_410, %abs3A_430 : vector<16xf32>
      %mul3A_776 = arith.constant 1.000000e+01 : f32
      %mul3A_777 = vector.broadcast %mul3A_776 : f32 to vector<16xf32>
      %mul3A_778 = arith.mulf %mul3A_777, %add3A_775 : vector<16xf32>
      %add3A_779 = arith.addf %get3A_172, %mul3A_778 : vector<16xf32>
      %mul3A_780 = arith.mulf %mul3A_773, %add3A_779 : vector<16xf32>
      %add3A_781 = arith.addf %add3A_733, %mul3A_780 : vector<16xf32>
      %add3A_782 = arith.addf %add3A_734, %add3A_339 : f32
      %add3A_783 = arith.addf %mul3A_436, %mul3A_442 : vector<16xf32>
      %mul3A_784 = vector.broadcast %while3A : f32 to vector<16xf32>
      %mul3A_785 = arith.mulf %add3A_774, %mul3A_784 : vector<16xf32>
      %add3A_786 = arith.addf %add3A_783, %mul3A_785 : vector<16xf32>
      %broadcast_in_dim3A_787 = vector.shape_cast %xor3A_74 : vector<16xi32> to vector<16x1xi32>
      %gather3A_788 = vector.shape_cast %broadcast_in_dim3A_787 : vector<16x1xi32> to vector<16xi32>
      %gather3A_789 = tpu.dynamic_gather %add3A_786[%gather3A_788] in [0] : vector<16xf32>, vector<16xi32> -> vector<16xf32>
      %min3A_790 = arith.minimumf %add3A_786, %gather3A_789 : vector<16xf32>
      %broadcast_in_dim3A_791 = vector.shape_cast %xor3A_77 : vector<16xi32> to vector<16x1xi32>
      %gather3A_792 = vector.shape_cast %broadcast_in_dim3A_791 : vector<16x1xi32> to vector<16xi32>
      %gather3A_793 = tpu.dynamic_gather %min3A_790[%gather3A_792] in [0] : vector<16xf32>, vector<16xi32> -> vector<16xf32>
      %min3A_794 = arith.minimumf %min3A_790, %gather3A_793 : vector<16xf32>
      %broadcast_in_dim3A_795 = vector.shape_cast %xor3A_80 : vector<16xi32> to vector<16x1xi32>
      %gather3A_796 = vector.shape_cast %broadcast_in_dim3A_795 : vector<16x1xi32> to vector<16xi32>
      %gather3A_797 = tpu.dynamic_gather %min3A_794[%gather3A_796] in [0] : vector<16xf32>, vector<16xi32> -> vector<16xf32>
      %min3A_798 = arith.minimumf %min3A_794, %gather3A_797 : vector<16xf32>
      %broadcast_in_dim3A_799 = vector.shape_cast %xor3A_83 : vector<16xi32> to vector<16x1xi32>
      %gather3A_800 = vector.shape_cast %broadcast_in_dim3A_799 : vector<16x1xi32> to vector<16xi32>
      %gather3A_801 = tpu.dynamic_gather %min3A_798[%gather3A_800] in [0] : vector<16xf32>, vector<16xi32> -> vector<16xf32>
      %min3A_802 = arith.minimumf %min3A_798, %gather3A_801 : vector<16xf32>
      %sub3A_803 = arith.subf %add3A_786, %min3A_802 : vector<16xf32>
      %sign3A_804 = tpu.bitcast %sub3A_803 : vector<16xf32> -> vector<16xi32>
      %sign3A_805 = arith.constant -2147483648 : i32
      %sign3A_806 = vector.broadcast %sign3A_805 : i32 to vector<16xi32>
      %sign3A_807 = arith.andi %sign3A_804, %sign3A_806 : vector<16xi32>
      %sign3A_808 = arith.constant 1065353216 : i32
      %sign3A_809 = vector.broadcast %sign3A_808 : i32 to vector<16xi32>
      %sign3A_810 = arith.ori %sign3A_809, %sign3A_807 : vector<16xi32>
      %sign3A_811 = tpu.bitcast %sign3A_810 : vector<16xi32> -> vector<16xf32>
      %sign3A_812 = math.absf %sub3A_803 : vector<16xf32>
      %sign3A_813 = arith.constant 0.000000e+00 : f32
      %sign3A_814 = vector.broadcast %sign3A_813 : f32 to vector<16xf32>
      %sign3A_815 = arith.cmpf ogt, %sign3A_812, %sign3A_814 : vector<16xf32>
      %sign3A_816 = arith.select %sign3A_815, %sign3A_811, %sub3A_803 : vector<16xi1>, vector<16xf32>
      %sub3A_817 = arith.constant 1.000000e+00 : f32
      %sub3A_818 = vector.broadcast %sub3A_817 : f32 to vector<16xf32>
      %sub3A_819 = arith.subf %sub3A_818, %sign3A_816 : vector<16xf32>
      %mul3A_820 = vector.broadcast %add3A_346 : f32 to vector<16xf32>
      %mul3A_821 = arith.mulf %sub3A_819, %mul3A_820 : vector<16xf32>
      %add3A_822 = arith.addf %add3A_774, %mul3A_821 : vector<16xf32>
      %add3A_823 = arith.addf %abs3A_410, %abs3A_434 : vector<16xf32>
      %mul3A_824 = arith.constant 1.000000e+01 : f32
      %mul3A_825 = vector.broadcast %mul3A_824 : f32 to vector<16xf32>
      %mul3A_826 = arith.mulf %mul3A_825, %add3A_823 : vector<16xf32>
      %add3A_827 = arith.addf %get3A_172, %mul3A_826 : vector<16xf32>
      %mul3A_828 = arith.mulf %mul3A_821, %add3A_827 : vector<16xf32>
      %add3A_829 = arith.addf %add3A_781, %mul3A_828 : vector<16xf32>
      %add3A_830 = arith.addf %add3A_782, %add3A_346 : f32
      %add3A_831 = arith.addf %mul3A_437, %mul3A_439 : vector<16xf32>
      %mul3A_832 = vector.broadcast %while3A : f32 to vector<16xf32>
      %mul3A_833 = arith.mulf %add3A_822, %mul3A_832 : vector<16xf32>
      %add3A_834 = arith.addf %add3A_831, %mul3A_833 : vector<16xf32>
      %broadcast_in_dim3A_835 = vector.shape_cast %xor3A_74 : vector<16xi32> to vector<16x1xi32>
      %gather3A_836 = vector.shape_cast %broadcast_in_dim3A_835 : vector<16x1xi32> to vector<16xi32>
      %gather3A_837 = tpu.dynamic_gather %add3A_834[%gather3A_836] in [0] : vector<16xf32>, vector<16xi32> -> vector<16xf32>
      %min3A_838 = arith.minimumf %add3A_834, %gather3A_837 : vector<16xf32>
      %broadcast_in_dim3A_839 = vector.shape_cast %xor3A_77 : vector<16xi32> to vector<16x1xi32>
      %gather3A_840 = vector.shape_cast %broadcast_in_dim3A_839 : vector<16x1xi32> to vector<16xi32>
      %gather3A_841 = tpu.dynamic_gather %min3A_838[%gather3A_840] in [0] : vector<16xf32>, vector<16xi32> -> vector<16xf32>
      %min3A_842 = arith.minimumf %min3A_838, %gather3A_841 : vector<16xf32>
      %broadcast_in_dim3A_843 = vector.shape_cast %xor3A_80 : vector<16xi32> to vector<16x1xi32>
      %gather3A_844 = vector.shape_cast %broadcast_in_dim3A_843 : vector<16x1xi32> to vector<16xi32>
      %gather3A_845 = tpu.dynamic_gather %min3A_842[%gather3A_844] in [0] : vector<16xf32>, vector<16xi32> -> vector<16xf32>
      %min3A_846 = arith.minimumf %min3A_842, %gather3A_845 : vector<16xf32>
      %broadcast_in_dim3A_847 = vector.shape_cast %xor3A_83 : vector<16xi32> to vector<16x1xi32>
      %gather3A_848 = vector.shape_cast %broadcast_in_dim3A_847 : vector<16x1xi32> to vector<16xi32>
      %gather3A_849 = tpu.dynamic_gather %min3A_846[%gather3A_848] in [0] : vector<16xf32>, vector<16xi32> -> vector<16xf32>
      %min3A_850 = arith.minimumf %min3A_846, %gather3A_849 : vector<16xf32>
      %sub3A_851 = arith.subf %add3A_834, %min3A_850 : vector<16xf32>
      %sign3A_852 = tpu.bitcast %sub3A_851 : vector<16xf32> -> vector<16xi32>
      %sign3A_853 = arith.constant -2147483648 : i32
      %sign3A_854 = vector.broadcast %sign3A_853 : i32 to vector<16xi32>
      %sign3A_855 = arith.andi %sign3A_852, %sign3A_854 : vector<16xi32>
      %sign3A_856 = arith.constant 1065353216 : i32
      %sign3A_857 = vector.broadcast %sign3A_856 : i32 to vector<16xi32>
      %sign3A_858 = arith.ori %sign3A_857, %sign3A_855 : vector<16xi32>
      %sign3A_859 = tpu.bitcast %sign3A_858 : vector<16xi32> -> vector<16xf32>
      %sign3A_860 = math.absf %sub3A_851 : vector<16xf32>
      %sign3A_861 = arith.constant 0.000000e+00 : f32
      %sign3A_862 = vector.broadcast %sign3A_861 : f32 to vector<16xf32>
      %sign3A_863 = arith.cmpf ogt, %sign3A_860, %sign3A_862 : vector<16xf32>
      %sign3A_864 = arith.select %sign3A_863, %sign3A_859, %sub3A_851 : vector<16xi1>, vector<16xf32>
      %sub3A_865 = arith.constant 1.000000e+00 : f32
      %sub3A_866 = vector.broadcast %sub3A_865 : f32 to vector<16xf32>
      %sub3A_867 = arith.subf %sub3A_866, %sign3A_864 : vector<16xf32>
      %mul3A_868 = vector.broadcast %add3A_353 : f32 to vector<16xf32>
      %mul3A_869 = arith.mulf %sub3A_867, %mul3A_868 : vector<16xf32>
      %add3A_870 = arith.addf %add3A_822, %mul3A_869 : vector<16xf32>
      %add3A_871 = arith.addf %abs3A_414, %abs3A_422 : vector<16xf32>
      %mul3A_872 = arith.constant 1.000000e+01 : f32
      %mul3A_873 = vector.broadcast %mul3A_872 : f32 to vector<16xf32>
      %mul3A_874 = arith.mulf %mul3A_873, %add3A_871 : vector<16xf32>
      %add3A_875 = arith.addf %get3A_172, %mul3A_874 : vector<16xf32>
      %mul3A_876 = arith.mulf %mul3A_869, %add3A_875 : vector<16xf32>
      %add3A_877 = arith.addf %add3A_829, %mul3A_876 : vector<16xf32>
      %add3A_878 = arith.addf %add3A_830, %add3A_353 : f32
      %add3A_879 = arith.addf %mul3A_437, %mul3A_440 : vector<16xf32>
      %mul3A_880 = vector.broadcast %while3A : f32 to vector<16xf32>
      %mul3A_881 = arith.mulf %add3A_870, %mul3A_880 : vector<16xf32>
      %add3A_882 = arith.addf %add3A_879, %mul3A_881 : vector<16xf32>
      %broadcast_in_dim3A_883 = vector.shape_cast %xor3A_74 : vector<16xi32> to vector<16x1xi32>
      %gather3A_884 = vector.shape_cast %broadcast_in_dim3A_883 : vector<16x1xi32> to vector<16xi32>
      %gather3A_885 = tpu.dynamic_gather %add3A_882[%gather3A_884] in [0] : vector<16xf32>, vector<16xi32> -> vector<16xf32>
      %min3A_886 = arith.minimumf %add3A_882, %gather3A_885 : vector<16xf32>
      %broadcast_in_dim3A_887 = vector.shape_cast %xor3A_77 : vector<16xi32> to vector<16x1xi32>
      %gather3A_888 = vector.shape_cast %broadcast_in_dim3A_887 : vector<16x1xi32> to vector<16xi32>
      %gather3A_889 = tpu.dynamic_gather %min3A_886[%gather3A_888] in [0] : vector<16xf32>, vector<16xi32> -> vector<16xf32>
      %min3A_890 = arith.minimumf %min3A_886, %gather3A_889 : vector<16xf32>
      %broadcast_in_dim3A_891 = vector.shape_cast %xor3A_80 : vector<16xi32> to vector<16x1xi32>
      %gather3A_892 = vector.shape_cast %broadcast_in_dim3A_891 : vector<16x1xi32> to vector<16xi32>
      %gather3A_893 = tpu.dynamic_gather %min3A_890[%gather3A_892] in [0] : vector<16xf32>, vector<16xi32> -> vector<16xf32>
      %min3A_894 = arith.minimumf %min3A_890, %gather3A_893 : vector<16xf32>
      %broadcast_in_dim3A_895 = vector.shape_cast %xor3A_83 : vector<16xi32> to vector<16x1xi32>
      %gather3A_896 = vector.shape_cast %broadcast_in_dim3A_895 : vector<16x1xi32> to vector<16xi32>
      %gather3A_897 = tpu.dynamic_gather %min3A_894[%gather3A_896] in [0] : vector<16xf32>, vector<16xi32> -> vector<16xf32>
      %min3A_898 = arith.minimumf %min3A_894, %gather3A_897 : vector<16xf32>
      %sub3A_899 = arith.subf %add3A_882, %min3A_898 : vector<16xf32>
      %sign3A_900 = tpu.bitcast %sub3A_899 : vector<16xf32> -> vector<16xi32>
      %sign3A_901 = arith.constant -2147483648 : i32
      %sign3A_902 = vector.broadcast %sign3A_901 : i32 to vector<16xi32>
      %sign3A_903 = arith.andi %sign3A_900, %sign3A_902 : vector<16xi32>
      %sign3A_904 = arith.constant 1065353216 : i32
      %sign3A_905 = vector.broadcast %sign3A_904 : i32 to vector<16xi32>
      %sign3A_906 = arith.ori %sign3A_905, %sign3A_903 : vector<16xi32>
      %sign3A_907 = tpu.bitcast %sign3A_906 : vector<16xi32> -> vector<16xf32>
      %sign3A_908 = math.absf %sub3A_899 : vector<16xf32>
      %sign3A_909 = arith.constant 0.000000e+00 : f32
      %sign3A_910 = vector.broadcast %sign3A_909 : f32 to vector<16xf32>
      %sign3A_911 = arith.cmpf ogt, %sign3A_908, %sign3A_910 : vector<16xf32>
      %sign3A_912 = arith.select %sign3A_911, %sign3A_907, %sub3A_899 : vector<16xi1>, vector<16xf32>
      %sub3A_913 = arith.constant 1.000000e+00 : f32
      %sub3A_914 = vector.broadcast %sub3A_913 : f32 to vector<16xf32>
      %sub3A_915 = arith.subf %sub3A_914, %sign3A_912 : vector<16xf32>
      %mul3A_916 = vector.broadcast %add3A_360 : f32 to vector<16xf32>
      %mul3A_917 = arith.mulf %sub3A_915, %mul3A_916 : vector<16xf32>
      %add3A_918 = arith.addf %add3A_870, %mul3A_917 : vector<16xf32>
      %add3A_919 = arith.addf %abs3A_414, %abs3A_426 : vector<16xf32>
      %mul3A_920 = arith.constant 1.000000e+01 : f32
      %mul3A_921 = vector.broadcast %mul3A_920 : f32 to vector<16xf32>
      %mul3A_922 = arith.mulf %mul3A_921, %add3A_919 : vector<16xf32>
      %add3A_923 = arith.addf %get3A_172, %mul3A_922 : vector<16xf32>
      %mul3A_924 = arith.mulf %mul3A_917, %add3A_923 : vector<16xf32>
      %add3A_925 = arith.addf %add3A_877, %mul3A_924 : vector<16xf32>
      %add3A_926 = arith.addf %add3A_878, %add3A_360 : f32
      %add3A_927 = arith.addf %mul3A_437, %mul3A_441 : vector<16xf32>
      %mul3A_928 = vector.broadcast %while3A : f32 to vector<16xf32>
      %mul3A_929 = arith.mulf %add3A_918, %mul3A_928 : vector<16xf32>
      %add3A_930 = arith.addf %add3A_927, %mul3A_929 : vector<16xf32>
      %broadcast_in_dim3A_931 = vector.shape_cast %xor3A_74 : vector<16xi32> to vector<16x1xi32>
      %gather3A_932 = vector.shape_cast %broadcast_in_dim3A_931 : vector<16x1xi32> to vector<16xi32>
      %gather3A_933 = tpu.dynamic_gather %add3A_930[%gather3A_932] in [0] : vector<16xf32>, vector<16xi32> -> vector<16xf32>
      %min3A_934 = arith.minimumf %add3A_930, %gather3A_933 : vector<16xf32>
      %broadcast_in_dim3A_935 = vector.shape_cast %xor3A_77 : vector<16xi32> to vector<16x1xi32>
      %gather3A_936 = vector.shape_cast %broadcast_in_dim3A_935 : vector<16x1xi32> to vector<16xi32>
      %gather3A_937 = tpu.dynamic_gather %min3A_934[%gather3A_936] in [0] : vector<16xf32>, vector<16xi32> -> vector<16xf32>
      %min3A_938 = arith.minimumf %min3A_934, %gather3A_937 : vector<16xf32>
      %broadcast_in_dim3A_939 = vector.shape_cast %xor3A_80 : vector<16xi32> to vector<16x1xi32>
      %gather3A_940 = vector.shape_cast %broadcast_in_dim3A_939 : vector<16x1xi32> to vector<16xi32>
      %gather3A_941 = tpu.dynamic_gather %min3A_938[%gather3A_940] in [0] : vector<16xf32>, vector<16xi32> -> vector<16xf32>
      %min3A_942 = arith.minimumf %min3A_938, %gather3A_941 : vector<16xf32>
      %broadcast_in_dim3A_943 = vector.shape_cast %xor3A_83 : vector<16xi32> to vector<16x1xi32>
      %gather3A_944 = vector.shape_cast %broadcast_in_dim3A_943 : vector<16x1xi32> to vector<16xi32>
      %gather3A_945 = tpu.dynamic_gather %min3A_942[%gather3A_944] in [0] : vector<16xf32>, vector<16xi32> -> vector<16xf32>
      %min3A_946 = arith.minimumf %min3A_942, %gather3A_945 : vector<16xf32>
      %sub3A_947 = arith.subf %add3A_930, %min3A_946 : vector<16xf32>
      %sign3A_948 = tpu.bitcast %sub3A_947 : vector<16xf32> -> vector<16xi32>
      %sign3A_949 = arith.constant -2147483648 : i32
      %sign3A_950 = vector.broadcast %sign3A_949 : i32 to vector<16xi32>
      %sign3A_951 = arith.andi %sign3A_948, %sign3A_950 : vector<16xi32>
      %sign3A_952 = arith.constant 1065353216 : i32
      %sign3A_953 = vector.broadcast %sign3A_952 : i32 to vector<16xi32>
      %sign3A_954 = arith.ori %sign3A_953, %sign3A_951 : vector<16xi32>
      %sign3A_955 = tpu.bitcast %sign3A_954 : vector<16xi32> -> vector<16xf32>
      %sign3A_956 = math.absf %sub3A_947 : vector<16xf32>
      %sign3A_957 = arith.constant 0.000000e+00 : f32
      %sign3A_958 = vector.broadcast %sign3A_957 : f32 to vector<16xf32>
      %sign3A_959 = arith.cmpf ogt, %sign3A_956, %sign3A_958 : vector<16xf32>
      %sign3A_960 = arith.select %sign3A_959, %sign3A_955, %sub3A_947 : vector<16xi1>, vector<16xf32>
      %sub3A_961 = arith.constant 1.000000e+00 : f32
      %sub3A_962 = vector.broadcast %sub3A_961 : f32 to vector<16xf32>
      %sub3A_963 = arith.subf %sub3A_962, %sign3A_960 : vector<16xf32>
      %mul3A_964 = vector.broadcast %add3A_367 : f32 to vector<16xf32>
      %mul3A_965 = arith.mulf %sub3A_963, %mul3A_964 : vector<16xf32>
      %add3A_966 = arith.addf %add3A_918, %mul3A_965 : vector<16xf32>
      %add3A_967 = arith.addf %abs3A_414, %abs3A_430 : vector<16xf32>
      %mul3A_968 = arith.constant 1.000000e+01 : f32
      %mul3A_969 = vector.broadcast %mul3A_968 : f32 to vector<16xf32>
      %mul3A_970 = arith.mulf %mul3A_969, %add3A_967 : vector<16xf32>
      %add3A_971 = arith.addf %get3A_172, %mul3A_970 : vector<16xf32>
      %mul3A_972 = arith.mulf %mul3A_965, %add3A_971 : vector<16xf32>
      %add3A_973 = arith.addf %add3A_925, %mul3A_972 : vector<16xf32>
      %add3A_974 = arith.addf %add3A_926, %add3A_367 : f32
      %add3A_975 = arith.addf %mul3A_437, %mul3A_442 : vector<16xf32>
      %mul3A_976 = vector.broadcast %while3A : f32 to vector<16xf32>
      %mul3A_977 = arith.mulf %add3A_966, %mul3A_976 : vector<16xf32>
      %add3A_978 = arith.addf %add3A_975, %mul3A_977 : vector<16xf32>
      %broadcast_in_dim3A_979 = vector.shape_cast %xor3A_74 : vector<16xi32> to vector<16x1xi32>
      %gather3A_980 = vector.shape_cast %broadcast_in_dim3A_979 : vector<16x1xi32> to vector<16xi32>
      %gather3A_981 = tpu.dynamic_gather %add3A_978[%gather3A_980] in [0] : vector<16xf32>, vector<16xi32> -> vector<16xf32>
      %min3A_982 = arith.minimumf %add3A_978, %gather3A_981 : vector<16xf32>
      %broadcast_in_dim3A_983 = vector.shape_cast %xor3A_77 : vector<16xi32> to vector<16x1xi32>
      %gather3A_984 = vector.shape_cast %broadcast_in_dim3A_983 : vector<16x1xi32> to vector<16xi32>
      %gather3A_985 = tpu.dynamic_gather %min3A_982[%gather3A_984] in [0] : vector<16xf32>, vector<16xi32> -> vector<16xf32>
      %min3A_986 = arith.minimumf %min3A_982, %gather3A_985 : vector<16xf32>
      %broadcast_in_dim3A_987 = vector.shape_cast %xor3A_80 : vector<16xi32> to vector<16x1xi32>
      %gather3A_988 = vector.shape_cast %broadcast_in_dim3A_987 : vector<16x1xi32> to vector<16xi32>
      %gather3A_989 = tpu.dynamic_gather %min3A_986[%gather3A_988] in [0] : vector<16xf32>, vector<16xi32> -> vector<16xf32>
      %min3A_990 = arith.minimumf %min3A_986, %gather3A_989 : vector<16xf32>
      %broadcast_in_dim3A_991 = vector.shape_cast %xor3A_83 : vector<16xi32> to vector<16x1xi32>
      %gather3A_992 = vector.shape_cast %broadcast_in_dim3A_991 : vector<16x1xi32> to vector<16xi32>
      %gather3A_993 = tpu.dynamic_gather %min3A_990[%gather3A_992] in [0] : vector<16xf32>, vector<16xi32> -> vector<16xf32>
      %min3A_994 = arith.minimumf %min3A_990, %gather3A_993 : vector<16xf32>
      %sub3A_995 = arith.subf %add3A_978, %min3A_994 : vector<16xf32>
      %sign3A_996 = tpu.bitcast %sub3A_995 : vector<16xf32> -> vector<16xi32>
      %sign3A_997 = arith.constant -2147483648 : i32
      %sign3A_998 = vector.broadcast %sign3A_997 : i32 to vector<16xi32>
      %sign3A_999 = arith.andi %sign3A_996, %sign3A_998 : vector<16xi32>
      %sign3A_1000 = arith.constant 1065353216 : i32
      %sign3A_1001 = vector.broadcast %sign3A_1000 : i32 to vector<16xi32>
      %sign3A_1002 = arith.ori %sign3A_1001, %sign3A_999 : vector<16xi32>
      %sign3A_1003 = tpu.bitcast %sign3A_1002 : vector<16xi32> -> vector<16xf32>
      %sign3A_1004 = math.absf %sub3A_995 : vector<16xf32>
      %sign3A_1005 = arith.constant 0.000000e+00 : f32
      %sign3A_1006 = vector.broadcast %sign3A_1005 : f32 to vector<16xf32>
      %sign3A_1007 = arith.cmpf ogt, %sign3A_1004, %sign3A_1006 : vector<16xf32>
      %sign3A_1008 = arith.select %sign3A_1007, %sign3A_1003, %sub3A_995 : vector<16xi1>, vector<16xf32>
      %sub3A_1009 = arith.constant 1.000000e+00 : f32
      %sub3A_1010 = vector.broadcast %sub3A_1009 : f32 to vector<16xf32>
      %sub3A_1011 = arith.subf %sub3A_1010, %sign3A_1008 : vector<16xf32>
      %mul3A_1012 = vector.broadcast %add3A_374 : f32 to vector<16xf32>
      %mul3A_1013 = arith.mulf %sub3A_1011, %mul3A_1012 : vector<16xf32>
      %add3A_1014 = arith.addf %add3A_966, %mul3A_1013 : vector<16xf32>
      %add3A_1015 = arith.addf %abs3A_414, %abs3A_434 : vector<16xf32>
      %mul3A_1016 = arith.constant 1.000000e+01 : f32
      %mul3A_1017 = vector.broadcast %mul3A_1016 : f32 to vector<16xf32>
      %mul3A_1018 = arith.mulf %mul3A_1017, %add3A_1015 : vector<16xf32>
      %add3A_1019 = arith.addf %get3A_172, %mul3A_1018 : vector<16xf32>
      %mul3A_1020 = arith.mulf %mul3A_1013, %add3A_1019 : vector<16xf32>
      %add3A_1021 = arith.addf %add3A_973, %mul3A_1020 : vector<16xf32>
      %add3A_1022 = arith.addf %add3A_974, %add3A_374 : f32
      %add3A_1023 = arith.addf %mul3A_438, %mul3A_439 : vector<16xf32>
      %mul3A_1024 = vector.broadcast %while3A : f32 to vector<16xf32>
      %mul3A_1025 = arith.mulf %add3A_1014, %mul3A_1024 : vector<16xf32>
      %add3A_1026 = arith.addf %add3A_1023, %mul3A_1025 : vector<16xf32>
      %broadcast_in_dim3A_1027 = vector.shape_cast %xor3A_74 : vector<16xi32> to vector<16x1xi32>
      %gather3A_1028 = vector.shape_cast %broadcast_in_dim3A_1027 : vector<16x1xi32> to vector<16xi32>
      %gather3A_1029 = tpu.dynamic_gather %add3A_1026[%gather3A_1028] in [0] : vector<16xf32>, vector<16xi32> -> vector<16xf32>
      %min3A_1030 = arith.minimumf %add3A_1026, %gather3A_1029 : vector<16xf32>
      %broadcast_in_dim3A_1031 = vector.shape_cast %xor3A_77 : vector<16xi32> to vector<16x1xi32>
      %gather3A_1032 = vector.shape_cast %broadcast_in_dim3A_1031 : vector<16x1xi32> to vector<16xi32>
      %gather3A_1033 = tpu.dynamic_gather %min3A_1030[%gather3A_1032] in [0] : vector<16xf32>, vector<16xi32> -> vector<16xf32>
      %min3A_1034 = arith.minimumf %min3A_1030, %gather3A_1033 : vector<16xf32>
      %broadcast_in_dim3A_1035 = vector.shape_cast %xor3A_80 : vector<16xi32> to vector<16x1xi32>
      %gather3A_1036 = vector.shape_cast %broadcast_in_dim3A_1035 : vector<16x1xi32> to vector<16xi32>
      %gather3A_1037 = tpu.dynamic_gather %min3A_1034[%gather3A_1036] in [0] : vector<16xf32>, vector<16xi32> -> vector<16xf32>
      %min3A_1038 = arith.minimumf %min3A_1034, %gather3A_1037 : vector<16xf32>
      %broadcast_in_dim3A_1039 = vector.shape_cast %xor3A_83 : vector<16xi32> to vector<16x1xi32>
      %gather3A_1040 = vector.shape_cast %broadcast_in_dim3A_1039 : vector<16x1xi32> to vector<16xi32>
      %gather3A_1041 = tpu.dynamic_gather %min3A_1038[%gather3A_1040] in [0] : vector<16xf32>, vector<16xi32> -> vector<16xf32>
      %min3A_1042 = arith.minimumf %min3A_1038, %gather3A_1041 : vector<16xf32>
      %sub3A_1043 = arith.subf %add3A_1026, %min3A_1042 : vector<16xf32>
      %sign3A_1044 = tpu.bitcast %sub3A_1043 : vector<16xf32> -> vector<16xi32>
      %sign3A_1045 = arith.constant -2147483648 : i32
      %sign3A_1046 = vector.broadcast %sign3A_1045 : i32 to vector<16xi32>
      %sign3A_1047 = arith.andi %sign3A_1044, %sign3A_1046 : vector<16xi32>
      %sign3A_1048 = arith.constant 1065353216 : i32
      %sign3A_1049 = vector.broadcast %sign3A_1048 : i32 to vector<16xi32>
      %sign3A_1050 = arith.ori %sign3A_1049, %sign3A_1047 : vector<16xi32>
      %sign3A_1051 = tpu.bitcast %sign3A_1050 : vector<16xi32> -> vector<16xf32>
      %sign3A_1052 = math.absf %sub3A_1043 : vector<16xf32>
      %sign3A_1053 = arith.constant 0.000000e+00 : f32
      %sign3A_1054 = vector.broadcast %sign3A_1053 : f32 to vector<16xf32>
      %sign3A_1055 = arith.cmpf ogt, %sign3A_1052, %sign3A_1054 : vector<16xf32>
      %sign3A_1056 = arith.select %sign3A_1055, %sign3A_1051, %sub3A_1043 : vector<16xi1>, vector<16xf32>
      %sub3A_1057 = arith.constant 1.000000e+00 : f32
      %sub3A_1058 = vector.broadcast %sub3A_1057 : f32 to vector<16xf32>
      %sub3A_1059 = arith.subf %sub3A_1058, %sign3A_1056 : vector<16xf32>
      %mul3A_1060 = vector.broadcast %add3A_381 : f32 to vector<16xf32>
      %mul3A_1061 = arith.mulf %sub3A_1059, %mul3A_1060 : vector<16xf32>
      %add3A_1062 = arith.addf %add3A_1014, %mul3A_1061 : vector<16xf32>
      %add3A_1063 = arith.addf %abs3A_418, %abs3A_422 : vector<16xf32>
      %mul3A_1064 = arith.constant 1.000000e+01 : f32
      %mul3A_1065 = vector.broadcast %mul3A_1064 : f32 to vector<16xf32>
      %mul3A_1066 = arith.mulf %mul3A_1065, %add3A_1063 : vector<16xf32>
      %add3A_1067 = arith.addf %get3A_172, %mul3A_1066 : vector<16xf32>
      %mul3A_1068 = arith.mulf %mul3A_1061, %add3A_1067 : vector<16xf32>
      %add3A_1069 = arith.addf %add3A_1021, %mul3A_1068 : vector<16xf32>
      %add3A_1070 = arith.addf %add3A_1022, %add3A_381 : f32
      %add3A_1071 = arith.addf %mul3A_438, %mul3A_440 : vector<16xf32>
      %mul3A_1072 = vector.broadcast %while3A : f32 to vector<16xf32>
      %mul3A_1073 = arith.mulf %add3A_1062, %mul3A_1072 : vector<16xf32>
      %add3A_1074 = arith.addf %add3A_1071, %mul3A_1073 : vector<16xf32>
      %broadcast_in_dim3A_1075 = vector.shape_cast %xor3A_74 : vector<16xi32> to vector<16x1xi32>
      %gather3A_1076 = vector.shape_cast %broadcast_in_dim3A_1075 : vector<16x1xi32> to vector<16xi32>
      %gather3A_1077 = tpu.dynamic_gather %add3A_1074[%gather3A_1076] in [0] : vector<16xf32>, vector<16xi32> -> vector<16xf32>
      %min3A_1078 = arith.minimumf %add3A_1074, %gather3A_1077 : vector<16xf32>
      %broadcast_in_dim3A_1079 = vector.shape_cast %xor3A_77 : vector<16xi32> to vector<16x1xi32>
      %gather3A_1080 = vector.shape_cast %broadcast_in_dim3A_1079 : vector<16x1xi32> to vector<16xi32>
      %gather3A_1081 = tpu.dynamic_gather %min3A_1078[%gather3A_1080] in [0] : vector<16xf32>, vector<16xi32> -> vector<16xf32>
      %min3A_1082 = arith.minimumf %min3A_1078, %gather3A_1081 : vector<16xf32>
      %broadcast_in_dim3A_1083 = vector.shape_cast %xor3A_80 : vector<16xi32> to vector<16x1xi32>
      %gather3A_1084 = vector.shape_cast %broadcast_in_dim3A_1083 : vector<16x1xi32> to vector<16xi32>
      %gather3A_1085 = tpu.dynamic_gather %min3A_1082[%gather3A_1084] in [0] : vector<16xf32>, vector<16xi32> -> vector<16xf32>
      %min3A_1086 = arith.minimumf %min3A_1082, %gather3A_1085 : vector<16xf32>
      %broadcast_in_dim3A_1087 = vector.shape_cast %xor3A_83 : vector<16xi32> to vector<16x1xi32>
      %gather3A_1088 = vector.shape_cast %broadcast_in_dim3A_1087 : vector<16x1xi32> to vector<16xi32>
      %gather3A_1089 = tpu.dynamic_gather %min3A_1086[%gather3A_1088] in [0] : vector<16xf32>, vector<16xi32> -> vector<16xf32>
      %min3A_1090 = arith.minimumf %min3A_1086, %gather3A_1089 : vector<16xf32>
      %sub3A_1091 = arith.subf %add3A_1074, %min3A_1090 : vector<16xf32>
      %sign3A_1092 = tpu.bitcast %sub3A_1091 : vector<16xf32> -> vector<16xi32>
      %sign3A_1093 = arith.constant -2147483648 : i32
      %sign3A_1094 = vector.broadcast %sign3A_1093 : i32 to vector<16xi32>
      %sign3A_1095 = arith.andi %sign3A_1092, %sign3A_1094 : vector<16xi32>
      %sign3A_1096 = arith.constant 1065353216 : i32
      %sign3A_1097 = vector.broadcast %sign3A_1096 : i32 to vector<16xi32>
      %sign3A_1098 = arith.ori %sign3A_1097, %sign3A_1095 : vector<16xi32>
      %sign3A_1099 = tpu.bitcast %sign3A_1098 : vector<16xi32> -> vector<16xf32>
      %sign3A_1100 = math.absf %sub3A_1091 : vector<16xf32>
      %sign3A_1101 = arith.constant 0.000000e+00 : f32
      %sign3A_1102 = vector.broadcast %sign3A_1101 : f32 to vector<16xf32>
      %sign3A_1103 = arith.cmpf ogt, %sign3A_1100, %sign3A_1102 : vector<16xf32>
      %sign3A_1104 = arith.select %sign3A_1103, %sign3A_1099, %sub3A_1091 : vector<16xi1>, vector<16xf32>
      %sub3A_1105 = arith.constant 1.000000e+00 : f32
      %sub3A_1106 = vector.broadcast %sub3A_1105 : f32 to vector<16xf32>
      %sub3A_1107 = arith.subf %sub3A_1106, %sign3A_1104 : vector<16xf32>
      %mul3A_1108 = vector.broadcast %add3A_388 : f32 to vector<16xf32>
      %mul3A_1109 = arith.mulf %sub3A_1107, %mul3A_1108 : vector<16xf32>
      %add3A_1110 = arith.addf %add3A_1062, %mul3A_1109 : vector<16xf32>
      %add3A_1111 = arith.addf %abs3A_418, %abs3A_426 : vector<16xf32>
      %mul3A_1112 = arith.constant 1.000000e+01 : f32
      %mul3A_1113 = vector.broadcast %mul3A_1112 : f32 to vector<16xf32>
      %mul3A_1114 = arith.mulf %mul3A_1113, %add3A_1111 : vector<16xf32>
      %add3A_1115 = arith.addf %get3A_172, %mul3A_1114 : vector<16xf32>
      %mul3A_1116 = arith.mulf %mul3A_1109, %add3A_1115 : vector<16xf32>
      %add3A_1117 = arith.addf %add3A_1069, %mul3A_1116 : vector<16xf32>
      %add3A_1118 = arith.addf %add3A_1070, %add3A_388 : f32
      %add3A_1119 = arith.addf %mul3A_438, %mul3A_441 : vector<16xf32>
      %mul3A_1120 = vector.broadcast %while3A : f32 to vector<16xf32>
      %mul3A_1121 = arith.mulf %add3A_1110, %mul3A_1120 : vector<16xf32>
      %add3A_1122 = arith.addf %add3A_1119, %mul3A_1121 : vector<16xf32>
      %broadcast_in_dim3A_1123 = vector.shape_cast %xor3A_74 : vector<16xi32> to vector<16x1xi32>
      %gather3A_1124 = vector.shape_cast %broadcast_in_dim3A_1123 : vector<16x1xi32> to vector<16xi32>
      %gather3A_1125 = tpu.dynamic_gather %add3A_1122[%gather3A_1124] in [0] : vector<16xf32>, vector<16xi32> -> vector<16xf32>
      %min3A_1126 = arith.minimumf %add3A_1122, %gather3A_1125 : vector<16xf32>
      %broadcast_in_dim3A_1127 = vector.shape_cast %xor3A_77 : vector<16xi32> to vector<16x1xi32>
      %gather3A_1128 = vector.shape_cast %broadcast_in_dim3A_1127 : vector<16x1xi32> to vector<16xi32>
      %gather3A_1129 = tpu.dynamic_gather %min3A_1126[%gather3A_1128] in [0] : vector<16xf32>, vector<16xi32> -> vector<16xf32>
      %min3A_1130 = arith.minimumf %min3A_1126, %gather3A_1129 : vector<16xf32>
      %broadcast_in_dim3A_1131 = vector.shape_cast %xor3A_80 : vector<16xi32> to vector<16x1xi32>
      %gather3A_1132 = vector.shape_cast %broadcast_in_dim3A_1131 : vector<16x1xi32> to vector<16xi32>
      %gather3A_1133 = tpu.dynamic_gather %min3A_1130[%gather3A_1132] in [0] : vector<16xf32>, vector<16xi32> -> vector<16xf32>
      %min3A_1134 = arith.minimumf %min3A_1130, %gather3A_1133 : vector<16xf32>
      %broadcast_in_dim3A_1135 = vector.shape_cast %xor3A_83 : vector<16xi32> to vector<16x1xi32>
      %gather3A_1136 = vector.shape_cast %broadcast_in_dim3A_1135 : vector<16x1xi32> to vector<16xi32>
      %gather3A_1137 = tpu.dynamic_gather %min3A_1134[%gather3A_1136] in [0] : vector<16xf32>, vector<16xi32> -> vector<16xf32>
      %min3A_1138 = arith.minimumf %min3A_1134, %gather3A_1137 : vector<16xf32>
      %sub3A_1139 = arith.subf %add3A_1122, %min3A_1138 : vector<16xf32>
      %sign3A_1140 = tpu.bitcast %sub3A_1139 : vector<16xf32> -> vector<16xi32>
      %sign3A_1141 = arith.constant -2147483648 : i32
      %sign3A_1142 = vector.broadcast %sign3A_1141 : i32 to vector<16xi32>
      %sign3A_1143 = arith.andi %sign3A_1140, %sign3A_1142 : vector<16xi32>
      %sign3A_1144 = arith.constant 1065353216 : i32
      %sign3A_1145 = vector.broadcast %sign3A_1144 : i32 to vector<16xi32>
      %sign3A_1146 = arith.ori %sign3A_1145, %sign3A_1143 : vector<16xi32>
      %sign3A_1147 = tpu.bitcast %sign3A_1146 : vector<16xi32> -> vector<16xf32>
      %sign3A_1148 = math.absf %sub3A_1139 : vector<16xf32>
      %sign3A_1149 = arith.constant 0.000000e+00 : f32
      %sign3A_1150 = vector.broadcast %sign3A_1149 : f32 to vector<16xf32>
      %sign3A_1151 = arith.cmpf ogt, %sign3A_1148, %sign3A_1150 : vector<16xf32>
      %sign3A_1152 = arith.select %sign3A_1151, %sign3A_1147, %sub3A_1139 : vector<16xi1>, vector<16xf32>
      %sub3A_1153 = arith.constant 1.000000e+00 : f32
      %sub3A_1154 = vector.broadcast %sub3A_1153 : f32 to vector<16xf32>
      %sub3A_1155 = arith.subf %sub3A_1154, %sign3A_1152 : vector<16xf32>
      %mul3A_1156 = vector.broadcast %add3A_395 : f32 to vector<16xf32>
      %mul3A_1157 = arith.mulf %sub3A_1155, %mul3A_1156 : vector<16xf32>
      %add3A_1158 = arith.addf %add3A_1110, %mul3A_1157 : vector<16xf32>
      %add3A_1159 = arith.addf %abs3A_418, %abs3A_430 : vector<16xf32>
      %mul3A_1160 = arith.constant 1.000000e+01 : f32
      %mul3A_1161 = vector.broadcast %mul3A_1160 : f32 to vector<16xf32>
      %mul3A_1162 = arith.mulf %mul3A_1161, %add3A_1159 : vector<16xf32>
      %add3A_1163 = arith.addf %get3A_172, %mul3A_1162 : vector<16xf32>
      %mul3A_1164 = arith.mulf %mul3A_1157, %add3A_1163 : vector<16xf32>
      %add3A_1165 = arith.addf %add3A_1117, %mul3A_1164 : vector<16xf32>
      %add3A_1166 = arith.addf %add3A_1118, %add3A_395 : f32
      %add3A_1167 = arith.addf %mul3A_438, %mul3A_442 : vector<16xf32>
      %mul3A_1168 = vector.broadcast %while3A : f32 to vector<16xf32>
      %mul3A_1169 = arith.mulf %add3A_1158, %mul3A_1168 : vector<16xf32>
      %add3A_1170 = arith.addf %add3A_1167, %mul3A_1169 : vector<16xf32>
      %broadcast_in_dim3A_1171 = vector.shape_cast %xor3A_74 : vector<16xi32> to vector<16x1xi32>
      %gather3A_1172 = vector.shape_cast %broadcast_in_dim3A_1171 : vector<16x1xi32> to vector<16xi32>
      %gather3A_1173 = tpu.dynamic_gather %add3A_1170[%gather3A_1172] in [0] : vector<16xf32>, vector<16xi32> -> vector<16xf32>
      %min3A_1174 = arith.minimumf %add3A_1170, %gather3A_1173 : vector<16xf32>
      %broadcast_in_dim3A_1175 = vector.shape_cast %xor3A_77 : vector<16xi32> to vector<16x1xi32>
      %gather3A_1176 = vector.shape_cast %broadcast_in_dim3A_1175 : vector<16x1xi32> to vector<16xi32>
      %gather3A_1177 = tpu.dynamic_gather %min3A_1174[%gather3A_1176] in [0] : vector<16xf32>, vector<16xi32> -> vector<16xf32>
      %min3A_1178 = arith.minimumf %min3A_1174, %gather3A_1177 : vector<16xf32>
      %broadcast_in_dim3A_1179 = vector.shape_cast %xor3A_80 : vector<16xi32> to vector<16x1xi32>
      %gather3A_1180 = vector.shape_cast %broadcast_in_dim3A_1179 : vector<16x1xi32> to vector<16xi32>
      %gather3A_1181 = tpu.dynamic_gather %min3A_1178[%gather3A_1180] in [0] : vector<16xf32>, vector<16xi32> -> vector<16xf32>
      %min3A_1182 = arith.minimumf %min3A_1178, %gather3A_1181 : vector<16xf32>
      %broadcast_in_dim3A_1183 = vector.shape_cast %xor3A_83 : vector<16xi32> to vector<16x1xi32>
      %gather3A_1184 = vector.shape_cast %broadcast_in_dim3A_1183 : vector<16x1xi32> to vector<16xi32>
      %gather3A_1185 = tpu.dynamic_gather %min3A_1182[%gather3A_1184] in [0] : vector<16xf32>, vector<16xi32> -> vector<16xf32>
      %min3A_1186 = arith.minimumf %min3A_1182, %gather3A_1185 : vector<16xf32>
      %sub3A_1187 = arith.subf %add3A_1170, %min3A_1186 : vector<16xf32>
      %sign3A_1188 = tpu.bitcast %sub3A_1187 : vector<16xf32> -> vector<16xi32>
      %sign3A_1189 = arith.constant -2147483648 : i32
      %sign3A_1190 = vector.broadcast %sign3A_1189 : i32 to vector<16xi32>
      %sign3A_1191 = arith.andi %sign3A_1188, %sign3A_1190 : vector<16xi32>
      %sign3A_1192 = arith.constant 1065353216 : i32
      %sign3A_1193 = vector.broadcast %sign3A_1192 : i32 to vector<16xi32>
      %sign3A_1194 = arith.ori %sign3A_1193, %sign3A_1191 : vector<16xi32>
      %sign3A_1195 = tpu.bitcast %sign3A_1194 : vector<16xi32> -> vector<16xf32>
      %sign3A_1196 = math.absf %sub3A_1187 : vector<16xf32>
      %sign3A_1197 = arith.constant 0.000000e+00 : f32
      %sign3A_1198 = vector.broadcast %sign3A_1197 : f32 to vector<16xf32>
      %sign3A_1199 = arith.cmpf ogt, %sign3A_1196, %sign3A_1198 : vector<16xf32>
      %sign3A_1200 = arith.select %sign3A_1199, %sign3A_1195, %sub3A_1187 : vector<16xi1>, vector<16xf32>
      %sub3A_1201 = arith.constant 1.000000e+00 : f32
      %sub3A_1202 = vector.broadcast %sub3A_1201 : f32 to vector<16xf32>
      %sub3A_1203 = arith.subf %sub3A_1202, %sign3A_1200 : vector<16xf32>
      %mul3A_1204 = vector.broadcast %add3A_402 : f32 to vector<16xf32>
      %mul3A_1205 = arith.mulf %sub3A_1203, %mul3A_1204 : vector<16xf32>
      %add3A_1206 = arith.addf %add3A_1158, %mul3A_1205 : vector<16xf32>
      %add3A_1207 = arith.addf %abs3A_418, %abs3A_434 : vector<16xf32>
      %mul3A_1208 = arith.constant 1.000000e+01 : f32
      %mul3A_1209 = vector.broadcast %mul3A_1208 : f32 to vector<16xf32>
      %mul3A_1210 = arith.mulf %mul3A_1209, %add3A_1207 : vector<16xf32>
      %add3A_1211 = arith.addf %get3A_172, %mul3A_1210 : vector<16xf32>
      %mul3A_1212 = arith.mulf %mul3A_1205, %add3A_1211 : vector<16xf32>
      %add3A_1213 = arith.addf %add3A_1165, %mul3A_1212 : vector<16xf32>
      %add3A_1214 = arith.addf %add3A_1166, %add3A_402 : f32
      %add3A_1215 = arith.addf %while3A_123, %add3A_1213 : vector<16xf32>
      %add3A_1216 = arith.addf %while3A_124, %add3A_1214 : f32
      scf.yield %add3A_1215, %add3A_1216 : vector<16xf32>, f32
    }
    %while3A_95 = arith.constant 1 : i32
    %while3A_96:2 = scf.for %while3A_122 = %while3A_92 to %while3A_88 step %while3A_95 iter_args(%while3A_123 = %while3A_94#0, %while3A_124 = %while3A_94#1) -> (vector<16xf32>, f32)  : i32 {
      %jit3A_125 = arith.constant 8 : i32
      %div3A_126 = arith.divsi %while3A_122, %jit3A_125 : i32
      %sign3A_127 = arith.constant 0 : i32
      %sign3A_128 = arith.cmpi sgt, %while3A_122, %sign3A_127 : i32
      %sign3A_129 = arith.extui %sign3A_128 : i1 to i32
      %sign3A_130 = arith.constant 0 : i32
      %sign3A_131 = arith.cmpi slt, %while3A_122, %sign3A_130 : i32
      %sign3A_132 = arith.extui %sign3A_131 : i1 to i32
      %sign3A_133 = arith.subi %sign3A_129, %sign3A_132 : i32
      %sign3A_134 = arith.constant 0 : i32
      %sign3A_135 = arith.cmpi sgt, %jit3A_125, %sign3A_134 : i32
      %sign3A_136 = arith.extui %sign3A_135 : i1 to i32
      %sign3A_137 = arith.constant 0 : i32
      %sign3A_138 = arith.cmpi slt, %jit3A_125, %sign3A_137 : i32
      %sign3A_139 = arith.extui %sign3A_138 : i1 to i32
      %sign3A_140 = arith.subi %sign3A_136, %sign3A_139 : i32
      %ne3A_141 = arith.cmpi ne, %sign3A_133, %sign3A_140 : i32
      %rem3A_142 = arith.remsi %while3A_122, %jit3A_125 : i32
      %ne3A_143 = arith.constant 0 : i32
      %ne3A_144 = arith.cmpi ne, %rem3A_142, %ne3A_143 : i32
      %and3A_145 = arith.andi %ne3A_141, %ne3A_144 : i1
      %sub3A_146 = arith.constant 1 : i32
      %sub3A_147 = arith.subi %div3A_126, %sub3A_146 : i32
      %select_n3A_148 = arith.select %and3A_145, %sub3A_147, %div3A_126 : i32
      %add3A_149 = arith.addi %sub3A_21, %select_n3A_148 : i32
      %jit3A_150 = arith.constant 8 : i32
      %eq3A = arith.constant 0 : i32
      %eq3A_151 = arith.cmpi eq, %jit3A_150, %eq3A : i32
      %jit3A_152 = arith.constant 1 : i32
      %select_n3A_153 = arith.select %eq3A_151, %jit3A_152, %jit3A_150 : i32
      %rem3A_154 = arith.remsi %while3A_122, %select_n3A_153 : i32
      %ne3A_155 = arith.constant 0 : i32
      %ne3A_156 = arith.cmpi ne, %rem3A_154, %ne3A_155 : i32
      %lt3A = arith.constant 0 : i32
      %lt3A_157 = arith.cmpi slt, %rem3A_154, %lt3A : i32
      %lt3A_158 = arith.constant 0 : i32
      %lt3A_159 = arith.cmpi slt, %select_n3A_153, %lt3A_158 : i32
      %ne3A_160 = arith.xori %lt3A_157, %lt3A_159 : i1
      %and3A_161 = arith.andi %ne3A_160, %ne3A_156 : i1
      %add3A_162 = arith.addi %rem3A_154, %select_n3A_153 : i32
      %select_n3A_163 = arith.select %and3A_161, %add3A_162, %rem3A_154 : i32
      %mul3A_164 = arith.constant 16 : i32
      %mul3A_165 = arith.muli %select_n3A_163, %mul3A_164 : i32
      %get3A = arith.index_cast %add3A_149 : i32 to index
      %get3A_166 = arith.index_cast %mul3A_165 : i32 to index
      %get3A_167 = tpu.vector_load %arg8[%get3A, %get3A_166] {strides = array<i32>} : memref<160x128xf32, #tpu.memory_space<vmem>>, vector<1x16xf32>,
      %get3A_168 = vector.shape_cast %get3A_167 : vector<1x16xf32> to vector<16xf32>
      %get3A_169 = arith.index_cast %add3A_149 : i32 to index
      %get3A_170 = arith.index_cast %mul3A_165 : i32 to index
      %get3A_171 = tpu.vector_load %arg9[%get3A_169, %get3A_170] {strides = array<i32>} : memref<160x128xf32, #tpu.memory_space<vmem>>, vector<1x16xf32>,
      %get3A_172 = vector.shape_cast %get3A_171 : vector<1x16xf32> to vector<16xf32>
      %get3A_173 = arith.index_cast %add3A_149 : i32 to index
      %get3A_174 = arith.index_cast %mul3A_165 : i32 to index
      %get3A_175 = tpu.vector_load %arg10[%get3A_173, %get3A_174] {strides = array<i32>} : memref<160x128xf32, #tpu.memory_space<vmem>>, vector<1x16xf32>,
      %get3A_176 = vector.shape_cast %get3A_175 : vector<1x16xf32> to vector<16xf32>
      %get3A_177 = arith.index_cast %add3A_149 : i32 to index
      %get3A_178 = arith.index_cast %mul3A_165 : i32 to index
      %get3A_179 = tpu.vector_load %arg11[%get3A_177, %get3A_178] {strides = array<i32>} : memref<160x128xf32, #tpu.memory_space<vmem>>, vector<1x16xf32>,
      %get3A_180 = vector.shape_cast %get3A_179 : vector<1x16xf32> to vector<16xf32>
      %add3A_181 = arith.addi %mul3A_23, %while3A_122 : i32
      %jit3A_182 = arith.constant 100 : i32
      %eq3A_183 = arith.constant 0 : i32
      %eq3A_184 = arith.cmpi eq, %jit3A_182, %eq3A_183 : i32
      %jit3A_185 = arith.constant 1 : i32
      %select_n3A_186 = arith.select %eq3A_184, %jit3A_185, %jit3A_182 : i32
      %rem3A_187 = arith.remsi %add3A_181, %select_n3A_186 : i32
      %ne3A_188 = arith.constant 0 : i32
      %ne3A_189 = arith.cmpi ne, %rem3A_187, %ne3A_188 : i32
      %lt3A_190 = arith.constant 0 : i32
      %lt3A_191 = arith.cmpi slt, %rem3A_187, %lt3A_190 : i32
      %lt3A_192 = arith.constant 0 : i32
      %lt3A_193 = arith.cmpi slt, %select_n3A_186, %lt3A_192 : i32
      %ne3A_194 = arith.xori %lt3A_191, %lt3A_193 : i1
      %and3A_195 = arith.andi %ne3A_194, %ne3A_189 : i1
      %add3A_196 = arith.addi %rem3A_187, %select_n3A_186 : i32
      %select_n3A_197 = arith.select %and3A_195, %add3A_196, %rem3A_187 : i32
      %jit3A_198 = arith.constant 100 : i32
      %div3A_199 = arith.divsi %add3A_181, %jit3A_198 : i32
      %sign3A_200 = arith.constant 0 : i32
      %sign3A_201 = arith.cmpi sgt, %add3A_181, %sign3A_200 : i32
      %sign3A_202 = arith.extui %sign3A_201 : i1 to i32
      %sign3A_203 = arith.constant 0 : i32
      %sign3A_204 = arith.cmpi slt, %add3A_181, %sign3A_203 : i32
      %sign3A_205 = arith.extui %sign3A_204 : i1 to i32
      %sign3A_206 = arith.subi %sign3A_202, %sign3A_205 : i32
      %sign3A_207 = arith.constant 0 : i32
      %sign3A_208 = arith.cmpi sgt, %jit3A_198, %sign3A_207 : i32
      %sign3A_209 = arith.extui %sign3A_208 : i1 to i32
      %sign3A_210 = arith.constant 0 : i32
      %sign3A_211 = arith.cmpi slt, %jit3A_198, %sign3A_210 : i32
      %sign3A_212 = arith.extui %sign3A_211 : i1 to i32
      %sign3A_213 = arith.subi %sign3A_209, %sign3A_212 : i32
      %ne3A_214 = arith.cmpi ne, %sign3A_206, %sign3A_213 : i32
      %rem3A_215 = arith.remsi %add3A_181, %jit3A_198 : i32
      %ne3A_216 = arith.constant 0 : i32
      %ne3A_217 = arith.cmpi ne, %rem3A_215, %ne3A_216 : i32
      %and3A_218 = arith.andi %ne3A_214, %ne3A_217 : i1
      %sub3A_219 = arith.constant 1 : i32
      %sub3A_220 = arith.subi %div3A_199, %sub3A_219 : i32
      %select_n3A_221 = arith.select %and3A_218, %sub3A_220, %div3A_199 : i32
      %mul3A_222 = arith.constant 4 : i32
      %mul3A_223 = arith.muli %mul3A_222, %select_n3A_221 : i32
      %sub3A_224 = arith.subi %mul3A_223, %min3A_70 : i32
      %mul3A_225 = arith.constant 400 : i32
      %mul3A_226 = arith.muli %sub3A_224, %mul3A_225 : i32
      %jit3A_227 = arith.constant 2 : i32
      %div3A_228 = arith.divsi %select_n3A_197, %jit3A_227 : i32
      %sign3A_229 = arith.constant 0 : i32
      %sign3A_230 = arith.cmpi sgt, %select_n3A_197, %sign3A_229 : i32
      %sign3A_231 = arith.extui %sign3A_230 : i1 to i32
      %sign3A_232 = arith.constant 0 : i32
      %sign3A_233 = arith.cmpi slt, %select_n3A_197, %sign3A_232 : i32
      %sign3A_234 = arith.extui %sign3A_233 : i1 to i32
      %sign3A_235 = arith.subi %sign3A_231, %sign3A_234 : i32
      %sign3A_236 = arith.constant 0 : i32
      %sign3A_237 = arith.cmpi sgt, %jit3A_227, %sign3A_236 : i32
      %sign3A_238 = arith.extui %sign3A_237 : i1 to i32
      %sign3A_239 = arith.constant 0 : i32
      %sign3A_240 = arith.cmpi slt, %jit3A_227, %sign3A_239 : i32
      %sign3A_241 = arith.extui %sign3A_240 : i1 to i32
      %sign3A_242 = arith.subi %sign3A_238, %sign3A_241 : i32
      %ne3A_243 = arith.cmpi ne, %sign3A_235, %sign3A_242 : i32
      %rem3A_244 = arith.remsi %select_n3A_197, %jit3A_227 : i32
      %ne3A_245 = arith.constant 0 : i32
      %ne3A_246 = arith.cmpi ne, %rem3A_244, %ne3A_245 : i32
      %and3A_247 = arith.andi %ne3A_243, %ne3A_246 : i1
      %sub3A_248 = arith.constant 1 : i32
      %sub3A_249 = arith.subi %div3A_228, %sub3A_248 : i32
      %select_n3A_250 = arith.select %and3A_247, %sub3A_249, %div3A_228 : i32
      %mul3A_251 = arith.constant 8 : i32
      %mul3A_252 = arith.muli %mul3A_251, %select_n3A_250 : i32
      %add3A_253 = arith.addi %mul3A_226, %mul3A_252 : i32
      %jit3A_254 = arith.constant 2 : i32
      %eq3A_255 = arith.constant 0 : i32
      %eq3A_256 = arith.cmpi eq, %jit3A_254, %eq3A_255 : i32
      %jit3A_257 = arith.constant 1 : i32
      %select_n3A_258 = arith.select %eq3A_256, %jit3A_257, %jit3A_254 : i32
      %rem3A_259 = arith.remsi %select_n3A_197, %select_n3A_258 : i32
      %ne3A_260 = arith.constant 0 : i32
      %ne3A_261 = arith.cmpi ne, %rem3A_259, %ne3A_260 : i32
      %lt3A_262 = arith.constant 0 : i32
      %lt3A_263 = arith.cmpi slt, %rem3A_259, %lt3A_262 : i32
      %lt3A_264 = arith.constant 0 : i32
      %lt3A_265 = arith.cmpi slt, %select_n3A_258, %lt3A_264 : i32
      %ne3A_266 = arith.xori %lt3A_263, %lt3A_265 : i1
      %and3A_267 = arith.andi %ne3A_266, %ne3A_261 : i1
      %add3A_268 = arith.addi %rem3A_259, %select_n3A_258 : i32
      %select_n3A_269 = arith.select %and3A_267, %add3A_268, %rem3A_259 : i32
      %convert_element_type3A_270 = arith.sitofp %select_n3A_269 : i32 to f32
      %sub3A_271 = arith.constant 1.000000e+00 : f32
      %sub3A_272 = arith.subf %sub3A_271, %convert_element_type3A_270 : f32
      %add3A_273 = arith.constant 0 : i32
      %add3A_274 = arith.addi %add3A_253, %add3A_273 : i32
      %get3A_275 = arith.index_cast %add3A_274 : i32 to index
      %get3A_276 = tpu.vector_load %arg12[%get3A_275] {strides = array<i32>} : memref<25616xf32, #tpu.memory_space<vmem>>, vector<16xf32>,
      %get3A_277 = vector.shape_cast %get3A_276 : vector<16xf32> to vector<16xf32>
      %add3A_278 = arith.constant 400 : i32
      %add3A_279 = arith.addi %add3A_253, %add3A_278 : i32
      %get3A_280 = arith.index_cast %add3A_279 : i32 to index
      %get3A_281 = tpu.vector_load %arg12[%get3A_280] {strides = array<i32>} : memref<25616xf32, #tpu.memory_space<vmem>>, vector<16xf32>,
      %get3A_282 = vector.shape_cast %get3A_281 : vector<16xf32> to vector<16xf32>
      %add3A_283 = arith.constant 800 : i32
      %add3A_284 = arith.addi %add3A_253, %add3A_283 : i32
      %get3A_285 = arith.index_cast %add3A_284 : i32 to index
      %get3A_286 = tpu.vector_load %arg12[%get3A_285] {strides = array<i32>} : memref<25616xf32, #tpu.memory_space<vmem>>, vector<16xf32>,
      %get3A_287 = vector.shape_cast %get3A_286 : vector<16xf32> to vector<16xf32>
      %add3A_288 = arith.constant 1200 : i32
      %add3A_289 = arith.addi %add3A_253, %add3A_288 : i32
      %get3A_290 = arith.index_cast %add3A_289 : i32 to index
      %get3A_291 = tpu.vector_load %arg12[%get3A_290] {strides = array<i32>} : memref<25616xf32, #tpu.memory_space<vmem>>, vector<16xf32>,
      %get3A_292 = vector.shape_cast %get3A_291 : vector<16xf32> to vector<16xf32>
      %slice3A = vector.extract_strided_slice %get3A_277 {offsets = [0], sizes = [1], strides = [1]} : vector<16xf32> to vector<1xf32>
      %squeeze3A = vector.extract %slice3A[0] : f32 from vector<1xf32>
      %mul3A_293 = arith.mulf %squeeze3A, %sub3A_272 : f32
      %slice3A_294 = vector.extract_strided_slice %get3A_277 {offsets = [4], sizes = [1], strides = [1]} : vector<16xf32> to vector<1xf32>
      %squeeze3A_295 = vector.extract %slice3A_294[0] : f32 from vector<1xf32>
      %mul3A_296 = arith.mulf %squeeze3A_295, %convert_element_type3A_270 : f32
      %add3A_297 = arith.addf %mul3A_293, %mul3A_296 : f32
      %slice3A_298 = vector.extract_strided_slice %get3A_277 {offsets = [1], sizes = [1], strides = [1]} : vector<16xf32> to vector<1xf32>
      %squeeze3A_299 = vector.extract %slice3A_298[0] : f32 from vector<1xf32>
      %mul3A_300 = arith.mulf %squeeze3A_299, %sub3A_272 : f32
      %slice3A_301 = vector.extract_strided_slice %get3A_277 {offsets = [5], sizes = [1], strides = [1]} : vector<16xf32> to vector<1xf32>
      %squeeze3A_302 = vector.extract %slice3A_301[0] : f32 from vector<1xf32>
      %mul3A_303 = arith.mulf %squeeze3A_302, %convert_element_type3A_270 : f32
      %add3A_304 = arith.addf %mul3A_300, %mul3A_303 : f32
      %slice3A_305 = vector.extract_strided_slice %get3A_277 {offsets = [2], sizes = [1], strides = [1]} : vector<16xf32> to vector<1xf32>
      %squeeze3A_306 = vector.extract %slice3A_305[0] : f32 from vector<1xf32>
      %mul3A_307 = arith.mulf %squeeze3A_306, %sub3A_272 : f32
      %slice3A_308 = vector.extract_strided_slice %get3A_277 {offsets = [6], sizes = [1], strides = [1]} : vector<16xf32> to vector<1xf32>
      %squeeze3A_309 = vector.extract %slice3A_308[0] : f32 from vector<1xf32>
      %mul3A_310 = arith.mulf %squeeze3A_309, %convert_element_type3A_270 : f32
      %add3A_311 = arith.addf %mul3A_307, %mul3A_310 : f32
      %slice3A_312 = vector.extract_strided_slice %get3A_277 {offsets = [3], sizes = [1], strides = [1]} : vector<16xf32> to vector<1xf32>
      %squeeze3A_313 = vector.extract %slice3A_312[0] : f32 from vector<1xf32>
      %mul3A_314 = arith.mulf %squeeze3A_313, %sub3A_272 : f32
      %slice3A_315 = vector.extract_strided_slice %get3A_277 {offsets = [7], sizes = [1], strides = [1]} : vector<16xf32> to vector<1xf32>
      %squeeze3A_316 = vector.extract %slice3A_315[0] : f32 from vector<1xf32>
      %mul3A_317 = arith.mulf %squeeze3A_316, %convert_element_type3A_270 : f32
      %add3A_318 = arith.addf %mul3A_314, %mul3A_317 : f32
      %slice3A_319 = vector.extract_strided_slice %get3A_282 {offsets = [0], sizes = [1], strides = [1]} : vector<16xf32> to vector<1xf32>
      %squeeze3A_320 = vector.extract %slice3A_319[0] : f32 from vector<1xf32>
      %mul3A_321 = arith.mulf %squeeze3A_320, %sub3A_272 : f32
      %slice3A_322 = vector.extract_strided_slice %get3A_282 {offsets = [4], sizes = [1], strides = [1]} : vector<16xf32> to vector<1xf32>
      %squeeze3A_323 = vector.extract %slice3A_322[0] : f32 from vector<1xf32>
      %mul3A_324 = arith.mulf %squeeze3A_323, %convert_element_type3A_270 : f32
      %add3A_325 = arith.addf %mul3A_321, %mul3A_324 : f32
      %slice3A_326 = vector.extract_strided_slice %get3A_282 {offsets = [1], sizes = [1], strides = [1]} : vector<16xf32> to vector<1xf32>
      %squeeze3A_327 = vector.extract %slice3A_326[0] : f32 from vector<1xf32>
      %mul3A_328 = arith.mulf %squeeze3A_327, %sub3A_272 : f32
      %slice3A_329 = vector.extract_strided_slice %get3A_282 {offsets = [5], sizes = [1], strides = [1]} : vector<16xf32> to vector<1xf32>
      %squeeze3A_330 = vector.extract %slice3A_329[0] : f32 from vector<1xf32>
      %mul3A_331 = arith.mulf %squeeze3A_330, %convert_element_type3A_270 : f32
      %add3A_332 = arith.addf %mul3A_328, %mul3A_331 : f32
      %slice3A_333 = vector.extract_strided_slice %get3A_282 {offsets = [2], sizes = [1], strides = [1]} : vector<16xf32> to vector<1xf32>
      %squeeze3A_334 = vector.extract %slice3A_333[0] : f32 from vector<1xf32>
      %mul3A_335 = arith.mulf %squeeze3A_334, %sub3A_272 : f32
      %slice3A_336 = vector.extract_strided_slice %get3A_282 {offsets = [6], sizes = [1], strides = [1]} : vector<16xf32> to vector<1xf32>
      %squeeze3A_337 = vector.extract %slice3A_336[0] : f32 from vector<1xf32>
      %mul3A_338 = arith.mulf %squeeze3A_337, %convert_element_type3A_270 : f32
      %add3A_339 = arith.addf %mul3A_335, %mul3A_338 : f32
      %slice3A_340 = vector.extract_strided_slice %get3A_282 {offsets = [3], sizes = [1], strides = [1]} : vector<16xf32> to vector<1xf32>
      %squeeze3A_341 = vector.extract %slice3A_340[0] : f32 from vector<1xf32>
      %mul3A_342 = arith.mulf %squeeze3A_341, %sub3A_272 : f32
      %slice3A_343 = vector.extract_strided_slice %get3A_282 {offsets = [7], sizes = [1], strides = [1]} : vector<16xf32> to vector<1xf32>
      %squeeze3A_344 = vector.extract %slice3A_343[0] : f32 from vector<1xf32>
      %mul3A_345 = arith.mulf %squeeze3A_344, %convert_element_type3A_270 : f32
      %add3A_346 = arith.addf %mul3A_342, %mul3A_345 : f32
      %slice3A_347 = vector.extract_strided_slice %get3A_287 {offsets = [0], sizes = [1], strides = [1]} : vector<16xf32> to vector<1xf32>
      %squeeze3A_348 = vector.extract %slice3A_347[0] : f32 from vector<1xf32>
      %mul3A_349 = arith.mulf %squeeze3A_348, %sub3A_272 : f32
      %slice3A_350 = vector.extract_strided_slice %get3A_287 {offsets = [4], sizes = [1], strides = [1]} : vector<16xf32> to vector<1xf32>
      %squeeze3A_351 = vector.extract %slice3A_350[0] : f32 from vector<1xf32>
      %mul3A_352 = arith.mulf %squeeze3A_351, %convert_element_type3A_270 : f32
      %add3A_353 = arith.addf %mul3A_349, %mul3A_352 : f32
      %slice3A_354 = vector.extract_strided_slice %get3A_287 {offsets = [1], sizes = [1], strides = [1]} : vector<16xf32> to vector<1xf32>
      %squeeze3A_355 = vector.extract %slice3A_354[0] : f32 from vector<1xf32>
      %mul3A_356 = arith.mulf %squeeze3A_355, %sub3A_272 : f32
      %slice3A_357 = vector.extract_strided_slice %get3A_287 {offsets = [5], sizes = [1], strides = [1]} : vector<16xf32> to vector<1xf32>
      %squeeze3A_358 = vector.extract %slice3A_357[0] : f32 from vector<1xf32>
      %mul3A_359 = arith.mulf %squeeze3A_358, %convert_element_type3A_270 : f32
      %add3A_360 = arith.addf %mul3A_356, %mul3A_359 : f32
      %slice3A_361 = vector.extract_strided_slice %get3A_287 {offsets = [2], sizes = [1], strides = [1]} : vector<16xf32> to vector<1xf32>
      %squeeze3A_362 = vector.extract %slice3A_361[0] : f32 from vector<1xf32>
      %mul3A_363 = arith.mulf %squeeze3A_362, %sub3A_272 : f32
      %slice3A_364 = vector.extract_strided_slice %get3A_287 {offsets = [6], sizes = [1], strides = [1]} : vector<16xf32> to vector<1xf32>
      %squeeze3A_365 = vector.extract %slice3A_364[0] : f32 from vector<1xf32>
      %mul3A_366 = arith.mulf %squeeze3A_365, %convert_element_type3A_270 : f32
      %add3A_367 = arith.addf %mul3A_363, %mul3A_366 : f32
      %slice3A_368 = vector.extract_strided_slice %get3A_287 {offsets = [3], sizes = [1], strides = [1]} : vector<16xf32> to vector<1xf32>
      %squeeze3A_369 = vector.extract %slice3A_368[0] : f32 from vector<1xf32>
      %mul3A_370 = arith.mulf %squeeze3A_369, %sub3A_272 : f32
      %slice3A_371 = vector.extract_strided_slice %get3A_287 {offsets = [7], sizes = [1], strides = [1]} : vector<16xf32> to vector<1xf32>
      %squeeze3A_372 = vector.extract %slice3A_371[0] : f32 from vector<1xf32>
      %mul3A_373 = arith.mulf %squeeze3A_372, %convert_element_type3A_270 : f32
      %add3A_374 = arith.addf %mul3A_370, %mul3A_373 : f32
      %slice3A_375 = vector.extract_strided_slice %get3A_292 {offsets = [0], sizes = [1], strides = [1]} : vector<16xf32> to vector<1xf32>
      %squeeze3A_376 = vector.extract %slice3A_375[0] : f32 from vector<1xf32>
      %mul3A_377 = arith.mulf %squeeze3A_376, %sub3A_272 : f32
      %slice3A_378 = vector.extract_strided_slice %get3A_292 {offsets = [4], sizes = [1], strides = [1]} : vector<16xf32> to vector<1xf32>
      %squeeze3A_379 = vector.extract %slice3A_378[0] : f32 from vector<1xf32>
      %mul3A_380 = arith.mulf %squeeze3A_379, %convert_element_type3A_270 : f32
      %add3A_381 = arith.addf %mul3A_377, %mul3A_380 : f32
      %slice3A_382 = vector.extract_strided_slice %get3A_292 {offsets = [1], sizes = [1], strides = [1]} : vector<16xf32> to vector<1xf32>
      %squeeze3A_383 = vector.extract %slice3A_382[0] : f32 from vector<1xf32>
      %mul3A_384 = arith.mulf %squeeze3A_383, %sub3A_272 : f32
      %slice3A_385 = vector.extract_strided_slice %get3A_292 {offsets = [5], sizes = [1], strides = [1]} : vector<16xf32> to vector<1xf32>
      %squeeze3A_386 = vector.extract %slice3A_385[0] : f32 from vector<1xf32>
      %mul3A_387 = arith.mulf %squeeze3A_386, %convert_element_type3A_270 : f32
      %add3A_388 = arith.addf %mul3A_384, %mul3A_387 : f32
      %slice3A_389 = vector.extract_strided_slice %get3A_292 {offsets = [2], sizes = [1], strides = [1]} : vector<16xf32> to vector<1xf32>
      %squeeze3A_390 = vector.extract %slice3A_389[0] : f32 from vector<1xf32>
      %mul3A_391 = arith.mulf %squeeze3A_390, %sub3A_272 : f32
      %slice3A_392 = vector.extract_strided_slice %get3A_292 {offsets = [6], sizes = [1], strides = [1]} : vector<16xf32> to vector<1xf32>
      %squeeze3A_393 = vector.extract %slice3A_392[0] : f32 from vector<1xf32>
      %mul3A_394 = arith.mulf %squeeze3A_393, %convert_element_type3A_270 : f32
      %add3A_395 = arith.addf %mul3A_391, %mul3A_394 : f32
      %slice3A_396 = vector.extract_strided_slice %get3A_292 {offsets = [3], sizes = [1], strides = [1]} : vector<16xf32> to vector<1xf32>
      %squeeze3A_397 = vector.extract %slice3A_396[0] : f32 from vector<1xf32>
      %mul3A_398 = arith.mulf %squeeze3A_397, %sub3A_272 : f32
      %slice3A_399 = vector.extract_strided_slice %get3A_292 {offsets = [7], sizes = [1], strides = [1]} : vector<16xf32> to vector<1xf32>
      %squeeze3A_400 = vector.extract %slice3A_399[0] : f32 from vector<1xf32>
      %mul3A_401 = arith.mulf %squeeze3A_400, %convert_element_type3A_270 : f32
      %add3A_402 = arith.addf %mul3A_398, %mul3A_401 : f32
      %sub3A_403 = arith.constant -3.750000e-01 : f32
      %sub3A_404 = vector.broadcast %sub3A_403 : f32 to vector<16xf32>
      %sub3A_405 = arith.subf %get3A_176, %sub3A_404 : vector<16xf32>
      %abs3A_406 = math.absf %sub3A_405 : vector<16xf32>
      %sub3A_407 = arith.constant -1.250000e-01 : f32
      %sub3A_408 = vector.broadcast %sub3A_407 : f32 to vector<16xf32>
      %sub3A_409 = arith.subf %get3A_176, %sub3A_408 : vector<16xf32>
      %abs3A_410 = math.absf %sub3A_409 : vector<16xf32>
      %sub3A_411 = arith.constant 1.250000e-01 : f32
      %sub3A_412 = vector.broadcast %sub3A_411 : f32 to vector<16xf32>
      %sub3A_413 = arith.subf %get3A_176, %sub3A_412 : vector<16xf32>
      %abs3A_414 = math.absf %sub3A_413 : vector<16xf32>
      %sub3A_415 = arith.constant 3.750000e-01 : f32
      %sub3A_416 = vector.broadcast %sub3A_415 : f32 to vector<16xf32>
      %sub3A_417 = arith.subf %get3A_176, %sub3A_416 : vector<16xf32>
      %abs3A_418 = math.absf %sub3A_417 : vector<16xf32>
      %sub3A_419 = arith.constant -3.750000e-01 : f32
      %sub3A_420 = vector.broadcast %sub3A_419 : f32 to vector<16xf32>
      %sub3A_421 = arith.subf %get3A_180, %sub3A_420 : vector<16xf32>
      %abs3A_422 = math.absf %sub3A_421 : vector<16xf32>
      %sub3A_423 = arith.constant -1.250000e-01 : f32
      %sub3A_424 = vector.broadcast %sub3A_423 : f32 to vector<16xf32>
      %sub3A_425 = arith.subf %get3A_180, %sub3A_424 : vector<16xf32>
      %abs3A_426 = math.absf %sub3A_425 : vector<16xf32>
      %sub3A_427 = arith.constant 1.250000e-01 : f32
      %sub3A_428 = vector.broadcast %sub3A_427 : f32 to vector<16xf32>
      %sub3A_429 = arith.subf %get3A_180, %sub3A_428 : vector<16xf32>
      %abs3A_430 = math.absf %sub3A_429 : vector<16xf32>
      %sub3A_431 = arith.constant 3.750000e-01 : f32
      %sub3A_432 = vector.broadcast %sub3A_431 : f32 to vector<16xf32>
      %sub3A_433 = arith.subf %get3A_180, %sub3A_432 : vector<16xf32>
      %abs3A_434 = math.absf %sub3A_433 : vector<16xf32>
      %mul3A_435 = arith.mulf %abs3A_406, %get3A_168 : vector<16xf32>
      %mul3A_436 = arith.mulf %abs3A_410, %get3A_168 : vector<16xf32>
      %mul3A_437 = arith.mulf %abs3A_414, %get3A_168 : vector<16xf32>
      %mul3A_438 = arith.mulf %abs3A_418, %get3A_168 : vector<16xf32>
      %mul3A_439 = arith.mulf %abs3A_422, %get3A_168 : vector<16xf32>
      %mul3A_440 = arith.mulf %abs3A_426, %get3A_168 : vector<16xf32>
      %mul3A_441 = arith.mulf %abs3A_430, %get3A_168 : vector<16xf32>
      %mul3A_442 = arith.mulf %abs3A_434, %get3A_168 : vector<16xf32>
      %broadcast_in_dim3A_443 = arith.constant 0.000000e+00 : f32
      %broadcast_in_dim3A_444 = vector.broadcast %broadcast_in_dim3A_443 : f32 to vector<16xf32>
      %broadcast_in_dim3A_445 = arith.constant 0.000000e+00 : f32
      %broadcast_in_dim3A_446 = vector.broadcast %broadcast_in_dim3A_445 : f32 to vector<16xf32>
      %add3A_447 = arith.addf %mul3A_435, %mul3A_439 : vector<16xf32>
      %mul3A_448 = vector.broadcast %while3A : f32 to vector<16xf32>
      %mul3A_449 = arith.mulf %broadcast_in_dim3A_444, %mul3A_448 : vector<16xf32>
      %add3A_450 = arith.addf %add3A_447, %mul3A_449 : vector<16xf32>
      %broadcast_in_dim3A_451 = vector.shape_cast %xor3A_74 : vector<16xi32> to vector<16x1xi32>
      %gather3A = vector.shape_cast %broadcast_in_dim3A_451 : vector<16x1xi32> to vector<16xi32>
      %gather3A_452 = tpu.dynamic_gather %add3A_450[%gather3A] in [0] : vector<16xf32>, vector<16xi32> -> vector<16xf32>
      %min3A_453 = arith.minimumf %add3A_450, %gather3A_452 : vector<16xf32>
      %broadcast_in_dim3A_454 = vector.shape_cast %xor3A_77 : vector<16xi32> to vector<16x1xi32>
      %gather3A_455 = vector.shape_cast %broadcast_in_dim3A_454 : vector<16x1xi32> to vector<16xi32>
      %gather3A_456 = tpu.dynamic_gather %min3A_453[%gather3A_455] in [0] : vector<16xf32>, vector<16xi32> -> vector<16xf32>
      %min3A_457 = arith.minimumf %min3A_453, %gather3A_456 : vector<16xf32>
      %broadcast_in_dim3A_458 = vector.shape_cast %xor3A_80 : vector<16xi32> to vector<16x1xi32>
      %gather3A_459 = vector.shape_cast %broadcast_in_dim3A_458 : vector<16x1xi32> to vector<16xi32>
      %gather3A_460 = tpu.dynamic_gather %min3A_457[%gather3A_459] in [0] : vector<16xf32>, vector<16xi32> -> vector<16xf32>
      %min3A_461 = arith.minimumf %min3A_457, %gather3A_460 : vector<16xf32>
      %broadcast_in_dim3A_462 = vector.shape_cast %xor3A_83 : vector<16xi32> to vector<16x1xi32>
      %gather3A_463 = vector.shape_cast %broadcast_in_dim3A_462 : vector<16x1xi32> to vector<16xi32>
      %gather3A_464 = tpu.dynamic_gather %min3A_461[%gather3A_463] in [0] : vector<16xf32>, vector<16xi32> -> vector<16xf32>
      %min3A_465 = arith.minimumf %min3A_461, %gather3A_464 : vector<16xf32>
      %sub3A_466 = arith.subf %add3A_450, %min3A_465 : vector<16xf32>
      %sign3A_467 = tpu.bitcast %sub3A_466 : vector<16xf32> -> vector<16xi32>
      %sign3A_468 = arith.constant -2147483648 : i32
      %sign3A_469 = vector.broadcast %sign3A_468 : i32 to vector<16xi32>
      %sign3A_470 = arith.andi %sign3A_467, %sign3A_469 : vector<16xi32>
      %sign3A_471 = arith.constant 1065353216 : i32
      %sign3A_472 = vector.broadcast %sign3A_471 : i32 to vector<16xi32>
      %sign3A_473 = arith.ori %sign3A_472, %sign3A_470 : vector<16xi32>
      %sign3A_474 = tpu.bitcast %sign3A_473 : vector<16xi32> -> vector<16xf32>
      %sign3A_475 = math.absf %sub3A_466 : vector<16xf32>
      %sign3A_476 = arith.constant 0.000000e+00 : f32
      %sign3A_477 = vector.broadcast %sign3A_476 : f32 to vector<16xf32>
      %sign3A_478 = arith.cmpf ogt, %sign3A_475, %sign3A_477 : vector<16xf32>
      %sign3A_479 = arith.select %sign3A_478, %sign3A_474, %sub3A_466 : vector<16xi1>, vector<16xf32>
      %sub3A_480 = arith.constant 1.000000e+00 : f32
      %sub3A_481 = vector.broadcast %sub3A_480 : f32 to vector<16xf32>
      %sub3A_482 = arith.subf %sub3A_481, %sign3A_479 : vector<16xf32>
      %mul3A_483 = vector.broadcast %add3A_297 : f32 to vector<16xf32>
      %mul3A_484 = arith.mulf %sub3A_482, %mul3A_483 : vector<16xf32>
      %add3A_485 = arith.addf %broadcast_in_dim3A_444, %mul3A_484 : vector<16xf32>
      %add3A_486 = arith.addf %abs3A_406, %abs3A_422 : vector<16xf32>
      %mul3A_487 = arith.constant 1.000000e+01 : f32
      %mul3A_488 = vector.broadcast %mul3A_487 : f32 to vector<16xf32>
      %mul3A_489 = arith.mulf %mul3A_488, %add3A_486 : vector<16xf32>
      %add3A_490 = arith.addf %get3A_172, %mul3A_489 : vector<16xf32>
      %mul3A_491 = arith.mulf %mul3A_484, %add3A_490 : vector<16xf32>
      %add3A_492 = arith.addf %broadcast_in_dim3A_446, %mul3A_491 : vector<16xf32>
      %add3A_493 = arith.constant 0.000000e+00 : f32
      %add3A_494 = arith.addf %add3A_493, %add3A_297 : f32
      %add3A_495 = arith.addf %mul3A_435, %mul3A_440 : vector<16xf32>
      %mul3A_496 = vector.broadcast %while3A : f32 to vector<16xf32>
      %mul3A_497 = arith.mulf %add3A_485, %mul3A_496 : vector<16xf32>
      %add3A_498 = arith.addf %add3A_495, %mul3A_497 : vector<16xf32>
      %broadcast_in_dim3A_499 = vector.shape_cast %xor3A_74 : vector<16xi32> to vector<16x1xi32>
      %gather3A_500 = vector.shape_cast %broadcast_in_dim3A_499 : vector<16x1xi32> to vector<16xi32>
      %gather3A_501 = tpu.dynamic_gather %add3A_498[%gather3A_500] in [0] : vector<16xf32>, vector<16xi32> -> vector<16xf32>
      %min3A_502 = arith.minimumf %add3A_498, %gather3A_501 : vector<16xf32>
      %broadcast_in_dim3A_503 = vector.shape_cast %xor3A_77 : vector<16xi32> to vector<16x1xi32>
      %gather3A_504 = vector.shape_cast %broadcast_in_dim3A_503 : vector<16x1xi32> to vector<16xi32>
      %gather3A_505 = tpu.dynamic_gather %min3A_502[%gather3A_504] in [0] : vector<16xf32>, vector<16xi32> -> vector<16xf32>
      %min3A_506 = arith.minimumf %min3A_502, %gather3A_505 : vector<16xf32>
      %broadcast_in_dim3A_507 = vector.shape_cast %xor3A_80 : vector<16xi32> to vector<16x1xi32>
      %gather3A_508 = vector.shape_cast %broadcast_in_dim3A_507 : vector<16x1xi32> to vector<16xi32>
      %gather3A_509 = tpu.dynamic_gather %min3A_506[%gather3A_508] in [0] : vector<16xf32>, vector<16xi32> -> vector<16xf32>
      %min3A_510 = arith.minimumf %min3A_506, %gather3A_509 : vector<16xf32>
      %broadcast_in_dim3A_511 = vector.shape_cast %xor3A_83 : vector<16xi32> to vector<16x1xi32>
      %gather3A_512 = vector.shape_cast %broadcast_in_dim3A_511 : vector<16x1xi32> to vector<16xi32>
      %gather3A_513 = tpu.dynamic_gather %min3A_510[%gather3A_512] in [0] : vector<16xf32>, vector<16xi32> -> vector<16xf32>
      %min3A_514 = arith.minimumf %min3A_510, %gather3A_513 : vector<16xf32>
      %sub3A_515 = arith.subf %add3A_498, %min3A_514 : vector<16xf32>
      %sign3A_516 = tpu.bitcast %sub3A_515 : vector<16xf32> -> vector<16xi32>
      %sign3A_517 = arith.constant -2147483648 : i32
      %sign3A_518 = vector.broadcast %sign3A_517 : i32 to vector<16xi32>
      %sign3A_519 = arith.andi %sign3A_516, %sign3A_518 : vector<16xi32>
      %sign3A_520 = arith.constant 1065353216 : i32
      %sign3A_521 = vector.broadcast %sign3A_520 : i32 to vector<16xi32>
      %sign3A_522 = arith.ori %sign3A_521, %sign3A_519 : vector<16xi32>
      %sign3A_523 = tpu.bitcast %sign3A_522 : vector<16xi32> -> vector<16xf32>
      %sign3A_524 = math.absf %sub3A_515 : vector<16xf32>
      %sign3A_525 = arith.constant 0.000000e+00 : f32
      %sign3A_526 = vector.broadcast %sign3A_525 : f32 to vector<16xf32>
      %sign3A_527 = arith.cmpf ogt, %sign3A_524, %sign3A_526 : vector<16xf32>
      %sign3A_528 = arith.select %sign3A_527, %sign3A_523, %sub3A_515 : vector<16xi1>, vector<16xf32>
      %sub3A_529 = arith.constant 1.000000e+00 : f32
      %sub3A_530 = vector.broadcast %sub3A_529 : f32 to vector<16xf32>
      %sub3A_531 = arith.subf %sub3A_530, %sign3A_528 : vector<16xf32>
      %mul3A_532 = vector.broadcast %add3A_304 : f32 to vector<16xf32>
      %mul3A_533 = arith.mulf %sub3A_531, %mul3A_532 : vector<16xf32>
      %add3A_534 = arith.addf %add3A_485, %mul3A_533 : vector<16xf32>
      %add3A_535 = arith.addf %abs3A_406, %abs3A_426 : vector<16xf32>
      %mul3A_536 = arith.constant 1.000000e+01 : f32
      %mul3A_537 = vector.broadcast %mul3A_536 : f32 to vector<16xf32>
      %mul3A_538 = arith.mulf %mul3A_537, %add3A_535 : vector<16xf32>
      %add3A_539 = arith.addf %get3A_172, %mul3A_538 : vector<16xf32>
      %mul3A_540 = arith.mulf %mul3A_533, %add3A_539 : vector<16xf32>
      %add3A_541 = arith.addf %add3A_492, %mul3A_540 : vector<16xf32>
      %add3A_542 = arith.addf %add3A_494, %add3A_304 : f32
      %add3A_543 = arith.addf %mul3A_435, %mul3A_441 : vector<16xf32>
      %mul3A_544 = vector.broadcast %while3A : f32 to vector<16xf32>
      %mul3A_545 = arith.mulf %add3A_534, %mul3A_544 : vector<16xf32>
      %add3A_546 = arith.addf %add3A_543, %mul3A_545 : vector<16xf32>
      %broadcast_in_dim3A_547 = vector.shape_cast %xor3A_74 : vector<16xi32> to vector<16x1xi32>
      %gather3A_548 = vector.shape_cast %broadcast_in_dim3A_547 : vector<16x1xi32> to vector<16xi32>
      %gather3A_549 = tpu.dynamic_gather %add3A_546[%gather3A_548] in [0] : vector<16xf32>, vector<16xi32> -> vector<16xf32>
      %min3A_550 = arith.minimumf %add3A_546, %gather3A_549 : vector<16xf32>
      %broadcast_in_dim3A_551 = vector.shape_cast %xor3A_77 : vector<16xi32> to vector<16x1xi32>
      %gather3A_552 = vector.shape_cast %broadcast_in_dim3A_551 : vector<16x1xi32> to vector<16xi32>
      %gather3A_553 = tpu.dynamic_gather %min3A_550[%gather3A_552] in [0] : vector<16xf32>, vector<16xi32> -> vector<16xf32>
      %min3A_554 = arith.minimumf %min3A_550, %gather3A_553 : vector<16xf32>
      %broadcast_in_dim3A_555 = vector.shape_cast %xor3A_80 : vector<16xi32> to vector<16x1xi32>
      %gather3A_556 = vector.shape_cast %broadcast_in_dim3A_555 : vector<16x1xi32> to vector<16xi32>
      %gather3A_557 = tpu.dynamic_gather %min3A_554[%gather3A_556] in [0] : vector<16xf32>, vector<16xi32> -> vector<16xf32>
      %min3A_558 = arith.minimumf %min3A_554, %gather3A_557 : vector<16xf32>
      %broadcast_in_dim3A_559 = vector.shape_cast %xor3A_83 : vector<16xi32> to vector<16x1xi32>
      %gather3A_560 = vector.shape_cast %broadcast_in_dim3A_559 : vector<16x1xi32> to vector<16xi32>
      %gather3A_561 = tpu.dynamic_gather %min3A_558[%gather3A_560] in [0] : vector<16xf32>, vector<16xi32> -> vector<16xf32>
      %min3A_562 = arith.minimumf %min3A_558, %gather3A_561 : vector<16xf32>
      %sub3A_563 = arith.subf %add3A_546, %min3A_562 : vector<16xf32>
      %sign3A_564 = tpu.bitcast %sub3A_563 : vector<16xf32> -> vector<16xi32>
      %sign3A_565 = arith.constant -2147483648 : i32
      %sign3A_566 = vector.broadcast %sign3A_565 : i32 to vector<16xi32>
      %sign3A_567 = arith.andi %sign3A_564, %sign3A_566 : vector<16xi32>
      %sign3A_568 = arith.constant 1065353216 : i32
      %sign3A_569 = vector.broadcast %sign3A_568 : i32 to vector<16xi32>
      %sign3A_570 = arith.ori %sign3A_569, %sign3A_567 : vector<16xi32>
      %sign3A_571 = tpu.bitcast %sign3A_570 : vector<16xi32> -> vector<16xf32>
      %sign3A_572 = math.absf %sub3A_563 : vector<16xf32>
      %sign3A_573 = arith.constant 0.000000e+00 : f32
      %sign3A_574 = vector.broadcast %sign3A_573 : f32 to vector<16xf32>
      %sign3A_575 = arith.cmpf ogt, %sign3A_572, %sign3A_574 : vector<16xf32>
      %sign3A_576 = arith.select %sign3A_575, %sign3A_571, %sub3A_563 : vector<16xi1>, vector<16xf32>
      %sub3A_577 = arith.constant 1.000000e+00 : f32
      %sub3A_578 = vector.broadcast %sub3A_577 : f32 to vector<16xf32>
      %sub3A_579 = arith.subf %sub3A_578, %sign3A_576 : vector<16xf32>
      %mul3A_580 = vector.broadcast %add3A_311 : f32 to vector<16xf32>
      %mul3A_581 = arith.mulf %sub3A_579, %mul3A_580 : vector<16xf32>
      %add3A_582 = arith.addf %add3A_534, %mul3A_581 : vector<16xf32>
      %add3A_583 = arith.addf %abs3A_406, %abs3A_430 : vector<16xf32>
      %mul3A_584 = arith.constant 1.000000e+01 : f32
      %mul3A_585 = vector.broadcast %mul3A_584 : f32 to vector<16xf32>
      %mul3A_586 = arith.mulf %mul3A_585, %add3A_583 : vector<16xf32>
      %add3A_587 = arith.addf %get3A_172, %mul3A_586 : vector<16xf32>
      %mul3A_588 = arith.mulf %mul3A_581, %add3A_587 : vector<16xf32>
      %add3A_589 = arith.addf %add3A_541, %mul3A_588 : vector<16xf32>
      %add3A_590 = arith.addf %add3A_542, %add3A_311 : f32
      %add3A_591 = arith.addf %mul3A_435, %mul3A_442 : vector<16xf32>
      %mul3A_592 = vector.broadcast %while3A : f32 to vector<16xf32>
      %mul3A_593 = arith.mulf %add3A_582, %mul3A_592 : vector<16xf32>
      %add3A_594 = arith.addf %add3A_591, %mul3A_593 : vector<16xf32>
      %broadcast_in_dim3A_595 = vector.shape_cast %xor3A_74 : vector<16xi32> to vector<16x1xi32>
      %gather3A_596 = vector.shape_cast %broadcast_in_dim3A_595 : vector<16x1xi32> to vector<16xi32>
      %gather3A_597 = tpu.dynamic_gather %add3A_594[%gather3A_596] in [0] : vector<16xf32>, vector<16xi32> -> vector<16xf32>
      %min3A_598 = arith.minimumf %add3A_594, %gather3A_597 : vector<16xf32>
      %broadcast_in_dim3A_599 = vector.shape_cast %xor3A_77 : vector<16xi32> to vector<16x1xi32>
      %gather3A_600 = vector.shape_cast %broadcast_in_dim3A_599 : vector<16x1xi32> to vector<16xi32>
      %gather3A_601 = tpu.dynamic_gather %min3A_598[%gather3A_600] in [0] : vector<16xf32>, vector<16xi32> -> vector<16xf32>
      %min3A_602 = arith.minimumf %min3A_598, %gather3A_601 : vector<16xf32>
      %broadcast_in_dim3A_603 = vector.shape_cast %xor3A_80 : vector<16xi32> to vector<16x1xi32>
      %gather3A_604 = vector.shape_cast %broadcast_in_dim3A_603 : vector<16x1xi32> to vector<16xi32>
      %gather3A_605 = tpu.dynamic_gather %min3A_602[%gather3A_604] in [0] : vector<16xf32>, vector<16xi32> -> vector<16xf32>
      %min3A_606 = arith.minimumf %min3A_602, %gather3A_605 : vector<16xf32>
      %broadcast_in_dim3A_607 = vector.shape_cast %xor3A_83 : vector<16xi32> to vector<16x1xi32>
      %gather3A_608 = vector.shape_cast %broadcast_in_dim3A_607 : vector<16x1xi32> to vector<16xi32>
      %gather3A_609 = tpu.dynamic_gather %min3A_606[%gather3A_608] in [0] : vector<16xf32>, vector<16xi32> -> vector<16xf32>
      %min3A_610 = arith.minimumf %min3A_606, %gather3A_609 : vector<16xf32>
      %sub3A_611 = arith.subf %add3A_594, %min3A_610 : vector<16xf32>
      %sign3A_612 = tpu.bitcast %sub3A_611 : vector<16xf32> -> vector<16xi32>
      %sign3A_613 = arith.constant -2147483648 : i32
      %sign3A_614 = vector.broadcast %sign3A_613 : i32 to vector<16xi32>
      %sign3A_615 = arith.andi %sign3A_612, %sign3A_614 : vector<16xi32>
      %sign3A_616 = arith.constant 1065353216 : i32
      %sign3A_617 = vector.broadcast %sign3A_616 : i32 to vector<16xi32>
      %sign3A_618 = arith.ori %sign3A_617, %sign3A_615 : vector<16xi32>
      %sign3A_619 = tpu.bitcast %sign3A_618 : vector<16xi32> -> vector<16xf32>
      %sign3A_620 = math.absf %sub3A_611 : vector<16xf32>
      %sign3A_621 = arith.constant 0.000000e+00 : f32
      %sign3A_622 = vector.broadcast %sign3A_621 : f32 to vector<16xf32>
      %sign3A_623 = arith.cmpf ogt, %sign3A_620, %sign3A_622 : vector<16xf32>
      %sign3A_624 = arith.select %sign3A_623, %sign3A_619, %sub3A_611 : vector<16xi1>, vector<16xf32>
      %sub3A_625 = arith.constant 1.000000e+00 : f32
      %sub3A_626 = vector.broadcast %sub3A_625 : f32 to vector<16xf32>
      %sub3A_627 = arith.subf %sub3A_626, %sign3A_624 : vector<16xf32>
      %mul3A_628 = vector.broadcast %add3A_318 : f32 to vector<16xf32>
      %mul3A_629 = arith.mulf %sub3A_627, %mul3A_628 : vector<16xf32>
      %add3A_630 = arith.addf %add3A_582, %mul3A_629 : vector<16xf32>
      %add3A_631 = arith.addf %abs3A_406, %abs3A_434 : vector<16xf32>
      %mul3A_632 = arith.constant 1.000000e+01 : f32
      %mul3A_633 = vector.broadcast %mul3A_632 : f32 to vector<16xf32>
      %mul3A_634 = arith.mulf %mul3A_633, %add3A_631 : vector<16xf32>
      %add3A_635 = arith.addf %get3A_172, %mul3A_634 : vector<16xf32>
      %mul3A_636 = arith.mulf %mul3A_629, %add3A_635 : vector<16xf32>
      %add3A_637 = arith.addf %add3A_589, %mul3A_636 : vector<16xf32>
      %add3A_638 = arith.addf %add3A_590, %add3A_318 : f32
      %add3A_639 = arith.addf %mul3A_436, %mul3A_439 : vector<16xf32>
      %mul3A_640 = vector.broadcast %while3A : f32 to vector<16xf32>
      %mul3A_641 = arith.mulf %add3A_630, %mul3A_640 : vector<16xf32>
      %add3A_642 = arith.addf %add3A_639, %mul3A_641 : vector<16xf32>
      %broadcast_in_dim3A_643 = vector.shape_cast %xor3A_74 : vector<16xi32> to vector<16x1xi32>
      %gather3A_644 = vector.shape_cast %broadcast_in_dim3A_643 : vector<16x1xi32> to vector<16xi32>
      %gather3A_645 = tpu.dynamic_gather %add3A_642[%gather3A_644] in [0] : vector<16xf32>, vector<16xi32> -> vector<16xf32>
      %min3A_646 = arith.minimumf %add3A_642, %gather3A_645 : vector<16xf32>
      %broadcast_in_dim3A_647 = vector.shape_cast %xor3A_77 : vector<16xi32> to vector<16x1xi32>
      %gather3A_648 = vector.shape_cast %broadcast_in_dim3A_647 : vector<16x1xi32> to vector<16xi32>
      %gather3A_649 = tpu.dynamic_gather %min3A_646[%gather3A_648] in [0] : vector<16xf32>, vector<16xi32> -> vector<16xf32>
      %min3A_650 = arith.minimumf %min3A_646, %gather3A_649 : vector<16xf32>
      %broadcast_in_dim3A_651 = vector.shape_cast %xor3A_80 : vector<16xi32> to vector<16x1xi32>
      %gather3A_652 = vector.shape_cast %broadcast_in_dim3A_651 : vector<16x1xi32> to vector<16xi32>
      %gather3A_653 = tpu.dynamic_gather %min3A_650[%gather3A_652] in [0] : vector<16xf32>, vector<16xi32> -> vector<16xf32>
      %min3A_654 = arith.minimumf %min3A_650, %gather3A_653 : vector<16xf32>
      %broadcast_in_dim3A_655 = vector.shape_cast %xor3A_83 : vector<16xi32> to vector<16x1xi32>
      %gather3A_656 = vector.shape_cast %broadcast_in_dim3A_655 : vector<16x1xi32> to vector<16xi32>
      %gather3A_657 = tpu.dynamic_gather %min3A_654[%gather3A_656] in [0] : vector<16xf32>, vector<16xi32> -> vector<16xf32>
      %min3A_658 = arith.minimumf %min3A_654, %gather3A_657 : vector<16xf32>
      %sub3A_659 = arith.subf %add3A_642, %min3A_658 : vector<16xf32>
      %sign3A_660 = tpu.bitcast %sub3A_659 : vector<16xf32> -> vector<16xi32>
      %sign3A_661 = arith.constant -2147483648 : i32
      %sign3A_662 = vector.broadcast %sign3A_661 : i32 to vector<16xi32>
      %sign3A_663 = arith.andi %sign3A_660, %sign3A_662 : vector<16xi32>
      %sign3A_664 = arith.constant 1065353216 : i32
      %sign3A_665 = vector.broadcast %sign3A_664 : i32 to vector<16xi32>
      %sign3A_666 = arith.ori %sign3A_665, %sign3A_663 : vector<16xi32>
      %sign3A_667 = tpu.bitcast %sign3A_666 : vector<16xi32> -> vector<16xf32>
      %sign3A_668 = math.absf %sub3A_659 : vector<16xf32>
      %sign3A_669 = arith.constant 0.000000e+00 : f32
      %sign3A_670 = vector.broadcast %sign3A_669 : f32 to vector<16xf32>
      %sign3A_671 = arith.cmpf ogt, %sign3A_668, %sign3A_670 : vector<16xf32>
      %sign3A_672 = arith.select %sign3A_671, %sign3A_667, %sub3A_659 : vector<16xi1>, vector<16xf32>
      %sub3A_673 = arith.constant 1.000000e+00 : f32
      %sub3A_674 = vector.broadcast %sub3A_673 : f32 to vector<16xf32>
      %sub3A_675 = arith.subf %sub3A_674, %sign3A_672 : vector<16xf32>
      %mul3A_676 = vector.broadcast %add3A_325 : f32 to vector<16xf32>
      %mul3A_677 = arith.mulf %sub3A_675, %mul3A_676 : vector<16xf32>
      %add3A_678 = arith.addf %add3A_630, %mul3A_677 : vector<16xf32>
      %add3A_679 = arith.addf %abs3A_410, %abs3A_422 : vector<16xf32>
      %mul3A_680 = arith.constant 1.000000e+01 : f32
      %mul3A_681 = vector.broadcast %mul3A_680 : f32 to vector<16xf32>
      %mul3A_682 = arith.mulf %mul3A_681, %add3A_679 : vector<16xf32>
      %add3A_683 = arith.addf %get3A_172, %mul3A_682 : vector<16xf32>
      %mul3A_684 = arith.mulf %mul3A_677, %add3A_683 : vector<16xf32>
      %add3A_685 = arith.addf %add3A_637, %mul3A_684 : vector<16xf32>
      %add3A_686 = arith.addf %add3A_638, %add3A_325 : f32
      %add3A_687 = arith.addf %mul3A_436, %mul3A_440 : vector<16xf32>
      %mul3A_688 = vector.broadcast %while3A : f32 to vector<16xf32>
      %mul3A_689 = arith.mulf %add3A_678, %mul3A_688 : vector<16xf32>
      %add3A_690 = arith.addf %add3A_687, %mul3A_689 : vector<16xf32>
      %broadcast_in_dim3A_691 = vector.shape_cast %xor3A_74 : vector<16xi32> to vector<16x1xi32>
      %gather3A_692 = vector.shape_cast %broadcast_in_dim3A_691 : vector<16x1xi32> to vector<16xi32>
      %gather3A_693 = tpu.dynamic_gather %add3A_690[%gather3A_692] in [0] : vector<16xf32>, vector<16xi32> -> vector<16xf32>
      %min3A_694 = arith.minimumf %add3A_690, %gather3A_693 : vector<16xf32>
      %broadcast_in_dim3A_695 = vector.shape_cast %xor3A_77 : vector<16xi32> to vector<16x1xi32>
      %gather3A_696 = vector.shape_cast %broadcast_in_dim3A_695 : vector<16x1xi32> to vector<16xi32>
      %gather3A_697 = tpu.dynamic_gather %min3A_694[%gather3A_696] in [0] : vector<16xf32>, vector<16xi32> -> vector<16xf32>
      %min3A_698 = arith.minimumf %min3A_694, %gather3A_697 : vector<16xf32>
      %broadcast_in_dim3A_699 = vector.shape_cast %xor3A_80 : vector<16xi32> to vector<16x1xi32>
      %gather3A_700 = vector.shape_cast %broadcast_in_dim3A_699 : vector<16x1xi32> to vector<16xi32>
      %gather3A_701 = tpu.dynamic_gather %min3A_698[%gather3A_700] in [0] : vector<16xf32>, vector<16xi32> -> vector<16xf32>
      %min3A_702 = arith.minimumf %min3A_698, %gather3A_701 : vector<16xf32>
      %broadcast_in_dim3A_703 = vector.shape_cast %xor3A_83 : vector<16xi32> to vector<16x1xi32>
      %gather3A_704 = vector.shape_cast %broadcast_in_dim3A_703 : vector<16x1xi32> to vector<16xi32>
      %gather3A_705 = tpu.dynamic_gather %min3A_702[%gather3A_704] in [0] : vector<16xf32>, vector<16xi32> -> vector<16xf32>
      %min3A_706 = arith.minimumf %min3A_702, %gather3A_705 : vector<16xf32>
      %sub3A_707 = arith.subf %add3A_690, %min3A_706 : vector<16xf32>
      %sign3A_708 = tpu.bitcast %sub3A_707 : vector<16xf32> -> vector<16xi32>
      %sign3A_709 = arith.constant -2147483648 : i32
      %sign3A_710 = vector.broadcast %sign3A_709 : i32 to vector<16xi32>
      %sign3A_711 = arith.andi %sign3A_708, %sign3A_710 : vector<16xi32>
      %sign3A_712 = arith.constant 1065353216 : i32
      %sign3A_713 = vector.broadcast %sign3A_712 : i32 to vector<16xi32>
      %sign3A_714 = arith.ori %sign3A_713, %sign3A_711 : vector<16xi32>
      %sign3A_715 = tpu.bitcast %sign3A_714 : vector<16xi32> -> vector<16xf32>
      %sign3A_716 = math.absf %sub3A_707 : vector<16xf32>
      %sign3A_717 = arith.constant 0.000000e+00 : f32
      %sign3A_718 = vector.broadcast %sign3A_717 : f32 to vector<16xf32>
      %sign3A_719 = arith.cmpf ogt, %sign3A_716, %sign3A_718 : vector<16xf32>
      %sign3A_720 = arith.select %sign3A_719, %sign3A_715, %sub3A_707 : vector<16xi1>, vector<16xf32>
      %sub3A_721 = arith.constant 1.000000e+00 : f32
      %sub3A_722 = vector.broadcast %sub3A_721 : f32 to vector<16xf32>
      %sub3A_723 = arith.subf %sub3A_722, %sign3A_720 : vector<16xf32>
      %mul3A_724 = vector.broadcast %add3A_332 : f32 to vector<16xf32>
      %mul3A_725 = arith.mulf %sub3A_723, %mul3A_724 : vector<16xf32>
      %add3A_726 = arith.addf %add3A_678, %mul3A_725 : vector<16xf32>
      %add3A_727 = arith.addf %abs3A_410, %abs3A_426 : vector<16xf32>
      %mul3A_728 = arith.constant 1.000000e+01 : f32
      %mul3A_729 = vector.broadcast %mul3A_728 : f32 to vector<16xf32>
      %mul3A_730 = arith.mulf %mul3A_729, %add3A_727 : vector<16xf32>
      %add3A_731 = arith.addf %get3A_172, %mul3A_730 : vector<16xf32>
      %mul3A_732 = arith.mulf %mul3A_725, %add3A_731 : vector<16xf32>
      %add3A_733 = arith.addf %add3A_685, %mul3A_732 : vector<16xf32>
      %add3A_734 = arith.addf %add3A_686, %add3A_332 : f32
      %add3A_735 = arith.addf %mul3A_436, %mul3A_441 : vector<16xf32>
      %mul3A_736 = vector.broadcast %while3A : f32 to vector<16xf32>
      %mul3A_737 = arith.mulf %add3A_726, %mul3A_736 : vector<16xf32>
      %add3A_738 = arith.addf %add3A_735, %mul3A_737 : vector<16xf32>
      %broadcast_in_dim3A_739 = vector.shape_cast %xor3A_74 : vector<16xi32> to vector<16x1xi32>
      %gather3A_740 = vector.shape_cast %broadcast_in_dim3A_739 : vector<16x1xi32> to vector<16xi32>
      %gather3A_741 = tpu.dynamic_gather %add3A_738[%gather3A_740] in [0] : vector<16xf32>, vector<16xi32> -> vector<16xf32>
      %min3A_742 = arith.minimumf %add3A_738, %gather3A_741 : vector<16xf32>
      %broadcast_in_dim3A_743 = vector.shape_cast %xor3A_77 : vector<16xi32> to vector<16x1xi32>
      %gather3A_744 = vector.shape_cast %broadcast_in_dim3A_743 : vector<16x1xi32> to vector<16xi32>
      %gather3A_745 = tpu.dynamic_gather %min3A_742[%gather3A_744] in [0] : vector<16xf32>, vector<16xi32> -> vector<16xf32>
      %min3A_746 = arith.minimumf %min3A_742, %gather3A_745 : vector<16xf32>
      %broadcast_in_dim3A_747 = vector.shape_cast %xor3A_80 : vector<16xi32> to vector<16x1xi32>
      %gather3A_748 = vector.shape_cast %broadcast_in_dim3A_747 : vector<16x1xi32> to vector<16xi32>
      %gather3A_749 = tpu.dynamic_gather %min3A_746[%gather3A_748] in [0] : vector<16xf32>, vector<16xi32> -> vector<16xf32>
      %min3A_750 = arith.minimumf %min3A_746, %gather3A_749 : vector<16xf32>
      %broadcast_in_dim3A_751 = vector.shape_cast %xor3A_83 : vector<16xi32> to vector<16x1xi32>
      %gather3A_752 = vector.shape_cast %broadcast_in_dim3A_751 : vector<16x1xi32> to vector<16xi32>
      %gather3A_753 = tpu.dynamic_gather %min3A_750[%gather3A_752] in [0] : vector<16xf32>, vector<16xi32> -> vector<16xf32>
      %min3A_754 = arith.minimumf %min3A_750, %gather3A_753 : vector<16xf32>
      %sub3A_755 = arith.subf %add3A_738, %min3A_754 : vector<16xf32>
      %sign3A_756 = tpu.bitcast %sub3A_755 : vector<16xf32> -> vector<16xi32>
      %sign3A_757 = arith.constant -2147483648 : i32
      %sign3A_758 = vector.broadcast %sign3A_757 : i32 to vector<16xi32>
      %sign3A_759 = arith.andi %sign3A_756, %sign3A_758 : vector<16xi32>
      %sign3A_760 = arith.constant 1065353216 : i32
      %sign3A_761 = vector.broadcast %sign3A_760 : i32 to vector<16xi32>
      %sign3A_762 = arith.ori %sign3A_761, %sign3A_759 : vector<16xi32>
      %sign3A_763 = tpu.bitcast %sign3A_762 : vector<16xi32> -> vector<16xf32>
      %sign3A_764 = math.absf %sub3A_755 : vector<16xf32>
      %sign3A_765 = arith.constant 0.000000e+00 : f32
      %sign3A_766 = vector.broadcast %sign3A_765 : f32 to vector<16xf32>
      %sign3A_767 = arith.cmpf ogt, %sign3A_764, %sign3A_766 : vector<16xf32>
      %sign3A_768 = arith.select %sign3A_767, %sign3A_763, %sub3A_755 : vector<16xi1>, vector<16xf32>
      %sub3A_769 = arith.constant 1.000000e+00 : f32
      %sub3A_770 = vector.broadcast %sub3A_769 : f32 to vector<16xf32>
      %sub3A_771 = arith.subf %sub3A_770, %sign3A_768 : vector<16xf32>
      %mul3A_772 = vector.broadcast %add3A_339 : f32 to vector<16xf32>
      %mul3A_773 = arith.mulf %sub3A_771, %mul3A_772 : vector<16xf32>
      %add3A_774 = arith.addf %add3A_726, %mul3A_773 : vector<16xf32>
      %add3A_775 = arith.addf %abs3A_410, %abs3A_430 : vector<16xf32>
      %mul3A_776 = arith.constant 1.000000e+01 : f32
      %mul3A_777 = vector.broadcast %mul3A_776 : f32 to vector<16xf32>
      %mul3A_778 = arith.mulf %mul3A_777, %add3A_775 : vector<16xf32>
      %add3A_779 = arith.addf %get3A_172, %mul3A_778 : vector<16xf32>
      %mul3A_780 = arith.mulf %mul3A_773, %add3A_779 : vector<16xf32>
      %add3A_781 = arith.addf %add3A_733, %mul3A_780 : vector<16xf32>
      %add3A_782 = arith.addf %add3A_734, %add3A_339 : f32
      %add3A_783 = arith.addf %mul3A_436, %mul3A_442 : vector<16xf32>
      %mul3A_784 = vector.broadcast %while3A : f32 to vector<16xf32>
      %mul3A_785 = arith.mulf %add3A_774, %mul3A_784 : vector<16xf32>
      %add3A_786 = arith.addf %add3A_783, %mul3A_785 : vector<16xf32>
      %broadcast_in_dim3A_787 = vector.shape_cast %xor3A_74 : vector<16xi32> to vector<16x1xi32>
      %gather3A_788 = vector.shape_cast %broadcast_in_dim3A_787 : vector<16x1xi32> to vector<16xi32>
      %gather3A_789 = tpu.dynamic_gather %add3A_786[%gather3A_788] in [0] : vector<16xf32>, vector<16xi32> -> vector<16xf32>
      %min3A_790 = arith.minimumf %add3A_786, %gather3A_789 : vector<16xf32>
      %broadcast_in_dim3A_791 = vector.shape_cast %xor3A_77 : vector<16xi32> to vector<16x1xi32>
      %gather3A_792 = vector.shape_cast %broadcast_in_dim3A_791 : vector<16x1xi32> to vector<16xi32>
      %gather3A_793 = tpu.dynamic_gather %min3A_790[%gather3A_792] in [0] : vector<16xf32>, vector<16xi32> -> vector<16xf32>
      %min3A_794 = arith.minimumf %min3A_790, %gather3A_793 : vector<16xf32>
      %broadcast_in_dim3A_795 = vector.shape_cast %xor3A_80 : vector<16xi32> to vector<16x1xi32>
      %gather3A_796 = vector.shape_cast %broadcast_in_dim3A_795 : vector<16x1xi32> to vector<16xi32>
      %gather3A_797 = tpu.dynamic_gather %min3A_794[%gather3A_796] in [0] : vector<16xf32>, vector<16xi32> -> vector<16xf32>
      %min3A_798 = arith.minimumf %min3A_794, %gather3A_797 : vector<16xf32>
      %broadcast_in_dim3A_799 = vector.shape_cast %xor3A_83 : vector<16xi32> to vector<16x1xi32>
      %gather3A_800 = vector.shape_cast %broadcast_in_dim3A_799 : vector<16x1xi32> to vector<16xi32>
      %gather3A_801 = tpu.dynamic_gather %min3A_798[%gather3A_800] in [0] : vector<16xf32>, vector<16xi32> -> vector<16xf32>
      %min3A_802 = arith.minimumf %min3A_798, %gather3A_801 : vector<16xf32>
      %sub3A_803 = arith.subf %add3A_786, %min3A_802 : vector<16xf32>
      %sign3A_804 = tpu.bitcast %sub3A_803 : vector<16xf32> -> vector<16xi32>
      %sign3A_805 = arith.constant -2147483648 : i32
      %sign3A_806 = vector.broadcast %sign3A_805 : i32 to vector<16xi32>
      %sign3A_807 = arith.andi %sign3A_804, %sign3A_806 : vector<16xi32>
      %sign3A_808 = arith.constant 1065353216 : i32
      %sign3A_809 = vector.broadcast %sign3A_808 : i32 to vector<16xi32>
      %sign3A_810 = arith.ori %sign3A_809, %sign3A_807 : vector<16xi32>
      %sign3A_811 = tpu.bitcast %sign3A_810 : vector<16xi32> -> vector<16xf32>
      %sign3A_812 = math.absf %sub3A_803 : vector<16xf32>
      %sign3A_813 = arith.constant 0.000000e+00 : f32
      %sign3A_814 = vector.broadcast %sign3A_813 : f32 to vector<16xf32>
      %sign3A_815 = arith.cmpf ogt, %sign3A_812, %sign3A_814 : vector<16xf32>
      %sign3A_816 = arith.select %sign3A_815, %sign3A_811, %sub3A_803 : vector<16xi1>, vector<16xf32>
      %sub3A_817 = arith.constant 1.000000e+00 : f32
      %sub3A_818 = vector.broadcast %sub3A_817 : f32 to vector<16xf32>
      %sub3A_819 = arith.subf %sub3A_818, %sign3A_816 : vector<16xf32>
      %mul3A_820 = vector.broadcast %add3A_346 : f32 to vector<16xf32>
      %mul3A_821 = arith.mulf %sub3A_819, %mul3A_820 : vector<16xf32>
      %add3A_822 = arith.addf %add3A_774, %mul3A_821 : vector<16xf32>
      %add3A_823 = arith.addf %abs3A_410, %abs3A_434 : vector<16xf32>
      %mul3A_824 = arith.constant 1.000000e+01 : f32
      %mul3A_825 = vector.broadcast %mul3A_824 : f32 to vector<16xf32>
      %mul3A_826 = arith.mulf %mul3A_825, %add3A_823 : vector<16xf32>
      %add3A_827 = arith.addf %get3A_172, %mul3A_826 : vector<16xf32>
      %mul3A_828 = arith.mulf %mul3A_821, %add3A_827 : vector<16xf32>
      %add3A_829 = arith.addf %add3A_781, %mul3A_828 : vector<16xf32>
      %add3A_830 = arith.addf %add3A_782, %add3A_346 : f32
      %add3A_831 = arith.addf %mul3A_437, %mul3A_439 : vector<16xf32>
      %mul3A_832 = vector.broadcast %while3A : f32 to vector<16xf32>
      %mul3A_833 = arith.mulf %add3A_822, %mul3A_832 : vector<16xf32>
      %add3A_834 = arith.addf %add3A_831, %mul3A_833 : vector<16xf32>
      %broadcast_in_dim3A_835 = vector.shape_cast %xor3A_74 : vector<16xi32> to vector<16x1xi32>
      %gather3A_836 = vector.shape_cast %broadcast_in_dim3A_835 : vector<16x1xi32> to vector<16xi32>
      %gather3A_837 = tpu.dynamic_gather %add3A_834[%gather3A_836] in [0] : vector<16xf32>, vector<16xi32> -> vector<16xf32>
      %min3A_838 = arith.minimumf %add3A_834, %gather3A_837 : vector<16xf32>
      %broadcast_in_dim3A_839 = vector.shape_cast %xor3A_77 : vector<16xi32> to vector<16x1xi32>
      %gather3A_840 = vector.shape_cast %broadcast_in_dim3A_839 : vector<16x1xi32> to vector<16xi32>
      %gather3A_841 = tpu.dynamic_gather %min3A_838[%gather3A_840] in [0] : vector<16xf32>, vector<16xi32> -> vector<16xf32>
      %min3A_842 = arith.minimumf %min3A_838, %gather3A_841 : vector<16xf32>
      %broadcast_in_dim3A_843 = vector.shape_cast %xor3A_80 : vector<16xi32> to vector<16x1xi32>
      %gather3A_844 = vector.shape_cast %broadcast_in_dim3A_843 : vector<16x1xi32> to vector<16xi32>
      %gather3A_845 = tpu.dynamic_gather %min3A_842[%gather3A_844] in [0] : vector<16xf32>, vector<16xi32> -> vector<16xf32>
      %min3A_846 = arith.minimumf %min3A_842, %gather3A_845 : vector<16xf32>
      %broadcast_in_dim3A_847 = vector.shape_cast %xor3A_83 : vector<16xi32> to vector<16x1xi32>
      %gather3A_848 = vector.shape_cast %broadcast_in_dim3A_847 : vector<16x1xi32> to vector<16xi32>
      %gather3A_849 = tpu.dynamic_gather %min3A_846[%gather3A_848] in [0] : vector<16xf32>, vector<16xi32> -> vector<16xf32>
      %min3A_850 = arith.minimumf %min3A_846, %gather3A_849 : vector<16xf32>
      %sub3A_851 = arith.subf %add3A_834, %min3A_850 : vector<16xf32>
      %sign3A_852 = tpu.bitcast %sub3A_851 : vector<16xf32> -> vector<16xi32>
      %sign3A_853 = arith.constant -2147483648 : i32
      %sign3A_854 = vector.broadcast %sign3A_853 : i32 to vector<16xi32>
      %sign3A_855 = arith.andi %sign3A_852, %sign3A_854 : vector<16xi32>
      %sign3A_856 = arith.constant 1065353216 : i32
      %sign3A_857 = vector.broadcast %sign3A_856 : i32 to vector<16xi32>
      %sign3A_858 = arith.ori %sign3A_857, %sign3A_855 : vector<16xi32>
      %sign3A_859 = tpu.bitcast %sign3A_858 : vector<16xi32> -> vector<16xf32>
      %sign3A_860 = math.absf %sub3A_851 : vector<16xf32>
      %sign3A_861 = arith.constant 0.000000e+00 : f32
      %sign3A_862 = vector.broadcast %sign3A_861 : f32 to vector<16xf32>
      %sign3A_863 = arith.cmpf ogt, %sign3A_860, %sign3A_862 : vector<16xf32>
      %sign3A_864 = arith.select %sign3A_863, %sign3A_859, %sub3A_851 : vector<16xi1>, vector<16xf32>
      %sub3A_865 = arith.constant 1.000000e+00 : f32
      %sub3A_866 = vector.broadcast %sub3A_865 : f32 to vector<16xf32>
      %sub3A_867 = arith.subf %sub3A_866, %sign3A_864 : vector<16xf32>
      %mul3A_868 = vector.broadcast %add3A_353 : f32 to vector<16xf32>
      %mul3A_869 = arith.mulf %sub3A_867, %mul3A_868 : vector<16xf32>
      %add3A_870 = arith.addf %add3A_822, %mul3A_869 : vector<16xf32>
      %add3A_871 = arith.addf %abs3A_414, %abs3A_422 : vector<16xf32>
      %mul3A_872 = arith.constant 1.000000e+01 : f32
      %mul3A_873 = vector.broadcast %mul3A_872 : f32 to vector<16xf32>
      %mul3A_874 = arith.mulf %mul3A_873, %add3A_871 : vector<16xf32>
      %add3A_875 = arith.addf %get3A_172, %mul3A_874 : vector<16xf32>
      %mul3A_876 = arith.mulf %mul3A_869, %add3A_875 : vector<16xf32>
      %add3A_877 = arith.addf %add3A_829, %mul3A_876 : vector<16xf32>
      %add3A_878 = arith.addf %add3A_830, %add3A_353 : f32
      %add3A_879 = arith.addf %mul3A_437, %mul3A_440 : vector<16xf32>
      %mul3A_880 = vector.broadcast %while3A : f32 to vector<16xf32>
      %mul3A_881 = arith.mulf %add3A_870, %mul3A_880 : vector<16xf32>
      %add3A_882 = arith.addf %add3A_879, %mul3A_881 : vector<16xf32>
      %broadcast_in_dim3A_883 = vector.shape_cast %xor3A_74 : vector<16xi32> to vector<16x1xi32>
      %gather3A_884 = vector.shape_cast %broadcast_in_dim3A_883 : vector<16x1xi32> to vector<16xi32>
      %gather3A_885 = tpu.dynamic_gather %add3A_882[%gather3A_884] in [0] : vector<16xf32>, vector<16xi32> -> vector<16xf32>
      %min3A_886 = arith.minimumf %add3A_882, %gather3A_885 : vector<16xf32>
      %broadcast_in_dim3A_887 = vector.shape_cast %xor3A_77 : vector<16xi32> to vector<16x1xi32>
      %gather3A_888 = vector.shape_cast %broadcast_in_dim3A_887 : vector<16x1xi32> to vector<16xi32>
      %gather3A_889 = tpu.dynamic_gather %min3A_886[%gather3A_888] in [0] : vector<16xf32>, vector<16xi32> -> vector<16xf32>
      %min3A_890 = arith.minimumf %min3A_886, %gather3A_889 : vector<16xf32>
      %broadcast_in_dim3A_891 = vector.shape_cast %xor3A_80 : vector<16xi32> to vector<16x1xi32>
      %gather3A_892 = vector.shape_cast %broadcast_in_dim3A_891 : vector<16x1xi32> to vector<16xi32>
      %gather3A_893 = tpu.dynamic_gather %min3A_890[%gather3A_892] in [0] : vector<16xf32>, vector<16xi32> -> vector<16xf32>
      %min3A_894 = arith.minimumf %min3A_890, %gather3A_893 : vector<16xf32>
      %broadcast_in_dim3A_895 = vector.shape_cast %xor3A_83 : vector<16xi32> to vector<16x1xi32>
      %gather3A_896 = vector.shape_cast %broadcast_in_dim3A_895 : vector<16x1xi32> to vector<16xi32>
      %gather3A_897 = tpu.dynamic_gather %min3A_894[%gather3A_896] in [0] : vector<16xf32>, vector<16xi32> -> vector<16xf32>
      %min3A_898 = arith.minimumf %min3A_894, %gather3A_897 : vector<16xf32>
      %sub3A_899 = arith.subf %add3A_882, %min3A_898 : vector<16xf32>
      %sign3A_900 = tpu.bitcast %sub3A_899 : vector<16xf32> -> vector<16xi32>
      %sign3A_901 = arith.constant -2147483648 : i32
      %sign3A_902 = vector.broadcast %sign3A_901 : i32 to vector<16xi32>
      %sign3A_903 = arith.andi %sign3A_900, %sign3A_902 : vector<16xi32>
      %sign3A_904 = arith.constant 1065353216 : i32
      %sign3A_905 = vector.broadcast %sign3A_904 : i32 to vector<16xi32>
      %sign3A_906 = arith.ori %sign3A_905, %sign3A_903 : vector<16xi32>
      %sign3A_907 = tpu.bitcast %sign3A_906 : vector<16xi32> -> vector<16xf32>
      %sign3A_908 = math.absf %sub3A_899 : vector<16xf32>
      %sign3A_909 = arith.constant 0.000000e+00 : f32
      %sign3A_910 = vector.broadcast %sign3A_909 : f32 to vector<16xf32>
      %sign3A_911 = arith.cmpf ogt, %sign3A_908, %sign3A_910 : vector<16xf32>
      %sign3A_912 = arith.select %sign3A_911, %sign3A_907, %sub3A_899 : vector<16xi1>, vector<16xf32>
      %sub3A_913 = arith.constant 1.000000e+00 : f32
      %sub3A_914 = vector.broadcast %sub3A_913 : f32 to vector<16xf32>
      %sub3A_915 = arith.subf %sub3A_914, %sign3A_912 : vector<16xf32>
      %mul3A_916 = vector.broadcast %add3A_360 : f32 to vector<16xf32>
      %mul3A_917 = arith.mulf %sub3A_915, %mul3A_916 : vector<16xf32>
      %add3A_918 = arith.addf %add3A_870, %mul3A_917 : vector<16xf32>
      %add3A_919 = arith.addf %abs3A_414, %abs3A_426 : vector<16xf32>
      %mul3A_920 = arith.constant 1.000000e+01 : f32
      %mul3A_921 = vector.broadcast %mul3A_920 : f32 to vector<16xf32>
      %mul3A_922 = arith.mulf %mul3A_921, %add3A_919 : vector<16xf32>
      %add3A_923 = arith.addf %get3A_172, %mul3A_922 : vector<16xf32>
      %mul3A_924 = arith.mulf %mul3A_917, %add3A_923 : vector<16xf32>
      %add3A_925 = arith.addf %add3A_877, %mul3A_924 : vector<16xf32>
      %add3A_926 = arith.addf %add3A_878, %add3A_360 : f32
      %add3A_927 = arith.addf %mul3A_437, %mul3A_441 : vector<16xf32>
      %mul3A_928 = vector.broadcast %while3A : f32 to vector<16xf32>
      %mul3A_929 = arith.mulf %add3A_918, %mul3A_928 : vector<16xf32>
      %add3A_930 = arith.addf %add3A_927, %mul3A_929 : vector<16xf32>
      %broadcast_in_dim3A_931 = vector.shape_cast %xor3A_74 : vector<16xi32> to vector<16x1xi32>
      %gather3A_932 = vector.shape_cast %broadcast_in_dim3A_931 : vector<16x1xi32> to vector<16xi32>
      %gather3A_933 = tpu.dynamic_gather %add3A_930[%gather3A_932] in [0] : vector<16xf32>, vector<16xi32> -> vector<16xf32>
      %min3A_934 = arith.minimumf %add3A_930, %gather3A_933 : vector<16xf32>
      %broadcast_in_dim3A_935 = vector.shape_cast %xor3A_77 : vector<16xi32> to vector<16x1xi32>
      %gather3A_936 = vector.shape_cast %broadcast_in_dim3A_935 : vector<16x1xi32> to vector<16xi32>
      %gather3A_937 = tpu.dynamic_gather %min3A_934[%gather3A_936] in [0] : vector<16xf32>, vector<16xi32> -> vector<16xf32>
      %min3A_938 = arith.minimumf %min3A_934, %gather3A_937 : vector<16xf32>
      %broadcast_in_dim3A_939 = vector.shape_cast %xor3A_80 : vector<16xi32> to vector<16x1xi32>
      %gather3A_940 = vector.shape_cast %broadcast_in_dim3A_939 : vector<16x1xi32> to vector<16xi32>
      %gather3A_941 = tpu.dynamic_gather %min3A_938[%gather3A_940] in [0] : vector<16xf32>, vector<16xi32> -> vector<16xf32>
      %min3A_942 = arith.minimumf %min3A_938, %gather3A_941 : vector<16xf32>
      %broadcast_in_dim3A_943 = vector.shape_cast %xor3A_83 : vector<16xi32> to vector<16x1xi32>
      %gather3A_944 = vector.shape_cast %broadcast_in_dim3A_943 : vector<16x1xi32> to vector<16xi32>
      %gather3A_945 = tpu.dynamic_gather %min3A_942[%gather3A_944] in [0] : vector<16xf32>, vector<16xi32> -> vector<16xf32>
      %min3A_946 = arith.minimumf %min3A_942, %gather3A_945 : vector<16xf32>
      %sub3A_947 = arith.subf %add3A_930, %min3A_946 : vector<16xf32>
      %sign3A_948 = tpu.bitcast %sub3A_947 : vector<16xf32> -> vector<16xi32>
      %sign3A_949 = arith.constant -2147483648 : i32
      %sign3A_950 = vector.broadcast %sign3A_949 : i32 to vector<16xi32>
      %sign3A_951 = arith.andi %sign3A_948, %sign3A_950 : vector<16xi32>
      %sign3A_952 = arith.constant 1065353216 : i32
      %sign3A_953 = vector.broadcast %sign3A_952 : i32 to vector<16xi32>
      %sign3A_954 = arith.ori %sign3A_953, %sign3A_951 : vector<16xi32>
      %sign3A_955 = tpu.bitcast %sign3A_954 : vector<16xi32> -> vector<16xf32>
      %sign3A_956 = math.absf %sub3A_947 : vector<16xf32>
      %sign3A_957 = arith.constant 0.000000e+00 : f32
      %sign3A_958 = vector.broadcast %sign3A_957 : f32 to vector<16xf32>
      %sign3A_959 = arith.cmpf ogt, %sign3A_956, %sign3A_958 : vector<16xf32>
      %sign3A_960 = arith.select %sign3A_959, %sign3A_955, %sub3A_947 : vector<16xi1>, vector<16xf32>
      %sub3A_961 = arith.constant 1.000000e+00 : f32
      %sub3A_962 = vector.broadcast %sub3A_961 : f32 to vector<16xf32>
      %sub3A_963 = arith.subf %sub3A_962, %sign3A_960 : vector<16xf32>
      %mul3A_964 = vector.broadcast %add3A_367 : f32 to vector<16xf32>
      %mul3A_965 = arith.mulf %sub3A_963, %mul3A_964 : vector<16xf32>
      %add3A_966 = arith.addf %add3A_918, %mul3A_965 : vector<16xf32>
      %add3A_967 = arith.addf %abs3A_414, %abs3A_430 : vector<16xf32>
      %mul3A_968 = arith.constant 1.000000e+01 : f32
      %mul3A_969 = vector.broadcast %mul3A_968 : f32 to vector<16xf32>
      %mul3A_970 = arith.mulf %mul3A_969, %add3A_967 : vector<16xf32>
      %add3A_971 = arith.addf %get3A_172, %mul3A_970 : vector<16xf32>
      %mul3A_972 = arith.mulf %mul3A_965, %add3A_971 : vector<16xf32>
      %add3A_973 = arith.addf %add3A_925, %mul3A_972 : vector<16xf32>
      %add3A_974 = arith.addf %add3A_926, %add3A_367 : f32
      %add3A_975 = arith.addf %mul3A_437, %mul3A_442 : vector<16xf32>
      %mul3A_976 = vector.broadcast %while3A : f32 to vector<16xf32>
      %mul3A_977 = arith.mulf %add3A_966, %mul3A_976 : vector<16xf32>
      %add3A_978 = arith.addf %add3A_975, %mul3A_977 : vector<16xf32>
      %broadcast_in_dim3A_979 = vector.shape_cast %xor3A_74 : vector<16xi32> to vector<16x1xi32>
      %gather3A_980 = vector.shape_cast %broadcast_in_dim3A_979 : vector<16x1xi32> to vector<16xi32>
      %gather3A_981 = tpu.dynamic_gather %add3A_978[%gather3A_980] in [0] : vector<16xf32>, vector<16xi32> -> vector<16xf32>
      %min3A_982 = arith.minimumf %add3A_978, %gather3A_981 : vector<16xf32>
      %broadcast_in_dim3A_983 = vector.shape_cast %xor3A_77 : vector<16xi32> to vector<16x1xi32>
      %gather3A_984 = vector.shape_cast %broadcast_in_dim3A_983 : vector<16x1xi32> to vector<16xi32>
      %gather3A_985 = tpu.dynamic_gather %min3A_982[%gather3A_984] in [0] : vector<16xf32>, vector<16xi32> -> vector<16xf32>
      %min3A_986 = arith.minimumf %min3A_982, %gather3A_985 : vector<16xf32>
      %broadcast_in_dim3A_987 = vector.shape_cast %xor3A_80 : vector<16xi32> to vector<16x1xi32>
      %gather3A_988 = vector.shape_cast %broadcast_in_dim3A_987 : vector<16x1xi32> to vector<16xi32>
      %gather3A_989 = tpu.dynamic_gather %min3A_986[%gather3A_988] in [0] : vector<16xf32>, vector<16xi32> -> vector<16xf32>
      %min3A_990 = arith.minimumf %min3A_986, %gather3A_989 : vector<16xf32>
      %broadcast_in_dim3A_991 = vector.shape_cast %xor3A_83 : vector<16xi32> to vector<16x1xi32>
      %gather3A_992 = vector.shape_cast %broadcast_in_dim3A_991 : vector<16x1xi32> to vector<16xi32>
      %gather3A_993 = tpu.dynamic_gather %min3A_990[%gather3A_992] in [0] : vector<16xf32>, vector<16xi32> -> vector<16xf32>
      %min3A_994 = arith.minimumf %min3A_990, %gather3A_993 : vector<16xf32>
      %sub3A_995 = arith.subf %add3A_978, %min3A_994 : vector<16xf32>
      %sign3A_996 = tpu.bitcast %sub3A_995 : vector<16xf32> -> vector<16xi32>
      %sign3A_997 = arith.constant -2147483648 : i32
      %sign3A_998 = vector.broadcast %sign3A_997 : i32 to vector<16xi32>
      %sign3A_999 = arith.andi %sign3A_996, %sign3A_998 : vector<16xi32>
      %sign3A_1000 = arith.constant 1065353216 : i32
      %sign3A_1001 = vector.broadcast %sign3A_1000 : i32 to vector<16xi32>
      %sign3A_1002 = arith.ori %sign3A_1001, %sign3A_999 : vector<16xi32>
      %sign3A_1003 = tpu.bitcast %sign3A_1002 : vector<16xi32> -> vector<16xf32>
      %sign3A_1004 = math.absf %sub3A_995 : vector<16xf32>
      %sign3A_1005 = arith.constant 0.000000e+00 : f32
      %sign3A_1006 = vector.broadcast %sign3A_1005 : f32 to vector<16xf32>
      %sign3A_1007 = arith.cmpf ogt, %sign3A_1004, %sign3A_1006 : vector<16xf32>
      %sign3A_1008 = arith.select %sign3A_1007, %sign3A_1003, %sub3A_995 : vector<16xi1>, vector<16xf32>
      %sub3A_1009 = arith.constant 1.000000e+00 : f32
      %sub3A_1010 = vector.broadcast %sub3A_1009 : f32 to vector<16xf32>
      %sub3A_1011 = arith.subf %sub3A_1010, %sign3A_1008 : vector<16xf32>
      %mul3A_1012 = vector.broadcast %add3A_374 : f32 to vector<16xf32>
      %mul3A_1013 = arith.mulf %sub3A_1011, %mul3A_1012 : vector<16xf32>
      %add3A_1014 = arith.addf %add3A_966, %mul3A_1013 : vector<16xf32>
      %add3A_1015 = arith.addf %abs3A_414, %abs3A_434 : vector<16xf32>
      %mul3A_1016 = arith.constant 1.000000e+01 : f32
      %mul3A_1017 = vector.broadcast %mul3A_1016 : f32 to vector<16xf32>
      %mul3A_1018 = arith.mulf %mul3A_1017, %add3A_1015 : vector<16xf32>
      %add3A_1019 = arith.addf %get3A_172, %mul3A_1018 : vector<16xf32>
      %mul3A_1020 = arith.mulf %mul3A_1013, %add3A_1019 : vector<16xf32>
      %add3A_1021 = arith.addf %add3A_973, %mul3A_1020 : vector<16xf32>
      %add3A_1022 = arith.addf %add3A_974, %add3A_374 : f32
      %add3A_1023 = arith.addf %mul3A_438, %mul3A_439 : vector<16xf32>
      %mul3A_1024 = vector.broadcast %while3A : f32 to vector<16xf32>
      %mul3A_1025 = arith.mulf %add3A_1014, %mul3A_1024 : vector<16xf32>
      %add3A_1026 = arith.addf %add3A_1023, %mul3A_1025 : vector<16xf32>
      %broadcast_in_dim3A_1027 = vector.shape_cast %xor3A_74 : vector<16xi32> to vector<16x1xi32>
      %gather3A_1028 = vector.shape_cast %broadcast_in_dim3A_1027 : vector<16x1xi32> to vector<16xi32>
      %gather3A_1029 = tpu.dynamic_gather %add3A_1026[%gather3A_1028] in [0] : vector<16xf32>, vector<16xi32> -> vector<16xf32>
      %min3A_1030 = arith.minimumf %add3A_1026, %gather3A_1029 : vector<16xf32>
      %broadcast_in_dim3A_1031 = vector.shape_cast %xor3A_77 : vector<16xi32> to vector<16x1xi32>
      %gather3A_1032 = vector.shape_cast %broadcast_in_dim3A_1031 : vector<16x1xi32> to vector<16xi32>
      %gather3A_1033 = tpu.dynamic_gather %min3A_1030[%gather3A_1032] in [0] : vector<16xf32>, vector<16xi32> -> vector<16xf32>
      %min3A_1034 = arith.minimumf %min3A_1030, %gather3A_1033 : vector<16xf32>
      %broadcast_in_dim3A_1035 = vector.shape_cast %xor3A_80 : vector<16xi32> to vector<16x1xi32>
      %gather3A_1036 = vector.shape_cast %broadcast_in_dim3A_1035 : vector<16x1xi32> to vector<16xi32>
      %gather3A_1037 = tpu.dynamic_gather %min3A_1034[%gather3A_1036] in [0] : vector<16xf32>, vector<16xi32> -> vector<16xf32>
      %min3A_1038 = arith.minimumf %min3A_1034, %gather3A_1037 : vector<16xf32>
      %broadcast_in_dim3A_1039 = vector.shape_cast %xor3A_83 : vector<16xi32> to vector<16x1xi32>
      %gather3A_1040 = vector.shape_cast %broadcast_in_dim3A_1039 : vector<16x1xi32> to vector<16xi32>
      %gather3A_1041 = tpu.dynamic_gather %min3A_1038[%gather3A_1040] in [0] : vector<16xf32>, vector<16xi32> -> vector<16xf32>
      %min3A_1042 = arith.minimumf %min3A_1038, %gather3A_1041 : vector<16xf32>
      %sub3A_1043 = arith.subf %add3A_1026, %min3A_1042 : vector<16xf32>
      %sign3A_1044 = tpu.bitcast %sub3A_1043 : vector<16xf32> -> vector<16xi32>
      %sign3A_1045 = arith.constant -2147483648 : i32
      %sign3A_1046 = vector.broadcast %sign3A_1045 : i32 to vector<16xi32>
      %sign3A_1047 = arith.andi %sign3A_1044, %sign3A_1046 : vector<16xi32>
      %sign3A_1048 = arith.constant 1065353216 : i32
      %sign3A_1049 = vector.broadcast %sign3A_1048 : i32 to vector<16xi32>
      %sign3A_1050 = arith.ori %sign3A_1049, %sign3A_1047 : vector<16xi32>
      %sign3A_1051 = tpu.bitcast %sign3A_1050 : vector<16xi32> -> vector<16xf32>
      %sign3A_1052 = math.absf %sub3A_1043 : vector<16xf32>
      %sign3A_1053 = arith.constant 0.000000e+00 : f32
      %sign3A_1054 = vector.broadcast %sign3A_1053 : f32 to vector<16xf32>
      %sign3A_1055 = arith.cmpf ogt, %sign3A_1052, %sign3A_1054 : vector<16xf32>
      %sign3A_1056 = arith.select %sign3A_1055, %sign3A_1051, %sub3A_1043 : vector<16xi1>, vector<16xf32>
      %sub3A_1057 = arith.constant 1.000000e+00 : f32
      %sub3A_1058 = vector.broadcast %sub3A_1057 : f32 to vector<16xf32>
      %sub3A_1059 = arith.subf %sub3A_1058, %sign3A_1056 : vector<16xf32>
      %mul3A_1060 = vector.broadcast %add3A_381 : f32 to vector<16xf32>
      %mul3A_1061 = arith.mulf %sub3A_1059, %mul3A_1060 : vector<16xf32>
      %add3A_1062 = arith.addf %add3A_1014, %mul3A_1061 : vector<16xf32>
      %add3A_1063 = arith.addf %abs3A_418, %abs3A_422 : vector<16xf32>
      %mul3A_1064 = arith.constant 1.000000e+01 : f32
      %mul3A_1065 = vector.broadcast %mul3A_1064 : f32 to vector<16xf32>
      %mul3A_1066 = arith.mulf %mul3A_1065, %add3A_1063 : vector<16xf32>
      %add3A_1067 = arith.addf %get3A_172, %mul3A_1066 : vector<16xf32>
      %mul3A_1068 = arith.mulf %mul3A_1061, %add3A_1067 : vector<16xf32>
      %add3A_1069 = arith.addf %add3A_1021, %mul3A_1068 : vector<16xf32>
      %add3A_1070 = arith.addf %add3A_1022, %add3A_381 : f32
      %add3A_1071 = arith.addf %mul3A_438, %mul3A_440 : vector<16xf32>
      %mul3A_1072 = vector.broadcast %while3A : f32 to vector<16xf32>
      %mul3A_1073 = arith.mulf %add3A_1062, %mul3A_1072 : vector<16xf32>
      %add3A_1074 = arith.addf %add3A_1071, %mul3A_1073 : vector<16xf32>
      %broadcast_in_dim3A_1075 = vector.shape_cast %xor3A_74 : vector<16xi32> to vector<16x1xi32>
      %gather3A_1076 = vector.shape_cast %broadcast_in_dim3A_1075 : vector<16x1xi32> to vector<16xi32>
      %gather3A_1077 = tpu.dynamic_gather %add3A_1074[%gather3A_1076] in [0] : vector<16xf32>, vector<16xi32> -> vector<16xf32>
      %min3A_1078 = arith.minimumf %add3A_1074, %gather3A_1077 : vector<16xf32>
      %broadcast_in_dim3A_1079 = vector.shape_cast %xor3A_77 : vector<16xi32> to vector<16x1xi32>
      %gather3A_1080 = vector.shape_cast %broadcast_in_dim3A_1079 : vector<16x1xi32> to vector<16xi32>
      %gather3A_1081 = tpu.dynamic_gather %min3A_1078[%gather3A_1080] in [0] : vector<16xf32>, vector<16xi32> -> vector<16xf32>
      %min3A_1082 = arith.minimumf %min3A_1078, %gather3A_1081 : vector<16xf32>
      %broadcast_in_dim3A_1083 = vector.shape_cast %xor3A_80 : vector<16xi32> to vector<16x1xi32>
      %gather3A_1084 = vector.shape_cast %broadcast_in_dim3A_1083 : vector<16x1xi32> to vector<16xi32>
      %gather3A_1085 = tpu.dynamic_gather %min3A_1082[%gather3A_1084] in [0] : vector<16xf32>, vector<16xi32> -> vector<16xf32>
      %min3A_1086 = arith.minimumf %min3A_1082, %gather3A_1085 : vector<16xf32>
      %broadcast_in_dim3A_1087 = vector.shape_cast %xor3A_83 : vector<16xi32> to vector<16x1xi32>
      %gather3A_1088 = vector.shape_cast %broadcast_in_dim3A_1087 : vector<16x1xi32> to vector<16xi32>
      %gather3A_1089 = tpu.dynamic_gather %min3A_1086[%gather3A_1088] in [0] : vector<16xf32>, vector<16xi32> -> vector<16xf32>
      %min3A_1090 = arith.minimumf %min3A_1086, %gather3A_1089 : vector<16xf32>
      %sub3A_1091 = arith.subf %add3A_1074, %min3A_1090 : vector<16xf32>
      %sign3A_1092 = tpu.bitcast %sub3A_1091 : vector<16xf32> -> vector<16xi32>
      %sign3A_1093 = arith.constant -2147483648 : i32
      %sign3A_1094 = vector.broadcast %sign3A_1093 : i32 to vector<16xi32>
      %sign3A_1095 = arith.andi %sign3A_1092, %sign3A_1094 : vector<16xi32>
      %sign3A_1096 = arith.constant 1065353216 : i32
      %sign3A_1097 = vector.broadcast %sign3A_1096 : i32 to vector<16xi32>
      %sign3A_1098 = arith.ori %sign3A_1097, %sign3A_1095 : vector<16xi32>
      %sign3A_1099 = tpu.bitcast %sign3A_1098 : vector<16xi32> -> vector<16xf32>
      %sign3A_1100 = math.absf %sub3A_1091 : vector<16xf32>
      %sign3A_1101 = arith.constant 0.000000e+00 : f32
      %sign3A_1102 = vector.broadcast %sign3A_1101 : f32 to vector<16xf32>
      %sign3A_1103 = arith.cmpf ogt, %sign3A_1100, %sign3A_1102 : vector<16xf32>
      %sign3A_1104 = arith.select %sign3A_1103, %sign3A_1099, %sub3A_1091 : vector<16xi1>, vector<16xf32>
      %sub3A_1105 = arith.constant 1.000000e+00 : f32
      %sub3A_1106 = vector.broadcast %sub3A_1105 : f32 to vector<16xf32>
      %sub3A_1107 = arith.subf %sub3A_1106, %sign3A_1104 : vector<16xf32>
      %mul3A_1108 = vector.broadcast %add3A_388 : f32 to vector<16xf32>
      %mul3A_1109 = arith.mulf %sub3A_1107, %mul3A_1108 : vector<16xf32>
      %add3A_1110 = arith.addf %add3A_1062, %mul3A_1109 : vector<16xf32>
      %add3A_1111 = arith.addf %abs3A_418, %abs3A_426 : vector<16xf32>
      %mul3A_1112 = arith.constant 1.000000e+01 : f32
      %mul3A_1113 = vector.broadcast %mul3A_1112 : f32 to vector<16xf32>
      %mul3A_1114 = arith.mulf %mul3A_1113, %add3A_1111 : vector<16xf32>
      %add3A_1115 = arith.addf %get3A_172, %mul3A_1114 : vector<16xf32>
      %mul3A_1116 = arith.mulf %mul3A_1109, %add3A_1115 : vector<16xf32>
      %add3A_1117 = arith.addf %add3A_1069, %mul3A_1116 : vector<16xf32>
      %add3A_1118 = arith.addf %add3A_1070, %add3A_388 : f32
      %add3A_1119 = arith.addf %mul3A_438, %mul3A_441 : vector<16xf32>
      %mul3A_1120 = vector.broadcast %while3A : f32 to vector<16xf32>
      %mul3A_1121 = arith.mulf %add3A_1110, %mul3A_1120 : vector<16xf32>
      %add3A_1122 = arith.addf %add3A_1119, %mul3A_1121 : vector<16xf32>
      %broadcast_in_dim3A_1123 = vector.shape_cast %xor3A_74 : vector<16xi32> to vector<16x1xi32>
      %gather3A_1124 = vector.shape_cast %broadcast_in_dim3A_1123 : vector<16x1xi32> to vector<16xi32>
      %gather3A_1125 = tpu.dynamic_gather %add3A_1122[%gather3A_1124] in [0] : vector<16xf32>, vector<16xi32> -> vector<16xf32>
      %min3A_1126 = arith.minimumf %add3A_1122, %gather3A_1125 : vector<16xf32>
      %broadcast_in_dim3A_1127 = vector.shape_cast %xor3A_77 : vector<16xi32> to vector<16x1xi32>
      %gather3A_1128 = vector.shape_cast %broadcast_in_dim3A_1127 : vector<16x1xi32> to vector<16xi32>
      %gather3A_1129 = tpu.dynamic_gather %min3A_1126[%gather3A_1128] in [0] : vector<16xf32>, vector<16xi32> -> vector<16xf32>
      %min3A_1130 = arith.minimumf %min3A_1126, %gather3A_1129 : vector<16xf32>
      %broadcast_in_dim3A_1131 = vector.shape_cast %xor3A_80 : vector<16xi32> to vector<16x1xi32>
      %gather3A_1132 = vector.shape_cast %broadcast_in_dim3A_1131 : vector<16x1xi32> to vector<16xi32>
      %gather3A_1133 = tpu.dynamic_gather %min3A_1130[%gather3A_1132] in [0] : vector<16xf32>, vector<16xi32> -> vector<16xf32>
      %min3A_1134 = arith.minimumf %min3A_1130, %gather3A_1133 : vector<16xf32>
      %broadcast_in_dim3A_1135 = vector.shape_cast %xor3A_83 : vector<16xi32> to vector<16x1xi32>
      %gather3A_1136 = vector.shape_cast %broadcast_in_dim3A_1135 : vector<16x1xi32> to vector<16xi32>
      %gather3A_1137 = tpu.dynamic_gather %min3A_1134[%gather3A_1136] in [0] : vector<16xf32>, vector<16xi32> -> vector<16xf32>
      %min3A_1138 = arith.minimumf %min3A_1134, %gather3A_1137 : vector<16xf32>
      %sub3A_1139 = arith.subf %add3A_1122, %min3A_1138 : vector<16xf32>
      %sign3A_1140 = tpu.bitcast %sub3A_1139 : vector<16xf32> -> vector<16xi32>
      %sign3A_1141 = arith.constant -2147483648 : i32
      %sign3A_1142 = vector.broadcast %sign3A_1141 : i32 to vector<16xi32>
      %sign3A_1143 = arith.andi %sign3A_1140, %sign3A_1142 : vector<16xi32>
      %sign3A_1144 = arith.constant 1065353216 : i32
      %sign3A_1145 = vector.broadcast %sign3A_1144 : i32 to vector<16xi32>
      %sign3A_1146 = arith.ori %sign3A_1145, %sign3A_1143 : vector<16xi32>
      %sign3A_1147 = tpu.bitcast %sign3A_1146 : vector<16xi32> -> vector<16xf32>
      %sign3A_1148 = math.absf %sub3A_1139 : vector<16xf32>
      %sign3A_1149 = arith.constant 0.000000e+00 : f32
      %sign3A_1150 = vector.broadcast %sign3A_1149 : f32 to vector<16xf32>
      %sign3A_1151 = arith.cmpf ogt, %sign3A_1148, %sign3A_1150 : vector<16xf32>
      %sign3A_1152 = arith.select %sign3A_1151, %sign3A_1147, %sub3A_1139 : vector<16xi1>, vector<16xf32>
      %sub3A_1153 = arith.constant 1.000000e+00 : f32
      %sub3A_1154 = vector.broadcast %sub3A_1153 : f32 to vector<16xf32>
      %sub3A_1155 = arith.subf %sub3A_1154, %sign3A_1152 : vector<16xf32>
      %mul3A_1156 = vector.broadcast %add3A_395 : f32 to vector<16xf32>
      %mul3A_1157 = arith.mulf %sub3A_1155, %mul3A_1156 : vector<16xf32>
      %add3A_1158 = arith.addf %add3A_1110, %mul3A_1157 : vector<16xf32>
      %add3A_1159 = arith.addf %abs3A_418, %abs3A_430 : vector<16xf32>
      %mul3A_1160 = arith.constant 1.000000e+01 : f32
      %mul3A_1161 = vector.broadcast %mul3A_1160 : f32 to vector<16xf32>
      %mul3A_1162 = arith.mulf %mul3A_1161, %add3A_1159 : vector<16xf32>
      %add3A_1163 = arith.addf %get3A_172, %mul3A_1162 : vector<16xf32>
      %mul3A_1164 = arith.mulf %mul3A_1157, %add3A_1163 : vector<16xf32>
      %add3A_1165 = arith.addf %add3A_1117, %mul3A_1164 : vector<16xf32>
      %add3A_1166 = arith.addf %add3A_1118, %add3A_395 : f32
      %add3A_1167 = arith.addf %mul3A_438, %mul3A_442 : vector<16xf32>
      %mul3A_1168 = vector.broadcast %while3A : f32 to vector<16xf32>
      %mul3A_1169 = arith.mulf %add3A_1158, %mul3A_1168 : vector<16xf32>
      %add3A_1170 = arith.addf %add3A_1167, %mul3A_1169 : vector<16xf32>
      %broadcast_in_dim3A_1171 = vector.shape_cast %xor3A_74 : vector<16xi32> to vector<16x1xi32>
      %gather3A_1172 = vector.shape_cast %broadcast_in_dim3A_1171 : vector<16x1xi32> to vector<16xi32>
      %gather3A_1173 = tpu.dynamic_gather %add3A_1170[%gather3A_1172] in [0] : vector<16xf32>, vector<16xi32> -> vector<16xf32>
      %min3A_1174 = arith.minimumf %add3A_1170, %gather3A_1173 : vector<16xf32>
      %broadcast_in_dim3A_1175 = vector.shape_cast %xor3A_77 : vector<16xi32> to vector<16x1xi32>
      %gather3A_1176 = vector.shape_cast %broadcast_in_dim3A_1175 : vector<16x1xi32> to vector<16xi32>
      %gather3A_1177 = tpu.dynamic_gather %min3A_1174[%gather3A_1176] in [0] : vector<16xf32>, vector<16xi32> -> vector<16xf32>
      %min3A_1178 = arith.minimumf %min3A_1174, %gather3A_1177 : vector<16xf32>
      %broadcast_in_dim3A_1179 = vector.shape_cast %xor3A_80 : vector<16xi32> to vector<16x1xi32>
      %gather3A_1180 = vector.shape_cast %broadcast_in_dim3A_1179 : vector<16x1xi32> to vector<16xi32>
      %gather3A_1181 = tpu.dynamic_gather %min3A_1178[%gather3A_1180] in [0] : vector<16xf32>, vector<16xi32> -> vector<16xf32>
      %min3A_1182 = arith.minimumf %min3A_1178, %gather3A_1181 : vector<16xf32>
      %broadcast_in_dim3A_1183 = vector.shape_cast %xor3A_83 : vector<16xi32> to vector<16x1xi32>
      %gather3A_1184 = vector.shape_cast %broadcast_in_dim3A_1183 : vector<16x1xi32> to vector<16xi32>
      %gather3A_1185 = tpu.dynamic_gather %min3A_1182[%gather3A_1184] in [0] : vector<16xf32>, vector<16xi32> -> vector<16xf32>
      %min3A_1186 = arith.minimumf %min3A_1182, %gather3A_1185 : vector<16xf32>
      %sub3A_1187 = arith.subf %add3A_1170, %min3A_1186 : vector<16xf32>
      %sign3A_1188 = tpu.bitcast %sub3A_1187 : vector<16xf32> -> vector<16xi32>
      %sign3A_1189 = arith.constant -2147483648 : i32
      %sign3A_1190 = vector.broadcast %sign3A_1189 : i32 to vector<16xi32>
      %sign3A_1191 = arith.andi %sign3A_1188, %sign3A_1190 : vector<16xi32>
      %sign3A_1192 = arith.constant 1065353216 : i32
      %sign3A_1193 = vector.broadcast %sign3A_1192 : i32 to vector<16xi32>
      %sign3A_1194 = arith.ori %sign3A_1193, %sign3A_1191 : vector<16xi32>
      %sign3A_1195 = tpu.bitcast %sign3A_1194 : vector<16xi32> -> vector<16xf32>
      %sign3A_1196 = math.absf %sub3A_1187 : vector<16xf32>
      %sign3A_1197 = arith.constant 0.000000e+00 : f32
      %sign3A_1198 = vector.broadcast %sign3A_1197 : f32 to vector<16xf32>
      %sign3A_1199 = arith.cmpf ogt, %sign3A_1196, %sign3A_1198 : vector<16xf32>
      %sign3A_1200 = arith.select %sign3A_1199, %sign3A_1195, %sub3A_1187 : vector<16xi1>, vector<16xf32>
      %sub3A_1201 = arith.constant 1.000000e+00 : f32
      %sub3A_1202 = vector.broadcast %sub3A_1201 : f32 to vector<16xf32>
      %sub3A_1203 = arith.subf %sub3A_1202, %sign3A_1200 : vector<16xf32>
      %mul3A_1204 = vector.broadcast %add3A_402 : f32 to vector<16xf32>
      %mul3A_1205 = arith.mulf %sub3A_1203, %mul3A_1204 : vector<16xf32>
      %add3A_1206 = arith.addf %add3A_1158, %mul3A_1205 : vector<16xf32>
      %add3A_1207 = arith.addf %abs3A_418, %abs3A_434 : vector<16xf32>
      %mul3A_1208 = arith.constant 1.000000e+01 : f32
      %mul3A_1209 = vector.broadcast %mul3A_1208 : f32 to vector<16xf32>
      %mul3A_1210 = arith.mulf %mul3A_1209, %add3A_1207 : vector<16xf32>
      %add3A_1211 = arith.addf %get3A_172, %mul3A_1210 : vector<16xf32>
      %mul3A_1212 = arith.mulf %mul3A_1205, %add3A_1211 : vector<16xf32>
      %add3A_1213 = arith.addf %add3A_1165, %mul3A_1212 : vector<16xf32>
      %add3A_1214 = arith.addf %add3A_1166, %add3A_402 : f32
      %add3A_1215 = arith.addf %while3A_123, %add3A_1213 : vector<16xf32>
      %add3A_1216 = arith.addf %while3A_124, %add3A_1214 : f32
      scf.yield %add3A_1215, %add3A_1216 : vector<16xf32>, f32
    }
    %swap3A = arith.constant 0 : index
    %swap3A_97 = tpu.vector_load %arg13[%swap3A] {strides = array<i32>} : memref<32xf32, #tpu.memory_space<vmem>>, vector<16xf32>,
    %swap3A_98 = vector.shape_cast %swap3A_97 : vector<16xf32> to vector<16xf32>
    %swap3A_99 = vector.shape_cast %while3A_96#0 : vector<16xf32> to vector<16xf32>
    tpu.vector_store %arg13[%swap3A], %swap3A_99 {strides = array<i32>} : memref<32xf32, #tpu.memory_space<vmem>>, vector<16xf32>,
    %sign3A_100 = tpu.bitcast %convert_element_type3A : vector<16xf32> -> vector<16xi32>
    %sign3A_101 = arith.constant -2147483648 : i32
    %sign3A_102 = vector.broadcast %sign3A_101 : i32 to vector<16xi32>
    %sign3A_103 = arith.andi %sign3A_100, %sign3A_102 : vector<16xi32>
    %sign3A_104 = arith.constant 1065353216 : i32
    %sign3A_105 = vector.broadcast %sign3A_104 : i32 to vector<16xi32>
    %sign3A_106 = arith.ori %sign3A_105, %sign3A_103 : vector<16xi32>
    %sign3A_107 = tpu.bitcast %sign3A_106 : vector<16xi32> -> vector<16xf32>
    %sign3A_108 = math.absf %convert_element_type3A : vector<16xf32>
    %sign3A_109 = arith.constant 0.000000e+00 : f32
    %sign3A_110 = vector.broadcast %sign3A_109 : f32 to vector<16xf32>
    %sign3A_111 = arith.cmpf ogt, %sign3A_108, %sign3A_110 : vector<16xf32>
    %sign3A_112 = arith.select %sign3A_111, %sign3A_107, %convert_element_type3A : vector<16xi1>, vector<16xf32>
    %abs3A = math.absf %sign3A_112 : vector<16xf32>
    %sub3A_113 = arith.constant 1.000000e+00 : f32
    %sub3A_114 = vector.broadcast %sub3A_113 : f32 to vector<16xf32>
    %sub3A_115 = arith.subf %sub3A_114, %abs3A : vector<16xf32>
    %mul3A_116 = vector.broadcast %while3A_96#1 : f32 to vector<16xf32>
    %mul3A_117 = arith.mulf %sub3A_115, %mul3A_116 : vector<16xf32>
    %swap3A_118 = arith.constant 16 : index
    %swap3A_119 = tpu.vector_load %arg13[%swap3A_118] {strides = array<i32>} : memref<32xf32, #tpu.memory_space<vmem>>, vector<16xf32>,
    %swap3A_120 = vector.shape_cast %swap3A_119 : vector<16xf32> to vector<16xf32>
    %swap3A_121 = vector.shape_cast %mul3A_117 : vector<16xf32> to vector<16xf32>
    tpu.vector_store %arg13[%swap3A_118], %swap3A_121 {strides = array<i32>} : memref<32xf32, #tpu.memory_space<vmem>>, vector<16xf32>,
    "tpu.region"() ({
      %run_scoped3A = tpu.sem_alloc : memref<!tpu.dma_semaphore, #tpu.memory_space<semaphore_mem>>
      %dma_start3A = arith.constant 0 : i32
      %dma_start3A_122 = tpu.memref_slice %arg7[%add3A, %dma_start3A] : memref<32x32xf32, #tpu.memory_space<hbm>> -> memref<1x32xf32, #tpu.memory_space<hbm>>
      %dma_start3A_123 = tpu.memref_squeeze %dma_start3A_122 : memref<1x32xf32, #tpu.memory_space<hbm>> -> memref<32xf32, #tpu.memory_space<hbm>>
      %dma_start3A_124 = arith.constant 0 : i32
      %dma_start3A_125 = tpu.memref_slice %arg7[%add3A, %dma_start3A_124] : memref<32x32xf32, #tpu.memory_space<hbm>> -> memref<1x32xf32, #tpu.memory_space<hbm>>
      %dma_start3A_126 = tpu.memref_squeeze %dma_start3A_125 : memref<1x32xf32, #tpu.memory_space<hbm>> -> memref<32xf32, #tpu.memory_space<hbm>>
      tpu.enqueue_dma source(%arg13 : memref<32xf32, #tpu.memory_space<vmem>>) target(%dma_start3A_126 : memref<32xf32, #tpu.memory_space<hbm>>) target_semaphore(%run_scoped3A : memref<!tpu.dma_semaphore, #tpu.memory_space<semaphore_mem>>)
      %dma_wait3A = arith.constant 0 : i32
      %dma_wait3A_127 = tpu.memref_slice %arg7[%add3A, %dma_wait3A] : memref<32x32xf32, #tpu.memory_space<hbm>> -> memref<1x32xf32, #tpu.memory_space<hbm>>
      %dma_wait3A_128 = tpu.memref_squeeze %dma_wait3A_127 : memref<1x32xf32, #tpu.memory_space<hbm>> -> memref<32xf32, #tpu.memory_space<hbm>>
      %dma_wait3A_129 = arith.constant 0 : i32
      %dma_wait3A_130 = tpu.memref_slice %arg7[%add3A, %dma_wait3A_129] : memref<32x32xf32, #tpu.memory_space<hbm>> -> memref<1x32xf32, #tpu.memory_space<hbm>>
      %dma_wait3A_131 = tpu.memref_squeeze %dma_wait3A_130 : memref<1x32xf32, #tpu.memory_space<hbm>> -> memref<32xf32, #tpu.memory_space<hbm>>
      tpu.wait_dma2 semaphore(%run_scoped3A : memref<!tpu.dma_semaphore, #tpu.memory_space<semaphore_mem>>) src(%arg13 : memref<32xf32, #tpu.memory_space<vmem>>) dst(%dma_wait3A_131 : memref<32xf32, #tpu.memory_space<hbm>>)
      tpu.yield
    }) : () -> ()
    return
  }
}

module attributes {stable_mosaic.version = 14 : i64} {
  func.func @_dense_body(%arg0: i32, %arg1: memref<1000x128xf32, #tpu.memory_space<vmem>>, %arg2: memref<1000x128xf32, #tpu.memory_space<vmem>>, %arg3: memref<1000x128xf32, #tpu.memory_space<vmem>>, %arg4: memref<1x1xf32, #tpu.memory_space<smem>>) attributes {dimension_semantics = [#tpu.dimension_semantics<arbitrary>], iteration_bounds = array<i64: 5>, scalar_prefetch = 0 : i64, scratch_operands = 0 : i64, tpu.core_type = #tpu.core_type<tc>, window_params = [{transform_indices = @transform_0, window_bounds = array<i64: 1000, 128>}, {transform_indices = @transform_1, window_bounds = array<i64: 1000, 128>}, {transform_indices = @transform_2, window_bounds = array<i64: 1000, 128>}, {transform_indices = @transform_3, window_bounds = array<i64: 1, 1>}]} {
    %get3A = arith.constant 0 : index
    %get3A_0 = arith.constant 0 : index
    %get3A_1 = vector.load %arg1[%get3A, %get3A_0] : memref<1000x128xf32, #tpu.memory_space<vmem>>, vector<1000x128xf32>
    %logistic3A = arith.negf %get3A_1 : vector<1000x128xf32>
    %logistic3A_2 = math.exp %logistic3A : vector<1000x128xf32>
    %logistic3A_3 = arith.constant 1.000000e+00 : f32
    %logistic3A_4 = vector.broadcast %logistic3A_3 : f32 to vector<1000x128xf32>
    %logistic3A_5 = arith.addf %logistic3A_4, %logistic3A_2 : vector<1000x128xf32>
    %logistic3A_6 = arith.divf %logistic3A_4, %logistic3A_5 : vector<1000x128xf32>
    %max3A = arith.constant 0.000000e+00 : f32
    %max3A_7 = vector.broadcast %max3A : f32 to vector<1000x128xf32>
    %max3A_8 = arith.maximumf %get3A_1, %max3A_7 : vector<1000x128xf32>
    %abs3A = math.absf %get3A_1 : vector<1000x128xf32>
    %neg3A = arith.constant 0.000000e+00 : f32
    %neg3A_9 = vector.broadcast %neg3A : f32 to vector<1000x128xf32>
    %neg3A_10 = arith.subf %neg3A_9, %abs3A : vector<1000x128xf32>
    %exp3A = math.exp %neg3A_10 : vector<1000x128xf32>
    %log1p3A = math.log1p %exp3A : vector<1000x128xf32>
    %add3A = arith.addf %max3A_8, %log1p3A : vector<1000x128xf32>
    %mul3A = arith.constant 4.000000e-01 : f32
    %mul3A_11 = vector.broadcast %mul3A : f32 to vector<1000x128xf32>
    %mul3A_12 = arith.mulf %mul3A_11, %add3A : vector<1000x128xf32>
    %mul3A_13 = arith.mulf %mul3A_12, %logistic3A_6 : vector<1000x128xf32>
    %mul3A_14 = arith.mulf %mul3A_13, %logistic3A_6 : vector<1000x128xf32>
    %sub3A = arith.constant 1.000000e+00 : f32
    %sub3A_15 = vector.broadcast %sub3A : f32 to vector<1000x128xf32>
    %sub3A_16 = arith.subf %sub3A_15, %logistic3A_6 : vector<1000x128xf32>
    %sub3A_17 = arith.subf %add3A, %get3A_1 : vector<1000x128xf32>
    %mul3A_18 = arith.constant 6.000000e-01 : f32
    %mul3A_19 = vector.broadcast %mul3A_18 : f32 to vector<1000x128xf32>
    %mul3A_20 = arith.mulf %mul3A_19, %sub3A_17 : vector<1000x128xf32>
    %mul3A_21 = arith.mulf %mul3A_20, %sub3A_16 : vector<1000x128xf32>
    %mul3A_22 = arith.mulf %mul3A_21, %sub3A_16 : vector<1000x128xf32>
    %max3A_23 = arith.constant 0.000000e+00 : f32
    %max3A_24 = vector.broadcast %max3A_23 : f32 to vector<1000x128xf32>
    %max3A_25 = arith.maximumf %sub3A_16, %max3A_24 : vector<1000x128xf32>
    %sqrt3A = math.sqrt %max3A_25 : vector<1000x128xf32>
    %sqrt3A_26 = math.sqrt %sqrt3A : vector<1000x128xf32>
    %swap3A = arith.constant 0 : index
    %swap3A_27 = arith.constant 0 : index
    %swap3A_28 = vector.load %arg2[%swap3A, %swap3A_27] : memref<1000x128xf32, #tpu.memory_space<vmem>>, vector<1000x128xf32>
    tpu.vector_store %arg2[%swap3A, %swap3A_27], %sqrt3A_26 {strides = array<i32>} : memref<1000x128xf32, #tpu.memory_space<vmem>>, vector<1000x128xf32>,
    %sub3A_29 = arith.subf %mul3A_22, %mul3A_14 : vector<1000x128xf32>
    %swap3A_30 = arith.constant 0 : index
    %swap3A_31 = arith.constant 0 : index
    %swap3A_32 = vector.load %arg3[%swap3A_30, %swap3A_31] : memref<1000x128xf32, #tpu.memory_space<vmem>>, vector<1000x128xf32>
    tpu.vector_store %arg3[%swap3A_30, %swap3A_31], %sub3A_29 {strides = array<i32>} : memref<1000x128xf32, #tpu.memory_space<vmem>>, vector<1000x128xf32>,
    %eq3A = arith.constant 0 : i32
    %eq3A_33 = arith.cmpi eq, %arg0, %eq3A : i32
    %convert_element_type3A = arith.extui %eq3A_33 : i1 to i32
    %cond3A = arith.constant 0 : i32
    %cond3A_34 = arith.cmpi ne, %convert_element_type3A, %cond3A : i32
    scf.if %cond3A_34 {
      %swap3A_46 = arith.constant 0.000000e+00 : f32
      %swap3A_47 = arith.constant 0 : index
      %swap3A_48 = arith.constant 0 : index
      %swap3A_49 = memref.load %arg4[%swap3A_47, %swap3A_48] : memref<1x1xf32, #tpu.memory_space<smem>>
      memref.store %swap3A_46, %arg4[%swap3A_47, %swap3A_48] : memref<1x1xf32, #tpu.memory_space<smem>>
    } else {
    }
    %get3A_35 = arith.constant 0 : index
    %get3A_36 = arith.constant 0 : index
    %get3A_37 = memref.load %arg4[%get3A_35, %get3A_36] : memref<1x1xf32, #tpu.memory_space<smem>>
    %reduce_sum3A = vector.shape_cast %mul3A_14 : vector<1000x128xf32> to vector<1x1000x128xf32>
    %reduce_sum3A_38 = arith.constant dense<0.000000e+00> : vector<1xf32>
    %reduce_sum3A_39 = vector.multi_reduction <add>, %reduce_sum3A, %reduce_sum3A_38 [1, 2] : vector<1x1000x128xf32> to vector<1xf32>
    %reduce_sum3A_40 = vector.shape_cast %reduce_sum3A_39 : vector<1xf32> to vector<1x1x1xf32>
    %reduce_sum3A_41 = vector.extract %reduce_sum3A_40[0, 0, 0] : f32 from vector<1x1x1xf32>
    %add3A_42 = arith.addf %get3A_37, %reduce_sum3A_41 : f32
    %swap3A_43 = arith.constant 0 : index
    %swap3A_44 = arith.constant 0 : index
    %swap3A_45 = memref.load %arg4[%swap3A_43, %swap3A_44] : memref<1x1xf32, #tpu.memory_space<smem>>
    memref.store %add3A_42, %arg4[%swap3A_43, %swap3A_44] : memref<1x1xf32, #tpu.memory_space<smem>>
    return
  }
  func.func @transform_0(%arg0: i32) -> (i32, i32) {
    %c0_i32 = arith.constant 0 : i32
    %c0_i32_0 = arith.constant 0 : i32
    return %arg0, %c0_i32 : i32, i32
  }
  func.func @transform_1(%arg0: i32) -> (i32, i32) {
    %c0_i32 = arith.constant 0 : i32
    %c0_i32_0 = arith.constant 0 : i32
    return %arg0, %c0_i32 : i32, i32
  }
  func.func @transform_2(%arg0: i32) -> (i32, i32) {
    %c0_i32 = arith.constant 0 : i32
    %c0_i32_0 = arith.constant 0 : i32
    return %arg0, %c0_i32 : i32, i32
  }
  func.func @transform_3(%arg0: i32) -> (i32, i32) {
    %c0_i32 = arith.constant 0 : i32
    %c0_i32_0 = arith.constant 0 : i32
    %c0_i32_1 = arith.constant 0 : i32
    return %c0_i32, %c0_i32_0 : i32, i32
  }
}

</mosaic_0001>

<sc_bundles>
// kernel: kernel.4.cloned.1.call-start
scs
__scs_entry_jumppad:
0x0: {  	(pc) =	sbr.rel $0x88, $3  }
0x1: {  	(tag) =	ssettag $0x0;
	lr =	simm.s32 $0x1  }
0x2: {  	[smem:$0x3F9E] =	sst lr;
	_ =	strace $0xD0000000  }
0x3: {  	_ = 	snop  }
0x4: {  	_ = 	snop  }
0x5: {  	_ = 	snop  }
0x6: {  	_ = 	snop  }
0x7: {  	_ = 	snop  }
__scs_overlays_trampoline_lowered:
0x8: {  	[smem:$0x3FAD] =	sst s0  }
0x9: {  	[smem:$0x3FAE] =	sst s1  }
0xa: {  	[smem:$0x3FAF] =	sst s2  }
0xb: {  	[smem:$0x3FB0] =	sst s3  }
0xc: {  	[smem:$0x3FB1] =	sst s4  }
0xd: {  	[smem:$0x3FB2] =	sst s5  }
0xe: {  	[smem:$0x3FB3] =	sst s6  }
0xf: {  	[smem:$0x3FB4] =	sst s7  }
0x10: {  	[smem:$0x3FB5] =	sst s8  }
0x11: {  	[smem:$0x3FB6] =	sst s9;
	s0 =	simm.s32 @!p0 $0x0  }
0x12: {  	s1 =	sld [smem:$0x3F9C];
	s0 =	simm.s32 @p0 $0x1  }
0x13: {  	[smem:$0x3FB7] =	sst s0;
	s0 =	simm.s32 @!p1 $0x0  }
0x14: {  	s2 =	sld [smem:$0x3F9B];
	s0 =	simm.s32 @p1 $0x1  }
0x15: {  	[smem:$0x3FB8] =	sst s0;
	s0 =	simm.s32 @!p2 $0x0  }
0x16: {  	s3 =	sld [smem:$0x3FDB];
	s0 =	simm.s32 @p2 $0x1  }
0x17: {  	s4 =	simm.s32 $0x1BF5;
	[smem:$0x3FBA] =	sst s0  }
0x18: {  	s0 =	sld [smem:$0x3F9D];
	_ =	swait.ge [sflag:s4], $0x0  }
0x19: {  	s7 =	sld [smem:$0x3F9E]  }
0x1a: {  	s8 =	sadd.s32 $0xFFFFE003, lr  }
0x1b: {  	s9 =	sadd.s32 $0xFFFFFEF7, lr;
	s5 =	simm.s32 $0xFFFFFFFF;
	p2 =	slt.u32 s8, $0xFFFFF086  }
0x1c: {  	p1 =	slt.u32 s9, $0xF7A;
	s5 =	simm.s32 @!p2 $0x0  }
0x1d: {  	s5 =	simm.s32 @p1 $0x1;
	p0 =	seq.s32 s7, s2  }
0x1e: {  	s7 =	smul.u32 @!p0 $0xF7A, s2;
	p2 =	seq.s32 @!p0 s5, $0x0  }
0x1f: {  	s9 =	smul.u32 $0xF7A, s1;
	s8 =	simm.s32 @!p0 $0x1BF5;
	p2 =	por !p2, p0  }
0x20: {  	[sflag:s8] =	ssyncset.s32 @!p0 $0xFFFFF086;
	s6 =	sadd.s32 @!p0 s3, s7;
	s7 =	simm.s32 @!p0 $0x108  }
0x21: {  	s3 =	sadd.s32 s3, s9;
	s6 =	sadd.s32 @!p0 $0x88, s6;
	s7 =	simm.s32 @p2 $0x1082  }
0x22: {  	[simem:s7], [sflag:s8] =	dma.local @!p0 [hbm:s6], $0xF7A  }
0x23: {  	s9 =	sor.u32 $0xD0000000, s2;
	s6 =	simm.s32 $0x108;
	_ =	swait.ge @!p0 [sflag:s8], $0x0  }
0x24: {  	s3 =	sadd.s32 $0x88, s3;
	s6 =	simm.s32 @!p1 $0x1082;
	[sflag:s4] =	ssyncset.s32 $0xFFFFF086  }
0x25: {  	[simem:s6], [sflag:s4] =	dma.local [hbm:s3], $0xF7A  }
0x26: {  	[smem:$0x3F9E] =	sst s1;
	(tag) =	ssettag s2;
	_ =	strace s9  }
0x27: {  	s1 =	sld [smem:$0x3FAE]  }
0x28: {  	s2 =	sld [smem:$0x3FAF]  }
0x29: {  	s4 =	sld [smem:$0x3FB1]  }
0x2a: {  	p0 =	seq.s32 s5, $0x0;
	s5 =	sld [smem:$0x3FB2]  }
0x2b: {  	s6 =	sld [smem:$0x3FB3]  }
0x2c: {  	s7 =	sld [smem:$0x3FB4]  }
0x2d: {  	s3 =	simm.s32 $0x108;
	s8 =	sld [smem:$0x3FB5]  }
0x2e: {  	s3 =	simm.s32 @!p0 $0x1082;
	s9 =	sld [smem:$0x3FB6]  }
0x2f: {  	lr =	sadd.s32 s0, s3;
	s0 =	sld [smem:$0x3FAD]  }
0x30: {  	s3 =	sld [smem:$0x3FB0]  }
0x31: {  	[smem:$0x3FB9] =	sst s10  }
0x32: {  	s10 =	sld [smem:$0x3FB7];
	_ =	sdelay $0x3  }
0x33: {  	p0 =	seq.s32 s10, $0x1;
	s10 =	sld [smem:$0x3FB9];
	_ =	sdelay $0x3  }
0x34: {  	[smem:$0x3FB9] =	sst s10  }
0x35: {  	s10 =	sld [smem:$0x3FB8];
	_ =	sdelay $0x3  }
0x36: {  	p1 =	seq.s32 s10, $0x1;
	s10 =	sld [smem:$0x3FB9];
	_ =	sdelay $0x3  }
0x37: {  	[smem:$0x3FB9] =	sst s10  }
0x38: {  	s10 =	sld [smem:$0x3FBA]  }
0x39: {  	_ = 	snop;
	(pc) =	sbr.ind lr, $3  }
0x3a: {  	_ = 	snop  }
0x3b: {  	_ = 	snop  }
0x3c: {  	p2 =	seq.s32 s10, $0x1;
	s10 =	sld [smem:$0x3FB9]  }
0x3d: {  	_ =	shalt  }
0x3e: {  	_ =	shalt  }
0x3f: {  	_ =	shalt  }
0x40: {  	_ =	shalt  }
0x41: {  	_ =	shalt  }
0x42: {  	_ =	shalt  }
0x43: {  	_ =	shalt  }
0x44: {  	_ =	shalt  }
0x45: {  	_ =	shalt  }
0x46: {  	_ =	shalt  }
0x47: {  	_ =	shalt  }
0x48: {  	_ =	shalt  }
0x49: {  	_ =	shalt  }
0x4a: {  	_ =	shalt  }
0x4b: {  	_ =	shalt  }
0x4c: {  	_ =	shalt  }
0x4d: {  	_ =	shalt  }
0x4e: {  	_ =	shalt  }
0x4f: {  	_ =	shalt  }
0x50: {  	_ =	shalt  }
0x51: {  	_ =	shalt  }
0x52: {  	_ =	shalt  }
0x53: {  	_ =	shalt  }
0x54: {  	_ =	shalt  }
0x55: {  	_ =	shalt  }
0x56: {  	_ =	shalt  }
0x57: {  	_ =	shalt  }
0x58: {  	_ =	shalt  }
0x59: {  	_ =	shalt  }
0x5a: {  	_ =	shalt  }
0x5b: {  	_ =	shalt  }
0x5c: {  	_ =	shalt  }
0x5d: {  	_ =	shalt  }
0x5e: {  	_ =	shalt  }
0x5f: {  	_ =	shalt  }
0x60: {  	_ =	shalt  }
0x61: {  	_ =	shalt  }
0x62: {  	_ =	shalt  }
0x63: {  	_ =	shalt  }
0x64: {  	_ =	shalt  }
0x65: {  	_ =	shalt  }
0x66: {  	_ =	shalt  }
0x67: {  	_ =	shalt  }
0x68: {  	_ =	shalt  }
0x69: {  	_ =	shalt  }
0x6a: {  	_ =	shalt  }
0x6b: {  	_ =	shalt  }
0x6c: {  	_ =	shalt  }
0x6d: {  	_ =	shalt  }
0x6e: {  	_ =	shalt  }
0x6f: {  	_ =	shalt  }
0x70: {  	_ =	shalt  }
0x71: {  	_ =	shalt  }
0x72: {  	_ =	shalt  }
0x73: {  	_ =	shalt  }
0x74: {  	_ =	shalt  }
0x75: {  	_ =	shalt  }
0x76: {  	_ =	shalt  }
0x77: {  	_ =	shalt  }
0x78: {  	_ =	shalt  }
0x79: {  	_ =	shalt  }
0x7a: {  	_ =	shalt  }
0x7b: {  	_ =	shalt  }
0x7c: {  	_ =	shalt  }
0x7d: {  	_ =	shalt  }
0x7e: {  	_ =	shalt  }
0x7f: {  	_ =	shalt  }
0x80: {  	_ =	shalt  }
0x81: {  	_ =	shalt  }
0x82: {  	_ =	shalt  }
0x83: {  	_ =	shalt  }
0x84: {  	_ =	shalt  }
0x85: {  	_ =	shalt  }
0x86: {  	_ =	shalt  }
0x87: {  	_ =	shalt  }
.Lfunc_end0:
.L_simem_size_0:
called_computation_lowered:
.L_overlay_start_0:
0x88: {  	s2 =	sld [smem:$0x3FD9]  }
0x89: {  	s3 =	sld [smem:$0x3FFE];
	_ =	sdelay $0x1  }
0x8a: {  	s1 =	srdreg.scid  }
0x8b: {  	s0 =	sand.u32 $0x1, s1  }
0x8c: {  	s16 =	sshll.u32 s0, $0xA;
	s2 =	sadd.s32 s3, s2  }
0x8d: {  	s2 =	sadd.s32 s2, s16  }
0x8e: {  	[smem:$0x3FC5] =	sst s2  }
0x8f: {  	_ = 	snop  }
0x90: {  	(tm) =	ssettm $0x1  }
0x91: {  	s17 =	sld [smem:$0x3FFB];
	_ =	sdelay $0x3  }
0x92: {  	_ =	strace s17  }
0x93: {  	s2 =	sld [smem:$0x3FFC];
	_ =	sdelay $0x3  }
0x94: {  	_ =	strace s2  }
0x95: {  	s2 =	sld [smem:$0x3FFD];
	_ =	sdelay $0x3  }
0x96: {  	_ =	strace s2  }
0x97: {  	_ =	strace $0x8FFFFFFF  }
0x98: {  	s18 =	sld [smem:$0x3FDB];
	_ =	sdelay $0x1  }
0x99: {  	s19 =	simm.s32 $_scs_section_size  }
0x9a: {  	s4 =	simm.s32 $_size__tile_overlayer_lowered;
	s5 =	simm.s32 $_tile_overlayer_lowered  }
0x9b: {  	s22 =	simm.s32 $0x1BFF;
	s21 =	sshll.u32 s5, $0x1;
	s2 =	sadd.s32 s19, s18  }
0x9c: {  	s6 =	simm.s32 $0x0;
	s20 =	sshll.u32 s4, $0x1;
	s4 =	sadd.s32 s21, s2  }
0x9d: {  	[timem:s6], [sflag:s22] =	dma.local [hbm:s4], s20  }
0x9e: {  	_ =	swait.ge [sflag:s22], s20  }
0x9f: {  	s3 =	ssub.s32 $0x0, s20;
	[sflag:s22] =	ssyncset.done $0x0  }
0xa0: {  	[sflag:s22] =	ssyncadd.s32 s3;
	_ =	sdelay $0x1  }
0xa1: {  	s23 =	simm.s32 $0x1B8B  }
0xa2: {  	_ =	swait.ge [sflag:s23], $0x1  }
0xa3: {  	[sflag:s23] =	ssyncset.done $0x0  }
0xa4: {  	s25 =	simm.s32 $0x1B8E;
	s24 =	sld [smem:$0x3FFE];
	[sflag:s23] =	ssyncadd.s32 $0xFFFFFFFF  }
0xa5: {  	s26 =	simm.s32 $execute0_lowered;
	[smem:$0x3FD2] =	sst s25  }
0xa6: {  	s4 =	sshll.u32 s26, $0x1;
	_ =	strace $0x80000046;
	[dreg:$0x1] =	wrdreg $0xFFFFFFFF  }
0xa7: {  	s28 =	simm.s32 $_size_execute0_lowered;
	s2 =	sadd.s32 s2, s4;
	[dreg:$0x0] =	wrdreg $0x0  }
0xa8: {  	s4 =	sshll.u32 s28, $0x1;
	[dreg:$0x2] =	wrdreg s2  }
0xa9: {  	[dreg:$0x3] =	wrdreg s4  }
0xaa: {  	[dreg:$0x4] =	wrdreg $0xC0  }
0xab: {  	_ =	task [dreg:s6], $0x5FFFF  }
0xac: {  	[dreg:$0x1] =	wrdreg $0xFFFFFFFF  }
0xad: {  	[dreg:$0x0] =	wrdreg $0x60  }
0xae: {  	[dreg:$0x2] =	wrdreg s24  }
0xaf: {  	[dreg:$0x3] =	wrdreg $0x9  }
0xb0: {  	_ =	task.clear_ibuf [dreg:s6], $0x4FFFF;
	_ =	strace $0x90000046  }
0xb1: {  	s29 =	simm.s32 $0x9;
	_ =	strace $0x80000048  }
0xb2: {  	_ =	swait.ge [sflag:s29], $0x1  }
0xb3: {  	[sflag:s29] =	ssyncadd.s32 $0xFFFFFFFF  }
0xb4: {  	_ =	strace $0x90000048  }
0xb5: {  	_ =	sfence  }
0xb6: {  	s30 =	sld [smem:$0x0];
	_ =	sdelay $0x2  }
0xb7: {  	s31 =	sshll.u32 s1, $0xD;
	s1 =	sshrl.u32 s1, $0x2  }
0xb8: {  	s3 =	sand.u32 $0x4000, s31;
	s1 =	sadd.s32 s1, s30  }
0xb9: {  	s0 =	sor.u32 s3, s0;
	s1 =	sshll.u32 s1, $0x11  }
0xba: {  	s0 =	sor.u32 s1, s0  }
0xbb: {  	s0 =	sadd.s32 $0x8F2B, s0  }
0xbc: {  	[sflag:s0] =	ssyncadd.remote.s32 $0x1  }
0xbd: {  	_ =	sfence.sel $0xFFFF  }
0xbe: {  	[dreg:$0x0] =	wrdreg $0xFFFFFFFF;
	(pc) =	sbr.abs _section_cstart, $3  }
0xbf: {  	[dreg:$0x1] =	wrdreg $0xFFFFFFFF  }
0xc0: {  	_ =	task.clear_ibuf [dreg:s6], $0x2FFFF;
	_ =	strace $0x9FFFFFFF  }
0xc1: {  	(tm) =	ssettm $0x7FFFFFFF  }
tec
execute0_lowered:
.L_overlay_start_1:
0x0: {  	(tag) =	ssettag $0x1  }
0x1: {  	s0 =	srdreg.scid;
	s1 =	stileid.u32  }
0x2: {  	s0 =	sand.u32 $0x1, s0;
	s1 =	sshll.u32 s1, $0x1  }
0x3: {  	s1 =	sor.u32 s0, s1  }
0x4: {  	s2 =	smul.u32 $0x14, s1  }
0x5: {  	s3 =	smax.u32 s1, $0x11  }
0x6: {  	s2 =	ssub.s32 s2, s3  }
0x7: {  	s3 =	sadd.s32 $0x11, s2  }
0x8: {  	s6 =	sshll.u32 s3, $0x6  }
0x9: {  	s4 =	smulhi.u32 $0x51EB851F, s6;
	s5 =	sshra.s32 s6, $0x1F  }
0xa: {  	s5 =	smul.u32 $0x51EB851F, s5;
	_ =	sdelay $0x1  }
0xb: {  	s4 =	sadd.s32 s5, s4  }
0xc: {  	s5 =	sshrl.u32 s4, $0x1F;
	s4 =	sshra.s32 s4, $0x5  }
0xd: {  	s5 =	sadd.s32 s5, s4  }
0xe: {  	s7 =	smul.u32 $0xFFFFFF9C, s5  }
0xf: {  	s18 =	ssub.s32 $0x0, s6  }
0x10: {  	p0 =	slt.s32 s2, $0xFFFFFFF0;
	p1 =	sne.s32 s7, s18  }
0x11: {  	s20 =	rddreg [dreg:$0x0];
	s9 =	simm.s32 $0x0;
	p0 =	por !p0, !p1  }
0x12: {  	s0 =	ssub.s32 $0x2, s0;
	s2 =	simm.s32 $0x1;
	p0 =	por !p0, !p0  }
0x13: {  	[smem:$0x7FF] =	sst s9;
	s23 =	sshrl.u32 s0, $0x1;
	s2 =	simm.s32 @!p0 $0x0  }
0x14: {  	v0 =	vimm.s32 $0xEFCDAB89;
	v1 =	vimm.s32 $0x67452301;
	s8 =	sshll.u32 s1, $0x4;
	s0 =	ssub.s32 s0, s23;
	s2 =	ssub.s32 s5, s2  }
0x15: {  	v2 =	vimm.s32 $0xDCFE98BA;
	v3 =	vimm.s32 $0x54761032;
	[dreg:$0x5] =	wrdreg s5;
	s19 =	sand.u32 $0x8000, s2;
	s5 =	sand.u32 $0x1, s2  }
0x16: {  	v4 =	vimm.s32 $0xBA98FEDC;
	v5 =	vimm.s32 $0xFEDCBA98;
	p5 =	slt.s32 s2, $0x1;
	s4 =	sshrl.u32 s19, $0xF;
	p6 =	seq.s32 s5, $0x1  }
0x17: {  	v6 =	vimm.s32 $0x32107654;
	v0 =	vunpack.c.l.s4.s8 v0;
	v1 =	vunpack.c.l.s4.s8 v1;
	s0 =	smax.u32 s0, $0x1;
	s2 =	sadd.s32 s4, s2;
	p0 =	por !p5, !p6  }
0x18: {  	v7 =	vimm.s32 $0x76543210;
	v2 =	vunpack.c.l.s4.s8 v2;
	v3 =	vunpack.c.l.s4.s8 v3;
	s4 =	simm.s32 $0x1;
	s2 =	sshll.u32 s2, $0x10;
	p0 =	por !p0, !p0  }
0x19: {  	v4 =	vunpack.c.l.s4.s8 v4;
	v0 =	vunpack.c.0.s8.s32 v0;
	v1 =	vunpack.c.0.s8.s32 v1;
	[dreg:$0x4] =	wrdreg s6;
	s2 =	sshra.s32 s2, $0x11;
	s4 =	simm.s32 @!p0 $0x0  }
0x1a: {  	v6 =	vunpack.c.l.s4.s8 v6;
	v2 =	vunpack.c.0.s8.s32 v2;
	v3 =	vunpack.c.0.s8.s32 v3;
	s3 =	sshll.u32 s3, $0x3;
	[dreg:$0x6] =	wrdreg s7;
	s2 =	ssub.s32 s2, s4  }
0x1b: {  	v5 =	vunpack.c.l.s4.s8 v5;
	v7 =	vunpack.c.l.s4.s8 v7;
	v0 =	vcombine.low v1, v0;
	_ =	strace $0x80000047;
	[dreg:$0xd] =	wrdreg s0;
	s5 =	sshll.u32 s2, $0x3  }
0x1c: {  	v1 =	vcombine.low v3, v2;
	v3 =	vunpack.c.0.s8.s32 v4;
	v4 =	vunpack.c.0.s8.s32 v6;
	s4 =	smov.u32 s3;
	s2 =	sadd.s32 s8, s20;
	p0 =	slt.s32 s5, $0x600  }
0x1d: {  	v2 =	vunpack.c.0.s8.s32 v5;
	s31 =	sadd.s32 $0x62A00, s2;
	s5 =	simm.s32 @!p0 $0x600;
	p0 =	slt.s32 s3, $0x12E8  }
0x1e: {  	v5 =	vunpack.c.0.s8.s32 v7;
	v3 =	vcombine.low v4, v3;
	s4 =	simm.s32 @!p0 $0x12E8;
	p0 =	sgt.u32 s1, $0x10;
	s1 =	simm.s32 $0x4C0  }
0x1f: {  	vm0 =	vcmask $0x300;
	v6 =	vimm.f32 $0.0e+00;
	v2 =	vand.u32 $0xF, v2;
	[dreg:$0xc] =	wrdreg s31;
	s22 =	sshll.u32 s4, $0x4;
	s1 =	simm.s32 @!p0 $0x500  }
0x20: {  	v4 =	vcombine.low v2, v5;
	v2 =	vand.u32 $0xF, v3;
	v3 =	vsel vm0, $0x3F800000, v6;
	s24 =	ssub.s32 s3, s4;
	s7 =	sadd.s32 s22, s20;
	[dreg:$0x3] =	wrdreg s1  }
0x21: {  	v0 =	vand.u32 $0xF, v0;
	[tilespmem:$0x1FFA0] =	vst v3;
	s21 =	smul.u32 $0x190, s5;
	[dreg:$0x2] =	wrdreg s24;
	s25 =	sadd.s32 $0x3B600, s7  }
0x22: {  	v52 =	vand.u32 $0xF, v1;
	[tilespmem:$0x1FFB0] =	vst v0;
	s26 =	sadd.s32 $0x4F000, s7;
	[dreg:$0x7] =	wrdreg s25  }
0x23: {  	[tilespmem:$0x1FFC0] =	vst v52;
	s6 =	sshrl.u32 s21, $0x3;
	s28 =	sadd.s32 $0x27C00, s7;
	[dreg:$0x8] =	wrdreg s26  }
0x24: {  	v5 =	vimm.f32 $1.000000000e+00;
	[tilespmem:$0x1FFD0] =	vst v4;
	s6 =	sadd.s32 s6, s20;
	s29 =	sadd.s32 $0x14200, s7;
	[dreg:$0x9] =	wrdreg s28  }
0x25: {  	v1 =	vand.u32 $0x7FFFFFFF, v5;
	[tilespmem:$0x1FFE0] =	vst v2;
	[dreg:$0xa] =	wrdreg s29;
	s30 =	sadd.s32 $0x800, s6  }
0x26: {  	s10 =	simm.s32 $0x1;
	s15 =	simm.s32 $0x0;
	[tilespmem:$0x1FFF0] =	vst v1;
	[dreg:$0xb] =	wrdreg s30  }
.LBB2_1:
0x27: {  	[dreg:$0xe] =	wrdreg s15  }
0x28: {  	s0 =	rddreg [dreg:$0x7]  }
0x29: {  	[tilespmem:s9], [sflag:$0x1] =	stream.linear.gather [hbm4b:s0+s9], $0x5000, $0x38;
	[tilespmem:$0x1A500] =	vst v63  }
0x2a: {  	_ =	swait.ge [sflag:s10], $0x5000  }
0x2b: {  	[sflag:s10] =	ssyncset.done $0x0  }
0x2c: {  	s1 =	simm.s32 $0x5000;
	s3 =	rddreg [dreg:$0x8];
	[sflag:s10] =	ssyncadd.s32 $0xFFFFB000  }
0x2d: {  	[tilespmem:s1], [sflag:$0x1] =	stream.linear.gather [hbm4b:s3+s9], $0x5000, $0x38;
	[tilespmem:$0x1A500] =	vst v63  }
0x2e: {  	_ =	swait.ge [sflag:s10], $0x5000  }
0x2f: {  	[sflag:s10] =	ssyncset.done $0x0  }
0x30: {  	s6 =	simm.s32 $0xA000;
	s4 =	rddreg [dreg:$0x9];
	[sflag:s10] =	ssyncadd.s32 $0xFFFFB000  }
0x31: {  	[tilespmem:s6], [sflag:$0x1] =	stream.linear.gather [hbm4b:s4+s9], $0x5000, $0x38;
	[tilespmem:$0x1A500] =	vst v63  }
0x32: {  	_ =	swait.ge [sflag:s10], $0x5000  }
0x33: {  	[sflag:s10] =	ssyncset.done $0x0  }
0x34: {  	s8 =	simm.s32 $0xF000;
	s7 =	rddreg [dreg:$0xa];
	[sflag:s10] =	ssyncadd.s32 $0xFFFFB000  }
0x35: {  	[tilespmem:s8], [sflag:$0x1] =	stream.linear.gather [hbm4b:s7+s9], $0x5000, $0x38;
	[tilespmem:$0x1A500] =	vst v63  }
0x36: {  	_ =	swait.ge [sflag:s10], $0x5000  }
0x37: {  	[sflag:s10] =	ssyncset.done $0x0  }
0x38: {  	s12 =	simm.s32 $0x14000;
	s11 =	rddreg [dreg:$0xb];
	[sflag:s10] =	ssyncadd.s32 $0xFFFFB000  }
0x39: {  	[tilespmem:s12], [sflag:$0x1] =	stream.linear.gather [hbm4b:s11+s9], $0x6400, $0x38;
	[tilespmem:$0x1A500] =	vst v63  }
0x3a: {  	_ =	swait.ge [sflag:s10], $0x6400  }
0x3b: {  	s7 =	rddreg [dreg:$0x4]  }
0x3c: {  	s15 =	sand.u32 $0x70, s9;
	s14 =	rddreg [dreg:$0x6]  }
0x3d: {  	s6 =	simm.s32 $0x1;
	s13 =	rddreg [dreg:$0x2];
	s1 =	sadd.s32 s14, s7  }
0x3e: {  	[sflag:s10] =	ssyncset.done $0x0;
	p0 =	slt.s32 s1, $0x0;
	s2 =	sadd.s32 $0x64, s1  }
0x3f: {  	s17 =	rddreg [dreg:$0x5];
	p1 =	sne.s32 s1, $0x0;
	s1 =	smov.u32 @p0 s2  }
0x40: {  	[sflag:s10] =	ssyncadd.s32 $0xFFFF9C00;
	p4 =	slt.s32 s7, $0x1;
	s3 =	sand.u32 $0xFFFF, s1  }
0x41: {  	s0 =	sadd.s32 $0x0, s13;
	p0 =	por !p4, !p1;
	s4 =	sshrl.u32 s3, $0xF  }
0x42: {  	s0 =	sshll.u32 s0, $0x7;
	p0 =	por !p0, !p0;
	s4 =	sadd.s32 s4, s1  }
0x43: {  	s21 =	sor.u32 s15, s0;
	s6 =	simm.s32 @!p0 $0x0;
	s16 =	sand.u32 $0xFFFE, s4  }
0x44: {  	v30 =	vld [tilespmem:s21+$0xA000];
	p5 =	slt.s32 s1, $0x1;
	s2 =	ssub.s32 s17, s6;
	p6 =	sne.s32 s16, s3  }
0x45: {  	v3 =	vld [tilespmem:s21+$0xF000];
	s18 =	sshll.u32 s2, $0x2;
	p0 =	por !p5, !p6  }
0x46: {  	s19 =	sshll.u32 s4, $0x10;
	s3 =	simm.s32 $0x1;
	p0 =	por !p0, !p0  }
0x47: {  	s0 =	ssub.s32 s18, s5;
	s2 =	sshra.s32 s19, $0x11;
	s3 =	simm.s32 @!p0 $0x0  }
0x48: {  	v22 =	vld [tilespmem:s21+$0x0];
	s0 =	smul.u32 $0x640, s0;
	s2 =	ssub.s32 s2, s3  }
0x49: {  	s2 =	sshll.u32 s2, $0x5  }
0x4a: {  	v6 =	vadd.f32 $3.750000000e-01, v30;
	v7 =	vadd.f32 $3.750000000e-01, v3;
	s0 =	sshra.s32 s0, $0x2;
	s2 =	sshra.s32 s2, $0x2  }
0x4b: {  	s0 =	sadd.s32 s2, s0  }
0x4c: {  	v43 =	vand.u32 $0x7FFFFFFF, v6;
	v31 =	vand.u32 $0x7FFFFFFF, v7;
	v6 =	vld [tilespmem:s0+$0x14000]  }
0x4d: {  	v7 =	vmul.f32 v43, v22;
	v23 =	vmul.f32 v31, v22;
	_ =	sdelay $0x1  }
0x4e: {  	v8 =	vadd.f32 v23, v7;
	_ =	sdelay $0x1  }
0x4f: {  	v8 =	vadd.f32 $0.0e+00, v8;
	(v2sf) =	vpush v6, $0x0  }
0x50: {  	(v2sf) =	vpush v6, $0x4  }
0x51: {  	v9 =	vperm.xlane v8, v0;
	_ =	sdelay $0x1  }
0x52: {  	v9 =	vmin.f32 v8, v9  }
0x53: {  	v10 =	vperm.xlane v9, v52;
	_ =	sdelay $0x1  }
0x54: {  	v9 =	vmin.f32 v9, v10  }
0x55: {  	v10 =	vperm.xlane v9, v2;
	_ =	sdelay $0x1  }
0x56: {  	v9 =	vmin.f32 v9, v10  }
0x57: {  	s1 =	sand.u32 $0x1, s1;
	v10 =	vperm.xlane v9, v4  }
0x58: {  	s17 =	scvt.s32.f32 s1  }
0x59: {  	v9 =	vmin.f32 v9, v10  }
0x5a: {  	s16 =	ssub.f32 $1.000000000e+00, s17;
	v8 =	vsub.f32 v8, v9  }
0x5b: {  	s20 =	spop (v2sf)  }
0x5c: {  	v9 =	vand.u32 $0x80000000, v8;
	vm0 =	vlt.f32 v8, $0.0e+00;
	vm1 =	vgt.f32 v8, $0.0e+00;
	s22 =	spop (v2sf);
	s1 =	smul.f32 s20, s16  }
0x5d: {  	v9 =	vor.u32 v9, v1;
	vm0 =	vmor vm1, vm0;
	s2 =	smul.f32 s17, s22  }
0x5e: {  	v8 =	vsel vm0, v9, v8  }
0x5f: {  	v8 =	vsub.f32 $1.000000000e+00, v8;
	s1 =	sadd.f32 s2, s1  }
0x60: {  	v56 =	vadd.f32 $1.250000000e-01, v3  }
0x61: {  	v38 =	vmul.f32 s1, v8  }
0x62: {  	v32 =	vand.u32 $0x7FFFFFFF, v56  }
0x63: {  	v24 =	vmul.f32 v32, v22;
	v8 =	vadd.f32 $0.0e+00, v38;
	_ =	sdelay $0x1  }
0x64: {  	v57 =	vadd.f32 v24, v7;
	v58 =	vmul.f32 $1.000000020e+30, v8;
	_ =	sdelay $0x1  }
0x65: {  	(v2sf) =	vpush v6, $0x1;
	v9 =	vadd.f32 v58, v57  }
0x66: {  	(v2sf) =	vpush v6, $0x5  }
0x67: {  	v10 =	vperm.xlane v9, v0;
	_ =	sdelay $0x1  }
0x68: {  	v10 =	vmin.f32 v9, v10  }
0x69: {  	v11 =	vperm.xlane v10, v52;
	_ =	sdelay $0x1  }
0x6a: {  	v10 =	vmin.f32 v10, v11  }
0x6b: {  	v11 =	vperm.xlane v10, v2;
	_ =	sdelay $0x1  }
0x6c: {  	v10 =	vmin.f32 v10, v11  }
0x6d: {  	v11 =	vperm.xlane v10, v4;
	_ =	sdelay $0x1  }
0x6e: {  	v10 =	vmin.f32 v10, v11  }
0x6f: {  	v9 =	vsub.f32 v9, v10  }
0x70: {  	s23 =	spop (v2sf)  }
0x71: {  	s2 =	smul.f32 s23, s16;
	s24 =	spop (v2sf);
	v10 =	vand.u32 $0x80000000, v9;
	vm10 =	vlt.f32 v9, $0.0e+00;
	vm11 =	vgt.f32 v9, $0.0e+00  }
0x72: {  	s3 =	smul.f32 s17, s24;
	v10 =	vor.u32 v10, v1;
	vm0 =	vmor vm11, vm10  }
0x73: {  	v9 =	vsel vm0, v10, v9  }
0x74: {  	s2 =	sadd.f32 s3, s2;
	v9 =	vsub.f32 $1.000000000e+00, v9  }
0x75: {  	v59 =	vadd.f32 $-1.250000000e-01, v3  }
0x76: {  	v41 =	vmul.f32 s2, v9  }
0x77: {  	v37 =	vand.u32 $0x7FFFFFFF, v59  }
0x78: {  	v29 =	vmul.f32 v37, v22;
	v8 =	vadd.f32 v41, v8;
	_ =	sdelay $0x1  }
0x79: {  	v60 =	vadd.f32 v29, v7;
	v61 =	vmul.f32 $1.000000020e+30, v8;
	_ =	sdelay $0x1  }
0x7a: {  	(v2sf) =	vpush v6, $0x2;
	v9 =	vadd.f32 v61, v60  }
0x7b: {  	(v2sf) =	vpush v6, $0x6  }
0x7c: {  	v10 =	vperm.xlane v9, v0;
	_ =	sdelay $0x1  }
0x7d: {  	v10 =	vmin.f32 v9, v10  }
0x7e: {  	v62 =	vperm.xlane v10, v52;
	_ =	sdelay $0x1  }
0x7f: {  	v10 =	vmin.f32 v10, v62  }
0x80: {  	v11 =	vperm.xlane v10, v2;
	_ =	sdelay $0x1  }
0x81: {  	v10 =	vmin.f32 v10, v11  }
0x82: {  	v11 =	vperm.xlane v10, v4;
	_ =	sdelay $0x1  }
0x83: {  	v10 =	vmin.f32 v10, v11  }
0x84: {  	v9 =	vsub.f32 v9, v10  }
0x85: {  	s25 =	spop (v2sf)  }
0x86: {  	s3 =	smul.f32 s25, s16;
	s26 =	spop (v2sf);
	v10 =	vand.u32 $0x80000000, v9;
	vm12 =	vlt.f32 v9, $0.0e+00;
	vm13 =	vgt.f32 v9, $0.0e+00  }
0x87: {  	s4 =	smul.f32 s17, s26;
	v10 =	vor.u32 v10, v1;
	vm0 =	vmor vm13, vm12  }
0x88: {  	v9 =	vsel vm0, v10, v9  }
0x89: {  	s3 =	sadd.f32 s4, s3;
	v9 =	vsub.f32 $1.000000000e+00, v9  }
0x8a: {  	v3 =	vadd.f32 $-3.750000000e-01, v3  }
0x8b: {  	v15 =	vmul.f32 s3, v9  }
0x8c: {  	v36 =	vand.u32 $0x7FFFFFFF, v3  }
0x8d: {  	v46 =	vmul.f32 v36, v22;
	v3 =	vadd.f32 v15, v8;
	_ =	sdelay $0x1  }
0x8e: {  	v7 =	vadd.f32 v46, v7;
	v8 =	vmul.f32 $1.000000020e+30, v3;
	_ =	sdelay $0x1  }
0x8f: {  	(v2sf) =	vpush v6, $0x3;
	v7 =	vadd.f32 v8, v7  }
0x90: {  	(v2sf) =	vpush v6, $0x7  }
0x91: {  	v6 =	vperm.xlane v7, v0;
	_ =	sdelay $0x1  }
0x92: {  	v6 =	vmin.f32 v7, v6  }
0x93: {  	v63 =	vperm.xlane v6, v52;
	_ =	sdelay $0x1  }
0x94: {  	v6 =	vmin.f32 v6, v63  }
0x95: {  	v8 =	vperm.xlane v6, v2;
	_ =	sdelay $0x1  }
0x96: {  	v6 =	vmin.f32 v6, v8  }
0x97: {  	v8 =	vperm.xlane v6, v4;
	_ =	sdelay $0x1  }
0x98: {  	v6 =	vmin.f32 v6, v8  }
0x99: {  	v6 =	vsub.f32 v7, v6  }
0x9a: {  	s29 =	spop (v2sf)  }
0x9b: {  	s4 =	smul.f32 s29, s16;
	s30 =	spop (v2sf);
	v7 =	vand.u32 $0x80000000, v6;
	vm14 =	vlt.f32 v6, $0.0e+00;
	vm15 =	vgt.f32 v6, $0.0e+00  }
0x9c: {  	s31 =	rddreg [dreg:$0x3];
	s6 =	smul.f32 s17, s30;
	v7 =	vor.u32 v7, v1;
	vm0 =	vmor vm15, vm14  }
0x9d: {  	s1 =	sadd.f32 $0.0e+00, s1;
	v6 =	vsel vm0, v7, v6  }
0x9e: {  	s4 =	sadd.f32 s6, s4;
	v6 =	vsub.f32 $1.000000000e+00, v6  }
0x9f: {  	p2 =	sne.s32 s31, $0x1;
	v7 =	vadd.f32 $1.250000000e-01, v30  }
.Ltmp0:
0xa0: {  	s1 =	sadd.f32 s1, s2;
	v21 =	vmul.f32 s4, v6;
	(pc) =	sbr.rel @!p2 .LBB2_2-.Ltmp0, $4  }
0xa1: {  	v44 =	vand.u32 $0x7FFFFFFF, v7  }
0xa2: {  	s1 =	sadd.f32 s1, s3;
	v34 =	vmul.f32 v44, v22;
	v3 =	vadd.f32 v21, v3  }
0xa3: {  	p1 =	por $0x0, $0x0;
	s19 =	sadd.s32 $0x14000, s0;
	[tilespmem:$0x1FF80] =	vst v41  }
0xa4: {  	p0 =	por $0x0, $0x0;
	v53 =	vld [tilespmem:s19+$0x190];
	s28 =	sadd.f32 s1, s4;
	s1 =	sadd.s32 $0x1, s7;
	[tilespmem:$0x1FF90] =	vst v15;
	v35 =	vadd.f32 v23, v34;
	v19 =	vmul.f32 $1.000000020e+30, v3  }
0xa5: {  	_ = 	snop  }
0xa6: {  	s0 =	smulhi.u32 $0x51EB851F, s1;
	s2 =	sshra.s32 s1, $0x1F  }
0xa7: {  	s2 =	smul.u32 $0x51EB851F, s2;
	_ =	sdelay $0x1  }
0xa8: {  	v6 =	vadd.f32 v19, v35;
	s0 =	sadd.s32 s2, s0;
	(v2sf) =	vpush v53, $0x0  }
0xa9: {  	s2 =	sshrl.u32 s0, $0x1F;
	s0 =	sshra.s32 s0, $0x5;
	(v2sf) =	vpush v53, $0x4  }
0xaa: {  	v7 =	vperm.xlane v6, v0;
	s0 =	sadd.s32 s2, s0  }
0xab: {  	s2 =	smul.u32 $0xFFFFFF9C, s0  }
0xac: {  	v7 =	vmin.f32 v6, v7  }
0xad: {  	v8 =	vperm.xlane v7, v52;
	s6 =	sadd.s32 s2, s1  }
0xae: {  	p0 =	slt.s32 s6, $0x0;
	s2 =	sadd.s32 $0x64, s6  }
0xaf: {  	p4 =	slt.s32 s1, $0x1;
	v7 =	vmin.f32 v7, v8;
	p2 =	sne.s32 s6, $0x0;
	s6 =	smov.u32 @p0 s2  }
0xb0: {  	v8 =	vperm.xlane v7, v2;
	p0 =	por !p4, !p2;
	s2 =	sand.u32 $0xFFFF, s6  }
0xb1: {  	s4 =	simm.s32 $0x1;
	p0 =	por !p0, !p0;
	s3 =	sshrl.u32 s2, $0xF  }
0xb2: {  	v7 =	vmin.f32 v7, v8;
	s4 =	simm.s32 @!p0 $0x0;
	s3 =	sadd.s32 s3, s6  }
0xb3: {  	v8 =	vperm.xlane v7, v4;
	s0 =	ssub.s32 s0, s4;
	s7 =	sand.u32 $0xFFFE, s3  }
0xb4: {  	p5 =	slt.s32 s6, $0x1;
	s0 =	sshll.u32 s0, $0x2;
	p6 =	sne.s32 s7, s2  }
0xb5: {  	v7 =	vmin.f32 v7, v8;
	s3 =	sshll.u32 s3, $0x10;
	s2 =	simm.s32 $0x1;
	p0 =	por !p5, !p6  }
0xb6: {  	s0 =	ssub.s32 s0, s5;
	v6 =	vsub.f32 v6, v7;
	s3 =	sshra.s32 s3, $0x11;
	p0 =	por !p0, !p0  }
0xb7: {  	s0 =	smul.u32 $0x640, s0;
	s2 =	simm.s32 @!p0 $0x0;
	s14 =	spop (v2sf)  }
0xb8: {  	v7 =	vand.u32 $0x80000000, v6;
	vm0 =	vlt.f32 v6, $0.0e+00;
	vm1 =	vgt.f32 v6, $0.0e+00;
	s2 =	ssub.s32 s3, s2;
	s4 =	smul.f32 s14, s16;
	s15 =	spop (v2sf)  }
0xb9: {  	v7 =	vor.u32 v7, v1;
	vm0 =	vmor vm1, vm0;
	s2 =	sshll.u32 s2, $0x5;
	s18 =	smul.f32 s17, s15  }
0xba: {  	s0 =	sshra.s32 s0, $0x2;
	v6 =	vsel vm0, v7, v6;
	s2 =	sshra.s32 s2, $0x2  }
0xbb: {  	v7 =	vsub.f32 $1.000000000e+00, v6;
	s3 =	sadd.s32 s2, s0;
	s0 =	sadd.f32 s18, s4  }
0xbc: {  	v6 =	vld [tilespmem:s3+$0x14000]  }
0xbd: {  	s8 =	rddreg [dreg:$0x2];
	v5 =	vmul.f32 s0, v7  }
0xbe: {  	s20 =	simm.s32 $0x10;
	s22 =	sadd.s32 $0x0, s8  }
0xbf: {  	s2 =	sand.u32 $0x70, s20;
	s4 =	sshll.u32 s22, $0x7;
	v7 =	vadd.f32 v5, v3  }
0xc0: {  	s4 =	sor.u32 s2, s4  }
0xc1: {  	v50 =	vadd.f32 v24, v34;
	v26 =	vld [tilespmem:s4+$0xA000];
	(v2sf) =	vpush v6, $0x0;
	v9 =	vmul.f32 $1.000000020e+30, v7  }
0xc2: {  	v3 =	vld [tilespmem:s4+$0xF000];
	(v2sf) =	vpush v6, $0x4  }
0xc3: {  	(v2sf) =	vpush v53, $0x1;
	v8 =	vadd.f32 v9, v50  }
0xc4: {  	(v2sf) =	vpush v53, $0x5  }
0xc5: {  	v33 =	vld [tilespmem:s4+$0x0];
	v9 =	vperm.xlane v8, v0;
	_ =	sdelay $0x1  }
0xc6: {  	v10 =	vadd.f32 $3.750000000e-01, v26;
	v11 =	vadd.f32 $3.750000000e-01, v3;
	v9 =	vmin.f32 v8, v9  }
0xc7: {  	v12 =	vperm.xlane v9, v52  }
0xc8: {  	[tilespmem:$0x1FED0] =	vst v5;
	v5 =	vand.u32 $0x7FFFFFFF, v10;
	v51 =	vand.u32 $0x7FFFFFFF, v11  }
0xc9: {  	v11 =	vmul.f32 v5, v33;
	v48 =	vmul.f32 v51, v33;
	v9 =	vmin.f32 v9, v12  }
0xca: {  	v57 =	vperm.xlane v9, v2  }
0xcb: {  	v58 =	vadd.f32 v48, v11  }
0xcc: {  	v9 =	vmin.f32 v9, v57  }
0xcd: {  	v59 =	vadd.f32 $0.0e+00, v58;
	v60 =	vperm.xlane v9, v4;
	_ =	sdelay $0x1  }
0xce: {  	v13 =	vperm.xlane v59, v0;
	s23 =	spop (v2sf);
	v9 =	vmin.f32 v9, v60  }
0xcf: {  	s26 =	spop (v2sf);
	v8 =	vsub.f32 v8, v9  }
0xd0: {  	v61 =	vmin.f32 v59, v13;
	s30 =	spop (v2sf)  }
0xd1: {  	s2 =	smul.f32 s30, s16;
	s9 =	spop (v2sf);
	v62 =	vand.u32 $0x80000000, v8;
	vm12 =	vlt.f32 v8, $0.0e+00;
	vm13 =	vgt.f32 v8, $0.0e+00  }
0xd2: {  	v13 =	vperm.xlane v61, v52;
	s9 =	smul.f32 s17, s9;
	v12 =	vor.u32 v62, v1;
	vm0 =	vmor vm13, vm12  }
0xd3: {  	v8 =	vsel vm0, v12, v8  }
0xd4: {  	v9 =	vmin.f32 v61, v13;
	s2 =	sadd.f32 s9, s2;
	v8 =	vsub.f32 $1.000000000e+00, v8  }
0xd5: {  	v63 =	vperm.xlane v9, v2  }
0xd6: {  	[tilespmem:$0x1FF30] =	vst v5;
	v5 =	vmul.f32 s2, v8  }
0xd7: {  	v35 =	vmin.f32 v9, v63  }
0xd8: {  	v9 =	vperm.xlane v35, v4;
	v7 =	vadd.f32 v5, v7;
	_ =	sdelay $0x1  }
0xd9: {  	v39 =	vadd.f32 v29, v34;
	s6 =	sand.u32 $0x1, s6;
	v8 =	vmin.f32 v35, v9;
	v40 =	vmul.f32 $1.000000020e+30, v7  }
0xda: {  	s24 =	scvt.s32.f32 s6;
	v8 =	vsub.f32 v59, v8  }
0xdb: {  	(v2sf) =	vpush v53, $0x2;
	v9 =	vadd.f32 v40, v39  }
0xdc: {  	s25 =	ssub.f32 $1.000000000e+00, s24;
	(v2sf) =	vpush v53, $0x6;
	v10 =	vand.u32 $0x80000000, v8  }
0xdd: {  	s10 =	smul.f32 s24, s26;
	vm14 =	vlt.f32 v8, $0.0e+00;
	vm15 =	vgt.f32 v8, $0.0e+00;
	v12 =	vperm.xlane v9, v0  }
0xde: {  	s9 =	smul.f32 s23, s25;
	v10 =	vor.u32 v10, v1;
	vm0 =	vmor vm15, vm14  }
0xdf: {  	v8 =	vsel vm0, v10, v8;
	v41 =	vmin.f32 v9, v12  }
0xe0: {  	s6 =	sadd.f32 s10, s9;
	v8 =	vsub.f32 $1.000000000e+00, v8;
	v12 =	vperm.xlane v41, v52  }
0xe1: {  	v42 =	vadd.f32 $1.250000000e-01, v3  }
0xe2: {  	v14 =	vmul.f32 s6, v8;
	v45 =	vmin.f32 v41, v12  }
0xe3: {  	[tilespmem:$0x1FEE0] =	vst v5;
	v5 =	vand.u32 $0x7FFFFFFF, v42;
	v10 =	vperm.xlane v45, v2  }
0xe4: {  	v55 =	vmov v51;
	v51 =	vmul.f32 v5, v33;
	v47 =	vadd.f32 $0.0e+00, v14  }
0xe5: {  	v8 =	vmin.f32 v45, v10  }
0xe6: {  	v54 =	vadd.f32 v51, v11;
	v57 =	vmul.f32 $1.000000020e+30, v47;
	v58 =	vperm.xlane v8, v4;
	_ =	sdelay $0x1  }
0xe7: {  	v10 =	vadd.f32 v57, v54;
	v8 =	vmin.f32 v8, v58  }
0xe8: {  	(v2sf) =	vpush v6, $0x1;
	v8 =	vsub.f32 v9, v8  }
0xe9: {  	(v2sf) =	vpush v6, $0x5;
	s11 =	spop (v2sf);
	v59 =	vperm.xlane v10, v0  }
0xea: {  	s7 =	smul.f32 s11, s16;
	s12 =	spop (v2sf);
	v60 =	vand.u32 $0x80000000, v8;
	vm4 =	vlt.f32 v8, $0.0e+00;
	vm5 =	vgt.f32 v8, $0.0e+00  }
0xeb: {  	s8 =	smul.f32 s17, s12;
	v13 =	vor.u32 v60, v1;
	vm0 =	vmor vm5, vm4  }
0xec: {  	v9 =	vmin.f32 v10, v59;
	v8 =	vsel vm0, v13, v8  }
0xed: {  	s7 =	sadd.f32 s8, s7;
	v61 =	vperm.xlane v9, v52;
	v8 =	vsub.f32 $1.000000000e+00, v8;
	_ =	sdelay $0x1  }
0xee: {  	v56 =	vmov v5;
	v9 =	vmin.f32 v9, v61;
	v5 =	vmul.f32 s7, v8  }
0xef: {  	v62 =	vperm.xlane v9, v2  }
0xf0: {  	v7 =	vadd.f32 v5, v7  }
0xf1: {  	v8 =	vmin.f32 v9, v62  }
0xf2: {  	v63 =	vadd.f32 v46, v34;
	v9 =	vperm.xlane v8, v4;
	v34 =	vmul.f32 $1.000000020e+30, v7;
	_ =	sdelay $0x1  }
0xf3: {  	(v2sf) =	vpush v53, $0x3;
	v8 =	vmin.f32 v8, v9;
	v35 =	vadd.f32 v34, v63  }
0xf4: {  	(v2sf) =	vpush v53, $0x7;
	v8 =	vsub.f32 v10, v8  }
0xf5: {  	v39 =	vperm.xlane v35, v0  }
0xf6: {  	s13 =	spop (v2sf);
	v40 =	vand.u32 $0x80000000, v8  }
0xf7: {  	s14 =	spop (v2sf);
	s8 =	smul.f32 s13, s25;
	vm6 =	vlt.f32 v8, $0.0e+00;
	vm7 =	vgt.f32 v8, $0.0e+00;
	v10 =	vmin.f32 v35, v39  }
0xf8: {  	s9 =	smul.f32 s24, s14;
	v13 =	vor.u32 v40, v1;
	vm0 =	vmor vm7, vm6;
	v41 =	vperm.xlane v10, v52  }
0xf9: {  	v8 =	vsel vm0, v13, v8  }
0xfa: {  	s8 =	sadd.f32 s9, s8;
	v8 =	vsub.f32 $1.000000000e+00, v8;
	v10 =	vmin.f32 v10, v41  }
0xfb: {  	[tilespmem:$0x1FF50] =	vst v14;
	v14 =	vperm.xlane v10, v2  }
0xfc: {  	v50 =	vmul.f32 s8, v8  }
0xfd: {  	v42 =	vadd.f32 $-1.250000000e-01, v3;
	v45 =	vmin.f32 v10, v14  }
0xfe: {  	v10 =	vadd.f32 v50, v47;
	v47 =	vperm.xlane v45, v4  }
0xff: {  	[tilespmem:$0x1FEF0] =	vst v5;
	v5 =	vand.u32 $0x7FFFFFFF, v42  }
0x100: {  	v25 =	vmul.f32 v5, v33;
	v8 =	vmin.f32 v45, v47  }
0x101: {  	v8 =	vsub.f32 v35, v8  }
0x102: {  	s15 =	spop (v2sf);
	(v2sf) =	vpush v6, $0x2;
	v49 =	vadd.f32 v25, v11;
	v53 =	vmul.f32 $1.000000020e+30, v10  }
0x103: {  	s9 =	smul.f32 s15, s16;
	s10 =	spop (v2sf);
	v57 =	vand.u32 $0x80000000, v8;
	vm8 =	vlt.f32 v8, $0.0e+00;
	vm9 =	vgt.f32 v8, $0.0e+00  }
0x104: {  	s10 =	smul.f32 s17, s10;
	v54 =	vadd.f32 v53, v49;
	v12 =	vor.u32 v57, v1;
	vm0 =	vmor vm9, vm8  }
0x105: {  	(v2sf) =	vpush v6, $0x6;
	v8 =	vsel vm0, v12, v8  }
0x106: {  	s9 =	sadd.f32 s10, s9;
	v58 =	vperm.xlane v54, v0;
	v8 =	vsub.f32 $1.000000000e+00, v8  }
0x107: {  	v59 =	vadd.f32 $-1.250000000e-01, v30  }
0x108: {  	v12 =	vmin.f32 v54, v58;
	v60 =	vmul.f32 s9, v8  }
0x109: {  	v27 =	vand.u32 $0x7FFFFFFF, v59;
	v57 =	vld [tilespmem:s19+$0x320];
	v34 =	vperm.xlane v12, v52  }
0x10a: {  	v40 =	vmul.f32 v27, v22;
	v7 =	vadd.f32 v60, v7  }
0x10b: {  	v8 =	vmin.f32 v12, v34  }
0x10c: {  	v35 =	vadd.f32 v23, v40;
	v12 =	vperm.xlane v8, v2;
	v39 =	vmul.f32 $1.000000020e+30, v7;
	_ =	sdelay $0x1  }
0x10d: {  	(v2sf) =	vpush v57, $0x0;
	v8 =	vmin.f32 v8, v12;
	v41 =	vadd.f32 v39, v35  }
0x10e: {  	(v2sf) =	vpush v57, $0x4;
	v45 =	vperm.xlane v8, v4  }
0x10f: {  	v14 =	vperm.xlane v41, v0  }
0x110: {  	v8 =	vmin.f32 v8, v45  }
0x111: {  	v8 =	vsub.f32 v54, v8;
	v47 =	vmin.f32 v41, v14  }
0x112: {  	s18 =	spop (v2sf);
	v49 =	vperm.xlane v47, v52  }
0x113: {  	s10 =	smul.f32 s18, s25;
	s11 =	spop (v2sf);
	v53 =	vand.u32 $0x80000000, v8;
	vm10 =	vlt.f32 v8, $0.0e+00;
	vm11 =	vgt.f32 v8, $0.0e+00  }
0x114: {  	s11 =	smul.f32 s24, s11;
	v14 =	vor.u32 v53, v1;
	vm0 =	vmor vm11, vm10;
	v9 =	vmin.f32 v47, v49  }
0x115: {  	v8 =	vsel vm0, v14, v8;
	v13 =	vperm.xlane v9, v2  }
0x116: {  	s10 =	sadd.f32 s11, s10;
	v8 =	vsub.f32 $1.000000000e+00, v8  }
0x117: {  	v3 =	vadd.f32 $-3.750000000e-01, v3;
	v9 =	vmin.f32 v9, v13  }
0x118: {  	v47 =	vmul.f32 s10, v8;
	v54 =	vperm.xlane v9, v4  }
0x119: {  	v58 =	vand.u32 $0x7FFFFFFF, v3  }
0x11a: {  	v61 =	vmul.f32 v58, v33;
	v3 =	vadd.f32 v47, v10;
	v8 =	vmin.f32 v9, v54  }
0x11b: {  	v8 =	vsub.f32 v41, v8  }
0x11c: {  	v13 =	vadd.f32 v61, v11;
	s20 =	spop (v2sf);
	v10 =	vmul.f32 $1.000000020e+30, v3  }
0x11d: {  	s11 =	smul.f32 s20, s16;
	s12 =	spop (v2sf);
	v14 =	vand.u32 $0x80000000, v8;
	vm12 =	vlt.f32 v8, $0.0e+00;
	vm13 =	vgt.f32 v8, $0.0e+00  }
0x11e: {  	s12 =	smul.f32 s17, s12;
	v9 =	vadd.f32 v10, v13;
	v34 =	vor.u32 v14, v1;
	vm0 =	vmor vm13, vm12  }
0x11f: {  	(v2sf) =	vpush v6, $0x3;
	v8 =	vsel vm0, v34, v8  }
0x120: {  	(v2sf) =	vpush v6, $0x7;
	s11 =	sadd.f32 s12, s11;
	v35 =	vperm.xlane v9, v0;
	v6 =	vsub.f32 $1.000000000e+00, v8;
	_ =	sdelay $0x1  }
0x121: {  	v42 =	vmov v5;
	v39 =	vmin.f32 v9, v35;
	v5 =	vmul.f32 s11, v6  }
0x122: {  	v6 =	vperm.xlane v39, v52  }
0x123: {  	v49 =	vadd.f32 v5, v7  }
0x124: {  	v6 =	vmin.f32 v39, v6  }
0x125: {  	v7 =	vadd.f32 v24, v40;
	v8 =	vperm.xlane v6, v2;
	v41 =	vmul.f32 $1.000000020e+30, v49;
	_ =	sdelay $0x1  }
0x126: {  	(v2sf) =	vpush v57, $0x1;
	v6 =	vmin.f32 v6, v8;
	v7 =	vadd.f32 v41, v7  }
0x127: {  	(v2sf) =	vpush v57, $0x5;
	v8 =	vperm.xlane v6, v4  }
0x128: {  	v10 =	vperm.xlane v7, v0  }
0x129: {  	v6 =	vmin.f32 v6, v8  }
0x12a: {  	s0 =	sadd.f32 s28, s0;
	v6 =	vsub.f32 v9, v6;
	v45 =	vmin.f32 v7, v10  }
0x12b: {  	s30 =	rddreg [dreg:$0x3];
	v53 =	vperm.xlane v45, v52  }
0x12c: {  	s0 =	sadd.f32 s0, s2;
	s22 =	spop (v2sf);
	v54 =	vand.u32 $0x80000000, v6  }
0x12d: {  	s2 =	smul.f32 s22, s25;
	s23 =	spop (v2sf);
	vm14 =	vlt.f32 v6, $0.0e+00;
	vm15 =	vgt.f32 v6, $0.0e+00;
	v8 =	vmin.f32 v45, v53  }
0x12e: {  	s6 =	sadd.f32 $0.0e+00, s6;
	s26 =	smul.f32 s24, s23;
	v59 =	vor.u32 v54, v1;
	vm0 =	vmor vm15, vm14;
	v62 =	vperm.xlane v8, v2  }
0x12f: {  	s0 =	sadd.f32 s0, s7;
	v6 =	vsel vm0, v59, v6  }
0x130: {  	s7 =	sadd.f32 s26, s2;
	v6 =	vsub.f32 $1.000000000e+00, v6;
	v8 =	vmin.f32 v8, v62  }
0x131: {  	p2 =	sne.s32 s30, $0x2;
	v63 =	vadd.f32 $1.250000000e-01, v26;
	v10 =	vperm.xlane v8, v4  }
.Ltmp1:
0x132: {  	s6 =	sadd.f32 s6, s8;
	v45 =	vmul.f32 s7, v6;
	(pc) =	sbr.rel @!p2 .LBB2_4-.Ltmp1, $4  }
0x133: {  	s0 =	sadd.f32 s0, s9;
	[tilespmem:$0x1FF00] =	vst v5;
	v5 =	vand.u32 $0x7FFFFFFF, v63;
	v6 =	vmin.f32 v8, v10  }
0x134: {  	p0 =	por $0x1, $0x1;
	s6 =	sadd.f32 s6, s10;
	v34 =	vmul.f32 v5, v33;
	v3 =	vadd.f32 v45, v3;
	v17 =	vsub.f32 v7, v6  }
0x135: {  	s29 =	sadd.s32 $0x14000, s3;
	v28 =	vadd.f32 v29, v40;
	s31 =	sadd.f32 s0, s11;
	s2 =	spop (v2sf)  }
0x136: {  	s8 =	sadd.s32 $0x1, s1;
	s28 =	sadd.f32 s6, s7;
	[tilespmem:$0x1FF20] =	vst v5;
	v35 =	vadd.f32 v48, v34;
	s3 =	spop (v2sf);
	v53 =	vld [tilespmem:s29+$0x190];
	v19 =	vmul.f32 $1.000000020e+30, v3;
	v18 =	vand.u32 $0x80000000, v17  }
0x137: {  	s0 =	smulhi.u32 $0x51EB851F, s8;
	s1 =	sshra.s32 s8, $0x1F  }
0x138: {  	s1 =	smul.u32 $0x51EB851F, s1;
	_ =	sdelay $0x1  }
0x139: {  	s0 =	sadd.s32 s1, s0  }
0x13a: {  	vm0 =	vlt.f32 v17, $0.0e+00;
	vm1 =	vgt.f32 v17, $0.0e+00;
	v6 =	vor.u32 v18, v1;
	s9 =	smul.f32 s2, s16;
	s10 =	sshrl.u32 s0, $0x1F;
	s0 =	sshra.s32 s0, $0x5  }
0x13b: {  	s6 =	rddreg [dreg:$0x2];
	s3 =	smul.f32 s17, s3;
	vm0 =	vmor vm1, vm0;
	v7 =	vadd.f32 v19, v35;
	(v2sf) =	vpush v53, $0x0;
	s2 =	sadd.s32 s10, s0  }
0x13c: {  	s15 =	simm.s32 $0x20;
	s11 =	sadd.s32 $0x0, s6;
	v6 =	vsel vm0, v6, v17;
	(v2sf) =	vpush v53, $0x4;
	s12 =	smul.u32 $0xFFFFFF9C, s2  }
0x13d: {  	s13 =	sand.u32 $0x70, s15;
	v8 =	vperm.xlane v7, v0;
	v6 =	vsub.f32 $1.000000000e+00, v6;
	s10 =	sadd.f32 s3, s9;
	s0 =	sshll.u32 s11, $0x7  }
0x13e: {  	s26 =	sor.u32 s13, s0;
	s0 =	sadd.s32 s12, s8  }
0x13f: {  	v8 =	vmin.f32 v7, v8;
	v39 =	vmul.f32 s10, v6;
	p1 =	slt.s32 s0, $0x0;
	s1 =	sadd.s32 $0x64, s0  }
0x140: {  	v5 =	vld [tilespmem:s26+$0xA000];
	v6 =	vperm.xlane v8, v52;
	p2 =	sne.s32 s0, $0x0;
	s0 =	smov.u32 @p1 s1  }
0x141: {  	p3 =	slt.s32 s8, $0x1;
	v11 =	vld [tilespmem:s26+$0xF000];
	v9 =	vadd.f32 v39, v49;
	s1 =	sand.u32 $0xFFFF, s0  }
0x142: {  	v6 =	vmin.f32 v8, v6;
	p4 =	por !p3, !p2;
	s14 =	sshrl.u32 s1, $0xF  }
0x143: {  	s6 =	simm.s32 $0x1;
	v8 =	vperm.xlane v6, v2;
	p1 =	por !p4, !p4;
	v10 =	vmul.f32 $1.000000020e+30, v9;
	s3 =	sadd.s32 s14, s0  }
0x144: {  	(v2sf) =	vpush v57, $0x2;
	v41 =	vld [tilespmem:s26+$0x0];
	s6 =	simm.s32 @!p1 $0x0;
	s7 =	sand.u32 $0xFFFE, s3  }
0x145: {  	(v2sf) =	vpush v57, $0x6;
	p5 =	slt.s32 s0, $0x1;
	v6 =	vmin.f32 v6, v8;
	s2 =	ssub.s32 s2, s6;
	v8 =	vadd.f32 v10, v28;
	p6 =	sne.s32 s7, s1  }
0x146: {  	v12 =	vadd.f32 $3.750000000e-01, v5;
	v10 =	vadd.f32 $3.750000000e-01, v11;
	v13 =	vperm.xlane v6, v4;
	s18 =	sshll.u32 s2, $0x2;
	s20 =	sshll.u32 s3, $0x10;
	p1 =	por !p5, !p6  }
0x147: {  	s3 =	simm.s32 $0x1;
	s1 =	ssub.s32 s18, s5;
	v14 =	vperm.xlane v8, v0;
	p1 =	por !p1, !p1  }
0x148: {  	[tilespmem:$0x1FE60] =	vst v5;
	v5 =	vand.u32 $0x7FFFFFFF, v12;
	s2 =	sshra.s32 s20, $0x11;
	v10 =	vand.u32 $0x7FFFFFFF, v10;
	v6 =	vmin.f32 v6, v13;
	s1 =	smul.u32 $0x640, s1;
	s3 =	simm.s32 @!p1 $0x0  }
0x149: {  	v12 =	vmul.f32 v5, v41;
	v7 =	vsub.f32 v7, v6;
	v6 =	vmin.f32 v8, v14;
	s2 =	ssub.s32 s2, s3  }
0x14a: {  	[tilespmem:$0x1FD70] =	vst v10;
	v59 =	vmul.f32 v10, v41;
	s1 =	sshra.s32 s1, $0x2;
	v10 =	vperm.xlane v6, v52;
	s22 =	spop (v2sf);
	s2 =	sshll.u32 s2, $0x5  }
0x14b: {  	v13 =	vand.u32 $0x80000000, v7;
	vm13 =	vlt.f32 v7, $0.0e+00;
	vm14 =	vgt.f32 v7, $0.0e+00;
	s3 =	smul.f32 s22, s25;
	s23 =	spop (v2sf);
	s2 =	sshra.s32 s2, $0x2  }
0x14c: {  	v13 =	vor.u32 v13, v1;
	vm0 =	vmor vm14, vm13;
	v10 =	vmin.f32 v6, v10;
	s7 =	smul.f32 s24, s23;
	s9 =	sadd.s32 s2, s1  }
0x14d: {  	v14 =	vadd.f32 v59, v12;
	v7 =	vsel vm0, v13, v7;
	v13 =	vperm.xlane v10, v2;
	v6 =	vld [tilespmem:s9+$0x14000]  }
0x14e: {  	v7 =	vsub.f32 $1.000000000e+00, v7;
	s2 =	sadd.f32 s7, s3  }
0x14f: {  	v14 =	vadd.f32 $0.0e+00, v14;
	v10 =	vmin.f32 v10, v13  }
0x150: {  	[tilespmem:$0x1FD60] =	vst v5;
	v5 =	vmul.f32 s2, v7;
	v7 =	vperm.xlane v10, v4  }
0x151: {  	v15 =	vadd.f32 v51, v34;
	v13 =	vperm.xlane v14, v0  }
0x152: {  	v3 =	vadd.f32 v5, v3;
	v7 =	vmin.f32 v10, v7;
	(v2sf) =	vpush v6, $0x0  }
0x153: {  	v10 =	vmin.f32 v14, v13;
	v7 =	vsub.f32 v8, v7;
	(v2sf) =	vpush v6, $0x4  }
0x154: {  	s11 =	spop (v2sf);
	v8 =	vperm.xlane v10, v52;
	v13 =	vmul.f32 $1.000000020e+30, v3;
	(v2sf) =	vpush v53, $0x1  }
0x155: {  	s1 =	smul.f32 s11, s16;
	s12 =	spop (v2sf);
	v17 =	vand.u32 $0x80000000, v7;
	vm15 =	vlt.f32 v7, $0.0e+00;
	vm4 =	vgt.f32 v7, $0.0e+00  }
0x156: {  	s3 =	smul.f32 s17, s12;
	v13 =	vadd.f32 v13, v15;
	v15 =	vor.u32 v17, v1;
	vm0 =	vmor vm4, vm15  }
0x157: {  	(v2sf) =	vpush v53, $0x5;
	v7 =	vsel vm0, v15, v7  }
0x158: {  	s3 =	sadd.f32 s3, s1;
	v8 =	vmin.f32 v10, v8;
	v10 =	vperm.xlane v13, v0;
	v7 =	vsub.f32 $1.000000000e+00, v7  }
0x159: {  	v15 =	vperm.xlane v8, v2  }
0x15a: {  	[tilespmem:$0x1FD80] =	vst v5;
	v10 =	vmin.f32 v13, v10;
	v5 =	vmul.f32 s3, v7  }
0x15b: {  	v7 =	vmin.f32 v8, v15;
	v8 =	vperm.xlane v10, v52  }
0x15c: {  	v15 =	vperm.xlane v7, v4;
	v9 =	vadd.f32 v5, v9  }
0x15d: {  	v8 =	vmin.f32 v10, v8;
	v10 =	vadd.f32 v46, v40  }
0x15e: {  	v7 =	vmin.f32 v7, v15;
	v15 =	vperm.xlane v8, v2;
	v17 =	vmul.f32 $1.000000020e+30, v9  }
0x15f: {  	s0 =	sand.u32 $0x1, s0;
	v7 =	vsub.f32 v14, v7  }
0x160: {  	s22 =	scvt.s32.f32 s0;
	(v2sf) =	vpush v57, $0x3;
	v8 =	vmin.f32 v8, v15;
	v10 =	vadd.f32 v17, v10  }
0x161: {  	(v2sf) =	vpush v57, $0x7;
	v14 =	vand.u32 $0x80000000, v7;
	v15 =	vperm.xlane v8, v4  }
0x162: {  	s23 =	ssub.f32 $1.000000000e+00, s22;
	vm5 =	vlt.f32 v7, $0.0e+00;
	vm6 =	vgt.f32 v7, $0.0e+00;
	v17 =	vperm.xlane v10, v0  }
0x163: {  	v14 =	vor.u32 v14, v1;
	vm0 =	vmor vm6, vm5;
	s13 =	spop (v2sf);
	v8 =	vmin.f32 v8, v15  }
0x164: {  	v7 =	vsel vm0, v14, v7;
	s14 =	spop (v2sf);
	s0 =	smul.f32 s13, s23;
	v8 =	vsub.f32 v13, v8;
	v13 =	vmin.f32 v10, v17  }
0x165: {  	v7 =	vsub.f32 $1.000000000e+00, v7;
	s18 =	spop (v2sf);
	s1 =	smul.f32 s22, s14;
	v15 =	vperm.xlane v13, v52  }
0x166: {  	s6 =	smul.f32 s18, s25;
	s20 =	spop (v2sf);
	v17 =	vand.u32 $0x80000000, v8;
	vm7 =	vlt.f32 v8, $0.0e+00;
	vm8 =	vgt.f32 v8, $0.0e+00  }
0x167: {  	s1 =	sadd.f32 s1, s0;
	s11 =	smul.f32 s24, s20;
	v17 =	vor.u32 v17, v1;
	vm0 =	vmor vm8, vm7;
	v13 =	vmin.f32 v13, v15  }
0x168: {  	v14 =	vadd.f32 $1.250000000e-01, v11;
	v8 =	vsel vm0, v17, v8;
	v15 =	vperm.xlane v13, v2  }
0x169: {  	[tilespmem:$0x1FD90] =	vst v5;
	v5 =	vmul.f32 s1, v7;
	s6 =	sadd.f32 s11, s6;
	v7 =	vsub.f32 $1.000000000e+00, v8  }
0x16a: {  	v14 =	vand.u32 $0x7FFFFFFF, v14;
	v8 =	vmin.f32 v13, v15  }
0x16b: {  	[tilespmem:$0x1FDB0] =	vst v5;
	v13 =	vadd.f32 $0.0e+00, v5;
	v5 =	vmul.f32 s6, v7;
	v7 =	vperm.xlane v8, v4  }
0x16c: {  	v16 =	vmul.f32 v14, v41  }
0x16d: {  	(v2sf) =	vpush v53, $0x2;
	v18 =	vadd.f32 v5, v3;
	v3 =	vmin.f32 v8, v7  }
0x16e: {  	[tilespmem:$0x1FDA0] =	vst v14;
	v14 =	vadd.f32 v16, v12;
	v15 =	vmul.f32 $1.000000020e+30, v13;
	v3 =	vsub.f32 v10, v3  }
0x16f: {  	(v2sf) =	vpush v53, $0x6;
	v7 =	vadd.f32 v25, v34;
	v10 =	vmul.f32 $1.000000020e+30, v18  }
0x170: {  	(v2sf) =	vpush v6, $0x1;
	s12 =	spop (v2sf);
	v8 =	vadd.f32 v15, v14;
	v14 =	vand.u32 $0x80000000, v3  }
0x171: {  	s0 =	smul.f32 s12, s16;
	s13 =	spop (v2sf);
	vm9 =	vlt.f32 v3, $0.0e+00;
	vm10 =	vgt.f32 v3, $0.0e+00;
	v10 =	vadd.f32 v10, v7  }
0x172: {  	s7 =	smul.f32 s17, s13;
	v7 =	vor.u32 v14, v1;
	vm0 =	vmor vm10, vm9;
	v14 =	vperm.xlane v8, v0  }
0x173: {  	(v2sf) =	vpush v6, $0x5;
	v3 =	vsel vm0, v7, v3;
	v7 =	vperm.xlane v10, v0  }
0x174: {  	v17 =	vadd.f32 $-3.750000000e-01, v30;
	s11 =	sadd.f32 s7, s0;
	v15 =	vsub.f32 $1.000000000e+00, v3;
	v14 =	vmin.f32 v8, v14  }
0x175: {  	[tilespmem:$0x1FDC0] =	vst v5;
	v5 =	vmovc v2;
	v2 =	vmov v52;
	v19 =	vperm.xlane v14, v52;
	v20 =	vmin.f32 v10, v7  }
0x176: {  	v52 =	vmovc v25;
	v25 =	vmul.f32 s11, v15;
	v7 =	vand.u32 $0x7FFFFFFF, v17;
	v15 =	vperm.xlane v20, v2  }
0x177: {  	v3 =	vld [tilespmem:s19+$0x4B0];
	v14 =	vmin.f32 v14, v19;
	v17 =	vmul.f32 v7, v22  }
0x178: {  	v9 =	vadd.f32 v25, v9;
	v19 =	vperm.xlane v14, v5;
	v15 =	vmin.f32 v20, v15  }
0x179: {  	v20 =	vperm.xlane v15, v5  }
0x17a: {  	v62 =	vmovc v21;
	v21 =	vadd.f32 v23, v17;
	v22 =	vmul.f32 $1.000000020e+30, v9;
	v14 =	vmin.f32 v14, v19  }
0x17b: {  	v19 =	vperm.xlane v14, v4;
	v15 =	vmin.f32 v15, v20  }
0x17c: {  	(v2sf) =	vpush v3, $0x0;
	v20 =	vadd.f32 v22, v21;
	v21 =	vperm.xlane v15, v4  }
0x17d: {  	(v2sf) =	vpush v3, $0x4;
	v14 =	vmin.f32 v14, v19  }
0x17e: {  	v19 =	vperm.xlane v20, v0;
	v8 =	vsub.f32 v8, v14;
	v14 =	vmin.f32 v15, v21  }
0x17f: {  	v10 =	vsub.f32 v10, v14  }
0x180: {  	s14 =	spop (v2sf);
	v14 =	vmin.f32 v20, v19;
	v15 =	vand.u32 $0x80000000, v8;
	vm11 =	vlt.f32 v8, $0.0e+00  }
0x181: {  	s0 =	smul.f32 s14, s25;
	s18 =	spop (v2sf);
	vm13 =	vgt.f32 v8, $0.0e+00;
	v19 =	vperm.xlane v14, v2;
	v15 =	vor.u32 v15, v1  }
0x182: {  	s12 =	spop (v2sf);
	s7 =	smul.f32 s24, s18;
	v21 =	vand.u32 $0x80000000, v10;
	vm12 =	vlt.f32 v10, $0.0e+00;
	vm2 =	vgt.f32 v10, $0.0e+00  }
0x183: {  	s12 =	smul.f32 s12, s23;
	s13 =	spop (v2sf);
	v21 =	vor.u32 v21, v1;
	vm1 =	vmor vm2, vm12;
	v14 =	vmin.f32 v14, v19  }
0x184: {  	s14 =	smul.f32 s22, s13;
	vm0 =	vmor vm13, vm11;
	v10 =	vsel vm1, v21, v10;
	v19 =	vperm.xlane v14, v5  }
0x185: {  	s13 =	sadd.f32 s7, s0;
	v8 =	vsel vm0, v15, v8;
	v10 =	vsub.f32 $1.000000000e+00, v10  }
0x186: {  	s12 =	sadd.f32 s14, s12;
	v8 =	vsub.f32 $1.000000000e+00, v8;
	v14 =	vmin.f32 v14, v19  }
0x187: {  	[tilespmem:$0x1FE90] =	vst v60;
	v60 =	vmul.f32 s13, v10;
	v10 =	vperm.xlane v14, v4  }
0x188: {  	v21 =	vadd.f32 $-1.250000000e-01, v11;
	v15 =	vmul.f32 s12, v8  }
0x189: {  	(v2sf) =	vpush v53, $0x3;
	v8 =	vadd.f32 v60, v18;
	v10 =	vmin.f32 v14, v10  }
0x18a: {  	v19 =	vand.u32 $0x7FFFFFFF, v21;
	v23 =	vadd.f32 v15, v13;
	v10 =	vsub.f32 v20, v10  }
0x18b: {  	s19 =	spop (v2sf);
	v18 =	vmul.f32 v19, v41;
	v14 =	vadd.f32 v61, v34;
	v13 =	vmul.f32 $1.000000020e+30, v8  }
0x18c: {  	[tilespmem:$0x1FDF0] =	vst v15;
	s0 =	smul.f32 s19, s16;
	s20 =	spop (v2sf);
	v15 =	vand.u32 $0x80000000, v10;
	vm14 =	vlt.f32 v10, $0.0e+00;
	vm15 =	vgt.f32 v10, $0.0e+00  }
0x18d: {  	s7 =	smul.f32 s17, s20;
	v13 =	vadd.f32 v13, v14;
	v14 =	vor.u32 v15, v1;
	vm0 =	vmor vm15, vm14  }
0x18e: {  	(v2sf) =	vpush v53, $0x7;
	v15 =	vadd.f32 v18, v12;
	v10 =	vsel vm0, v14, v10  }
0x18f: {  	[tilespmem:$0x1FE00] =	vst v18;
	s0 =	sadd.f32 s7, s0;
	v14 =	vmul.f32 $1.000000020e+30, v23;
	v18 =	vperm.xlane v13, v0;
	v10 =	vsub.f32 $1.000000000e+00, v10;
	_ =	sdelay $0x1  }
0x190: {  	v14 =	vadd.f32 v14, v15;
	v15 =	vmin.f32 v13, v18;
	v30 =	vmul.f32 s0, v10  }
0x191: {  	v10 =	vperm.xlane v15, v2  }
0x192: {  	v18 =	vperm.xlane v14, v0;
	v9 =	vadd.f32 v30, v9  }
0x193: {  	(v2sf) =	vpush v6, $0x2;
	v10 =	vmin.f32 v15, v10;
	v15 =	vadd.f32 v24, v17  }
0x194: {  	[tilespmem:$0x1FDE0] =	vst v19;
	v18 =	vmin.f32 v14, v18;
	v19 =	vperm.xlane v10, v5;
	v20 =	vmul.f32 $1.000000020e+30, v9  }
0x195: {  	(v2sf) =	vpush v6, $0x6;
	v11 =	vadd.f32 $-3.750000000e-01, v11;
	v21 =	vperm.xlane v18, v2  }
0x196: {  	(v2sf) =	vpush v3, $0x1;
	v10 =	vmin.f32 v10, v19;
	v15 =	vadd.f32 v20, v15  }
0x197: {  	(v2sf) =	vpush v3, $0x5;
	v18 =	vmin.f32 v18, v21;
	v19 =	vperm.xlane v10, v4  }
0x198: {  	v22 =	vperm.xlane v18, v5;
	v20 =	vperm.xlane v15, v0  }
0x199: {  	v11 =	vand.u32 $0x7FFFFFFF, v11;
	v10 =	vmin.f32 v10, v19  }
0x19a: {  	v18 =	vmin.f32 v18, v22;
	v10 =	vsub.f32 v13, v10;
	v19 =	vmin.f32 v15, v20  }
0x19b: {  	[tilespmem:$0x1FDD0] =	vst v25;
	s14 =	spop (v2sf);
	v21 =	vadd.f32 $-1.250000000e-01, v26;
	v25 =	vperm.xlane v18, v4;
	v20 =	vperm.xlane v19, v2  }
0x19c: {  	s18 =	spop (v2sf);
	s7 =	smul.f32 s14, s25;
	v22 =	vand.u32 $0x80000000, v10;
	vm4 =	vlt.f32 v10, $0.0e+00;
	vm5 =	vgt.f32 v10, $0.0e+00  }
0x19d: {  	s14 =	smul.f32 s24, s18;
	v22 =	vor.u32 v22, v1;
	vm0 =	vmor vm5, vm4;
	v24 =	vmin.f32 v19, v20  }
0x19e: {  	v63 =	vand.u32 $0x7FFFFFFF, v21;
	v10 =	vsel vm0, v22, v10;
	v22 =	vperm.xlane v24, v5  }
0x19f: {  	s7 =	sadd.f32 s14, s7;
	v21 =	vadd.f32 v31, v7;
	v18 =	vmin.f32 v18, v25;
	v10 =	vsub.f32 $1.000000000e+00, v10  }
0x1a0: {  	v40 =	vmul.f32 v63, v33;
	v14 =	vsub.f32 v14, v18;
	v22 =	vmin.f32 v24, v22  }
0x1a1: {  	v13 =	vadd.f32 v36, v7;
	v24 =	vmul.f32 s7, v10;
	v10 =	vperm.xlane v22, v4  }
0x1a2: {  	v19 =	vadd.f32 v37, v7;
	v20 =	vadd.f32 v32, v7;
	vm6 =	vlt.f32 v14, $0.0e+00  }
0x1a3: {  	s19 =	spop (v2sf);
	vm7 =	vgt.f32 v14, $0.0e+00;
	v8 =	vadd.f32 v24, v8;
	v10 =	vmin.f32 v22, v10  }
0x1a4: {  	v57 =	vld [tilespmem:s29+$0x320];
	s18 =	spop (v2sf);
	s14 =	smul.f32 s19, s23;
	v7 =	vand.u32 $0x80000000, v14;
	vm0 =	vmor vm7, vm6;
	v10 =	vsub.f32 v15, v10  }
0x1a5: {  	s18 =	smul.f32 s22, s18;
	s20 =	spop (v2sf);
	v7 =	vor.u32 v7, v1;
	v15 =	vadd.f32 v48, v40;
	v22 =	vmul.f32 $1.000000020e+30, v8  }
0x1a6: {  	s19 =	smul.f32 s20, s16;
	s20 =	spop (v2sf);
	[tilespmem:$0x1FE10] =	vst v24;
	v24 =	vand.u32 $0x80000000, v10;
	vm8 =	vlt.f32 v10, $0.0e+00;
	vm9 =	vgt.f32 v10, $0.0e+00  }
0x1a7: {  	s20 =	smul.f32 s17, s20;
	v7 =	vsel vm0, v7, v14;
	v24 =	vor.u32 v24, v1;
	vm1 =	vmor vm9, vm8  }
0x1a8: {  	s18 =	sadd.f32 s18, s14;
	v7 =	vsub.f32 $1.000000000e+00, v7;
	v25 =	vadd.f32 v22, v15;
	v10 =	vsel vm1, v24, v10  }
0x1a9: {  	[tilespmem:$0x1FE20] =	vst v11;
	v11 =	vmul.f32 v11, v41;
	(v2sf) =	vpush v57, $0x0;
	s14 =	sadd.f32 s20, s19;
	v10 =	vsub.f32 $1.000000000e+00, v10  }
0x1aa: {  	(v2sf) =	vpush v57, $0x4;
	v15 =	vmul.f32 s18, v7;
	v24 =	vperm.xlane v25, v0  }
0x1ab: {  	v53 =	vmovc v38;
	v38 =	vadd.f32 v32, v43;
	v12 =	vadd.f32 v11, v12;
	v54 =	vmul.f32 s14, v10  }
0x1ac: {  	v18 =	vadd.f32 v36, v27;
	v23 =	vadd.f32 v15, v23;
	v10 =	vmin.f32 v25, v24  }
0x1ad: {  	v7 =	vadd.f32 v37, v27;
	v28 =	vperm.xlane v10, v2;
	v9 =	vadd.f32 v54, v9  }
0x1ae: {  	v22 =	vadd.f32 v32, v27;
	v24 =	vadd.f32 v29, v17;
	v29 =	vmul.f32 $1.000000020e+30, v23  }
0x1af: {  	v14 =	vmovc v31;
	v27 =	vadd.f32 v31, v27;
	v10 =	vmin.f32 v10, v28;
	v31 =	vmul.f32 $1.000000020e+30, v9  }
0x1b0: {  	(v2sf) =	vpush v3, $0x2;
	v12 =	vadd.f32 v29, v12;
	v29 =	vperm.xlane v10, v5  }
0x1b1: {  	(v2sf) =	vpush v3, $0x6;
	v24 =	vadd.f32 v31, v24  }
0x1b2: {  	v34 =	vadd.f32 v37, v44;
	v37 =	vadd.f32 v37, v43;
	v10 =	vmin.f32 v10, v29  }
0x1b3: {  	[tilespmem:$0x1FE30] =	vst v11;
	v28 =	vadd.f32 v36, v44;
	v11 =	vperm.xlane v10, v4;
	v29 =	vperm.xlane v24, v0  }
0x1b4: {  	v36 =	vadd.f32 v36, v43;
	v43 =	vadd.f32 v14, v43  }
0x1b5: {  	v49 =	vmovc v46;
	v10 =	vmin.f32 v10, v11;
	v11 =	vperm.xlane v12, v0;
	v29 =	vmin.f32 v24, v29  }
0x1b6: {  	v17 =	vadd.f32 v49, v17;
	v10 =	vsub.f32 v25, v10;
	v49 =	vperm.xlane v29, v2  }
0x1b7: {  	v31 =	vadd.f32 v32, v44;
	v25 =	vmul.f32 $1.000000000e+01, v43;
	v11 =	vmin.f32 v12, v11  }
0x1b8: {  	s20 =	spop (v2sf);
	vm10 =	vlt.f32 v10, $0.0e+00;
	v29 =	vmin.f32 v29, v49;
	v49 =	vand.u32 $0x80000000, v10  }
0x1b9: {  	s19 =	smul.f32 s20, s25;
	v32 =	vld [tilespmem:s21+$0x5000];
	s21 =	spop (v2sf);
	vm11 =	vgt.f32 v10, $0.0e+00;
	v43 =	vor.u32 v49, v1;
	v49 =	vperm.xlane v11, v2  }
0x1ba: {  	s20 =	smul.f32 s24, s21;
	vm0 =	vmor vm11, vm10  }
0x1bb: {  	(v2sf) =	vpush v6, $0x3;
	v10 =	vsel vm0, v43, v10;
	v11 =	vmin.f32 v11, v49  }
0x1bc: {  	(v2sf) =	vpush v6, $0x7;
	s19 =	sadd.f32 s20, s19;
	v6 =	vsub.f32 $1.000000000e+00, v10;
	v10 =	vperm.xlane v11, v5  }
0x1bd: {  	[tilespmem:$0x1FE50] =	vst v51;
	v38 =	vmul.f32 $1.000000000e+01, v38;
	v51 =	vadd.f32 v51, v40;
	v35 =	vadd.f32 v14, v44  }
0x1be: {  	v49 =	vperm.xlane v29, v5;
	v14 =	vmul.f32 s19, v6;
	v6 =	vmin.f32 v11, v10;
	v11 =	vld [tilespmem:$0x1FF80]  }
0x1bf: {  	v18 =	vmul.f32 $1.000000000e+01, v18;
	v37 =	vmul.f32 $1.000000000e+01, v37;
	s21 =	spop (v2sf);
	(v2sf) =	vpush v57, $0x1  }
0x1c0: {  	v7 =	vmul.f32 $1.000000000e+01, v7;
	s20 =	smul.f32 s21, s16;
	s21 =	spop (v2sf);
	(v2sf) =	vpush v57, $0x5;
	v29 =	vmin.f32 v29, v49  }
0x1c1: {  	(v2sf) =	vpush v3, $0x3;
	v38 =	vadd.f32 v38, v32;
	v10 =	vperm.xlane v29, v4  }
0x1c2: {  	v31 =	vmul.f32 $1.000000000e+01, v31;
	v44 =	vadd.f32 v37, v32;
	v49 =	vadd.f32 v14, v8  }
0x1c3: {  	v10 =	vmin.f32 v29, v10;
	v29 =	vperm.xlane v6, v4;
	v38 =	vmul.f32 v11, v38;
	v11 =	vld [tilespmem:$0x1FF90]  }
0x1c4: {  	(v2sf) =	vpush v3, $0x7;
	v37 =	vmul.f32 $1.000000000e+01, v13;
	v25 =	vadd.f32 v25, v32  }
0x1c5: {  	v10 =	vsub.f32 v24, v10;
	v6 =	vmin.f32 v6, v29;
	v29 =	vmul.f32 $1.000000020e+30, v49  }
0x1c6: {  	v25 =	vmul.f32 v53, v25;
	v53 =	vmul.f32 $1.000000000e+01, v35;
	v6 =	vsub.f32 v12, v6  }
0x1c7: {  	v43 =	vand.u32 $0x80000000, v10;
	v12 =	vadd.f32 v29, v51;
	v29 =	vmul.f32 $1.000000000e+01, v34  }
0x1c8: {  	vm12 =	vlt.f32 v10, $0.0e+00;
	vm13 =	vgt.f32 v10, $0.0e+00;
	v24 =	vmul.f32 v11, v44;
	v11 =	vld [tilespmem:$0x1FED0]  }
0x1c9: {  	s21 =	smul.f32 s17, s21;
	vm0 =	vmor vm13, vm12;
	v44 =	vadd.f32 v29, v32;
	v29 =	vor.u32 v43, v1  }
0x1ca: {  	v13 =	vmul.f32 $1.000000000e+01, v20;
	v8 =	vmul.f32 $1.000000000e+01, v36;
	v10 =	vsel vm0, v29, v10  }
0x1cb: {  	v3 =	vld [tilespmem:$0x1FEF0];
	v20 =	vmul.f32 $1.000000000e+01, v21;
	s20 =	sadd.f32 s21, s20;
	v29 =	vadd.f32 v53, v32;
	v10 =	vsub.f32 $1.000000000e+00, v10  }
0x1cc: {  	v25 =	vadd.f32 $0.0e+00, v25;
	v8 =	vadd.f32 v8, v32;
	v51 =	vld [tilespmem:$0x1FE60];
	v53 =	vperm.xlane v12, v0  }
0x1cd: {  	v31 =	vadd.f32 v31, v32;
	v34 =	vmul.f32 v11, v29;
	v29 =	vmul.f32 s20, v10  }
0x1ce: {  	v8 =	vmul.f32 v62, v8;
	v25 =	vadd.f32 v38, v25;
	vm14 =	vlt.f32 v6, $0.0e+00  }
0x1cf: {  	s10 =	sadd.f32 s31, s10;
	vm15 =	vgt.f32 v6, $0.0e+00;
	v10 =	vmin.f32 v12, v53;
	v11 =	vld [tilespmem:$0x1FEE0];
	v9 =	vadd.f32 v29, v9  }
0x1d0: {  	s2 =	sadd.f32 s28, s2;
	vm0 =	vmor vm15, vm14;
	v24 =	vadd.f32 v24, v25;
	v62 =	vperm.xlane v10, v2  }
0x1d1: {  	s3 =	sadd.f32 s10, s3;
	v25 =	vadd.f32 $1.250000000e-01, v51;
	v3 =	vmul.f32 v3, v44;
	v9 =	vmul.f32 $1.000000020e+30, v9  }
0x1d2: {  	s1 =	sadd.f32 $0.0e+00, s1;
	v8 =	vadd.f32 v8, v24;
	v24 =	vand.u32 $0x80000000, v6;
	v10 =	vmin.f32 v10, v62  }
0x1d3: {  	s2 =	sadd.f32 s2, s6;
	v24 =	vor.u32 v24, v1;
	v38 =	vadd.f32 v9, v17;
	v9 =	vperm.xlane v10, v5  }
0x1d4: {  	s3 =	sadd.f32 s3, s11;
	v6 =	vsel vm0, v24, v6;
	v8 =	vadd.f32 v34, v8;
	v24 =	vmul.f32 v11, v31  }
0x1d5: {  	s2 =	sadd.f32 s2, s13;
	s10 =	spop (v2sf);
	v31 =	vadd.f32 v18, v32;
	v18 =	vmul.f32 $1.000000000e+01, v22;
	v9 =	vmin.f32 v10, v9;
	v10 =	vld [tilespmem:$0x1FE90]  }
0x1d6: {  	s6 =	smul.f32 s10, s23;
	s11 =	spop (v2sf);
	v17 =	vmul.f32 $1.000000000e+01, v19;
	v8 =	vadd.f32 v24, v8;
	v24 =	vmul.f32 $1.000000000e+01, v28  }
0x1d7: {  	s1 =	sadd.f32 s1, s12;
	s10 =	smul.f32 s22, s11;
	v11 =	vand.u32 $0x7FFFFFFF, v25;
	v28 =	vadd.f32 v52, v40;
	v36 =	vadd.f32 v18, v32  }
0x1d8: {  	s13 =	rddreg [dreg:$0x3];
	v34 =	vmul.f32 v11, v41;
	v62 =	vadd.f32 v17, v32;
	v19 =	vadd.f32 v24, v32  }
0x1d9: {  	s12 =	sadd.f32 s10, s6;
	[tilespmem:$0x1FE70] =	vst v11;
	v11 =	vld [tilespmem:$0x1FF00];
	v17 =	vsub.f32 $1.000000000e+00, v6;
	v8 =	vadd.f32 v3, v8;
	v3 =	vperm.xlane v9, v4  }
0x1da: {  	s2 =	sadd.f32 s2, s7;
	v6 =	vadd.f32 v13, v32;
	v10 =	vmul.f32 v10, v19;
	v19 =	vmul.f32 $1.000000000e+01, v27  }
0x1db: {  	p2 =	sne.s32 s13, $0x3;
	s0 =	sadd.f32 s3, s0;
	v13 =	vperm.xlane v38, v0;
	v27 =	vadd.f32 v20, v32;
	v20 =	vmul.f32 s12, v17  }
.Ltmp2:
0x1dc: {  	s1 =	sadd.f32 s1, s18;
	v35 =	vadd.f32 v59, v34;
	v9 =	vmin.f32 v9, v3;
	v17 =	vadd.f32 v19, v32;
	(pc) =	sbr.rel @!p2 .LBB2_6-.Ltmp2, $4  }
0x1dd: {  	s30 =	simm.f32 $0.0e+00;
	s21 =	sadd.f32 s0, s14;
	v3 =	vadd.f32 v20, v23;
	v8 =	vadd.f32 v10, v8;
	v10 =	vmin.f32 v38, v13  }
0x1de: {  	[tilespmem:$0x1FEA0] =	vst v59;
	p1 =	por $0x1, $0x1;
	s9 =	sadd.s32 $0x14000, s9;
	s31 =	sadd.f32 s2, s19;
	v21 =	vmul.f32 v11, v17;
	v17 =	vsub.f32 v12, v9;
	v9 =	vperm.xlane v10, v2  }
0x1df: {  	v46 =	vmovc v61;
	[tilespmem:$0x1FE80] =	vst v52;
	v61 =	vld [tilespmem:$0x1FF20];
	s0 =	simm.s32 $0x3;
	s18 =	sadd.f32 s21, s20;
	s2 =	spop (v2sf);
	v13 =	vadd.f32 v7, v32;
	v19 =	vmul.f32 $1.000000020e+30, v3;
	v11 =	vimm.f32 $0.0e+00  }
0x1e0: {  	s19 =	sadd.s32 $0x1, s8;
	[tilespmem:$0x1FE40] =	vst v14;
	s3 =	spop (v2sf);
	s28 =	sadd.f32 s1, s12;
	v53 =	vld [tilespmem:s9+$0x190];
	v52 =	vadd.f32 v21, v8;
	v18 =	vand.u32 $0x80000000, v17;
	v12 =	vmin.f32 v10, v9  }
.LBB2_7:
0x1e1: {  	v7 =	vperm.xlane v12, v5;
	_ =	sdelay $0x1  }
0x1e2: {  	v7 =	vmin.f32 v12, v7;
	v12 =	vld [tilespmem:$0x1FD90];
	_ =	sdelay $0x2  }
0x1e3: {  	s1 =	smulhi.u32 $0x51EB851F, s19;
	s6 =	sshra.s32 s19, $0x1F;
	v9 =	vmul.f32 v39, v36  }
0x1e4: {  	vm0 =	vlt.f32 v17, $0.0e+00;
	s6 =	smul.u32 $0x51EB851F, s6  }
0x1e5: {  	vm1 =	vgt.f32 v17, $0.0e+00;
	s7 =	smov.u32 s0;
	s2 =	smul.f32 s2, s25;
	v9 =	vadd.f32 v9, v52;
	v12 =	vmul.f32 v12, v13  }
0x1e6: {  	s0 =	sadd.s32 $0x1, s0;
	v8 =	vor.u32 v18, v1;
	s20 =	smul.f32 s24, s3;
	vm0 =	vmor vm1, vm0;
	v10 =	vadd.f32 v19, v35;
	s1 =	sadd.s32 s6, s1  }
0x1e7: {  	s10 =	rddreg [dreg:$0x2];
	v8 =	vsel vm0, v8, v17;
	s21 =	sshrl.u32 s1, $0x1F;
	s1 =	sshra.s32 s1, $0x5;
	v9 =	vadd.f32 v12, v9;
	v12 =	vld [tilespmem:$0x1FDD0]  }
0x1e8: {  	s7 =	sshrl.u32 s7, $0x3;
	v17 =	vperm.xlane v10, v0;
	v8 =	vsub.f32 $1.000000000e+00, v8;
	s6 =	sadd.f32 s20, s2;
	s3 =	sadd.s32 s21, s1;
	v13 =	vperm.xlane v7, v4  }
0x1e9: {  	s15 =	sadd.s32 $0x10, s15;
	s13 =	sadd.s32 s7, s10;
	(v2sf) =	vpush v53, $0x0;
	s14 =	smul.u32 $0xFFFFFF9C, s3  }
0x1ea: {  	p3 =	slt.s32 s19, $0x1;
	s12 =	sshll.u32 s13, $0x7;
	s21 =	sand.u32 $0x70, s15;
	v14 =	vmul.f32 s6, v8;
	v7 =	vmin.f32 v7, v13;
	v13 =	vmin.f32 v10, v17  }
0x1eb: {  	s2 =	sadd.f32 s31, s6;
	s6 =	sadd.s32 s14, s19;
	v7 =	vsub.f32 v38, v7;
	v17 =	vperm.xlane v13, v2;
	s11 =	spop (v2sf);
	(v2sf) =	vpush v53, $0x4  }
0x1ec: {  	v6 =	vmul.f32 v54, v6;
	s10 =	simm.s32 $0x1;
	s31 =	sor.u32 s21, s12;
	p4 =	sne.s32 s6, $0x0;
	v12 =	vmul.f32 v12, v31  }
0x1ed: {  	p2 =	slt.s32 s6, $0x0;
	s1 =	smov.u32 s6;
	p3 =	por !p3, !p4;
	vm11 =	vlt.f32 v7, $0.0e+00;
	vm12 =	vgt.f32 v7, $0.0e+00;
	v17 =	vmin.f32 v13, v17  }
0x1ee: {  	v19 =	vld [tilespmem:s31+$0xA000];
	s20 =	spop (v2sf);
	s13 =	smul.f32 s11, s16;
	s11 =	sadd.s32 $0x64, s6;
	v8 =	vadd.f32 v12, v9;
	v9 =	vand.u32 $0x80000000, v7;
	v12 =	vmul.f32 v30, v27  }
0x1ef: {  	p3 =	por !p3, !p3;
	v13 =	vadd.f32 v14, v49;
	vm0 =	vmor vm12, vm11;
	s7 =	smul.f32 s17, s20;
	s1 =	smov.u32 @p2 s11;
	v9 =	vor.u32 v9, v1  }
0x1f0: {  	s8 =	rddreg [dreg:$0x3];
	v22 =	vadd.f32 v37, v32;
	s10 =	simm.s32 @!p3 $0x0;
	s14 =	sand.u32 $0xFFFF, s1;
	v9 =	vsel vm0, v9, v7;
	v7 =	vld [tilespmem:s31+$0xF000];
	v8 =	vadd.f32 v12, v8  }
0x1f1: {  	s3 =	ssub.s32 s3, s10;
	v21 =	vmul.f32 $1.000000020e+30, v13;
	(v2sf) =	vpush v57, $0x2;
	s7 =	sadd.f32 s7, s13;
	s16 =	sshrl.u32 s14, $0xF;
	v9 =	vsub.f32 $1.000000000e+00, v9  }
0x1f2: {  	s3 =	sshll.u32 s3, $0x2;
	p2 =	sne.s32 s8, s0;
	v12 =	vperm.xlane v17, v5;
	s8 =	sadd.s32 s16, s1;
	v6 =	vadd.f32 v6, v8;
	v8 =	vmul.f32 v29, v62  }
0x1f3: {  	v18 =	vld [tilespmem:s31+$0x0];
	v23 =	vadd.f32 $3.750000000e-01, v19;
	s17 =	smov.u32 s24;
	(v2sf) =	vpush v57, $0x6;
	s3 =	ssub.s32 s3, s5;
	s20 =	sand.u32 $0xFFFE, s8;
	v9 =	vmul.f32 s7, v9  }
0x1f4: {  	p5 =	slt.s32 s1, $0x1;
	v21 =	vadd.f32 v21, v28;
	v12 =	vmin.f32 v17, v12;
	p6 =	sne.s32 s20, s14;
	s7 =	sadd.f32 s18, s7;
	v6 =	vadd.f32 v8, v6  }
0x1f5: {  	s3 =	smul.u32 $0x640, s3;
	s21 =	sshll.u32 s8, $0x10;
	p3 =	por !p5, !p6;
	v8 =	vmul.f32 v9, v22;
	v9 =	vadd.f32 $3.750000000e-01, v7;
	v22 =	vperm.xlane v12, v4  }
0x1f6: {  	v27 =	vand.u32 $0x7FFFFFFF, v23;
	v23 =	vperm.xlane v21, v0;
	p3 =	por !p3, !p3;
	s30 =	sadd.f32 s7, s30;
	s7 =	simm.s32 $0x1  }
0x1f7: {  	s24 =	smov.u32 s22;
	s6 =	sshra.s32 s21, $0x11;
	s7 =	simm.s32 @!p3 $0x0;
	v8 =	vadd.f32 v8, v6;
	v17 =	vand.u32 $0x7FFFFFFF, v9;
	v9 =	vmin.f32 v12, v22  }
0x1f8: {  	s16 =	smov.u32 s25;
	s3 =	sshra.s32 s3, $0x2;
	v6 =	vmul.f32 v27, v18;
	s6 =	ssub.s32 s6, s7;
	v9 =	vsub.f32 v10, v9;
	v10 =	vmin.f32 v21, v23  }
0x1f9: {  	s25 =	smov.u32 s23;
	s22 =	spop (v2sf);
	s6 =	sshll.u32 s6, $0x5;
	v28 =	vmul.f32 v17, v18;
	v11 =	vadd.f32 v8, v11;
	v8 =	vperm.xlane v10, v2  }
0x1fa: {  	s7 =	smul.f32 s22, s25;
	s6 =	sshra.s32 s6, $0x2;
	v12 =	vand.u32 $0x80000000, v9;
	vm13 =	vlt.f32 v9, $0.0e+00;
	vm14 =	vgt.f32 v9, $0.0e+00;
	s23 =	spop (v2sf)  }
0x1fb: {  	s8 =	sadd.s32 s6, s3;
	s11 =	smul.f32 s24, s23;
	v22 =	vor.u32 v12, v1;
	vm0 =	vmor vm14, vm13;
	v8 =	vmin.f32 v10, v8  }
0x1fc: {  	[tilespmem:$0x1FF10] =	vst v11;
	v12 =	vld [tilespmem:s8+$0x14000];
	v11 =	vadd.f32 v28, v6;
	v9 =	vsel vm0, v22, v9;
	v22 =	vperm.xlane v8, v5  }
0x1fd: {  	s3 =	sadd.f32 s11, s7;
	v9 =	vsub.f32 $1.000000000e+00, v9  }
0x1fe: {  	v24 =	vadd.f32 $-3.750000000e-01, v26;
	v10 =	vmovc v51;
	v23 =	vadd.f32 $0.0e+00, v11;
	v8 =	vmin.f32 v8, v22  }
0x1ff: {  	v51 =	vmovc v19;
	[tilespmem:$0x1FD00] =	vst v10;
	v19 =	vadd.f32 $-1.250000000e-01, v10;
	v10 =	vmul.f32 s3, v9;
	v9 =	vperm.xlane v8, v4  }
0x200: {  	v26 =	vadd.f32 v16, v34;
	v49 =	vadd.f32 $-3.750000000e-01, v7;
	v25 =	vperm.xlane v23, v0  }
0x201: {  	(v2sf) =	vpush v12, $0x0;
	[tilespmem:$0x1FD10] =	vst v10;
	v10 =	vadd.f32 v10, v3;
	v3 =	vmin.f32 v8, v9  }
0x202: {  	v8 =	vmin.f32 v23, v25;
	(v2sf) =	vpush v12, $0x4;
	v3 =	vsub.f32 v21, v3  }
0x203: {  	s12 =	spop (v2sf);
	v9 =	vperm.xlane v8, v2;
	(v2sf) =	vpush v53, $0x1;
	v21 =	vmul.f32 $1.000000020e+30, v10  }
0x204: {  	s6 =	smul.f32 s12, s16;
	s13 =	spop (v2sf);
	v25 =	vand.u32 $0x80000000, v3;
	vm15 =	vlt.f32 v3, $0.0e+00;
	vm4 =	vgt.f32 v3, $0.0e+00  }
0x205: {  	s7 =	smul.f32 s17, s13;
	v21 =	vadd.f32 v21, v26;
	v25 =	vor.u32 v25, v1;
	vm0 =	vmor vm4, vm15  }
0x206: {  	[tilespmem:$0x1FD20] =	vst v60;
	v60 =	vadd.f32 $-1.250000000e-01, v7;
	(v2sf) =	vpush v53, $0x5;
	v3 =	vsel vm0, v25, v3  }
0x207: {  	s6 =	sadd.f32 s7, s6;
	v8 =	vmin.f32 v8, v9;
	v9 =	vperm.xlane v21, v0;
	v3 =	vsub.f32 $1.000000000e+00, v3  }
0x208: {  	v22 =	vadd.f32 $1.250000000e-01, v51;
	v29 =	vperm.xlane v8, v5;
	v25 =	vadd.f32 $1.250000000e-01, v7  }
0x209: {  	v7 =	vand.u32 $0x7FFFFFFF, v24;
	v9 =	vmin.f32 v21, v9;
	v11 =	vmul.f32 s6, v3  }
0x20a: {  	v24 =	vand.u32 $0x7FFFFFFF, v19;
	v3 =	vmin.f32 v8, v29;
	v19 =	vperm.xlane v9, v2  }
0x20b: {  	v43 =	vand.u32 $0x7FFFFFFF, v22;
	v22 =	vperm.xlane v3, v4;
	v8 =	vadd.f32 v11, v13  }
0x20c: {  	v54 =	vadd.f32 v58, v63;
	v13 =	vadd.f32 v46, v40;
	v9 =	vmin.f32 v9, v19  }
0x20d: {  	v3 =	vmin.f32 v3, v22;
	v22 =	vperm.xlane v9, v5;
	v29 =	vmul.f32 $1.000000020e+30, v8  }
0x20e: {  	s1 =	sand.u32 $0x1, s1;
	(v2sf) =	vpush v57, $0x3;
	v3 =	vsub.f32 v23, v3  }
0x20f: {  	s22 =	scvt.s32.f32 s1;
	v19 =	vand.u32 $0x7FFFFFFF, v25;
	v9 =	vmin.f32 v9, v22;
	v25 =	vadd.f32 v29, v13  }
0x210: {  	v13 =	vand.u32 $0x80000000, v3;
	s14 =	spop (v2sf);
	(v2sf) =	vpush v57, $0x7;
	v22 =	vperm.xlane v9, v4  }
0x211: {  	s23 =	ssub.f32 $1.000000000e+00, s22;
	vm5 =	vlt.f32 v3, $0.0e+00;
	vm6 =	vgt.f32 v3, $0.0e+00;
	v23 =	vperm.xlane v25, v0  }
0x212: {  	s2 =	sadd.f32 s2, s6;
	v13 =	vor.u32 v13, v1;
	vm0 =	vmor vm6, vm5;
	v9 =	vmin.f32 v9, v22  }
0x213: {  	s18 =	spop (v2sf);
	s1 =	smul.f32 s14, s23;
	v3 =	vsel vm0, v13, v3;
	v9 =	vsub.f32 v21, v9;
	v13 =	vmin.f32 v25, v23  }
0x214: {  	v59 =	vand.u32 $0x7FFFFFFF, v60;
	s20 =	spop (v2sf);
	s6 =	smul.f32 s22, s18;
	v3 =	vsub.f32 $1.000000000e+00, v3;
	v22 =	vperm.xlane v13, v2  }
0x215: {  	s7 =	smul.f32 s20, s25;
	s21 =	spop (v2sf);
	v23 =	vand.u32 $0x80000000, v9;
	vm7 =	vlt.f32 v9, $0.0e+00;
	vm8 =	vgt.f32 v9, $0.0e+00  }
0x216: {  	s1 =	sadd.f32 s6, s1;
	s11 =	smul.f32 s24, s21;
	v23 =	vor.u32 v23, v1;
	vm0 =	vmor vm8, vm7;
	v13 =	vmin.f32 v13, v22  }
0x217: {  	v31 =	vmul.f32 v19, v18;
	v9 =	vsel vm0, v23, v9;
	v23 =	vperm.xlane v13, v5  }
0x218: {  	v60 =	vld [tilespmem:$0x1FE00];
	v37 =	vadd.f32 v58, v7;
	v29 =	vmul.f32 s1, v3;
	s6 =	sadd.f32 s11, s7;
	v3 =	vsub.f32 $1.000000000e+00, v9  }
0x219: {  	v35 =	vadd.f32 v42, v7;
	v40 =	vadd.f32 v31, v6;
	v30 =	vmin.f32 v13, v23  }
0x21a: {  	v39 =	vmovc v56;
	v23 =	vadd.f32 $0.0e+00, v29;
	v38 =	vmul.f32 s6, v3;
	v62 =	vperm.xlane v30, v4  }
0x21b: {  	(v2sf) =	vpush v53, $0x2;
	v3 =	vadd.f32 v39, v63  }
0x21c: {  	[tilespmem:$0x1FCE0] =	vst v45;
	s3 =	sadd.f32 s28, s3;
	v44 =	vmul.f32 $1.000000020e+30, v23;
	v45 =	vadd.f32 v38, v10;
	v10 =	vmin.f32 v30, v62  }
0x21d: {  	v9 =	vand.u32 $0x7FFFFFFF, v49;
	v30 =	vadd.f32 v60, v34;
	v10 =	vsub.f32 v25, v10  }
0x21e: {  	s12 =	spop (v2sf);
	s3 =	sadd.f32 s3, s6;
	[tilespmem:$0x1FD30] =	vst v3;
	v3 =	vadd.f32 v55, v63;
	v49 =	vadd.f32 v44, v40;
	v25 =	vmul.f32 $1.000000020e+30, v45  }
0x21f: {  	[tilespmem:$0x1FCB0] =	vst v47;
	s6 =	smul.f32 s12, s16;
	s13 =	spop (v2sf);
	v47 =	vand.u32 $0x80000000, v10;
	vm9 =	vlt.f32 v10, $0.0e+00;
	vm10 =	vgt.f32 v10, $0.0e+00  }
0x220: {  	s7 =	smul.f32 s17, s13;
	v62 =	vadd.f32 v25, v30;
	v25 =	vor.u32 v47, v1;
	vm0 =	vmor vm10, vm9  }
0x221: {  	(v2sf) =	vpush v53, $0x6;
	v30 =	vperm.xlane v49, v0;
	v10 =	vsel vm0, v25, v10  }
0x222: {  	(v2sf) =	vpush v12, $0x1;
	s6 =	sadd.f32 s7, s6;
	v25 =	vperm.xlane v62, v0;
	v10 =	vsub.f32 $1.000000000e+00, v10  }
0x223: {  	[tilespmem:$0x1FCF0] =	vst v20;
	v36 =	vld [tilespmem:s29+$0x4B0];
	v32 =	vmul.f32 v7, v33;
	(v2sf) =	vpush v12, $0x5;
	v30 =	vmin.f32 v49, v30  }
0x224: {  	v20 =	vmovc v46;
	[tilespmem:$0x1FCA0] =	vst v3;
	v52 =	vperm.xlane v30, v2;
	v40 =	vmin.f32 v62, v25;
	v3 =	vmul.f32 s6, v10  }
0x225: {  	v48 =	vadd.f32 v48, v32;
	v46 =	vmovc v42;
	v57 =	vadd.f32 v42, v63;
	v42 =	vperm.xlane v40, v2  }
0x226: {  	v21 =	vadd.f32 v56, v7;
	v30 =	vmin.f32 v30, v52;
	v10 =	vadd.f32 v3, v8  }
0x227: {  	v22 =	vadd.f32 v55, v7;
	v7 =	vperm.xlane v30, v5;
	v47 =	vmin.f32 v40, v42  }
0x228: {  	(v2sf) =	vpush v36, $0x0;
	v52 =	vmovc v41;
	v41 =	vmovc v18;
	v18 =	vperm.xlane v47, v5;
	v40 =	vmul.f32 $1.000000020e+30, v10  }
0x229: {  	[tilespmem:$0x1FCD0] =	vst v14;
	v63 =	vmovc v24;
	v24 =	vadd.f32 v46, v61;
	(v2sf) =	vpush v36, $0x4;
	v7 =	vmin.f32 v30, v7  }
0x22a: {  	v14 =	vmovc v28;
	v28 =	vperm.xlane v7, v4;
	v18 =	vmin.f32 v47, v18;
	v33 =	vadd.f32 v40, v48  }
0x22b: {  	[tilespmem:$0x1FD90] =	vst v11;
	v11 =	vld [tilespmem:$0x1FEA0];
	v44 =	vadd.f32 v55, v61;
	v25 =	vadd.f32 v58, v61;
	v47 =	vperm.xlane v18, v4  }
0x22c: {  	v8 =	vadd.f32 v39, v61;
	v7 =	vmin.f32 v7, v28;
	v61 =	vperm.xlane v33, v0  }
0x22d: {  	v7 =	vsub.f32 v49, v7;
	v18 =	vmin.f32 v18, v47  }
0x22e: {  	v18 =	vsub.f32 v62, v18;
	v42 =	vmin.f32 v33, v61  }
0x22f: {  	v13 =	vmovc v50;
	s14 =	spop (v2sf);
	s2 =	sadd.f32 s2, s6;
	v49 =	vand.u32 $0x80000000, v7;
	vm11 =	vlt.f32 v7, $0.0e+00;
	v50 =	vperm.xlane v42, v2  }
0x230: {  	[tilespmem:$0x1FCC0] =	vst v15;
	v15 =	vmovc v11;
	v11 =	vld [tilespmem:$0x1FE70];
	s6 =	smul.f32 s14, s25;
	s18 =	spop (v2sf);
	v62 =	vand.u32 $0x80000000, v18;
	vm12 =	vlt.f32 v18, $0.0e+00;
	vm2 =	vgt.f32 v18, $0.0e+00  }
0x231: {  	s20 =	spop (v2sf);
	s7 =	smul.f32 s24, s18;
	v62 =	vor.u32 v62, v1;
	vm1 =	vmor vm2, vm12;
	v47 =	vmin.f32 v42, v50  }
0x232: {  	s29 =	smov.u32 s9;
	vm13 =	vgt.f32 v7, $0.0e+00;
	s9 =	smul.f32 s20, s23;
	s21 =	spop (v2sf);
	v18 =	vsel vm1, v62, v18;
	v50 =	vperm.xlane v47, v5  }
0x233: {  	v30 =	vld [tilespmem:$0x1FE20];
	v49 =	vor.u32 v49, v1;
	vm0 =	vmor vm13, vm11;
	s10 =	smul.f32 s22, s21;
	s6 =	sadd.f32 s7, s6;
	v18 =	vsub.f32 $1.000000000e+00, v18  }
0x234: {  	v61 =	vld [tilespmem:$0x1FE30];
	v7 =	vsel vm0, v49, v7;
	v47 =	vmin.f32 v47, v50  }
0x235: {  	[tilespmem:$0x1FDD0] =	vst v3;
	v3 =	vmovc v11;
	v11 =	vmovc v43;
	v7 =	vsub.f32 $1.000000000e+00, v7;
	s9 =	sadd.f32 s10, s9;
	v18 =	vmul.f32 s6, v18;
	v50 =	vperm.xlane v47, v4  }
0x236: {  	v48 =	vmul.f32 v11, v41;
	v62 =	vmul.f32 $1.000000000e+01, v35  }
0x237: {  	v49 =	vmul.f32 s9, v7;
	v35 =	vadd.f32 v18, v45;
	v7 =	vmin.f32 v47, v50  }
0x238: {  	[tilespmem:$0x1FE70] =	vst v11;
	v11 =	vmul.f32 $1.000000000e+01, v37;
	v37 =	vmovc v30;
	v30 =	vmov v9;
	s10 =	spop (v2sf);
	v7 =	vsub.f32 v33, v7  }
0x239: {  	v43 =	vmul.f32 v9, v41;
	[tilespmem:$0x1FE20] =	vst v30;
	v30 =	vld [tilespmem:$0x1FDE0];
	v9 =	vadd.f32 v61, v34;
	v34 =	vmovc v48;
	s11 =	spop (v2sf);
	v48 =	vmul.f32 $1.000000020e+30, v35  }
0x23a: {  	s7 =	smul.f32 s17, s11;
	v50 =	vand.u32 $0x80000000, v7;
	vm14 =	vlt.f32 v7, $0.0e+00;
	vm15 =	vgt.f32 v7, $0.0e+00  }
0x23b: {  	s3 =	sadd.f32 s3, s6;
	s6 =	smul.f32 s10, s16;
	v33 =	vadd.f32 v48, v9;
	v9 =	vor.u32 v50, v1;
	vm0 =	vmor vm15, vm14  }
0x23c: {  	v7 =	vsel vm0, v9, v7  }
0x23d: {  	s6 =	sadd.f32 s7, s6;
	v7 =	vsub.f32 $1.000000000e+00, v7  }
0x23e: {  	v56 =	vmovc v55;
	v55 =	vld [tilespmem:$0x1FF30];
	v28 =	vmul.f32 v59, v41;
	v42 =	vmovc v30;
	v30 =	vmov v59;
	v23 =	vadd.f32 v49, v23  }
0x23f: {  	[tilespmem:$0x1FDE0] =	vst v30;
	v30 =	vmul.f32 s6, v7;
	v7 =	vmul.f32 $1.000000000e+01, v25;
	v25 =	vld [tilespmem:$0x1FDA0]  }
0x240: {  	v47 =	vadd.f32 v28, v6;
	v9 =	vmul.f32 $1.000000020e+30, v23;
	_ =	sdelay $0x1  }
0x241: {  	v47 =	vadd.f32 v9, v47;
	_ =	sdelay $0x1  }
0x242: {  	v9 =	vadd.f32 v39, v55;
	v39 =	vmovc v25;
	v25 =	vmov v19;
	v19 =	vperm.xlane v47, v0  }
0x243: {  	(v2sf) =	vpush v53, $0x3  }
0x244: {  	v26 =	vadd.f32 v58, v55;
	(v2sf) =	vpush v53, $0x7;
	v19 =	vmin.f32 v47, v19  }
0x245: {  	v50 =	vadd.f32 v46, v55;
	v58 =	vperm.xlane v33, v0;
	v46 =	vperm.xlane v19, v2  }
0x246: {  	v59 =	vld [tilespmem:$0x1FE50]  }
0x247: {  	v48 =	vmin.f32 v33, v58;
	v19 =	vmin.f32 v19, v46;
	v46 =	vld [tilespmem:$0x1FD60]  }
0x248: {  	v58 =	vperm.xlane v48, v2  }
0x249: {  	v10 =	vadd.f32 v30, v10  }
0x24a: {  	(v2sf) =	vpush v12, $0x2;
	v45 =	vmul.f32 $1.000000000e+01, v54;
	[tilespmem:$0x1FDA0] =	vst v25;
	v25 =	vmin.f32 v48, v58  }
0x24b: {  	v54 =	vmul.f32 $1.000000020e+30, v10;
	v48 =	vadd.f32 v59, v32;
	v59 =	vmovc v31;
	v31 =	vperm.xlane v25, v5  }
0x24c: {  	(v2sf) =	vpush v12, $0x6;
	v58 =	vmovc v16;
	v16 =	vadd.f32 v56, v55;
	v56 =	vmovc v46;
	v46 =	vmov v27;
	v27 =	vld [tilespmem:$0x1FD70]  }
0x24d: {  	(v2sf) =	vpush v36, $0x1;
	v25 =	vmin.f32 v25, v31;
	v31 =	vadd.f32 v54, v48  }
0x24e: {  	(v2sf) =	vpush v36, $0x5;
	v48 =	vperm.xlane v25, v4;
	v54 =	vperm.xlane v19, v5  }
0x24f: {  	v53 =	vmul.f32 $1.000000000e+01, v57;
	v57 =	vperm.xlane v31, v0  }
0x250: {  	v48 =	vmin.f32 v25, v48;
	v25 =	vmul.f32 $1.000000000e+01, v26;
	v19 =	vmin.f32 v19, v54;
	v54 =	vld [tilespmem:$0x1FE80]  }
0x251: {  	v26 =	vmul.f32 $1.000000000e+01, v44;
	[tilespmem:$0x1FF30] =	vst v56;
	v56 =	vmovc v27;
	v27 =	vsub.f32 v33, v48;
	v33 =	vmin.f32 v31, v57  }
0x252: {  	v55 =	vmovc v17;
	v17 =	vadd.f32 v20, v32;
	v44 =	vperm.xlane v19, v4;
	v48 =	vperm.xlane v33, v2  }
0x253: {  	s2 =	sadd.f32 s2, s6;
	s12 =	spop (v2sf);
	v57 =	vand.u32 $0x80000000, v27;
	vm4 =	vlt.f32 v27, $0.0e+00;
	vm5 =	vgt.f32 v27, $0.0e+00  }
0x254: {  	s6 =	smul.f32 s12, s25;
	s13 =	spop (v2sf);
	v19 =	vmin.f32 v19, v44;
	v57 =	vor.u32 v57, v1;
	vm0 =	vmor vm5, vm4  }
0x255: {  	s7 =	smul.f32 s24, s13;
	v33 =	vmin.f32 v33, v48;
	v48 =	vmul.f32 $1.000000000e+01, v50;
	v50 =	vadd.f32 v54, v32  }
0x256: {  	v20 =	vmovc v43;
	v32 =	vsub.f32 v47, v19;
	v27 =	vsel vm0, v57, v27;
	v43 =	vperm.xlane v33, v5  }
0x257: {  	v21 =	vmul.f32 $1.000000000e+01, v21;
	v22 =	vmul.f32 $1.000000000e+01, v22;
	s6 =	sadd.f32 s7, s6;
	v27 =	vsub.f32 $1.000000000e+00, v27;
	v57 =	vmovc v28  }
0x258: {  	v40 =	vmul.f32 v63, v52;
	v47 =	vand.u32 $0x80000000, v32;
	v33 =	vmin.f32 v33, v43;
	[tilespmem:$0x1FE00] =	vst v57;
	v57 =	vld [tilespmem:s29+$0x320]  }
0x259: {  	s1 =	sadd.f32 $0.0e+00, s1;
	[tilespmem:$0x1FD70] =	vst v55;
	v55 =	vmovc v60;
	vm6 =	vlt.f32 v32, $0.0e+00;
	v19 =	vmul.f32 s6, v27;
	v27 =	vperm.xlane v33, v4  }
0x25a: {  	s14 =	spop (v2sf);
	vm7 =	vgt.f32 v32, $0.0e+00;
	v28 =	vadd.f32 v55, v40;
	v43 =	vadd.f32 v58, v40  }
0x25b: {  	s1 =	sadd.f32 s1, s9;
	s18 =	spop (v2sf);
	[tilespmem:$0x1FE50] =	vst v58;
	v58 =	vadd.f32 v15, v40;
	v44 =	vadd.f32 v19, v35;
	v27 =	vmin.f32 v33, v27  }
0x25c: {  	s7 =	smul.f32 s22, s18;
	s20 =	spop (v2sf);
	v60 =	vor.u32 v47, v1;
	vm0 =	vmor vm7, vm6;
	v27 =	vsub.f32 v31, v27  }
0x25d: {  	s9 =	smul.f32 s20, s16;
	s21 =	spop (v2sf);
	v31 =	vsel vm0, v60, v32;
	v47 =	vmul.f32 $1.000000020e+30, v44;
	(v2sf) =	vpush v57, $0x0  }
0x25e: {  	s3 =	sadd.f32 s3, s6;
	[tilespmem:$0x1FE80] =	vst v55;
	s6 =	smul.f32 s14, s23;
	v32 =	vld [tilespmem:s4+$0x5000];
	v55 =	vand.u32 $0x80000000, v27;
	vm8 =	vlt.f32 v27, $0.0e+00;
	vm9 =	vgt.f32 v27, $0.0e+00  }
0x25f: {  	s10 =	smul.f32 s17, s21;
	v33 =	vadd.f32 v47, v58;
	v35 =	vor.u32 v55, v1;
	vm0 =	vmor vm9, vm8  }
0x260: {  	v24 =	vmul.f32 $1.000000000e+01, v24;
	s6 =	sadd.f32 s7, s6;
	v31 =	vsub.f32 $1.000000000e+00, v31;
	v27 =	vsel vm0, v35, v27  }
0x261: {  	s9 =	sadd.f32 s10, s9;
	(v2sf) =	vpush v57, $0x4;
	v47 =	vperm.xlane v33, v0;
	v27 =	vsub.f32 $1.000000000e+00, v27  }
0x262: {  	v55 =	vmul.f32 s6, v31;
	v58 =	vadd.f32 v20, v6;
	v35 =	vadd.f32 v14, v34  }
0x263: {  	v6 =	vadd.f32 v21, v32;
	v47 =	vmin.f32 v33, v47;
	v54 =	vmul.f32 s9, v27  }
0x264: {  	v21 =	vadd.f32 v55, v23;
	v31 =	vadd.f32 v45, v32;
	v23 =	vperm.xlane v47, v2  }
0x265: {  	v60 =	vmul.f32 $1.000000000e+01, v9;
	v27 =	vadd.f32 v22, v32;
	v9 =	vadd.f32 v54, v10  }
0x266: {  	v22 =	vadd.f32 v7, v32;
	v10 =	vmul.f32 $1.000000020e+30, v21;
	v23 =	vmin.f32 v47, v23  }
0x267: {  	[tilespmem:$0x1FEA0] =	vst v14;
	v14 =	vld [tilespmem:$0x1FF50];
	v7 =	vadd.f32 v24, v32;
	v45 =	vperm.xlane v23, v5;
	v24 =	vmul.f32 $1.000000020e+30, v9  }
0x268: {  	v16 =	vmul.f32 $1.000000000e+01, v16;
	v10 =	vadd.f32 v10, v58  }
0x269: {  	(v2sf) =	vpush v36, $0x2;
	v23 =	vmin.f32 v23, v45;
	v24 =	vadd.f32 v24, v50  }
0x26a: {  	v16 =	vadd.f32 v16, v32;
	v58 =	vperm.xlane v10, v0;
	v45 =	vperm.xlane v23, v4  }
0x26b: {  	(v2sf) =	vpush v36, $0x6;
	v50 =	vperm.xlane v24, v0  }
0x26c: {  	v16 =	vmul.f32 v14, v16;
	v47 =	vmin.f32 v10, v58;
	v23 =	vmin.f32 v23, v45  }
0x26d: {  	v45 =	vadd.f32 v48, v32;
	v23 =	vsub.f32 v33, v23;
	v33 =	vmin.f32 v24, v50  }
0x26e: {  	v14 =	vld [tilespmem:$0x1FDB0];
	v48 =	vperm.xlane v47, v2;
	s10 =	spop (v2sf);
	(v2sf) =	vpush v12, $0x3;
	v50 =	vperm.xlane v33, v2  }
0x26f: {  	[tilespmem:$0x1FD60] =	vst v46;
	v58 =	vand.u32 $0x80000000, v23;
	vm10 =	vlt.f32 v23, $0.0e+00;
	vm11 =	vgt.f32 v23, $0.0e+00  }
0x270: {  	v46 =	vmovc v61;
	v61 =	vmovc v3;
	v47 =	vmin.f32 v47, v48;
	v3 =	vor.u32 v58, v1;
	vm0 =	vmor vm11, vm10  }
0x271: {  	s11 =	spop (v2sf);
	(v2sf) =	vpush v12, $0x7;
	v12 =	vsel vm0, v3, v23;
	v3 =	vperm.xlane v47, v5  }
0x272: {  	v33 =	vmin.f32 v33, v50  }
0x273: {  	[tilespmem:$0x1FE30] =	vst v20;
	v20 =	vmovc v14;
	v14 =	vmov v29;
	v23 =	vperm.xlane v33, v5;
	v29 =	vmin.f32 v47, v3;
	v3 =	vld [tilespmem:$0x1FCA0];
	_ =	sdelay $0x1  }
0x274: {  	v23 =	vmin.f32 v33, v23  }
0x275: {  	s1 =	sadd.f32 s1, s6;
	s6 =	smul.f32 s10, s25;
	v33 =	vperm.xlane v23, v4  }
0x276: {  	[tilespmem:$0x1FDB0] =	vst v14;
	v14 =	vld [tilespmem:$0x1FDF0];
	s7 =	smul.f32 s24, s11  }
0x277: {  	v23 =	vmin.f32 v23, v33;
	v33 =	vmul.f32 $1.000000000e+01, v3;
	v3 =	vld [tilespmem:$0x1FCB0]  }
0x278: {  	s6 =	sadd.f32 s7, s6;
	v12 =	vsub.f32 $1.000000000e+00, v12;
	_ =	sdelay $0x1  }
0x279: {  	v12 =	vmul.f32 s6, v12;
	_ =	sdelay $0x1  }
0x27a: {  	v50 =	vmovc v14;
	v14 =	vmov v49;
	v49 =	vadd.f32 v12, v44;
	v44 =	vmul.f32 v3, v45;
	v3 =	vld [tilespmem:$0x1FCC0];
	_ =	sdelay $0x4  }
0x27b: {  	v47 =	vmov v3;
	v3 =	vld [tilespmem:$0x1FCE0];
	_ =	sdelay $0x2  }
0x27c: {  	v25 =	vadd.f32 v25, v32  }
0x27d: {  	v60 =	vadd.f32 v60, v32  }
0x27e: {  	v25 =	vmul.f32 v3, v25;
	v3 =	vld [tilespmem:$0x1FCF0]  }
0x27f: {  	[tilespmem:$0x1FF50] =	vst v20;
	v20 =	vmul.f32 v13, v60;
	v13 =	vperm.xlane v29, v4  }
0x280: {  	s12 =	spop (v2sf);
	v23 =	vsub.f32 v24, v23  }
0x281: {  	s4 =	smov.u32 s26;
	v26 =	vadd.f32 v26, v32;
	s13 =	spop (v2sf);
	v24 =	vmin.f32 v29, v13;
	v29 =	vmul.f32 $1.000000020e+30, v49  }
0x282: {  	s26 =	smov.u32 s31;
	s31 =	sadd.f32 s3, s6;
	s3 =	smul.f32 s12, s16;
	v13 =	vld [tilespmem:$0x1FD80];
	v60 =	vand.u32 $0x80000000, v23;
	vm12 =	vlt.f32 v23, $0.0e+00;
	vm13 =	vgt.f32 v23, $0.0e+00  }
0x283: {  	s6 =	smul.f32 s17, s13;
	v10 =	vsub.f32 v10, v24;
	v24 =	vor.u32 v60, v1;
	vm0 =	vmor vm13, vm12;
	v45 =	vmovc v3;
	v3 =	vld [tilespmem:$0x1FD10]  }
0x284: {  	s2 =	sadd.f32 s2, s9;
	v16 =	vadd.f32 $0.0e+00, v16;
	v43 =	vadd.f32 v29, v43;
	v23 =	vsel vm0, v24, v23  }
0x285: {  	s3 =	sadd.f32 s6, s3;
	vm14 =	vlt.f32 v10, $0.0e+00;
	vm15 =	vgt.f32 v10, $0.0e+00;
	v23 =	vsub.f32 $1.000000000e+00, v23;
	s14 =	spop (v2sf)  }
0x286: {  	v16 =	vadd.f32 v20, v16;
	v24 =	vand.u32 $0x80000000, v10;
	vm0 =	vmor vm15, vm14;
	s20 =	smul.f32 s14, s23;
	s21 =	spop (v2sf)  }
0x287: {  	s18 =	sadd.f32 s2, s3;
	v60 =	vperm.xlane v43, v0;
	v20 =	vor.u32 v24, v1;
	v29 =	vmul.f32 s3, v23;
	s3 =	smul.f32 s22, s21  }
0x288: {  	v24 =	vmul.f32 v13, v26;
	v10 =	vsel vm0, v20, v10;
	v16 =	vadd.f32 v44, v16;
	v13 =	vmovc v3  }
0x289: {  	v8 =	vmul.f32 $1.000000000e+01, v8;
	v23 =	vmin.f32 v43, v60;
	s3 =	sadd.f32 s3, s20;
	v3 =	vsub.f32 $1.000000000e+00, v10;
	[tilespmem:$0x1FD80] =	vst v13;
	v13 =	vld [tilespmem:$0x1FDC0]  }
0x28a: {  	(v2sf) =	vpush v57, $0x1;
	v16 =	vadd.f32 v25, v16;
	v25 =	vperm.xlane v23, v2  }
0x28b: {  	v9 =	vadd.f32 v29, v9;
	v20 =	vmul.f32 s3, v3;
	v3 =	vld [tilespmem:$0x1FE10]  }
0x28c: {  	v8 =	vadd.f32 v8, v32;
	(v2sf) =	vpush v57, $0x5;
	v23 =	vmin.f32 v23, v25  }
0x28d: {  	v9 =	vmul.f32 $1.000000020e+30, v9;
	v10 =	vperm.xlane v23, v5  }
0x28e: {  	v8 =	vmul.f32 v13, v8;
	v13 =	vmov v38  }
0x28f: {  	v38 =	vadd.f32 v9, v17;
	v9 =	vmin.f32 v23, v10;
	[tilespmem:$0x1FDC0] =	vst v13;
	v13 =	vld [tilespmem:$0x1FD20]  }
0x290: {  	v10 =	vmul.f32 v3, v22;
	v3 =	vmov v19;
	v19 =	vperm.xlane v9, v4;
	_ =	sdelay $0x1  }
0x291: {  	v16 =	vadd.f32 v24, v16;
	v9 =	vmin.f32 v9, v19  }
0x292: {  	v17 =	vsub.f32 v43, v9;
	v9 =	vld [tilespmem:$0x1FE40]  }
0x293: {  	v8 =	vadd.f32 v8, v16;
	v7 =	vmul.f32 v13, v7;
	v13 =	vld [tilespmem:$0x1FD30]  }
0x294: {  	v62 =	vadd.f32 v62, v32;
	v48 =	vmov v15  }
0x295: {  	v60 =	vmovc v18;
	v18 =	vadd.f32 v33, v32;
	v7 =	vadd.f32 v7, v8;
	v8 =	vperm.xlane v38, v0  }
.Ltmp3:
0x296: {  	v15 =	vmovc v55;
	v55 =	vmovc v56;
	v56 =	vmov v39;
	(v2sf) =	vpush v36, $0x3;
	[tilespmem:$0x1FE10] =	vst v3;
	v3 =	vadd.f32 v20, v21;
	(pc) =	sbr.rel @p2 .LBB2_7-.Ltmp3, $4  }
0x297: {  	v39 =	vld [tilespmem:$0x1FCD0];
	v58 =	vmovc v37;
	v9 =	vmul.f32 v9, v18;
	v7 =	vadd.f32 v10, v7;
	v8 =	vmin.f32 v38, v8  }
0x298: {  	v37 =	vmovc v11;
	v11 =	vld [tilespmem:$0x1FF10];
	[tilespmem:$0x1FDF0] =	vst v14;
	v14 =	vmovc v12;
	s2 =	spop (v2sf);
	(v2sf) =	vpush v36, $0x7;
	v13 =	vmul.f32 $1.000000000e+01, v13;
	v10 =	vperm.xlane v8, v2  }
0x299: {  	s9 =	sadd.s32 $0x14000, s8;
	v26 =	vld [tilespmem:$0x1FD00];
	v33 =	vmovc v52;
	v16 =	vmovc v59;
	v19 =	vmul.f32 $1.000000020e+30, v3;
	v18 =	vand.u32 $0x80000000, v17;
	v52 =	vadd.f32 v9, v7  }
0x29a: {  	s19 =	sadd.s32 $0x1, s19;
	s28 =	sadd.f32 s1, s3;
	s3 =	spop (v2sf);
	[tilespmem:$0x1FE40] =	vst v14;
	v36 =	vadd.f32 v13, v32;
	v13 =	vadd.f32 v53, v32;
	v53 =	vld [tilespmem:s9+$0x190];
	v12 =	vmin.f32 v8, v10  }
0x29b: {  	v0 =	vld [tilespmem:$0x1FF50];
	_ =	sdelay $0x4  }
0x29c: {  	[tilespmem:$0x1FF40] =	vst v0;
	v0 =	vld [tilespmem:$0x1FE70];
	_ =	sdelay $0x4  }
0x29d: {  	[tilespmem:$0x1FF20] =	vst v0;
	v0 =	vld [tilespmem:$0x1FE50];
	_ =	sdelay $0x4  }
0x29e: {  	[tilespmem:$0x1FEB0] =	vst v0;
	v0 =	vld [tilespmem:$0x1FD60];
	_ =	sdelay $0x3  }
0x29f: {  	v14 =	vld [tilespmem:$0x1FF30]  }
0x2a0: {  	[tilespmem:$0x1FF30] =	vst v0;
	v0 =	vld [tilespmem:$0x1FE80];
	_ =	sdelay $0x4  }
0x2a1: {  	[tilespmem:$0x1FEC0] =	vst v0;
	v0 =	vld [tilespmem:$0x1FDB0];
	_ =	sdelay $0x4  }
0x2a2: {  	[tilespmem:$0x1FF50] =	vst v0;
	v0 =	vld [tilespmem:$0x1FD80];
	_ =	sdelay $0x4  }
0x2a3: {  	[tilespmem:$0x1FED0] =	vst v0;
	v0 =	vld [tilespmem:$0x1FDC0]  }
0x2a4: {  	[tilespmem:$0x1FF70] =	vst v48;
	v48 =	vld [tilespmem:$0x1FEA0]  }
0x2a5: {  	v25 =	vmov v58;
	v58 =	vld [tilespmem:$0x1FE20]  }
0x2a6: {  	[tilespmem:$0x1FD40] =	vst v30;
	v44 =	vmov v61;
	v61 =	vld [tilespmem:$0x1FE30]  }
0x2a7: {  	v59 =	vmov v42;
	[tilespmem:$0x1FF80] =	vst v50;
	v42 =	vld [tilespmem:$0x1FDE0]  }
0x2a8: {  	[tilespmem:$0x1FEE0] =	vst v0;
	v0 =	vld [tilespmem:$0x1FE40]  }
0x2a9: {  	v24 =	vmov v56;
	[tilespmem:$0x1FF90] =	vst v47;
	v56 =	vld [tilespmem:$0x1FDA0]  }
0x2aa: {  	v11 =	vmov v55;
	[tilespmem:$0x1FF60] =	vst v45;
	v55 =	vld [tilespmem:$0x1FD70]  }
0x2ab: {  	s10 =	smov.u32 s25;
	s11 =	smov.u32 s24;
	s19 =	smov.u32 s29;
	v50 =	vld [tilespmem:$0x1FDF0];
	[tilespmem:$0x1FEF0] =	vst v60  }
0x2ac: {  	v43 =	vmov v33;
	[dreg:$0x11] =	wrdreg s4;
	s24 =	smov.u32 s22;
	s25 =	smov.u32 s23;
	v60 =	vld [tilespmem:$0x1FE10];
	[tilespmem:$0x1FD50] =	vst v37  }
0x2ad: {  	s29 =	smov.u32 s9;
	v33 =	vmovc v41;
	s4 =	smov.u32 s26;
	v47 =	vmovc v15;
	v45 =	vmov v20;
	s15 =	rddreg [dreg:$0xe];
	v30 =	vmov v26;
	v26 =	vmov v51;
	v51 =	vld [tilespmem:$0x1FE00];
	[tilespmem:$0x1FF00] =	vst v0  }
.LBB2_9:
0x2ae: {  	v0 =	vld [tilespmem:$0x1FFB0];
	_ =	sdelay $0x2  }
0x2af: {  	v7 =	vadd.f32 v19, v35;
	(v2sf) =	vpush v53, $0x0;
	v2 =	vld [tilespmem:$0x1FFC0]  }
0x2b0: {  	(v2sf) =	vpush v53, $0x4  }
0x2b1: {  	v8 =	vperm.xlane v7, v0  }
0x2b2: {  	v5 =	vld [tilespmem:$0x1FFE0]  }
0x2b3: {  	v8 =	vmin.f32 v7, v8  }
0x2b4: {  	v9 =	vperm.xlane v8, v2  }
0x2b5: {  	v4 =	vld [tilespmem:$0x1FFD0]  }
0x2b6: {  	v8 =	vmin.f32 v8, v9  }
0x2b7: {  	v9 =	vperm.xlane v8, v5;
	_ =	sdelay $0x1  }
0x2b8: {  	v8 =	vmin.f32 v8, v9  }
0x2b9: {  	v9 =	vperm.xlane v8, v4  }
0x2ba: {  	v1 =	vld [tilespmem:$0x1FFF0]  }
0x2bb: {  	s6 =	spop @p1 (v2sf);
	v8 =	vmin.f32 v8, v9  }
0x2bc: {  	s13 =	spop @p1 (v2sf);
	v7 =	vsub.f32 v7, v8  }
0x2bd: {  	s0 =	spop (v2sf)  }
0x2be: {  	s0 =	smul.f32 s0, s25;
	s1 =	spop (v2sf);
	vm0 =	vlt.f32 v7, $0.0e+00;
	vm1 =	vgt.f32 v7, $0.0e+00;
	v8 =	vand.u32 $0x80000000, v7  }
0x2bf: {  	s1 =	smul.f32 s24, s1;
	v8 =	vor.u32 v8, v1;
	vm0 =	vmor vm1, vm0  }
0x2c0: {  	v7 =	vsel vm0, v8, v7  }
0x2c1: {  	s0 =	sadd.f32 s1, s0;
	v7 =	vsub.f32 $1.000000000e+00, v7;
	_ =	sdelay $0x1  }
0x2c2: {  	v7 =	vmul.f32 s0, v7;
	_ =	sdelay $0x1  }
0x2c3: {  	[tilespmem:$0x1FC90] =	vst v7;
	v7 =	vadd.f32 v7, v3;
	_ =	sdelay $0x1  }
0x2c4: {  	(v2sf) =	vpush @p0 v57, $0x2;
	v3 =	vadd.f32 v16, v34;
	v19 =	vmul.f32 $1.000000020e+30, v7  }
0x2c5: {  	(v2sf) =	vpush @p0 v57, $0x6  }
0x2c6: {  	(v2sf) =	vpush v53, $0x1;
	v3 =	vadd.f32 v19, v3  }
0x2c7: {  	(v2sf) =	vpush v53, $0x5  }
0x2c8: {  	v8 =	vperm.xlane v3, v0;
	_ =	sdelay $0x1  }
0x2c9: {  	v8 =	vmin.f32 v3, v8  }
0x2ca: {  	v20 =	vperm.xlane v8, v2;
	_ =	sdelay $0x1  }
0x2cb: {  	v8 =	vmin.f32 v8, v20  }
0x2cc: {  	v9 =	vperm.xlane v8, v5;
	_ =	sdelay $0x1  }
0x2cd: {  	v8 =	vmin.f32 v8, v9  }
0x2ce: {  	v9 =	vperm.xlane v8, v4;
	_ =	sdelay $0x1  }
0x2cf: {  	s12 =	spop @p0 (v2sf);
	v8 =	vmin.f32 v8, v9  }
0x2d0: {  	s7 =	spop @p0 (v2sf);
	v3 =	vsub.f32 v3, v8  }
0x2d1: {  	[dreg:$0xf] =	wrdreg s0;
	s1 =	spop (v2sf)  }
0x2d2: {  	s0 =	smul.f32 s1, s25;
	s8 =	spop (v2sf);
	vm6 =	vlt.f32 v3, $0.0e+00;
	vm7 =	vgt.f32 v3, $0.0e+00;
	v8 =	vand.u32 $0x80000000, v3  }
0x2d3: {  	s1 =	smul.f32 s24, s8;
	v8 =	vor.u32 v8, v1;
	vm0 =	vmor vm7, vm6  }
0x2d4: {  	v3 =	vsel vm0, v8, v3  }
0x2d5: {  	s0 =	sadd.f32 s1, s0;
	v3 =	vsub.f32 $1.000000000e+00, v3;
	_ =	sdelay $0x1  }
0x2d6: {  	v3 =	vmul.f32 s0, v3;
	_ =	sdelay $0x1  }
0x2d7: {  	v7 =	vadd.f32 v3, v7;
	_ =	sdelay $0x1  }
0x2d8: {  	v21 =	vadd.f32 v51, v34;
	(v2sf) =	vpush @p0 v57, $0x3;
	v22 =	vmul.f32 $1.000000020e+30, v7  }
0x2d9: {  	(v2sf) =	vpush @p0 v57, $0x7  }
0x2da: {  	(v2sf) =	vpush v53, $0x2;
	v8 =	vadd.f32 v22, v21  }
0x2db: {  	(v2sf) =	vpush v53, $0x6  }
0x2dc: {  	v9 =	vperm.xlane v8, v0;
	_ =	sdelay $0x1  }
0x2dd: {  	v9 =	vmin.f32 v8, v9  }
0x2de: {  	v10 =	vperm.xlane v9, v2;
	_ =	sdelay $0x1  }
0x2df: {  	v9 =	vmin.f32 v9, v10  }
0x2e0: {  	v10 =	vperm.xlane v9, v5;
	_ =	sdelay $0x1  }
0x2e1: {  	v9 =	vmin.f32 v9, v10  }
0x2e2: {  	v10 =	vperm.xlane v9, v4;
	_ =	sdelay $0x1  }
0x2e3: {  	s8 =	spop @p0 (v2sf);
	v9 =	vmin.f32 v9, v10  }
0x2e4: {  	[dreg:$0x10] =	wrdreg s0;
	s0 =	spop @p0 (v2sf);
	v8 =	vsub.f32 v8, v9  }
0x2e5: {  	s9 =	spop (v2sf)  }
0x2e6: {  	s1 =	smul.f32 s9, s25;
	s9 =	spop (v2sf);
	vm8 =	vlt.f32 v8, $0.0e+00;
	vm9 =	vgt.f32 v8, $0.0e+00;
	v9 =	vand.u32 $0x80000000, v8  }
0x2e7: {  	s9 =	smul.f32 s24, s9;
	v9 =	vor.u32 v9, v1;
	vm0 =	vmor vm9, vm8  }
0x2e8: {  	v8 =	vsel vm0, v9, v8  }
0x2e9: {  	s22 =	sadd.f32 s9, s1;
	v8 =	vsub.f32 $1.000000000e+00, v8  }
0x2ea: {  	v22 =	vld @p0 [tilespmem:s19+$0x4B0]  }
0x2eb: {  	v57 =	vmul.f32 s22, v8;
	_ =	sdelay $0x1  }
0x2ec: {  	v7 =	vadd.f32 v57, v7;
	_ =	sdelay $0x1  }
0x2ed: {  	v23 =	vadd.f32 v61, v34;
	(v2sf) =	vpush @p0 v22, $0x0;
	v34 =	vmul.f32 $1.000000020e+30, v7  }
0x2ee: {  	(v2sf) =	vpush @p0 v22, $0x4  }
0x2ef: {  	(v2sf) =	vpush v53, $0x3;
	v8 =	vadd.f32 v34, v23  }
0x2f0: {  	(v2sf) =	vpush v53, $0x7  }
0x2f1: {  	v9 =	vperm.xlane v8, v0;
	_ =	sdelay $0x1  }
0x2f2: {  	v9 =	vmin.f32 v8, v9  }
0x2f3: {  	v35 =	vperm.xlane v9, v2;
	_ =	sdelay $0x1  }
0x2f4: {  	v9 =	vmin.f32 v9, v35  }
0x2f5: {  	v10 =	vperm.xlane v9, v5;
	_ =	sdelay $0x1  }
0x2f6: {  	v9 =	vmin.f32 v9, v10  }
0x2f7: {  	v10 =	vperm.xlane v9, v4;
	_ =	sdelay $0x1  }
0x2f8: {  	s21 =	spop @p0 (v2sf);
	v9 =	vmin.f32 v9, v10  }
0x2f9: {  	s20 =	spop @p0 (v2sf);
	v8 =	vsub.f32 v8, v9  }
0x2fa: {  	s14 =	spop (v2sf)  }
0x2fb: {  	s1 =	smul.f32 s14, s25;
	s19 =	spop (v2sf);
	vm10 =	vlt.f32 v8, $0.0e+00;
	vm11 =	vgt.f32 v8, $0.0e+00;
	v9 =	vand.u32 $0x80000000, v8  }
0x2fc: {  	s9 =	smul.f32 s24, s19;
	v9 =	vor.u32 v9, v1;
	vm0 =	vmor vm11, vm10  }
0x2fd: {  	v8 =	vsel vm0, v9, v8  }
0x2fe: {  	s19 =	sadd.f32 s9, s1;
	v8 =	vsub.f32 $1.000000000e+00, v8  }
0x2ff: {  	v37 =	vadd.f32 $-1.250000000e-01, v26  }
0x300: {  	v20 =	vmul.f32 s19, v8  }
0x301: {  	v15 =	vand.u32 $0x7FFFFFFF, v37;
	v19 =	vld [tilespmem:s29+$0x320]  }
0x302: {  	v21 =	vmul.f32 v15, v33;
	v7 =	vadd.f32 v20, v7;
	_ =	sdelay $0x1  }
0x303: {  	v41 =	vadd.f32 v48, v21;
	(v2sf) =	vpush @p0 v22, $0x1;
	v53 =	vmul.f32 $1.000000020e+30, v7  }
0x304: {  	vm1 =	vgt.f32 @p0 v17, $0.0e+00;
	(v2sf) =	vpush @p0 v22, $0x5  }
0x305: {  	(v2sf) =	vpush v19, $0x0;
	s1 =	smul.f32 @p0 s2, s10;
	vm0 =	vlt.f32 @p0 v17, $0.0e+00;
	v8 =	vadd.f32 v53, v41  }
0x306: {  	(v2sf) =	vpush v19, $0x4;
	s2 =	smul.f32 @p0 s11, s3;
	v9 =	vor.u32 @p0 v18, v1;
	vm0 =	vmor @p0 vm1, vm0  }
0x307: {  	v9 =	vsel @p0 vm0, v9, v17;
	v17 =	vperm.xlane v8, v0  }
0x308: {  	s9 =	sadd.f32 @p0 s2, s1;
	v9 =	vsub.f32 @p0 $1.000000000e+00, v9  }
0x309: {  	v10 =	vmin.f32 v8, v17  }
0x30a: {  	v17 =	vmul.f32 @p0 s9, v9;
	v18 =	vperm.xlane v10, v2;
	_ =	sdelay $0x1  }
0x30b: {  	v9 =	vmin.f32 v10, v18;
	v10 =	vadd.f32 @p0 v17, v49  }
0x30c: {  	v23 =	vperm.xlane v9, v5  }
0x30d: {  	v18 =	vmul.f32 @p0 $1.000000020e+30, v10  }
0x30e: {  	v9 =	vmin.f32 v9, v23  }
0x30f: {  	v37 =	vmov v16;
	v16 =	vadd.f32 @p0 v18, v28;
	v34 =	vperm.xlane v9, v4;
	_ =	sdelay $0x1  }
0x310: {  	s1 =	spop @p0 (v2sf);
	v9 =	vmin.f32 v9, v34;
	v18 =	vperm.xlane @p0 v16, v0  }
0x311: {  	s14 =	spop @p0 (v2sf);
	v8 =	vsub.f32 v8, v9  }
0x312: {  	s23 =	spop (v2sf);
	v9 =	vmin.f32 @p0 v16, v18  }
0x313: {  	s2 =	smul.f32 s23, s25;
	s26 =	spop (v2sf);
	vm12 =	vlt.f32 v8, $0.0e+00;
	vm13 =	vgt.f32 v8, $0.0e+00;
	v35 =	vand.u32 $0x80000000, v8  }
0x314: {  	s3 =	smul.f32 s24, s26;
	v23 =	vperm.xlane @p0 v9, v2;
	v18 =	vor.u32 v35, v1;
	vm0 =	vmor vm13, vm12  }
0x315: {  	v8 =	vsel vm0, v18, v8  }
0x316: {  	s23 =	sadd.f32 s3, s2;
	v9 =	vmin.f32 @p0 v9, v23;
	v8 =	vsub.f32 $1.000000000e+00, v8  }
0x317: {  	v18 =	vperm.xlane @p0 v9, v5  }
0x318: {  	v49 =	vmul.f32 s23, v8  }
0x319: {  	v8 =	vmin.f32 @p0 v9, v18  }
0x31a: {  	(v2sf) =	vpush @p0 v22, $0x2;
	v9 =	vperm.xlane @p0 v8, v4;
	v7 =	vadd.f32 v49, v7  }
0x31b: {  	(v2sf) =	vpush @p0 v22, $0x6  }
0x31c: {  	v41 =	vadd.f32 v37, v21;
	v8 =	vmin.f32 @p0 v8, v9;
	v53 =	vmul.f32 $1.000000020e+30, v7  }
0x31d: {  	(v2sf) =	vpush v19, $0x1;
	v8 =	vsub.f32 @p0 v16, v8  }
0x31e: {  	(v2sf) =	vpush v19, $0x5;
	s26 =	smov.u32 @p0 s10;
	v9 =	vadd.f32 v53, v41  }
0x31f: {  	s10 =	smov.u32 @p0 s11;
	s2 =	smul.f32 @p0 s12, s26;
	vm0 =	vlt.f32 @p0 v8, $0.0e+00;
	v16 =	vand.u32 @p0 $0x80000000, v8;
	vm1 =	vgt.f32 @p0 v8, $0.0e+00  }
0x320: {  	s3 =	smul.f32 @p0 s10, s7;
	v16 =	vor.u32 @p0 v16, v1;
	vm0 =	vmor @p0 vm1, vm0;
	v18 =	vperm.xlane v9, v0  }
0x321: {  	v8 =	vsel @p0 vm0, v16, v8  }
0x322: {  	s11 =	sadd.f32 @p0 s3, s2;
	v8 =	vsub.f32 @p0 $1.000000000e+00, v8;
	v23 =	vmin.f32 v9, v18  }
0x323: {  	v18 =	vperm.xlane v23, v2  }
0x324: {  	v34 =	vmul.f32 @p0 s11, v8  }
0x325: {  	v28 =	vmin.f32 v23, v18  }
0x326: {  	v10 =	vadd.f32 @p0 v34, v10;
	v16 =	vperm.xlane v28, v5;
	_ =	sdelay $0x1  }
0x327: {  	v18 =	vmul.f32 @p0 $1.000000020e+30, v10;
	v8 =	vmin.f32 v28, v16;
	v16 =	vadd.f32 @p0 v46, v40  }
0x328: {  	v35 =	vperm.xlane v8, v4  }
0x329: {  	v16 =	vadd.f32 @p0 v18, v16  }
0x32a: {  	v8 =	vmin.f32 v8, v35  }
0x32b: {  	s2 =	spop @p0 (v2sf);
	v8 =	vsub.f32 v9, v8;
	v9 =	vperm.xlane @p0 v16, v0  }
0x32c: {  	s7 =	spop @p0 (v2sf)  }
0x32d: {  	s12 =	spop (v2sf);
	v9 =	vmin.f32 @p0 v16, v9  }
0x32e: {  	s3 =	smul.f32 s12, s25;
	s12 =	spop (v2sf);
	vm14 =	vlt.f32 v8, $0.0e+00;
	vm15 =	vgt.f32 v8, $0.0e+00;
	v40 =	vand.u32 $0x80000000, v8  }
0x32f: {  	s12 =	smul.f32 s24, s12;
	v18 =	vperm.xlane @p0 v9, v2;
	vm0 =	vmor vm15, vm14;
	v23 =	vor.u32 v40, v1  }
0x330: {  	v8 =	vsel vm0, v23, v8  }
0x331: {  	s12 =	sadd.f32 s12, s3;
	v9 =	vmin.f32 @p0 v9, v18;
	v8 =	vsub.f32 $1.000000000e+00, v8  }
0x332: {  	v18 =	vperm.xlane @p0 v9, v5  }
0x333: {  	v53 =	vmul.f32 s12, v8  }
0x334: {  	v9 =	vmin.f32 @p0 v9, v18  }
0x335: {  	v8 =	vperm.xlane @p0 v9, v4;
	v7 =	vadd.f32 v53, v7  }
0x336: {  	(v2sf) =	vpush @p0 v22, $0x3  }
0x337: {  	v41 =	vadd.f32 v51, v21;
	v8 =	vmin.f32 @p0 v9, v8;
	v23 =	vmul.f32 $1.000000020e+30, v7  }
0x338: {  	(v2sf) =	vpush @p0 v22, $0x7;
	v8 =	vsub.f32 @p0 v16, v8  }
0x339: {  	(v2sf) =	vpush v19, $0x2;
	v9 =	vadd.f32 v23, v41  }
0x33a: {  	(v2sf) =	vpush v19, $0x6;
	vm0 =	vlt.f32 @p0 v8, $0.0e+00  }
0x33b: {  	s0 =	smul.f32 @p0 s10, s0;
	vm1 =	vgt.f32 @p0 v8, $0.0e+00;
	v16 =	vand.u32 @p0 $0x80000000, v8;
	v28 =	vperm.xlane v9, v0  }
0x33c: {  	s3 =	smul.f32 @p0 s8, s26;
	v16 =	vor.u32 @p0 v16, v1;
	vm0 =	vmor @p0 vm1, vm0  }
0x33d: {  	v18 =	vadd.f32 @p0 $-3.750000000e-01, v30;
	v8 =	vsel @p0 vm0, v16, v8;
	v16 =	vmin.f32 v9, v28  }
0x33e: {  	s8 =	sadd.f32 @p0 s0, s3;
	v8 =	vsub.f32 @p0 $1.000000000e+00, v8;
	v30 =	vperm.xlane v16, v2  }
0x33f: {  	v41 =	vand.u32 @p0 $0x7FFFFFFF, v18;
	v18 =	vld [tilespmem:$0x1FF70]  }
0x340: {  	v35 =	vmul.f32 @p0 s8, v8;
	v8 =	vmin.f32 v16, v30  }
0x341: {  	v16 =	vperm.xlane v8, v5  }
0x342: {  	v43 =	vmul.f32 @p0 v41, v43;
	v10 =	vadd.f32 @p0 v35, v10  }
0x343: {  	v8 =	vmin.f32 v8, v16  }
0x344: {  	v18 =	vadd.f32 @p0 v18, v43;
	v22 =	vmul.f32 @p0 $1.000000020e+30, v10;
	v40 =	vperm.xlane v8, v4;
	_ =	sdelay $0x1  }
0x345: {  	s0 =	spop @p0 (v2sf);
	v16 =	vadd.f32 @p0 v22, v18;
	v8 =	vmin.f32 v8, v40  }
0x346: {  	[dreg:$0x13] =	wrdreg s0;
	s0 =	spop @p0 (v2sf);
	v8 =	vsub.f32 v9, v8  }
0x347: {  	[dreg:$0x12] =	wrdreg s0;
	s3 =	spop (v2sf);
	v18 =	vperm.xlane @p0 v16, v0  }
0x348: {  	s0 =	smul.f32 s3, s25;
	s3 =	spop (v2sf);
	vm4 =	vlt.f32 v8, $0.0e+00;
	vm5 =	vgt.f32 v8, $0.0e+00;
	v22 =	vand.u32 $0x80000000, v8  }
0x349: {  	s3 =	smul.f32 s24, s3;
	v9 =	vmin.f32 @p0 v16, v18;
	v18 =	vor.u32 v22, v1;
	vm0 =	vmor vm5, vm4  }
0x34a: {  	v8 =	vsel vm0, v18, v8  }
0x34b: {  	s3 =	sadd.f32 s3, s0;
	v22 =	vperm.xlane @p0 v9, v2;
	v8 =	vsub.f32 $1.000000000e+00, v8;
	_ =	sdelay $0x1  }
0x34c: {  	v9 =	vmin.f32 @p0 v9, v22;
	v28 =	vmul.f32 s3, v8  }
0x34d: {  	v18 =	vperm.xlane @p0 v9, v5  }
0x34e: {  	v7 =	vadd.f32 v28, v7  }
0x34f: {  	v8 =	vmin.f32 @p0 v9, v18  }
0x350: {  	v23 =	vadd.f32 v61, v21;
	v9 =	vperm.xlane @p0 v8, v4;
	v30 =	vmul.f32 $1.000000020e+30, v7;
	_ =	sdelay $0x1  }
0x351: {  	v8 =	vmin.f32 @p0 v8, v9;
	v9 =	vadd.f32 v30, v23;
	_ =	sdelay $0x1  }
0x352: {  	v8 =	vsub.f32 @p0 v16, v8;
	v18 =	vperm.xlane v9, v0;
	_ =	sdelay $0x1  }
0x353: {  	vm0 =	vlt.f32 @p0 v8, $0.0e+00;
	v40 =	vmin.f32 v9, v18  }
0x354: {  	s20 =	smul.f32 @p0 s10, s20;
	vm1 =	vgt.f32 @p0 v8, $0.0e+00;
	v16 =	vand.u32 @p0 $0x80000000, v8;
	v18 =	vperm.xlane v40, v2  }
0x355: {  	(v2sf) =	vpush v19, $0x3;
	s0 =	smul.f32 @p0 s21, s26;
	v16 =	vor.u32 @p0 v16, v1;
	vm0 =	vmor @p0 vm1, vm0  }
0x356: {  	(v2sf) =	vpush v19, $0x7;
	v8 =	vsel @p0 vm0, v16, v8;
	v21 =	vmin.f32 v40, v18  }
0x357: {  	s20 =	sadd.f32 @p0 s20, s0;
	v8 =	vsub.f32 @p0 $1.000000000e+00, v8;
	v16 =	vperm.xlane v21, v5;
	_ =	sdelay $0x1  }
0x358: {  	v30 =	vmul.f32 @p0 s20, v8;
	v8 =	vmin.f32 v21, v16;
	v16 =	vld [tilespmem:$0x1FEB0];
	_ =	sdelay $0x2  }
0x359: {  	v10 =	vadd.f32 @p0 v30, v10;
	_ =	sdelay $0x1  }
0x35a: {  	v18 =	vmul.f32 @p0 $1.000000020e+30, v10;
	v16 =	vadd.f32 @p0 v16, v43  }
0x35b: {  	v22 =	vperm.xlane v8, v4  }
0x35c: {  	v16 =	vadd.f32 @p0 v18, v16  }
0x35d: {  	v8 =	vmin.f32 v8, v22  }
0x35e: {  	v8 =	vsub.f32 v9, v8;
	v9 =	vperm.xlane @p0 v16, v0;
	_ =	sdelay $0x1  }
0x35f: {  	s21 =	spop (v2sf);
	v22 =	vmul.f32 @p1 v39, v36;
	v36 =	vld [tilespmem:s29+$0x4B0];
	vm6 =	vlt.f32 v8, $0.0e+00;
	v9 =	vmin.f32 @p0 v16, v9  }
0x360: {  	s0 =	smul.f32 s21, s25;
	s21 =	spop (v2sf);
	vm7 =	vgt.f32 v8, $0.0e+00;
	v23 =	vand.u32 $0x80000000, v8;
	v18 =	vperm.xlane @p0 v9, v2  }
0x361: {  	s21 =	smul.f32 s24, s21;
	vm0 =	vmor vm7, vm6;
	v19 =	vor.u32 v23, v1  }
0x362: {  	v8 =	vsel vm0, v19, v8;
	v9 =	vmin.f32 @p0 v9, v18  }
0x363: {  	s21 =	sadd.f32 s21, s0;
	v40 =	vadd.f32 $-3.750000000e-01, v26;
	v8 =	vsub.f32 $1.000000000e+00, v8;
	v18 =	vperm.xlane @p0 v9, v5  }
0x364: {  	v19 =	vadd.f32 @p1 v22, v52;
	v22 =	vld [tilespmem:$0x1FD90];
	(v2sf) =	vpush v36, $0x0  }
0x365: {  	v21 =	vmul.f32 s21, v8;
	v9 =	vmin.f32 @p0 v9, v18;
	v18 =	vand.u32 $0x7FFFFFFF, v40  }
0x366: {  	v8 =	vperm.xlane @p0 v9, v4;
	v39 =	vmul.f32 v18, v33  }
0x367: {  	(v2sf) =	vpush v36, $0x4;
	v7 =	vadd.f32 v21, v7  }
0x368: {  	v8 =	vmin.f32 @p0 v9, v8;
	v9 =	vperm.xlane @p1 v12, v5;
	v52 =	vadd.f32 v48, v39  }
0x369: {  	v13 =	vmul.f32 @p1 v22, v13;
	v26 =	vmul.f32 $1.000000020e+30, v7;
	v8 =	vsub.f32 @p0 v16, v8  }
0x36a: {  	v9 =	vmin.f32 @p1 v12, v9  }
0x36b: {  	v22 =	vld [tilespmem:$0x1FDD0];
	v12 =	vadd.f32 @p1 v13, v19;
	v16 =	vadd.f32 v26, v52;
	vm0 =	vlt.f32 @p0 v8, $0.0e+00  }
0x36c: {  	s0 =	smul.f32 @p0 s1, s26;
	v13 =	vand.u32 @p0 $0x80000000, v8;
	vm1 =	vgt.f32 @p0 v8, $0.0e+00;
	v19 =	vperm.xlane @p1 v9, v4;
	v52 =	vmovc v2;
	v2 =	vmovc v5;
	v5 =	vld [tilespmem:$0x1FD40]  }
0x36d: {  	s1 =	smul.f32 @p0 s10, s14;
	v13 =	vor.u32 @p0 v13, v1;
	vm0 =	vmor @p0 vm1, vm0;
	v33 =	vperm.xlane v16, v0  }
0x36e: {  	v8 =	vsel @p0 vm0, v13, v8  }
0x36f: {  	s29 =	sadd.f32 @p0 s1, s0;
	v9 =	vmin.f32 @p1 v9, v19;
	v8 =	vsub.f32 @p0 $1.000000000e+00, v8;
	v40 =	vmin.f32 v16, v33  }
0x370: {  	v22 =	vmul.f32 @p1 v22, v31;
	v9 =	vsub.f32 @p1 v38, v9;
	v48 =	vperm.xlane v40, v52  }
0x371: {  	v13 =	vmul.f32 @p0 s29, v8;
	v19 =	vmul.f32 @p1 v5, v27;
	v5 =	vld [tilespmem:$0x1FEC0]  }
0x372: {  	v12 =	vadd.f32 @p1 v22, v12;
	vm0 =	vlt.f32 @p1 v9, $0.0e+00;
	v8 =	vmin.f32 v40, v48  }
0x373: {  	vm1 =	vgt.f32 @p1 v9, $0.0e+00;
	v10 =	vadd.f32 @p0 v13, v10;
	v22 =	vperm.xlane v8, v2  }
0x374: {  	s0 =	smul.f32 @p1 s6, s16;
	s16 =	spop (v2sf);
	(v2sf) =	vpush v36, $0x1;
	vm0 =	vmor @p1 vm1, vm0;
	v12 =	vadd.f32 @p1 v19, v12  }
0x375: {  	v19 =	vand.u32 @p1 $0x80000000, v9;
	v26 =	vmul.f32 @p0 $1.000000020e+30, v10;
	v8 =	vmin.f32 v8, v22  }
0x376: {  	s1 =	smul.f32 @p1 s17, s13;
	v19 =	vor.u32 @p1 v19, v1;
	v22 =	vperm.xlane v8, v4;
	v23 =	vadd.f32 @p0 v5, v43  }
0x377: {  	v6 =	vmul.f32 @p1 v54, v6;
	s17 =	spop (v2sf);
	(v2sf) =	vpush v36, $0x5;
	v9 =	vsel @p1 vm0, v19, v9;
	v5 =	vld [tilespmem:$0x1FD50]  }
0x378: {  	s6 =	sadd.f32 @p1 s1, s0;
	v9 =	vsub.f32 @p1 $1.000000000e+00, v9;
	v8 =	vmin.f32 v8, v22;
	v19 =	vadd.f32 @p0 v26, v23  }
0x379: {  	s0 =	rddreg [dreg:$0x11];
	v6 =	vadd.f32 @p1 v6, v12;
	v23 =	vmul.f32 @p1 v29, v62;
	v8 =	vsub.f32 v16, v8  }
0x37a: {  	v12 =	vld @p0 [tilespmem:s0+$0x5000];
	v9 =	vmul.f32 @p1 s6, v9;
	v16 =	vadd.f32 @p0 v11, v14;
	v26 =	vperm.xlane @p0 v19, v0  }
0x37b: {  	v6 =	vadd.f32 @p1 v23, v6;
	v62 =	vand.u32 $0x80000000, v8;
	vm8 =	vlt.f32 v8, $0.0e+00  }
0x37c: {  	s1 =	smul.f32 s24, s17;
	vm9 =	vgt.f32 v8, $0.0e+00;
	v16 =	vmul.f32 @p0 $1.000000000e+01, v16;
	v22 =	vadd.f32 @p1 v5, v32;
	v5 =	vld [tilespmem:$0x1FF40]  }
0x37d: {  	s0 =	smul.f32 s16, s25;
	vm0 =	vmor vm9, vm8;
	v23 =	vmin.f32 @p0 v19, v26;
	v26 =	vor.u32 v62, v1  }
0x37e: {  	v8 =	vsel vm0, v26, v8  }
0x37f: {  	s0 =	sadd.f32 s1, s0;
	v16 =	vadd.f32 @p0 v16, v12;
	v9 =	vmul.f32 @p1 v9, v22;
	v8 =	vsub.f32 $1.000000000e+00, v8  }
0x380: {  	v26 =	vadd.f32 @p0 v24, v14  }
0x381: {  	v9 =	vadd.f32 @p1 v9, v6;
	v6 =	vmul.f32 s0, v8;
	v8 =	vmul.f32 @p0 v5, v16;
	v5 =	vld [tilespmem:$0x1FF80]  }
0x382: {  	v26 =	vmul.f32 @p0 $1.000000000e+01, v26  }
0x383: {  	v27 =	vperm.xlane @p0 v23, v52  }
0x384: {  	v26 =	vadd.f32 @p0 v26, v12  }
0x385: {  	v22 =	vmin.f32 @p0 v23, v27;
	v23 =	vadd.f32 @p0 v59, v14  }
0x386: {  	v26 =	vmul.f32 @p0 v5, v26;
	v5 =	vld [tilespmem:$0x1FF90]  }
0x387: {  	v34 =	vpsel p0, v34, v0;
	s1 =	smul.f32 @p0 s2, s26;
	v23 =	vmul.f32 @p0 $1.000000000e+01, v23  }
0x388: {  	v35 =	vpsel p0, v35, v0;
	v31 =	vadd.f32 @p0 v24, v41;
	s2 =	smul.f32 @p0 s10, s7;
	s7 =	spop (v2sf);
	(v2sf) =	vpush v36, $0x2  }
0x389: {  	s13 =	spop (v2sf);
	(v2sf) =	vpush v36, $0x6;
	v27 =	vperm.xlane @p0 v22, v2;
	v23 =	vadd.f32 @p0 v23, v12  }
0x38a: {  	v30 =	vpsel p0, v30, v0;
	v29 =	vadd.f32 @p0 v24, v44;
	v16 =	vadd.f32 @p0 v25, v14  }
0x38b: {  	v22 =	vmin.f32 @p0 v22, v27;
	v7 =	vadd.f32 v6, v7;
	v23 =	vmul.f32 @p0 v5, v23;
	v5 =	vld [tilespmem:$0x1FF60]  }
0x38c: {  	v32 =	vadd.f32 @p0 v11, v41;
	v16 =	vmul.f32 @p0 $1.000000000e+01, v16;
	v27 =	vperm.xlane @p0 v22, v4  }
0x38d: {  	v14 =	vadd.f32 v37, v39;
	v8 =	vadd.f32 @p0 $0.0e+00, v8;
	v33 =	vmul.f32 $1.000000020e+30, v7  }
0x38e: {  	v16 =	vadd.f32 @p0 v16, v12;
	v22 =	vmin.f32 @p0 v22, v27;
	v27 =	vadd.f32 @p0 v11, v44  }
0x38f: {  	v37 =	vadd.f32 v33, v14;
	v19 =	vsub.f32 @p0 v19, v22;
	v22 =	vmul.f32 @p0 $1.000000000e+01, v29  }
0x390: {  	v33 =	vadd.f32 @p0 v59, v63;
	v8 =	vadd.f32 @p0 v26, v8;
	v16 =	vmul.f32 @p0 v5, v16;
	v5 =	vld [tilespmem:$0x1FED0]  }
0x391: {  	v27 =	vmul.f32 @p0 $1.000000000e+01, v27;
	v26 =	vadd.f32 @p0 v25, v44;
	v38 =	vperm.xlane v37, v0  }
0x392: {  	v29 =	vand.u32 @p0 $0x80000000, v19;
	vm0 =	vlt.f32 @p0 v19, $0.0e+00;
	vm1 =	vgt.f32 @p0 v19, $0.0e+00  }
0x393: {  	v27 =	vadd.f32 @p0 v27, v12;
	v8 =	vadd.f32 @p0 v23, v8;
	v23 =	vmin.f32 v37, v38  }
0x394: {  	v22 =	vadd.f32 @p0 v22, v12;
	vm0 =	vmor @p0 vm1, vm0;
	v40 =	vperm.xlane v23, v52  }
0x395: {  	v8 =	vadd.f32 @p0 v16, v8;
	v16 =	vmul.f32 @p0 v5, v27;
	v27 =	vor.u32 @p0 v29, v1;
	v5 =	vld [tilespmem:$0x1FEE0]  }
0x396: {  	v33 =	vmul.f32 @p0 $1.000000000e+01, v33;
	v26 =	vmul.f32 @p0 $1.000000000e+01, v26;
	v19 =	vsel @p0 vm0, v27, v19  }
0x397: {  	s14 =	spop (v2sf);
	v23 =	vmin.f32 v23, v40;
	v8 =	vadd.f32 @p0 v16, v8;
	v16 =	vsub.f32 @p0 $1.000000000e+00, v19;
	v19 =	vld [tilespmem:$0x1FF10]  }
0x398: {  	v33 =	vadd.f32 @p0 v33, v12;
	s16 =	spop (v2sf);
	(v2sf) =	vpush v36, $0x3;
	v48 =	vperm.xlane v23, v2  }
0x399: {  	v13 =	vpsel p0, v13, v0;
	s1 =	sadd.f32 @p0 s2, s1;
	v26 =	vadd.f32 @p0 v26, v12;
	(v2sf) =	vpush v36, $0x7  }
0x39a: {  	v38 =	vadd.f32 @p0 v24, v63;
	v23 =	vmin.f32 v23, v48;
	v29 =	vmul.f32 @p0 v5, v22  }
0x39b: {  	v54 =	vperm.xlane v23, v4;
	v27 =	vadd.f32 @p0 v59, v44;
	v22 =	vmul.f32 @p0 s1, v16  }
0x39c: {  	v33 =	vpsel p0, v33, v0;
	v19 =	vadd.f32 @p1 v9, v19;
	v8 =	vadd.f32 @p0 v29, v8  }
0x39d: {  	v29 =	vmul.f32 @p0 $1.000000000e+01, v27;
	v9 =	vmin.f32 v23, v54;
	v10 =	vadd.f32 @p0 v22, v10  }
0x39e: {  	v33 =	vmul.f32 @p0 v34, v33;
	v16 =	vadd.f32 @p0 v46, v43;
	v5 =	vld [tilespmem:$0x1FEF0];
	v9 =	vsub.f32 v37, v9  }
0x39f: {  	v23 =	vadd.f32 @p0 v29, v12;
	v29 =	vadd.f32 @p0 v59, v41;
	v10 =	vmul.f32 @p0 $1.000000020e+30, v10  }
0x3a0: {  	s2 =	smul.f32 s7, s25;
	v59 =	vand.u32 $0x80000000, v9;
	vm10 =	vlt.f32 v9, $0.0e+00;
	vm11 =	vgt.f32 v9, $0.0e+00  }
0x3a1: {  	s7 =	smul.f32 s24, s13;
	v10 =	vadd.f32 @p0 v10, v16;
	v16 =	vor.u32 v59, v1;
	vm0 =	vmor vm11, vm10  }
0x3a2: {  	v40 =	vmul.f32 @p0 v60, v26;
	v37 =	vadd.f32 @p0 v11, v63;
	v9 =	vsel vm0, v16, v9  }
0x3a3: {  	s7 =	sadd.f32 s7, s2;
	v27 =	vadd.f32 @p0 v25, v41;
	v23 =	vmul.f32 @p0 v5, v23;
	v5 =	vld [tilespmem:$0x1FF00];
	v9 =	vsub.f32 $1.000000000e+00, v9  }
0x3a4: {  	v37 =	vmul.f32 @p0 $1.000000000e+01, v37;
	v16 =	vadd.f32 @p0 v25, v63;
	v41 =	vperm.xlane @p0 v10, v0  }
0x3a5: {  	v8 =	vadd.f32 @p0 v23, v8;
	v23 =	vmul.f32 @p0 $1.000000000e+01, v38;
	v26 =	vmul.f32 s7, v9  }
0x3a6: {  	v16 =	vmul.f32 @p0 $1.000000000e+01, v16;
	v9 =	vadd.f32 @p0 v37, v12;
	v37 =	vmin.f32 @p0 v10, v41  }
0x3a7: {  	v8 =	vadd.f32 @p0 v40, v8;
	v38 =	vperm.xlane @p0 v37, v52;
	v40 =	vadd.f32 v26, v7  }
0x3a8: {  	v7 =	vadd.f32 @p0 v16, v12;
	v9 =	vmul.f32 @p0 v5, v9;
	v16 =	vadd.f32 @p0 v23, v12;
	v5 =	vld [tilespmem:$0x1FF30]  }
0x3a9: {  	v60 =	vadd.f32 v51, v39;
	v23 =	vmin.f32 @p0 v37, v38;
	v62 =	vmul.f32 $1.000000020e+30, v40  }
0x3aa: {  	v8 =	vadd.f32 @p0 v9, v8;
	v9 =	vpsel p0, v23, v0;
	v16 =	vpsel p0, v16, v0  }
0x3ab: {  	v23 =	vpsel p0, v17, v0;
	v7 =	vpsel p0, v7, v0;
	v41 =	vperm.xlane @p0 v9, v2  }
0x3ac: {  	v16 =	vmul.f32 @p0 v23, v16;
	v7 =	vmul.f32 @p0 v35, v7;
	v37 =	vadd.f32 v62, v60  }
0x3ad: {  	v17 =	vld [tilespmem:s4+$0x5000];
	v8 =	vpsel p0, v8, v0;
	v63 =	vadd.f32 v55, v5;
	v14 =	vadd.f32 v56, v5  }
0x3ae: {  	v9 =	vmin.f32 @p0 v9, v41;
	v25 =	vadd.f32 v42, v5;
	v8 =	vadd.f32 @p0 v16, v8  }
0x3af: {  	v51 =	vadd.f32 v58, v5;
	v38 =	vperm.xlane v37, v0;
	v41 =	vperm.xlane @p0 v9, v4  }
0x3b0: {  	v10 =	vpsel p0, v10, v0;
	v5 =	vld [tilespmem:$0x1FF20];
	v23 =	vmul.f32 $1.000000000e+01, v63;
	v34 =	vmul.f32 $1.000000000e+01, v14  }
0x3b1: {  	v44 =	vld [tilespmem:$0x1FF50];
	v48 =	vmul.f32 $1.000000000e+01, v25;
	v8 =	vadd.f32 @p0 v33, v8;
	v54 =	vmul.f32 $1.000000000e+01, v51  }
0x3b2: {  	v25 =	vadd.f32 v61, v39;
	v38 =	vmin.f32 v37, v38;
	v23 =	vadd.f32 v23, v17  }
0x3b3: {  	v9 =	vmin.f32 @p0 v9, v41;
	v34 =	vadd.f32 v34, v17;
	v33 =	vadd.f32 v54, v17  }
0x3b4: {  	v24 =	vperm.xlane v38, v52;
	v9 =	vsub.f32 @p0 v10, v9;
	v8 =	vadd.f32 @p0 v7, v8  }
0x3b5: {  	v32 =	vmul.f32 @p0 $1.000000000e+01, v32;
	v62 =	vadd.f32 v55, v5;
	v63 =	vadd.f32 v56, v5  }
0x3b6: {  	v36 =	vadd.f32 v42, v5;
	v38 =	vmin.f32 v38, v24;
	v46 =	vmul.f32 v44, v23  }
0x3b7: {  	v34 =	vmul.f32 v50, v34;
	v23 =	vadd.f32 v48, v17;
	v43 =	vperm.xlane v38, v2  }
0x3b8: {  	v33 =	vmul.f32 v45, v33;
	vm1 =	vgt.f32 @p0 v9, $0.0e+00;
	v16 =	vadd.f32 $0.0e+00, v46  }
0x3b9: {  	v45 =	vadd.f32 v42, v15;
	v50 =	vadd.f32 v55, v18;
	v35 =	vmin.f32 v38, v43  }
0x3ba: {  	v23 =	vmul.f32 v47, v23;
	v59 =	vperm.xlane v35, v4;
	v16 =	vadd.f32 v34, v16  }
0x3bb: {  	v24 =	vld [tilespmem:$0x1FC90];
	v47 =	vmul.f32 $1.000000000e+01, v45;
	v38 =	vadd.f32 v55, v15;
	v55 =	vadd.f32 v58, v18  }
0x3bc: {  	v60 =	vmin.f32 v35, v59;
	v16 =	vadd.f32 v23, v16;
	v35 =	vmul.f32 $1.000000000e+01, v62  }
0x3bd: {  	v54 =	vmul.f32 $1.000000000e+01, v50;
	v61 =	vmul.f32 $1.000000000e+01, v55;
	v34 =	vsub.f32 v37, v60  }
0x3be: {  	v23 =	vmul.f32 $1.000000000e+01, v63;
	v35 =	vadd.f32 v35, v17;
	v16 =	vadd.f32 v33, v16  }
0x3bf: {  	s2 =	smul.f32 s14, s25;
	v37 =	vand.u32 $0x80000000, v34;
	vm12 =	vlt.f32 v34, $0.0e+00;
	vm13 =	vgt.f32 v34, $0.0e+00  }
0x3c0: {  	s4 =	smul.f32 s24, s16;
	v37 =	vor.u32 v37, v1;
	vm0 =	vmor vm13, vm12;
	v11 =	vmul.f32 v24, v35  }
0x3c1: {  	v14 =	vsel vm0, v37, v34;
	v34 =	vadd.f32 v23, v17;
	v23 =	vmul.f32 @p0 $1.000000000e+01, v31  }
0x3c2: {  	s2 =	sadd.f32 s4, s2;
	v37 =	vadd.f32 v58, v5;
	v31 =	vand.u32 @p0 $0x80000000, v9;
	v10 =	vsub.f32 $1.000000000e+00, v14  }
0x3c3: {  	vm0 =	vlt.f32 @p0 v9, $0.0e+00;
	v11 =	vadd.f32 v11, v16;
	v31 =	vor.u32 @p0 v31, v1  }
0x3c4: {  	vm0 =	vmor @p0 vm1, vm0;
	v3 =	vmul.f32 v3, v34;
	v7 =	vmul.f32 s2, v10  }
0x3c5: {  	v23 =	vadd.f32 @p0 v23, v12;
	v9 =	vsel @p0 vm0, v31, v9;
	v10 =	vadd.f32 @p0 v32, v12  }
0x3c6: {  	v31 =	vmul.f32 $1.000000000e+01, v38;
	v9 =	vsub.f32 @p0 $1.000000000e+00, v9;
	v35 =	vadd.f32 v7, v40  }
0x3c7: {  	v3 =	vadd.f32 v3, v11;
	v11 =	vmul.f32 $1.000000000e+01, v36;
	v23 =	vpsel p0, v23, v0  }
0x3c8: {  	s9 =	sadd.f32 @p0 s31, s9;
	v43 =	vadd.f32 v31, v17;
	v10 =	vpsel p0, v10, v0;
	v16 =	vmul.f32 $1.000000020e+30, v35  }
0x3c9: {  	v40 =	vadd.f32 v56, v15;
	v13 =	vmul.f32 @p0 v13, v23;
	v15 =	vadd.f32 v58, v15  }
0x3ca: {  	s9 =	sadd.f32 @p0 s9, s11;
	v10 =	vmul.f32 @p0 v30, v10;
	v30 =	vmul.f32 $1.000000000e+01, v37;
	v16 =	vadd.f32 v16, v25  }
0x3cb: {  	s17 =	rddreg [dreg:$0xf];
	v11 =	vadd.f32 v11, v17;
	v14 =	vmul.f32 v49, v43;
	v15 =	vmul.f32 $1.000000000e+01, v15  }
0x3cc: {  	s4 =	sadd.f32 @p1 s18, s6;
	v30 =	vadd.f32 v30, v17;
	v8 =	vadd.f32 @p0 v10, v8;
	v39 =	vperm.xlane v16, v0  }
0x3cd: {  	s6 =	sadd.f32 s28, s17;
	v11 =	vmul.f32 v57, v11;
	v10 =	vadd.f32 v47, v17;
	v57 =	vadd.f32 v56, v18  }
0x3ce: {  	s18 =	rddreg [dreg:$0x10];
	v18 =	vadd.f32 v42, v18;
	v20 =	vmul.f32 v20, v30;
	v41 =	vmin.f32 v16, v39  }
0x3cf: {  	s6 =	sadd.f32 s6, s18;
	v3 =	vadd.f32 v11, v3;
	v30 =	vmul.f32 $1.000000000e+01, v40;
	v44 =	vperm.xlane v41, v52  }
0x3d0: {  	s11 =	rddreg [dreg:$0x13];
	v15 =	vadd.f32 v15, v17;
	v10 =	vmul.f32 v28, v10;
	v58 =	vmul.f32 $1.000000000e+01, v57  }
0x3d1: {  	s6 =	sadd.f32 s6, s22;
	v3 =	vadd.f32 v20, v3;
	v46 =	vadd.f32 v30, v17;
	v11 =	vmin.f32 v41, v44  }
0x3d2: {  	s8 =	sadd.f32 @p0 s9, s8;
	v8 =	vadd.f32 @p0 v13, v8;
	v20 =	vmul.f32 @p0 $1.000000000e+01, v29;
	v48 =	vperm.xlane v11, v2  }
0x3d3: {  	s9 =	smov.u32 @p0 s26;
	s6 =	sadd.f32 s6, s19;
	v3 =	vadd.f32 v14, v3;
	v49 =	vmul.f32 v53, v46;
	v14 =	vmul.f32 @p0 $1.000000000e+01, v27  }
0x3d4: {  	s9 =	smul.f32 @p0 s11, s9;
	s11 =	rddreg [dreg:$0x12];
	v20 =	vadd.f32 @p0 v20, v12;
	v12 =	vpsel p0, v12, v0;
	v11 =	vmin.f32 v11, v48  }
0x3d5: {  	s6 =	sadd.f32 s6, s23;
	v3 =	vadd.f32 v49, v3;
	v14 =	vpsel p0, v14, v0;
	v51 =	vperm.xlane v11, v4  }
0x3d6: {  	s8 =	sadd.f32 @p0 s8, s20;
	v60 =	vmul.f32 $1.000000000e+01, v18;
	v53 =	vmul.f32 v21, v15;
	v12 =	vadd.f32 @p0 v14, v12  }
0x3d7: {  	s10 =	smov.u32 @p0 s10;
	s6 =	sadd.f32 s6, s12;
	v14 =	vadd.f32 v54, v17;
	v3 =	vadd.f32 v10, v3;
	v11 =	vmin.f32 v11, v51  }
0x3d8: {  	s10 =	smul.f32 @p0 s10, s11;
	s22 =	spop (v2sf);
	v13 =	vpsel p0, v20, v0;
	v20 =	vpsel p0, v22, v0;
	v11 =	vsub.f32 v16, v11  }
0x3d9: {  	s23 =	spop (v2sf);
	s3 =	sadd.f32 s6, s3;
	v13 =	vmul.f32 @p0 v20, v13;
	v6 =	vmul.f32 v6, v14;
	v3 =	vadd.f32 v53, v3  }
0x3da: {  	s26 =	smul.f32 s24, s23;
	s6 =	sadd.f32 @p0 s10, s9;
	v59 =	vand.u32 $0x80000000, v11;
	vm14 =	vlt.f32 v11, $0.0e+00;
	vm15 =	vgt.f32 v11, $0.0e+00  }
0x3db: {  	s9 =	smul.f32 s22, s25;
	v10 =	vadd.f32 v58, v17;
	v14 =	vor.u32 v59, v1;
	vm0 =	vmor vm15, vm14  }
0x3dc: {  	s8 =	sadd.f32 @p0 s8, s29;
	v3 =	vadd.f32 v6, v3;
	v6 =	vmul.f32 @p0 s6, v9;
	v11 =	vsel vm0, v14, v11  }
0x3dd: {  	s28 =	sadd.f32 s26, s9;
	v10 =	vmul.f32 v26, v10;
	v14 =	vadd.f32 v60, v17;
	v11 =	vsub.f32 $1.000000000e+00, v11  }
0x3de: {  	s3 =	sadd.f32 s3, s21;
	v8 =	vadd.f32 @p0 v13, v8;
	v9 =	vadd.f32 v61, v17;
	v6 =	vmul.f32 @p0 v6, v12  }
0x3df: {  	s1 =	sadd.f32 @p0 s8, s1;
	v3 =	vadd.f32 v10, v3;
	v7 =	vmul.f32 v7, v14;
	v62 =	vmul.f32 s28, v11  }
0x3e0: {  	v63 =	vimm.f32 $0.0e+00;
	s0 =	sadd.f32 s3, s0;
	v6 =	vadd.f32 @p0 v6, v8  }
0x3e1: {  	s4 =	sadd.f32 @p1 s4, s30;
	v8 =	vpsel p1, v19, v63;
	v3 =	vadd.f32 v7, v3;
	v7 =	vmul.f32 v62, v9  }
0x3e2: {  	s1 =	smov.u32 @p0 s1;
	s0 =	sadd.f32 s0, s7;
	v6 =	vadd.f32 @p0 v6, v8  }
0x3e3: {  	s1 =	sadd.f32 @p0 s1, s6;
	s7 =	simm.f32 $0.0e+00;
	v3 =	vadd.f32 v7, v3  }
0x3e4: {  	s7 =	smov.u32 @p1 s4;
	s0 =	sadd.f32 s0, s2;
	v6 =	vpsel p0, v6, v63  }
0x3e5: {  	s1 =	sadd.f32 @p0 s1, s7;
	v3 =	vadd.f32 v3, v6;
	v6 =	vld [tilespmem:$0x1FFA0]  }
0x3e6: {  	s2 =	simm.f32 $0.0e+00;
	s0 =	sadd.f32 s0, s28  }
0x3e7: {  	s2 =	smov.u32 @p0 s1  }
0x3e8: {  	s0 =	sadd.f32 s0, s2;
	_ =	sdelay $0x1  }
0x3e9: {  	v6 =	vmul.f32 s0, v6  }
0x3ea: {  	s29 =	rddreg [dreg:$0xc];
	[tilespmem:$0x1A480] =	vst v3  }
0x3eb: {  	s30 =	simm.s32 $0x1A480;
	s10 =	simm.s32 $0x1;
	s9 =	simm.s32 $0x0;
	[tilespmem:$0x1A490] =	vst v6  }
0x3ec: {  	[hbm4b:s29+s9] =	stream.linear.scatter [tilespmem:s30], [sflag:$0x1], $0x80, $0x38;
	[tilespmem:$0x1A500] =	vst v63  }
0x3ed: {  	_ =	swait.ge [sflag:s10], $0x80  }
0x3ee: {  	s15 =	sadd.s32 $0x1, s15;
	s31 =	rddreg [dreg:$0xd]  }
0x3ef: {  	p0 =	sne.s32 s15, s31  }
.Ltmp4:
0x3f0: {  	_ = 	snop;
	(pc) =	sbr.rel @p0 .LBB2_1-.Ltmp4, $4  }
.Ltmp5:
0x3f1: {  	_ = 	snop;
	(pc) =	sbr.rel @!p0 .LBB2_10-.Ltmp5, $4  }
0x3f2: {  	_ = 	snop  }
0x3f3: {  	[sflag:s10] =	ssyncset.done $0x0  }
0x3f4: {  	[sflag:s10] =	ssyncadd.s32 $0xFFFFFF80  }
0x3f5: {  	_ = 	snop  }
.LBB2_2:
0x3f6: {  	_ = 	snop  }
0x3f7: {  	_ = 	snop  }
0x3f8: {  	_ = 	snop  }
0x3f9: {  	[tilespmem:$0x1FF20] =	vst v44  }
0x3fa: {  	[tilespmem:$0x1FF30] =	vst v43  }
.Ltmp6:
0x3fb: {  	v16 =	vmov v24;
	[tilespmem:$0x1FF60] =	vst v21;
	(pc) =	sbr.rel .LBB2_9-.Ltmp6, $4  }
0x3fc: {  	v14 =	vmovc v43;
	v51 =	vmovc v29;
	v25 =	vmov v36;
	v1 =	vmov v38;
	v7 =	vimm.f32 $0.0e+00;
	[tilespmem:$0x1FF70] =	vst v23  }
0x3fd: {  	v11 =	vmovc v31;
	v24 =	vmovc v32;
	v50 =	vmov v41;
	s24 =	smov.u32 s17;
	v26 =	vmov v30;
	v33 =	vmov v22;
	[tilespmem:$0x1FF10] =	vst v7  }
0x3fe: {  	s30 =	simm.f32 $0.0e+00;
	s25 =	smov.u32 s16;
	v48 =	vmovc v23;
	v61 =	vmovc v46;
	v42 =	vmov v37;
	v47 =	vmov v15;
	v45 =	vmov v21;
	s15 =	rddreg [dreg:$0xe];
	[tilespmem:$0x1FF40] =	vst v1  }
0x3ff: {  	s29 =	smov.u32 s19;
	s4 =	smov.u32 s21;
	v59 =	vmovc v37;
	[dreg:$0x11] =	wrdreg s21;
	v43 =	vmovc v22;
	v58 =	vmov v25;
	v56 =	vmov v24;
	v55 =	vmov v11;
	[tilespmem:$0x1FF50] =	vst v1  }
.LBB2_4:
0x400: {  	[tilespmem:$0x1FF40] =	vst v38  }
.Ltmp7:
0x401: {  	[tilespmem:$0x1FEB0] =	vst v24;
	(pc) =	sbr.rel .LBB2_9-.Ltmp7, $4  }
0x402: {  	[tilespmem:$0x1FEC0] =	vst v29  }
0x403: {  	v1 =	vmov v25;
	[tilespmem:$0x1FF60] =	vst v21  }
0x404: {  	s10 =	smov.u32 s16;
	v25 =	vmovc v36;
	v11 =	vmovc v31;
	v63 =	vmov v27;
	v24 =	vmov v32;
	v7 =	vimm.f32 $0.0e+00;
	s15 =	rddreg [dreg:$0xe];
	[tilespmem:$0x1FF70] =	vst v23  }
0x405: {  	s11 =	smov.u32 s17;
	s30 =	simm.f32 $0.0e+00;
	v16 =	vmovc v51;
	v14 =	vmovc v43;
	v59 =	vmov v37;
	[dreg:$0x11] =	wrdreg s21;
	v43 =	vmov v22;
	[tilespmem:$0x1FF10] =	vst v7;
	v51 =	vmov v1  }
.LBB2_6:
0x406: {  	v0 =	vld [tilespmem:$0x1FF50];
	_ =	sdelay $0x4  }
0x407: {  	[tilespmem:$0x1FF40] =	vst v0;
	v0 =	vld [tilespmem:$0x1FE70];
	_ =	sdelay $0x4  }
0x408: {  	[tilespmem:$0x1FF20] =	vst v0;
	v0 =	vld [tilespmem:$0x1FE50];
	_ =	sdelay $0x4  }
0x409: {  	[tilespmem:$0x1FEB0] =	vst v0;
	v0 =	vld [tilespmem:$0x1FD60];
	_ =	sdelay $0x3  }
0x40a: {  	v14 =	vld [tilespmem:$0x1FF30]  }
0x40b: {  	[tilespmem:$0x1FF30] =	vst v0;
	v0 =	vld [tilespmem:$0x1FE80];
	_ =	sdelay $0x4  }
0x40c: {  	[tilespmem:$0x1FEC0] =	vst v0;
	v0 =	vld [tilespmem:$0x1FDB0];
	_ =	sdelay $0x4  }
0x40d: {  	[tilespmem:$0x1FF50] =	vst v0;
	v0 =	vld [tilespmem:$0x1FD80];
	_ =	sdelay $0x4  }
0x40e: {  	[tilespmem:$0x1FED0] =	vst v0;
	v0 =	vld [tilespmem:$0x1FDC0]  }
0x40f: {  	[tilespmem:$0x1FF70] =	vst v48;
	v48 =	vld [tilespmem:$0x1FEA0]  }
0x410: {  	[tilespmem:$0x1FD40] =	vst v30;
	v25 =	vmov v58;
	v58 =	vld [tilespmem:$0x1FE20]  }
0x411: {  	v59 =	vmov v42;
	[tilespmem:$0x1FF80] =	vst v50;
	v42 =	vld [tilespmem:$0x1FDE0]  }
0x412: {  	v24 =	vmov v56;
	[tilespmem:$0x1FF90] =	vst v47;
	v56 =	vld [tilespmem:$0x1FDA0]  }
0x413: {  	[tilespmem:$0x1FEE0] =	vst v0;
	v0 =	vld [tilespmem:$0x1FE40]  }
.Ltmp8:
0x414: {  	v11 =	vmov v55;
	[tilespmem:$0x1FF60] =	vst v45;
	v55 =	vld [tilespmem:$0x1FD70];
	(pc) =	sbr.rel .LBB2_9-.Ltmp8, $4  }
0x415: {  	s10 =	smov.u32 s25;
	v50 =	vld [tilespmem:$0x1FDF0];
	[tilespmem:$0x1FEF0] =	vst v60  }
0x416: {  	s11 =	smov.u32 s24;
	s19 =	smov.u32 s29;
	[dreg:$0x11] =	wrdreg s4;
	v7 =	vimm.f32 $0.0e+00;
	v60 =	vld [tilespmem:$0x1FE10];
	[tilespmem:$0x1FD50] =	vst v37  }
0x417: {  	v30 =	vmov v26;
	s24 =	smov.u32 s22;
	s30 =	simm.f32 $0.0e+00;
	s25 =	smov.u32 s23;
	v26 =	vmov v51;
	v51 =	vld [tilespmem:$0x1FE00];
	[tilespmem:$0x1FF10] =	vst v7  }
0x418: {  	v43 =	vmovc v33;
	s29 =	smov.u32 s9;
	v33 =	vmovc v41;
	s4 =	smov.u32 s26;
	v47 =	vmov v15;
	v45 =	vmov v20;
	s15 =	rddreg [dreg:$0xe];
	v44 =	vmov v61;
	v61 =	vld [tilespmem:$0x1FE30];
	[tilespmem:$0x1FF00] =	vst v0  }
.LBB2_10:
0x419: {  	_ =	sfence.sel $0x180000  }
0x41a: {  	[bflag:$0x0] =	sbarrier.arrive $0xFFFF  }
0x41b: {  	_ =	strace $0x90000047  }
0x41c: {  	s0 =	stileid.u32;
	[bflag:$0x2] =	sbarrier.arrive $0xFFFF  }
0x41d: {  	p0 =	sne.s32 s0, $0x0;
	s0 =	rddreg [dreg:$0x1]  }
0x41e: {  	s0 =	sadd.s32 @!p0 $0x100000, s0  }
0x41f: {  	[sflag:s0] =	ssyncadd.tile.s32 @!p0 $0x1;
	_ =	shalt  }
.Lfunc_end2:
_tile_overlayer_lowered:
.L_overlay_start_2:
0x420: {  	(tag) =	ssettag $0x2  }
0x421: {  	s0 =	rddreg [dreg:$0x0];
	s2 =	stileid.u32  }
0x422: {  	s1 =	rddreg [dreg:$0x1];
	p0 =	sne.s32 s2, $0x0  }
0x423: {  	s3 =	rddreg [dreg:$0x2];
	[bflag:$0x3] =	sbarrier.arrive $0xFFFF;
	s2 =	simm.s32 @!p0 $0x1C01  }
0x424: {  	[timem:s3], [sflag:s2] =	dma.local @!p0 [hbm:s0], s1  }
0x425: {  	s0 =	simm.s32 @!p0 $0x1  }
0x426: {  	_ =	swait.ge @!p0 [sflag:s0], s1  }
0x427: {  	s1 =	ssub.s32 @!p0 $0x0, s1;
	[sflag:s0] =	ssyncset.done @!p0 $0x0  }
0x428: {  	[sflag:s0] =	ssyncadd.s32 @!p0 s1  }
0x429: {  	[bflag:$0x3] =	sbarrier.arrive $0xFFFF  }
0x42a: {  	_ =	shalt  }

</sc_bundles>
